<compile_context>
chip_gen: v7x
topology: tpu7x:2x2x1
jax: 0.10.2.dev20260603
libtpu: 0.0.44.dev20260713+nightly
codegen_flags: <defaults>
</compile_context>

<pallas_src>
import functools

import jax
import jax.numpy as jnp
from jax import lax
from jax.experimental import pallas as pl
from jax.experimental.pallas import tpu as pltpu
from jax.experimental.pallas import tpu_sc as plsc

HIDDEN = 128
LANES = 16
NREG = HIDDEN // LANES
NCORES = 2
NSUB = 16
NW = NCORES * NSUB
SEQ = 200
CH = 128
IDS_A = 0
PIDX = 128
AUXW = 384
NBUF = 4


def _body(aux, word, posb, consts, out, aux_v0, aux_v1, aux_v2, aux_v3,
          rows_0, rows_1, rows_2, rows_3, posb_v, consts_v,
          sa0, sa1, sa2, sa3, sg0, sg1, sg2, sg3, so0, so1, so2, so3):
    aux_bufs = (aux_v0, aux_v1, aux_v2, aux_v3)
    rows_bufs = (rows_0, rows_1, rows_2, rows_3)
    sa = (sa0, sa1, sa2, sa3)
    sg = (sg0, sg1, sg2, sg3)
    so = (so0, so1, so2, so3)
    cid = lax.axis_index("c")
    sid = lax.axis_index("s")
    wid = sid * NCORES + cid
    nchunks = out.shape[0] // (CH * NW)
    chunk0 = wid * nchunks

    pltpu.sync_copy(posb, posb_v)
    pltpu.sync_copy(consts, consts_v)

    gm = [consts_v[0, pl.ds(k * LANES, LANES)] for k in range(NREG)]
    bt = [consts_v[1, pl.ds(k * LANES, LANES)] for k in range(NREG)]

    def aux_copy(r, b):
        return pltpu.async_copy(
            aux.at[pl.ds((chunk0 + r) * AUXW, AUXW)], aux_bufs[b], sa[b])

    def gather_rows(b):
        idxr = aux_bufs[b]
        rows = rows_bufs[b]
        return pltpu.async_copy(word.at[idxr.at[pl.ds(IDS_A, CH)]],
                                rows, sg[b])

    def wait_gather(b):
        idxr = aux_bufs[b]
        rows = rows_bufs[b]
        pltpu.make_async_copy(word.at[idxr.at[pl.ds(IDS_A, CH)]],
                              rows, sg[b]).wait()

    def wait_out(b):
        pltpu.make_async_copy(rows_bufs[b], out.at[pl.ds(0, CH)], so[b]).wait()

    def compute_chunk(r, b):
        rows_v = rows_bufs[b]
        ttr = aux_bufs[b]

        @plsc.parallel_loop(0, CH, unroll=4)
        def tok_body(i):
            pi = ttr[pl.ds(PIDX + i, LANES)][0]
            xs = []
            for k in range(NREG):
                sl = pl.ds(k * LANES, LANES)
                x = rows_v[i, sl] + posb_v[pi, sl]
                xs.append(x)
            s01 = (xs[0] + xs[1]) + (xs[2] + xs[3])
            s23 = (xs[4] + xs[5]) + (xs[6] + xs[7])
            ssum = jnp.sum(s01 + s23)
            q01 = (xs[0] * xs[0] + xs[1] * xs[1]) + (xs[2] * xs[2] + xs[3] * xs[3])
            q23 = (xs[4] * xs[4] + xs[5] * xs[5]) + (xs[6] * xs[6] + xs[7] * xs[7])
            qsum = jnp.sum(q01 + q23)
            mean = ssum * (1.0 / HIDDEN)
            var = qsum * (1.0 / HIDDEN) - mean * mean
            veps = jnp.maximum(var, 0.0) + 1e-12
            v16 = lax.broadcast(veps, (LANES,))
            bits = plsc.bitcast(v16, jnp.int32)
            y = plsc.bitcast(jnp.int32(0x5F3759DF) - (bits >> 1), jnp.float32)
            nhalf = -0.5 * v16
            for _ in range(2):
                y = y * (1.5 + nhalf * y * y)
            for k in range(NREG):
                sl = pl.ds(k * LANES, LANES)
                g = gm[k] * y
                rows_v[i, sl] = (xs[k] - mean) * g + bt[k]

        pltpu.async_copy(rows_v, out.at[pl.ds((chunk0 + r) * CH, CH)], so[b])

    cpa0 = aux_copy(0, 0)
    cpa1 = aux_copy(1, 1)
    aux_copy(2, 2)
    cpa0.wait()
    gather_rows(0)
    cpa1.wait()
    gather_rows(1)

    def loop_body(p, carry):
        for b in range(NBUF):
            r = p * NBUF + b
            bn2 = (b + 2) % NBUF
            bn3 = (b + 3) % NBUF

            @pl.when(r + 3 < nchunks)
            def _():
                aux_copy(r + 3, bn3)

            @pl.when(r + 2 < nchunks)
            def _():
                pltpu.make_async_copy(aux.at[pl.ds(0, AUXW)],
                                      aux_bufs[bn2], sa[bn2]).wait()

                @pl.when(r >= 2)
                def _():
                    wait_out(bn2)

                gather_rows(bn2)

            @pl.when(r < nchunks)
            def _():
                wait_gather(b)
                compute_chunk(r, b)
        return carry

    lax.fori_loop(0, pl.cdiv(nchunks, NBUF), loop_body, 0)

    for b in range(NBUF):
        wait_out(b)


def kernel(input_ids, token_type_ids, word_emb, pos_emb, type_emb, gamma, beta):
    B, L = input_ids.shape
    ids = input_ids.astype(jnp.int32)
    tt = token_type_ids.astype(jnp.int32)
    nchunk = (B * L) // CH
    pidx = tt * SEQ + jnp.arange(L, dtype=jnp.int32)[None, :]
    aux = jnp.zeros((nchunk, AUXW), jnp.int32)
    aux = aux.at[:, IDS_A:IDS_A + CH].set(ids.reshape(nchunk, CH))
    aux = aux.at[:, PIDX:PIDX + CH].set(pidx.reshape(nchunk, CH))
    posb = jnp.concatenate(
        [pos_emb[:L] + type_emb[0][None, :], pos_emb[:L] + type_emb[1][None, :]])
    consts = jnp.stack([gamma, beta])

    mesh = plsc.VectorSubcoreMesh(core_axis_name="c", subcore_axis_name="s")
    run = functools.partial(
        pl.kernel,
        mesh=mesh,
        out_type=jax.ShapeDtypeStruct((B * L, HIDDEN), jnp.float32),
        compiler_params=pltpu.CompilerParams(needs_layout_passes=False),
        scratch_types=[
            pltpu.VMEM((AUXW,), jnp.int32),
            pltpu.VMEM((AUXW,), jnp.int32),
            pltpu.VMEM((AUXW,), jnp.int32),
            pltpu.VMEM((AUXW,), jnp.int32),
            pltpu.VMEM((CH, HIDDEN), jnp.float32),
            pltpu.VMEM((CH, HIDDEN), jnp.float32),
            pltpu.VMEM((CH, HIDDEN), jnp.float32),
            pltpu.VMEM((CH, HIDDEN), jnp.float32),
            pltpu.VMEM((2 * SEQ, HIDDEN), jnp.float32),
            pltpu.VMEM((2, HIDDEN), jnp.float32),
        ] + [pltpu.SemaphoreType.DMA] * 12,
    )(_body)
    out = run(aux.reshape(nchunk * AUXW), word_emb, posb, consts)
    return out.reshape(B, L, HIDDEN)

# --- scband reference (transcript-rebuilt; emitter-appended) ---
"""Pipeline reference for scband-bert-embeddings-33852932227258 (READ-ONLY COPY).

The authoritative reference and input builder live on the scoring server;
editing this copy changes nothing except your own understanding.
"""

import jax, jax.numpy as jnp
import numpy as np

VOCAB = 100000
HIDDEN = 128
MAX_POS = 512
TYPE_VOCAB = 2
B, L = 4096, 200

def setup_inputs(seed: int = 0) -> dict:
    key = jax.random.key(seed)
    k1, k2, k3, k4, k5 = jax.random.split(key, 5)
    input_ids = jax.random.randint(k1, (B, L), 0, VOCAB, dtype=jnp.int64 if jax.config.jax_enable_x64 else jnp.int32)
    token_type_ids = jax.random.randint(k2, (B, L), 0, TYPE_VOCAB, dtype=input_ids.dtype)
    word_emb = jax.random.normal(k3, (VOCAB, HIDDEN), dtype=jnp.float32) * 0.02
    word_emb = word_emb.at[0].set(0.0)  # padding_idx=0
    pos_emb = jax.random.normal(k4, (MAX_POS, HIDDEN), dtype=jnp.float32) * 0.02
    type_emb = jax.random.normal(k5, (TYPE_VOCAB, HIDDEN), dtype=jnp.float32) * 0.02
    gamma = jnp.ones((HIDDEN,), dtype=jnp.float32)
    beta = jnp.zeros((HIDDEN,), dtype=jnp.float32)
    return {"input_ids": input_ids, "token_type_ids": token_type_ids,
            "word_emb": word_emb, "pos_emb": pos_emb, "type_emb": type_emb,
            "gamma": gamma, "beta": beta}

def _layer_norm(x, gamma, beta, eps=1e-12):
    mean = jnp.mean(x, axis=-1, keepdims=True)
    var = jnp.mean((x - mean) ** 2, axis=-1, keepdims=True)
    return (x - mean) / jnp.sqrt(var + eps) * gamma + beta

def reference(input_ids, token_type_ids, word_emb, pos_emb, type_emb, gamma, beta):
    seq_length = input_ids.shape[1]
    position_ids = jnp.arange(seq_length, dtype=input_ids.dtype)
    position_ids = jnp.broadcast_to(position_ids[None, :], input_ids.shape)
    words_embeddings = jnp.take(word_emb, input_ids, axis=0)
    position_embeddings = jnp.take(pos_emb, position_ids, axis=0)
    token_type_embeddings = jnp.take(type_emb, token_type_ids, axis=0)
    embeddings = words_embeddings + position_embeddings + token_type_embeddings
    embeddings = _layer_norm(embeddings, gamma, beta, eps=1e-12)
    # dropout is identity in eval mode
    return embeddings

if __name__ == "__main__":
    import jax
    _d = setup_inputs()
    print(jax.jit(kernel)(*tuple(_d.values())))

</pallas_src>

<mosaic_0001>
#map = affine_map<(d0, d1) -> (0)>
#map1 = affine_map<(d0, d1) -> (0, 0)>
module attributes {stable_mosaic.version = 14 : i64} {
  func.func @_body(%arg0: i32, %arg1: i32, %arg2: memref<2457600xi32, #tpu.memory_space<hbm>>, %arg3: memref<100000x128xf32, #tpu.memory_space<hbm>>, %arg4: memref<400x128xf32, #tpu.memory_space<hbm>>, %arg5: memref<2x128xf32, #tpu.memory_space<hbm>>, %arg6: memref<819200x128xf32, #tpu.memory_space<hbm>>, %arg7: memref<384xi32, #tpu.memory_space<vmem>>, %arg8: memref<384xi32, #tpu.memory_space<vmem>>, %arg9: memref<384xi32, #tpu.memory_space<vmem>>, %arg10: memref<384xi32, #tpu.memory_space<vmem>>, %arg11: memref<128x128xf32, #tpu.memory_space<vmem>>, %arg12: memref<128x128xf32, #tpu.memory_space<vmem>>, %arg13: memref<128x128xf32, #tpu.memory_space<vmem>>, %arg14: memref<128x128xf32, #tpu.memory_space<vmem>>, %arg15: memref<400x128xf32, #tpu.memory_space<vmem>>, %arg16: memref<2x128xf32, #tpu.memory_space<vmem>>, %arg17: memref<!tpu.dma_semaphore, #tpu.memory_space<semaphore_mem>>, %arg18: memref<!tpu.dma_semaphore, #tpu.memory_space<semaphore_mem>>, %arg19: memref<!tpu.dma_semaphore, #tpu.memory_space<semaphore_mem>>, %arg20: memref<!tpu.dma_semaphore, #tpu.memory_space<semaphore_mem>>, %arg21: memref<!tpu.dma_semaphore, #tpu.memory_space<semaphore_mem>>, %arg22: memref<!tpu.dma_semaphore, #tpu.memory_space<semaphore_mem>>, %arg23: memref<!tpu.dma_semaphore, #tpu.memory_space<semaphore_mem>>, %arg24: memref<!tpu.dma_semaphore, #tpu.memory_space<semaphore_mem>>, %arg25: memref<!tpu.dma_semaphore, #tpu.memory_space<semaphore_mem>>, %arg26: memref<!tpu.dma_semaphore, #tpu.memory_space<semaphore_mem>>, %arg27: memref<!tpu.dma_semaphore, #tpu.memory_space<semaphore_mem>>, %arg28: memref<!tpu.dma_semaphore, #tpu.memory_space<semaphore_mem>>) attributes {dimension_semantics = [#tpu.dimension_semantics<core_parallel>, #tpu.dimension_semantics<subcore_parallel>], iteration_bounds = array<i64: 2, 16>, scalar_prefetch = 0 : i64, scratch_operands = 22 : i64, tpu.core_type = #tpu.core_type<sc_vector_subcore>, window_params = [{transform_indices = #map}, {transform_indices = #map1}, {transform_indices = #map1}, {transform_indices = #map1}, {transform_indices = #map1}]} {
    %mul3A = arith.constant 2 : i32
    %mul3A_0 = arith.muli %arg1, %mul3A : i32
    %add3A = arith.addi %mul3A_0, %arg0 : i32
    %mul3A_1 = arith.constant 200 : i32
    %mul3A_2 = arith.muli %add3A, %mul3A_1 : i32
    "tpu.region"() ({
      %run_scoped3A = tpu.sem_alloc : memref<!tpu.dma_semaphore, #tpu.memory_space<semaphore_mem>>
      tpu.enqueue_dma source(%arg4 : memref<400x128xf32, #tpu.memory_space<hbm>>) target(%arg15 : memref<400x128xf32, #tpu.memory_space<vmem>>) target_semaphore(%run_scoped3A : memref<!tpu.dma_semaphore, #tpu.memory_space<semaphore_mem>>)
      tpu.wait_dma2 semaphore(%run_scoped3A : memref<!tpu.dma_semaphore, #tpu.memory_space<semaphore_mem>>) src(%arg4 : memref<400x128xf32, #tpu.memory_space<hbm>>) dst(%arg15 : memref<400x128xf32, #tpu.memory_space<vmem>>)
      tpu.yield
    }) : () -> ()
    "tpu.region"() ({
      %run_scoped3A = tpu.sem_alloc : memref<!tpu.dma_semaphore, #tpu.memory_space<semaphore_mem>>
      tpu.enqueue_dma source(%arg5 : memref<2x128xf32, #tpu.memory_space<hbm>>) target(%arg16 : memref<2x128xf32, #tpu.memory_space<vmem>>) target_semaphore(%run_scoped3A : memref<!tpu.dma_semaphore, #tpu.memory_space<semaphore_mem>>)
      tpu.wait_dma2 semaphore(%run_scoped3A : memref<!tpu.dma_semaphore, #tpu.memory_space<semaphore_mem>>) src(%arg5 : memref<2x128xf32, #tpu.memory_space<hbm>>) dst(%arg16 : memref<2x128xf32, #tpu.memory_space<vmem>>)
      tpu.yield
    }) : () -> ()
    %get3A = arith.constant 0 : i32
    %get3A_3 = arith.index_cast %get3A : i32 to index
    %get3A_4 = arith.constant 0 : index
    %get3A_5 = tpu.vector_load %arg16[%get3A_3, %get3A_4] {strides = array<i32>} : memref<2x128xf32, #tpu.memory_space<vmem>>, vector<16xf32>,
    %get3A_6 = arith.constant 0 : i32
    %get3A_7 = arith.index_cast %get3A_6 : i32 to index
    %get3A_8 = arith.constant 16 : index
    %get3A_9 = tpu.vector_load %arg16[%get3A_7, %get3A_8] {strides = array<i32>} : memref<2x128xf32, #tpu.memory_space<vmem>>, vector<16xf32>,
    %get3A_10 = arith.constant 0 : i32
    %get3A_11 = arith.index_cast %get3A_10 : i32 to index
    %get3A_12 = arith.constant 32 : index
    %get3A_13 = tpu.vector_load %arg16[%get3A_11, %get3A_12] {strides = array<i32>} : memref<2x128xf32, #tpu.memory_space<vmem>>, vector<16xf32>,
    %get3A_14 = arith.constant 0 : i32
    %get3A_15 = arith.index_cast %get3A_14 : i32 to index
    %get3A_16 = arith.constant 48 : index
    %get3A_17 = tpu.vector_load %arg16[%get3A_15, %get3A_16] {strides = array<i32>} : memref<2x128xf32, #tpu.memory_space<vmem>>, vector<16xf32>,
    %get3A_18 = arith.constant 0 : i32
    %get3A_19 = arith.index_cast %get3A_18 : i32 to index
    %get3A_20 = arith.constant 64 : index
    %get3A_21 = tpu.vector_load %arg16[%get3A_19, %get3A_20] {strides = array<i32>} : memref<2x128xf32, #tpu.memory_space<vmem>>, vector<16xf32>,
    %get3A_22 = arith.constant 0 : i32
    %get3A_23 = arith.index_cast %get3A_22 : i32 to index
    %get3A_24 = arith.constant 80 : index
    %get3A_25 = tpu.vector_load %arg16[%get3A_23, %get3A_24] {strides = array<i32>} : memref<2x128xf32, #tpu.memory_space<vmem>>, vector<16xf32>,
    %get3A_26 = arith.constant 0 : i32
    %get3A_27 = arith.index_cast %get3A_26 : i32 to index
    %get3A_28 = arith.constant 96 : index
    %get3A_29 = tpu.vector_load %arg16[%get3A_27, %get3A_28] {strides = array<i32>} : memref<2x128xf32, #tpu.memory_space<vmem>>, vector<16xf32>,
    %get3A_30 = arith.constant 0 : i32
    %get3A_31 = arith.index_cast %get3A_30 : i32 to index
    %get3A_32 = arith.constant 112 : index
    %get3A_33 = tpu.vector_load %arg16[%get3A_31, %get3A_32] {strides = array<i32>} : memref<2x128xf32, #tpu.memory_space<vmem>>, vector<16xf32>,
    %get3A_34 = arith.constant 1 : i32
    %get3A_35 = arith.index_cast %get3A_34 : i32 to index
    %get3A_36 = arith.constant 0 : index
    %get3A_37 = tpu.vector_load %arg16[%get3A_35, %get3A_36] {strides = array<i32>} : memref<2x128xf32, #tpu.memory_space<vmem>>, vector<16xf32>,
    %get3A_38 = arith.constant 1 : i32
    %get3A_39 = arith.index_cast %get3A_38 : i32 to index
    %get3A_40 = arith.constant 16 : index
    %get3A_41 = tpu.vector_load %arg16[%get3A_39, %get3A_40] {strides = array<i32>} : memref<2x128xf32, #tpu.memory_space<vmem>>, vector<16xf32>,
    %get3A_42 = arith.constant 1 : i32
    %get3A_43 = arith.index_cast %get3A_42 : i32 to index
    %get3A_44 = arith.constant 32 : index
    %get3A_45 = tpu.vector_load %arg16[%get3A_43, %get3A_44] {strides = array<i32>} : memref<2x128xf32, #tpu.memory_space<vmem>>, vector<16xf32>,
    %get3A_46 = arith.constant 1 : i32
    %get3A_47 = arith.index_cast %get3A_46 : i32 to index
    %get3A_48 = arith.constant 48 : index
    %get3A_49 = tpu.vector_load %arg16[%get3A_47, %get3A_48] {strides = array<i32>} : memref<2x128xf32, #tpu.memory_space<vmem>>, vector<16xf32>,
    %get3A_50 = arith.constant 1 : i32
    %get3A_51 = arith.index_cast %get3A_50 : i32 to index
    %get3A_52 = arith.constant 64 : index
    %get3A_53 = tpu.vector_load %arg16[%get3A_51, %get3A_52] {strides = array<i32>} : memref<2x128xf32, #tpu.memory_space<vmem>>, vector<16xf32>,
    %get3A_54 = arith.constant 1 : i32
    %get3A_55 = arith.index_cast %get3A_54 : i32 to index
    %get3A_56 = arith.constant 80 : index
    %get3A_57 = tpu.vector_load %arg16[%get3A_55, %get3A_56] {strides = array<i32>} : memref<2x128xf32, #tpu.memory_space<vmem>>, vector<16xf32>,
    %get3A_58 = arith.constant 1 : i32
    %get3A_59 = arith.index_cast %get3A_58 : i32 to index
    %get3A_60 = arith.constant 96 : index
    %get3A_61 = tpu.vector_load %arg16[%get3A_59, %get3A_60] {strides = array<i32>} : memref<2x128xf32, #tpu.memory_space<vmem>>, vector<16xf32>,
    %get3A_62 = arith.constant 1 : i32
    %get3A_63 = arith.index_cast %get3A_62 : i32 to index
    %get3A_64 = arith.constant 112 : index
    %get3A_65 = tpu.vector_load %arg16[%get3A_63, %get3A_64] {strides = array<i32>} : memref<2x128xf32, #tpu.memory_space<vmem>>, vector<16xf32>,
    %add3A_66 = arith.constant 0 : i32
    %add3A_67 = arith.addi %mul3A_2, %add3A_66 : i32
    %mul3A_68 = arith.constant 384 : i32
    %mul3A_69 = arith.muli %add3A_67, %mul3A_68 : i32
    %dma_start3A = tpu.memref_slice %arg2[%mul3A_69] : memref<2457600xi32, #tpu.memory_space<hbm>> -> memref<384xi32, #tpu.memory_space<hbm>>
    %dma_start3A_70 = tpu.memref_slice %arg2[%mul3A_69] : memref<2457600xi32, #tpu.memory_space<hbm>> -> memref<384xi32, #tpu.memory_space<hbm>>
    tpu.enqueue_dma source(%dma_start3A_70 : memref<384xi32, #tpu.memory_space<hbm>>) target(%arg7 : memref<384xi32, #tpu.memory_space<vmem>>) target_semaphore(%arg17 : memref<!tpu.dma_semaphore, #tpu.memory_space<semaphore_mem>>)
    %add3A_71 = arith.constant 1 : i32
    %add3A_72 = arith.addi %mul3A_2, %add3A_71 : i32
    %mul3A_73 = arith.constant 384 : i32
    %mul3A_74 = arith.muli %add3A_72, %mul3A_73 : i32
    %dma_start3A_75 = tpu.memref_slice %arg2[%mul3A_74] : memref<2457600xi32, #tpu.memory_space<hbm>> -> memref<384xi32, #tpu.memory_space<hbm>>
    %dma_start3A_76 = tpu.memref_slice %arg2[%mul3A_74] : memref<2457600xi32, #tpu.memory_space<hbm>> -> memref<384xi32, #tpu.memory_space<hbm>>
    tpu.enqueue_dma source(%dma_start3A_76 : memref<384xi32, #tpu.memory_space<hbm>>) target(%arg8 : memref<384xi32, #tpu.memory_space<vmem>>) target_semaphore(%arg18 : memref<!tpu.dma_semaphore, #tpu.memory_space<semaphore_mem>>)
    %add3A_77 = arith.constant 2 : i32
    %add3A_78 = arith.addi %mul3A_2, %add3A_77 : i32
    %mul3A_79 = arith.constant 384 : i32
    %mul3A_80 = arith.muli %add3A_78, %mul3A_79 : i32
    %dma_start3A_81 = tpu.memref_slice %arg2[%mul3A_80] : memref<2457600xi32, #tpu.memory_space<hbm>> -> memref<384xi32, #tpu.memory_space<hbm>>
    %dma_start3A_82 = tpu.memref_slice %arg2[%mul3A_80] : memref<2457600xi32, #tpu.memory_space<hbm>> -> memref<384xi32, #tpu.memory_space<hbm>>
    tpu.enqueue_dma source(%dma_start3A_82 : memref<384xi32, #tpu.memory_space<hbm>>) target(%arg9 : memref<384xi32, #tpu.memory_space<vmem>>) target_semaphore(%arg19 : memref<!tpu.dma_semaphore, #tpu.memory_space<semaphore_mem>>)
    %dma_wait3A = tpu.memref_slice %arg2[%mul3A_69] : memref<2457600xi32, #tpu.memory_space<hbm>> -> memref<384xi32, #tpu.memory_space<hbm>>
    %dma_wait3A_83 = tpu.memref_slice %arg2[%mul3A_69] : memref<2457600xi32, #tpu.memory_space<hbm>> -> memref<384xi32, #tpu.memory_space<hbm>>
    tpu.wait_dma2 semaphore(%arg17 : memref<!tpu.dma_semaphore, #tpu.memory_space<semaphore_mem>>) src(%dma_wait3A_83 : memref<384xi32, #tpu.memory_space<hbm>>) dst(%arg7 : memref<384xi32, #tpu.memory_space<vmem>>)
    %dma_start3A_84 = arith.constant 0 : i32
    %dma_start3A_85 = tpu.memref_slice %arg7[%dma_start3A_84] : memref<384xi32, #tpu.memory_space<vmem>> -> memref<128xi32, #tpu.memory_space<vmem>>
    %dma_start3A_86 = arith.constant 0 : i32
    %dma_start3A_87 = arith.constant 0 : i32
    %dma_start3A_88 = tpu.memref_slice %arg3[%dma_start3A_86, %dma_start3A_87] : memref<100000x128xf32, #tpu.memory_space<hbm>> -> memref<100000x128xf32, #tpu.memory_space<hbm>>
    tpu.enqueue_indirect_dma source(%dma_start3A_88 : memref<100000x128xf32, #tpu.memory_space<hbm>>) target(%arg11 : memref<128x128xf32, #tpu.memory_space<vmem>>) offsets(%dma_start3A_85 : memref<128xi32, #tpu.memory_space<vmem>>) semaphore(%arg21 : memref<!tpu.dma_semaphore, #tpu.memory_space<semaphore_mem>>)
    %dma_wait3A_89 = tpu.memref_slice %arg2[%mul3A_74] : memref<2457600xi32, #tpu.memory_space<hbm>> -> memref<384xi32, #tpu.memory_space<hbm>>
    %dma_wait3A_90 = tpu.memref_slice %arg2[%mul3A_74] : memref<2457600xi32, #tpu.memory_space<hbm>> -> memref<384xi32, #tpu.memory_space<hbm>>
    tpu.wait_dma2 semaphore(%arg18 : memref<!tpu.dma_semaphore, #tpu.memory_space<semaphore_mem>>) src(%dma_wait3A_90 : memref<384xi32, #tpu.memory_space<hbm>>) dst(%arg8 : memref<384xi32, #tpu.memory_space<vmem>>)
    %dma_start3A_91 = arith.constant 0 : i32
    %dma_start3A_92 = tpu.memref_slice %arg8[%dma_start3A_91] : memref<384xi32, #tpu.memory_space<vmem>> -> memref<128xi32, #tpu.memory_space<vmem>>
    %dma_start3A_93 = arith.constant 0 : i32
    %dma_start3A_94 = arith.constant 0 : i32
    %dma_start3A_95 = tpu.memref_slice %arg3[%dma_start3A_93, %dma_start3A_94] : memref<100000x128xf32, #tpu.memory_space<hbm>> -> memref<100000x128xf32, #tpu.memory_space<hbm>>
    tpu.enqueue_indirect_dma source(%dma_start3A_95 : memref<100000x128xf32, #tpu.memory_space<hbm>>) target(%arg12 : memref<128x128xf32, #tpu.memory_space<vmem>>) offsets(%dma_start3A_92 : memref<128xi32, #tpu.memory_space<vmem>>) semaphore(%arg22 : memref<!tpu.dma_semaphore, #tpu.memory_space<semaphore_mem>>)
    %scan3A = arith.constant 0 : i32
    %scan3A_96 = arith.constant 0 : i32
    %scan3A_97 = arith.constant 50 : i32
    %scan3A_98 = arith.addi %scan3A_96, %scan3A_97 : i32
    %scan3A_99 = arith.constant 1 : i32
    scf.for %scan3A_125 = %scan3A_96 to %scan3A_98 step %scan3A_99  : i32 {
      %mul3A_126 = arith.constant 4 : i32
      %mul3A_127 = arith.muli %scan3A_125, %mul3A_126 : i32
      %add3A_128 = arith.constant 0 : i32
      %add3A_129 = arith.addi %mul3A_127, %add3A_128 : i32
      %add3A_130 = arith.constant 3 : i32
      %add3A_131 = arith.addi %add3A_129, %add3A_130 : i32
      %lt3A = arith.constant 200 : i32
      %lt3A_132 = arith.cmpi slt, %add3A_131, %lt3A : i32
      %convert_element_type3A = arith.extui %lt3A_132 : i1 to i32
      %cond3A = arith.constant 0 : i32
      %cond3A_133 = arith.cmpi ne, %convert_element_type3A, %cond3A : i32
      scf.if %cond3A_133 {
        %add3A_215 = arith.constant 3 : i32
        %add3A_216 = arith.addi %add3A_129, %add3A_215 : i32
        %add3A_217 = arith.addi %mul3A_2, %add3A_216 : i32
        %mul3A_218 = arith.constant 384 : i32
        %mul3A_219 = arith.muli %add3A_217, %mul3A_218 : i32
        %dma_start3A_220 = tpu.memref_slice %arg2[%mul3A_219] : memref<2457600xi32, #tpu.memory_space<hbm>> -> memref<384xi32, #tpu.memory_space<hbm>>
        %dma_start3A_221 = tpu.memref_slice %arg2[%mul3A_219] : memref<2457600xi32, #tpu.memory_space<hbm>> -> memref<384xi32, #tpu.memory_space<hbm>>
        tpu.enqueue_dma source(%dma_start3A_221 : memref<384xi32, #tpu.memory_space<hbm>>) target(%arg10 : memref<384xi32, #tpu.memory_space<vmem>>) target_semaphore(%arg20 : memref<!tpu.dma_semaphore, #tpu.memory_space<semaphore_mem>>)
      } else {
      }
      %add3A_134 = arith.constant 2 : i32
      %add3A_135 = arith.addi %add3A_129, %add3A_134 : i32
      %lt3A_136 = arith.constant 200 : i32
      %lt3A_137 = arith.cmpi slt, %add3A_135, %lt3A_136 : i32
      %convert_element_type3A_138 = arith.extui %lt3A_137 : i1 to i32
      %cond3A_139 = arith.constant 0 : i32
      %cond3A_140 = arith.cmpi ne, %convert_element_type3A_138, %cond3A_139 : i32
      scf.if %cond3A_140 {
        %dma_wait3A_215 = arith.constant 0 : i32
        %dma_wait3A_216 = tpu.memref_slice %arg2[%dma_wait3A_215] : memref<2457600xi32, #tpu.memory_space<hbm>> -> memref<384xi32, #tpu.memory_space<hbm>>
        %dma_wait3A_217 = arith.constant 0 : i32
        %dma_wait3A_218 = tpu.memref_slice %arg2[%dma_wait3A_217] : memref<2457600xi32, #tpu.memory_space<hbm>> -> memref<384xi32, #tpu.memory_space<hbm>>
        tpu.wait_dma2 semaphore(%arg19 : memref<!tpu.dma_semaphore, #tpu.memory_space<semaphore_mem>>) src(%dma_wait3A_218 : memref<384xi32, #tpu.memory_space<hbm>>) dst(%arg9 : memref<384xi32, #tpu.memory_space<vmem>>)
        %ge3A = arith.constant 2 : i32
        %ge3A_219 = arith.cmpi sge, %add3A_129, %ge3A : i32
        %convert_element_type3A_220 = arith.extui %ge3A_219 : i1 to i32
        %cond3A_221 = arith.constant 0 : i32
        %cond3A_222 = arith.cmpi ne, %convert_element_type3A_220, %cond3A_221 : i32
        scf.if %cond3A_222 {
          %dma_wait3A_228 = arith.constant 0 : i32
          %dma_wait3A_229 = arith.constant 0 : i32
          %dma_wait3A_230 = tpu.memref_slice %arg6[%dma_wait3A_228, %dma_wait3A_229] : memref<819200x128xf32, #tpu.memory_space<hbm>> -> memref<128x128xf32, #tpu.memory_space<hbm>>
          %dma_wait3A_231 = arith.constant 0 : i32
          %dma_wait3A_232 = arith.constant 0 : i32
          %dma_wait3A_233 = tpu.memref_slice %arg6[%dma_wait3A_231, %dma_wait3A_232] : memref<819200x128xf32, #tpu.memory_space<hbm>> -> memref<128x128xf32, #tpu.memory_space<hbm>>
          tpu.wait_dma2 semaphore(%arg27 : memref<!tpu.dma_semaphore, #tpu.memory_space<semaphore_mem>>) src(%arg13 : memref<128x128xf32, #tpu.memory_space<vmem>>) dst(%dma_wait3A_233 : memref<128x128xf32, #tpu.memory_space<hbm>>)
        } else {
        }
        %dma_start3A_223 = arith.constant 0 : i32
        %dma_start3A_224 = tpu.memref_slice %arg9[%dma_start3A_223] : memref<384xi32, #tpu.memory_space<vmem>> -> memref<128xi32, #tpu.memory_space<vmem>>
        %dma_start3A_225 = arith.constant 0 : i32
        %dma_start3A_226 = arith.constant 0 : i32
        %dma_start3A_227 = tpu.memref_slice %arg3[%dma_start3A_225, %dma_start3A_226] : memref<100000x128xf32, #tpu.memory_space<hbm>> -> memref<100000x128xf32, #tpu.memory_space<hbm>>
        tpu.enqueue_indirect_dma source(%dma_start3A_227 : memref<100000x128xf32, #tpu.memory_space<hbm>>) target(%arg13 : memref<128x128xf32, #tpu.memory_space<vmem>>) offsets(%dma_start3A_224 : memref<128xi32, #tpu.memory_space<vmem>>) semaphore(%arg23 : memref<!tpu.dma_semaphore, #tpu.memory_space<semaphore_mem>>)
      } else {
      }
      %lt3A_141 = arith.constant 200 : i32
      %lt3A_142 = arith.cmpi slt, %add3A_129, %lt3A_141 : i32
      %convert_element_type3A_143 = arith.extui %lt3A_142 : i1 to i32
      %cond3A_144 = arith.constant 0 : i32
      %cond3A_145 = arith.cmpi ne, %convert_element_type3A_143, %cond3A_144 : i32
      scf.if %cond3A_145 {
        %dma_wait3A_215 = arith.constant 0 : i32
        %dma_wait3A_216 = tpu.memref_slice %arg7[%dma_wait3A_215] : memref<384xi32, #tpu.memory_space<vmem>> -> memref<128xi32, #tpu.memory_space<vmem>>
        %dma_wait3A_217 = arith.constant 0 : i32
        %dma_wait3A_218 = arith.constant 0 : i32
        %dma_wait3A_219 = tpu.memref_slice %arg3[%dma_wait3A_217, %dma_wait3A_218] : memref<100000x128xf32, #tpu.memory_space<hbm>> -> memref<100000x128xf32, #tpu.memory_space<hbm>>
        tpu.wait_indirect_dma semaphore(%arg21 : memref<!tpu.dma_semaphore, #tpu.memory_space<semaphore_mem>>) src(%dma_wait3A_219 : memref<100000x128xf32, #tpu.memory_space<hbm>>) dst(%arg11 : memref<128x128xf32, #tpu.memory_space<vmem>>)
        %parallel_loop3A = arith.constant 0 : i32
        %parallel_loop3A_220 = arith.constant 128 : i32
        %parallel_loop3A_221 = arith.constant 1 : i32
        scf.for %parallel_loop3A_229 = %parallel_loop3A to %parallel_loop3A_220 step %parallel_loop3A_221  : i32 {
          %parallel_loop3A_230 = arith.constant 128 : i32
          %parallel_loop3A_231 = arith.addi %parallel_loop3A_230, %parallel_loop3A_229 : i32
          %parallel_loop3A_232 = arith.index_cast %parallel_loop3A_231 : i32 to index
          %parallel_loop3A_233 = tpu.vector_load %arg7[%parallel_loop3A_232] {strides = array<i32>} : memref<384xi32, #tpu.memory_space<vmem>>, vector<16xi32>,
          %parallel_loop3A_234 = vector.extract_strided_slice %parallel_loop3A_233 {offsets = [0], sizes = [1], strides = [1]} : vector<16xi32> to vector<1xi32>
          %parallel_loop3A_235 = vector.extract %parallel_loop3A_234[0] : i32 from vector<1xi32>
          %parallel_loop3A_236 = arith.index_cast %parallel_loop3A_229 : i32 to index
          %parallel_loop3A_237 = arith.constant 0 : index
          %parallel_loop3A_238 = tpu.vector_load %arg11[%parallel_loop3A_236, %parallel_loop3A_237] {strides = array<i32>} : memref<128x128xf32, #tpu.memory_space<vmem>>, vector<16xf32>,
          %parallel_loop3A_239 = arith.index_cast %parallel_loop3A_235 : i32 to index
          %parallel_loop3A_240 = arith.constant 0 : index
          %parallel_loop3A_241 = tpu.vector_load %arg15[%parallel_loop3A_239, %parallel_loop3A_240] {strides = array<i32>} : memref<400x128xf32, #tpu.memory_space<vmem>>, vector<16xf32>,
          %parallel_loop3A_242 = arith.addf %parallel_loop3A_238, %parallel_loop3A_241 : vector<16xf32>
          %parallel_loop3A_243 = arith.index_cast %parallel_loop3A_229 : i32 to index
          %parallel_loop3A_244 = arith.constant 16 : index
          %parallel_loop3A_245 = tpu.vector_load %arg11[%parallel_loop3A_243, %parallel_loop3A_244] {strides = array<i32>} : memref<128x128xf32, #tpu.memory_space<vmem>>, vector<16xf32>,
          %parallel_loop3A_246 = arith.index_cast %parallel_loop3A_235 : i32 to index
          %parallel_loop3A_247 = arith.constant 16 : index
          %parallel_loop3A_248 = tpu.vector_load %arg15[%parallel_loop3A_246, %parallel_loop3A_247] {strides = array<i32>} : memref<400x128xf32, #tpu.memory_space<vmem>>, vector<16xf32>,
          %parallel_loop3A_249 = arith.addf %parallel_loop3A_245, %parallel_loop3A_248 : vector<16xf32>
          %parallel_loop3A_250 = arith.index_cast %parallel_loop3A_229 : i32 to index
          %parallel_loop3A_251 = arith.constant 32 : index
          %parallel_loop3A_252 = tpu.vector_load %arg11[%parallel_loop3A_250, %parallel_loop3A_251] {strides = array<i32>} : memref<128x128xf32, #tpu.memory_space<vmem>>, vector<16xf32>,
          %parallel_loop3A_253 = arith.index_cast %parallel_loop3A_235 : i32 to index
          %parallel_loop3A_254 = arith.constant 32 : index
          %parallel_loop3A_255 = tpu.vector_load %arg15[%parallel_loop3A_253, %parallel_loop3A_254] {strides = array<i32>} : memref<400x128xf32, #tpu.memory_space<vmem>>, vector<16xf32>,
          %parallel_loop3A_256 = arith.addf %parallel_loop3A_252, %parallel_loop3A_255 : vector<16xf32>
          %parallel_loop3A_257 = arith.index_cast %parallel_loop3A_229 : i32 to index
          %parallel_loop3A_258 = arith.constant 48 : index
          %parallel_loop3A_259 = tpu.vector_load %arg11[%parallel_loop3A_257, %parallel_loop3A_258] {strides = array<i32>} : memref<128x128xf32, #tpu.memory_space<vmem>>, vector<16xf32>,
          %parallel_loop3A_260 = arith.index_cast %parallel_loop3A_235 : i32 to index
          %parallel_loop3A_261 = arith.constant 48 : index
          %parallel_loop3A_262 = tpu.vector_load %arg15[%parallel_loop3A_260, %parallel_loop3A_261] {strides = array<i32>} : memref<400x128xf32, #tpu.memory_space<vmem>>, vector<16xf32>,
          %parallel_loop3A_263 = arith.addf %parallel_loop3A_259, %parallel_loop3A_262 : vector<16xf32>
          %parallel_loop3A_264 = arith.index_cast %parallel_loop3A_229 : i32 to index
          %parallel_loop3A_265 = arith.constant 64 : index
          %parallel_loop3A_266 = tpu.vector_load %arg11[%parallel_loop3A_264, %parallel_loop3A_265] {strides = array<i32>} : memref<128x128xf32, #tpu.memory_space<vmem>>, vector<16xf32>,
          %parallel_loop3A_267 = arith.index_cast %parallel_loop3A_235 : i32 to index
          %parallel_loop3A_268 = arith.constant 64 : index
          %parallel_loop3A_269 = tpu.vector_load %arg15[%parallel_loop3A_267, %parallel_loop3A_268] {strides = array<i32>} : memref<400x128xf32, #tpu.memory_space<vmem>>, vector<16xf32>,
          %parallel_loop3A_270 = arith.addf %parallel_loop3A_266, %parallel_loop3A_269 : vector<16xf32>
          %parallel_loop3A_271 = arith.index_cast %parallel_loop3A_229 : i32 to index
          %parallel_loop3A_272 = arith.constant 80 : index
          %parallel_loop3A_273 = tpu.vector_load %arg11[%parallel_loop3A_271, %parallel_loop3A_272] {strides = array<i32>} : memref<128x128xf32, #tpu.memory_space<vmem>>, vector<16xf32>,
          %parallel_loop3A_274 = arith.index_cast %parallel_loop3A_235 : i32 to index
          %parallel_loop3A_275 = arith.constant 80 : index
          %parallel_loop3A_276 = tpu.vector_load %arg15[%parallel_loop3A_274, %parallel_loop3A_275] {strides = array<i32>} : memref<400x128xf32, #tpu.memory_space<vmem>>, vector<16xf32>,
          %parallel_loop3A_277 = arith.addf %parallel_loop3A_273, %parallel_loop3A_276 : vector<16xf32>
          %parallel_loop3A_278 = arith.index_cast %parallel_loop3A_229 : i32 to index
          %parallel_loop3A_279 = arith.constant 96 : index
          %parallel_loop3A_280 = tpu.vector_load %arg11[%parallel_loop3A_278, %parallel_loop3A_279] {strides = array<i32>} : memref<128x128xf32, #tpu.memory_space<vmem>>, vector<16xf32>,
          %parallel_loop3A_281 = arith.index_cast %parallel_loop3A_235 : i32 to index
          %parallel_loop3A_282 = arith.constant 96 : index
          %parallel_loop3A_283 = tpu.vector_load %arg15[%parallel_loop3A_281, %parallel_loop3A_282] {strides = array<i32>} : memref<400x128xf32, #tpu.memory_space<vmem>>, vector<16xf32>,
          %parallel_loop3A_284 = arith.addf %parallel_loop3A_280, %parallel_loop3A_283 : vector<16xf32>
          %parallel_loop3A_285 = arith.index_cast %parallel_loop3A_229 : i32 to index
          %parallel_loop3A_286 = arith.constant 112 : index
          %parallel_loop3A_287 = tpu.vector_load %arg11[%parallel_loop3A_285, %parallel_loop3A_286] {strides = array<i32>} : memref<128x128xf32, #tpu.memory_space<vmem>>, vector<16xf32>,
          %parallel_loop3A_288 = arith.index_cast %parallel_loop3A_235 : i32 to index
          %parallel_loop3A_289 = arith.constant 112 : index
          %parallel_loop3A_290 = tpu.vector_load %arg15[%parallel_loop3A_288, %parallel_loop3A_289] {strides = array<i32>} : memref<400x128xf32, #tpu.memory_space<vmem>>, vector<16xf32>,
          %parallel_loop3A_291 = arith.addf %parallel_loop3A_287, %parallel_loop3A_290 : vector<16xf32>
          %parallel_loop3A_292 = arith.addf %parallel_loop3A_242, %parallel_loop3A_249 : vector<16xf32>
          %parallel_loop3A_293 = arith.addf %parallel_loop3A_256, %parallel_loop3A_263 : vector<16xf32>
          %parallel_loop3A_294 = arith.addf %parallel_loop3A_292, %parallel_loop3A_293 : vector<16xf32>
          %parallel_loop3A_295 = arith.addf %parallel_loop3A_270, %parallel_loop3A_277 : vector<16xf32>
          %parallel_loop3A_296 = arith.addf %parallel_loop3A_284, %parallel_loop3A_291 : vector<16xf32>
          %parallel_loop3A_297 = arith.addf %parallel_loop3A_295, %parallel_loop3A_296 : vector<16xf32>
          %parallel_loop3A_298 = arith.addf %parallel_loop3A_294, %parallel_loop3A_297 : vector<16xf32>
          %parallel_loop3A_299 = arith.constant true
          %parallel_loop3A_300 = vector.broadcast %parallel_loop3A_299 : i1 to vector<16xi1>
          %parallel_loop3A_301 = tpu.scan <sum>, %parallel_loop3A_298 masked %parallel_loop3A_300 : vector<16xf32>, vector<16xi1> -> vector<16xf32>
          %parallel_loop3A_302 = vector.extract %parallel_loop3A_301[15] : f32 from vector<16xf32>
          %parallel_loop3A_303 = arith.mulf %parallel_loop3A_242, %parallel_loop3A_242 : vector<16xf32>
          %parallel_loop3A_304 = arith.mulf %parallel_loop3A_249, %parallel_loop3A_249 : vector<16xf32>
          %parallel_loop3A_305 = arith.addf %parallel_loop3A_303, %parallel_loop3A_304 : vector<16xf32>
          %parallel_loop3A_306 = arith.mulf %parallel_loop3A_256, %parallel_loop3A_256 : vector<16xf32>
          %parallel_loop3A_307 = arith.mulf %parallel_loop3A_263, %parallel_loop3A_263 : vector<16xf32>
          %parallel_loop3A_308 = arith.addf %parallel_loop3A_306, %parallel_loop3A_307 : vector<16xf32>
          %parallel_loop3A_309 = arith.addf %parallel_loop3A_305, %parallel_loop3A_308 : vector<16xf32>
          %parallel_loop3A_310 = arith.mulf %parallel_loop3A_270, %parallel_loop3A_270 : vector<16xf32>
          %parallel_loop3A_311 = arith.mulf %parallel_loop3A_277, %parallel_loop3A_277 : vector<16xf32>
          %parallel_loop3A_312 = arith.addf %parallel_loop3A_310, %parallel_loop3A_311 : vector<16xf32>
          %parallel_loop3A_313 = arith.mulf %parallel_loop3A_284, %parallel_loop3A_284 : vector<16xf32>
          %parallel_loop3A_314 = arith.mulf %parallel_loop3A_291, %parallel_loop3A_291 : vector<16xf32>
          %parallel_loop3A_315 = arith.addf %parallel_loop3A_313, %parallel_loop3A_314 : vector<16xf32>
          %parallel_loop3A_316 = arith.addf %parallel_loop3A_312, %parallel_loop3A_315 : vector<16xf32>
          %parallel_loop3A_317 = arith.addf %parallel_loop3A_309, %parallel_loop3A_316 : vector<16xf32>
          %parallel_loop3A_318 = arith.constant true
          %parallel_loop3A_319 = vector.broadcast %parallel_loop3A_318 : i1 to vector<16xi1>
          %parallel_loop3A_320 = tpu.scan <sum>, %parallel_loop3A_317 masked %parallel_loop3A_319 : vector<16xf32>, vector<16xi1> -> vector<16xf32>
          %parallel_loop3A_321 = vector.extract %parallel_loop3A_320[15] : f32 from vector<16xf32>
          %parallel_loop3A_322 = arith.constant 7.812500e-03 : f32
          %parallel_loop3A_323 = arith.mulf %parallel_loop3A_302, %parallel_loop3A_322 : f32
          %parallel_loop3A_324 = arith.constant 7.812500e-03 : f32
          %parallel_loop3A_325 = arith.mulf %parallel_loop3A_321, %parallel_loop3A_324 : f32
          %parallel_loop3A_326 = arith.mulf %parallel_loop3A_323, %parallel_loop3A_323 : f32
          %parallel_loop3A_327 = arith.subf %parallel_loop3A_325, %parallel_loop3A_326 : f32
          %parallel_loop3A_328 = arith.constant 0.000000e+00 : f32
          %parallel_loop3A_329 = arith.maximumf %parallel_loop3A_327, %parallel_loop3A_328 : f32
          %parallel_loop3A_330 = arith.constant 9.99999996E-13 : f32
          %parallel_loop3A_331 = arith.addf %parallel_loop3A_329, %parallel_loop3A_330 : f32
          %parallel_loop3A_332 = vector.broadcast %parallel_loop3A_331 : f32 to vector<16xf32>
          %parallel_loop3A_333 = vector.bitcast %parallel_loop3A_332 : vector<16xf32> to vector<16xi32>
          %parallel_loop3A_334 = arith.constant 1 : i32
          %parallel_loop3A_335 = vector.broadcast %parallel_loop3A_334 : i32 to vector<16xi32>
          %parallel_loop3A_336 = arith.shrsi %parallel_loop3A_333, %parallel_loop3A_335 : vector<16xi32>
          %parallel_loop3A_337 = arith.constant 1597463007 : i32
          %parallel_loop3A_338 = vector.broadcast %parallel_loop3A_337 : i32 to vector<16xi32>
          %parallel_loop3A_339 = arith.subi %parallel_loop3A_338, %parallel_loop3A_336 : vector<16xi32>
          %parallel_loop3A_340 = vector.bitcast %parallel_loop3A_339 : vector<16xi32> to vector<16xf32>
          %parallel_loop3A_341 = arith.constant -5.000000e-01 : f32
          %parallel_loop3A_342 = vector.broadcast %parallel_loop3A_341 : f32 to vector<16xf32>
          %parallel_loop3A_343 = arith.mulf %parallel_loop3A_342, %parallel_loop3A_332 : vector<16xf32>
          %parallel_loop3A_344 = arith.mulf %parallel_loop3A_343, %parallel_loop3A_340 : vector<16xf32>
          %parallel_loop3A_345 = arith.mulf %parallel_loop3A_344, %parallel_loop3A_340 : vector<16xf32>
          %parallel_loop3A_346 = arith.constant 1.500000e+00 : f32
          %parallel_loop3A_347 = vector.broadcast %parallel_loop3A_346 : f32 to vector<16xf32>
          %parallel_loop3A_348 = arith.addf %parallel_loop3A_347, %parallel_loop3A_345 : vector<16xf32>
          %parallel_loop3A_349 = arith.mulf %parallel_loop3A_340, %parallel_loop3A_348 : vector<16xf32>
          %parallel_loop3A_350 = arith.mulf %parallel_loop3A_343, %parallel_loop3A_349 : vector<16xf32>
          %parallel_loop3A_351 = arith.mulf %parallel_loop3A_350, %parallel_loop3A_349 : vector<16xf32>
          %parallel_loop3A_352 = arith.constant 1.500000e+00 : f32
          %parallel_loop3A_353 = vector.broadcast %parallel_loop3A_352 : f32 to vector<16xf32>
          %parallel_loop3A_354 = arith.addf %parallel_loop3A_353, %parallel_loop3A_351 : vector<16xf32>
          %parallel_loop3A_355 = arith.mulf %parallel_loop3A_349, %parallel_loop3A_354 : vector<16xf32>
          %parallel_loop3A_356 = arith.mulf %get3A_5, %parallel_loop3A_355 : vector<16xf32>
          %parallel_loop3A_357 = vector.broadcast %parallel_loop3A_323 : f32 to vector<16xf32>
          %parallel_loop3A_358 = arith.subf %parallel_loop3A_242, %parallel_loop3A_357 : vector<16xf32>
          %parallel_loop3A_359 = arith.mulf %parallel_loop3A_358, %parallel_loop3A_356 : vector<16xf32>
          %parallel_loop3A_360 = arith.addf %parallel_loop3A_359, %get3A_37 : vector<16xf32>
          %parallel_loop3A_361 = arith.index_cast %parallel_loop3A_229 : i32 to index
          %parallel_loop3A_362 = arith.constant 0 : index
          %parallel_loop3A_363 = tpu.vector_load %arg11[%parallel_loop3A_361, %parallel_loop3A_362] {strides = array<i32>} : memref<128x128xf32, #tpu.memory_space<vmem>>, vector<16xf32>,
          tpu.vector_store %arg11[%parallel_loop3A_361, %parallel_loop3A_362], %parallel_loop3A_360 {strides = array<i32>} : memref<128x128xf32, #tpu.memory_space<vmem>>, vector<16xf32>,
          %parallel_loop3A_364 = arith.mulf %get3A_9, %parallel_loop3A_355 : vector<16xf32>
          %parallel_loop3A_365 = vector.broadcast %parallel_loop3A_323 : f32 to vector<16xf32>
          %parallel_loop3A_366 = arith.subf %parallel_loop3A_249, %parallel_loop3A_365 : vector<16xf32>
          %parallel_loop3A_367 = arith.mulf %parallel_loop3A_366, %parallel_loop3A_364 : vector<16xf32>
          %parallel_loop3A_368 = arith.addf %parallel_loop3A_367, %get3A_41 : vector<16xf32>
          %parallel_loop3A_369 = arith.index_cast %parallel_loop3A_229 : i32 to index
          %parallel_loop3A_370 = arith.constant 16 : index
          %parallel_loop3A_371 = tpu.vector_load %arg11[%parallel_loop3A_369, %parallel_loop3A_370] {strides = array<i32>} : memref<128x128xf32, #tpu.memory_space<vmem>>, vector<16xf32>,
          tpu.vector_store %arg11[%parallel_loop3A_369, %parallel_loop3A_370], %parallel_loop3A_368 {strides = array<i32>} : memref<128x128xf32, #tpu.memory_space<vmem>>, vector<16xf32>,
          %parallel_loop3A_372 = arith.mulf %get3A_13, %parallel_loop3A_355 : vector<16xf32>
          %parallel_loop3A_373 = vector.broadcast %parallel_loop3A_323 : f32 to vector<16xf32>
          %parallel_loop3A_374 = arith.subf %parallel_loop3A_256, %parallel_loop3A_373 : vector<16xf32>
          %parallel_loop3A_375 = arith.mulf %parallel_loop3A_374, %parallel_loop3A_372 : vector<16xf32>
          %parallel_loop3A_376 = arith.addf %parallel_loop3A_375, %get3A_45 : vector<16xf32>
          %parallel_loop3A_377 = arith.index_cast %parallel_loop3A_229 : i32 to index
          %parallel_loop3A_378 = arith.constant 32 : index
          %parallel_loop3A_379 = tpu.vector_load %arg11[%parallel_loop3A_377, %parallel_loop3A_378] {strides = array<i32>} : memref<128x128xf32, #tpu.memory_space<vmem>>, vector<16xf32>,
          tpu.vector_store %arg11[%parallel_loop3A_377, %parallel_loop3A_378], %parallel_loop3A_376 {strides = array<i32>} : memref<128x128xf32, #tpu.memory_space<vmem>>, vector<16xf32>,
          %parallel_loop3A_380 = arith.mulf %get3A_17, %parallel_loop3A_355 : vector<16xf32>
          %parallel_loop3A_381 = vector.broadcast %parallel_loop3A_323 : f32 to vector<16xf32>
          %parallel_loop3A_382 = arith.subf %parallel_loop3A_263, %parallel_loop3A_381 : vector<16xf32>
          %parallel_loop3A_383 = arith.mulf %parallel_loop3A_382, %parallel_loop3A_380 : vector<16xf32>
          %parallel_loop3A_384 = arith.addf %parallel_loop3A_383, %get3A_49 : vector<16xf32>
          %parallel_loop3A_385 = arith.index_cast %parallel_loop3A_229 : i32 to index
          %parallel_loop3A_386 = arith.constant 48 : index
          %parallel_loop3A_387 = tpu.vector_load %arg11[%parallel_loop3A_385, %parallel_loop3A_386] {strides = array<i32>} : memref<128x128xf32, #tpu.memory_space<vmem>>, vector<16xf32>,
          tpu.vector_store %arg11[%parallel_loop3A_385, %parallel_loop3A_386], %parallel_loop3A_384 {strides = array<i32>} : memref<128x128xf32, #tpu.memory_space<vmem>>, vector<16xf32>,
          %parallel_loop3A_388 = arith.mulf %get3A_21, %parallel_loop3A_355 : vector<16xf32>
          %parallel_loop3A_389 = vector.broadcast %parallel_loop3A_323 : f32 to vector<16xf32>
          %parallel_loop3A_390 = arith.subf %parallel_loop3A_270, %parallel_loop3A_389 : vector<16xf32>
          %parallel_loop3A_391 = arith.mulf %parallel_loop3A_390, %parallel_loop3A_388 : vector<16xf32>
          %parallel_loop3A_392 = arith.addf %parallel_loop3A_391, %get3A_53 : vector<16xf32>
          %parallel_loop3A_393 = arith.index_cast %parallel_loop3A_229 : i32 to index
          %parallel_loop3A_394 = arith.constant 64 : index
          %parallel_loop3A_395 = tpu.vector_load %arg11[%parallel_loop3A_393, %parallel_loop3A_394] {strides = array<i32>} : memref<128x128xf32, #tpu.memory_space<vmem>>, vector<16xf32>,
          tpu.vector_store %arg11[%parallel_loop3A_393, %parallel_loop3A_394], %parallel_loop3A_392 {strides = array<i32>} : memref<128x128xf32, #tpu.memory_space<vmem>>, vector<16xf32>,
          %parallel_loop3A_396 = arith.mulf %get3A_25, %parallel_loop3A_355 : vector<16xf32>
          %parallel_loop3A_397 = vector.broadcast %parallel_loop3A_323 : f32 to vector<16xf32>
          %parallel_loop3A_398 = arith.subf %parallel_loop3A_277, %parallel_loop3A_397 : vector<16xf32>
          %parallel_loop3A_399 = arith.mulf %parallel_loop3A_398, %parallel_loop3A_396 : vector<16xf32>
          %parallel_loop3A_400 = arith.addf %parallel_loop3A_399, %get3A_57 : vector<16xf32>
          %parallel_loop3A_401 = arith.index_cast %parallel_loop3A_229 : i32 to index
          %parallel_loop3A_402 = arith.constant 80 : index
          %parallel_loop3A_403 = tpu.vector_load %arg11[%parallel_loop3A_401, %parallel_loop3A_402] {strides = array<i32>} : memref<128x128xf32, #tpu.memory_space<vmem>>, vector<16xf32>,
          tpu.vector_store %arg11[%parallel_loop3A_401, %parallel_loop3A_402], %parallel_loop3A_400 {strides = array<i32>} : memref<128x128xf32, #tpu.memory_space<vmem>>, vector<16xf32>,
          %parallel_loop3A_404 = arith.mulf %get3A_29, %parallel_loop3A_355 : vector<16xf32>
          %parallel_loop3A_405 = vector.broadcast %parallel_loop3A_323 : f32 to vector<16xf32>
          %parallel_loop3A_406 = arith.subf %parallel_loop3A_284, %parallel_loop3A_405 : vector<16xf32>
          %parallel_loop3A_407 = arith.mulf %parallel_loop3A_406, %parallel_loop3A_404 : vector<16xf32>
          %parallel_loop3A_408 = arith.addf %parallel_loop3A_407, %get3A_61 : vector<16xf32>
          %parallel_loop3A_409 = arith.index_cast %parallel_loop3A_229 : i32 to index
          %parallel_loop3A_410 = arith.constant 96 : index
          %parallel_loop3A_411 = tpu.vector_load %arg11[%parallel_loop3A_409, %parallel_loop3A_410] {strides = array<i32>} : memref<128x128xf32, #tpu.memory_space<vmem>>, vector<16xf32>,
          tpu.vector_store %arg11[%parallel_loop3A_409, %parallel_loop3A_410], %parallel_loop3A_408 {strides = array<i32>} : memref<128x128xf32, #tpu.memory_space<vmem>>, vector<16xf32>,
          %parallel_loop3A_412 = arith.mulf %get3A_33, %parallel_loop3A_355 : vector<16xf32>
          %parallel_loop3A_413 = vector.broadcast %parallel_loop3A_323 : f32 to vector<16xf32>
          %parallel_loop3A_414 = arith.subf %parallel_loop3A_291, %parallel_loop3A_413 : vector<16xf32>
          %parallel_loop3A_415 = arith.mulf %parallel_loop3A_414, %parallel_loop3A_412 : vector<16xf32>
          %parallel_loop3A_416 = arith.addf %parallel_loop3A_415, %get3A_65 : vector<16xf32>
          %parallel_loop3A_417 = arith.index_cast %parallel_loop3A_229 : i32 to index
          %parallel_loop3A_418 = arith.constant 112 : index
          %parallel_loop3A_419 = tpu.vector_load %arg11[%parallel_loop3A_417, %parallel_loop3A_418] {strides = array<i32>} : memref<128x128xf32, #tpu.memory_space<vmem>>, vector<16xf32>,
          tpu.vector_store %arg11[%parallel_loop3A_417, %parallel_loop3A_418], %parallel_loop3A_416 {strides = array<i32>} : memref<128x128xf32, #tpu.memory_space<vmem>>, vector<16xf32>,
        } {sc.loop_unroll_factor = 4 : i64, sc.parallel_access}
        %add3A_222 = arith.addi %mul3A_2, %add3A_129 : i32
        %mul3A_223 = arith.constant 128 : i32
        %mul3A_224 = arith.muli %add3A_222, %mul3A_223 : i32
        %dma_start3A_225 = arith.constant 0 : i32
        %dma_start3A_226 = tpu.memref_slice %arg6[%mul3A_224, %dma_start3A_225] : memref<819200x128xf32, #tpu.memory_space<hbm>> -> memref<128x128xf32, #tpu.memory_space<hbm>>
        %dma_start3A_227 = arith.constant 0 : i32
        %dma_start3A_228 = tpu.memref_slice %arg6[%mul3A_224, %dma_start3A_227] : memref<819200x128xf32, #tpu.memory_space<hbm>> -> memref<128x128xf32, #tpu.memory_space<hbm>>
        tpu.enqueue_dma source(%arg11 : memref<128x128xf32, #tpu.memory_space<vmem>>) target(%dma_start3A_228 : memref<128x128xf32, #tpu.memory_space<hbm>>) target_semaphore(%arg25 : memref<!tpu.dma_semaphore, #tpu.memory_space<semaphore_mem>>)
      } else {
      }
      %mul3A_146 = arith.constant 4 : i32
      %mul3A_147 = arith.muli %scan3A_125, %mul3A_146 : i32
      %add3A_148 = arith.constant 1 : i32
      %add3A_149 = arith.addi %mul3A_147, %add3A_148 : i32
      %add3A_150 = arith.constant 3 : i32
      %add3A_151 = arith.addi %add3A_149, %add3A_150 : i32
      %lt3A_152 = arith.constant 200 : i32
      %lt3A_153 = arith.cmpi slt, %add3A_151, %lt3A_152 : i32
      %convert_element_type3A_154 = arith.extui %lt3A_153 : i1 to i32
      %cond3A_155 = arith.constant 0 : i32
      %cond3A_156 = arith.cmpi ne, %convert_element_type3A_154, %cond3A_155 : i32
      scf.if %cond3A_156 {
        %add3A_215 = arith.constant 3 : i32
        %add3A_216 = arith.addi %add3A_149, %add3A_215 : i32
        %add3A_217 = arith.addi %mul3A_2, %add3A_216 : i32
        %mul3A_218 = arith.constant 384 : i32
        %mul3A_219 = arith.muli %add3A_217, %mul3A_218 : i32
        %dma_start3A_220 = tpu.memref_slice %arg2[%mul3A_219] : memref<2457600xi32, #tpu.memory_space<hbm>> -> memref<384xi32, #tpu.memory_space<hbm>>
        %dma_start3A_221 = tpu.memref_slice %arg2[%mul3A_219] : memref<2457600xi32, #tpu.memory_space<hbm>> -> memref<384xi32, #tpu.memory_space<hbm>>
        tpu.enqueue_dma source(%dma_start3A_221 : memref<384xi32, #tpu.memory_space<hbm>>) target(%arg7 : memref<384xi32, #tpu.memory_space<vmem>>) target_semaphore(%arg17 : memref<!tpu.dma_semaphore, #tpu.memory_space<semaphore_mem>>)
      } else {
      }
      %add3A_157 = arith.constant 2 : i32
      %add3A_158 = arith.addi %add3A_149, %add3A_157 : i32
      %lt3A_159 = arith.constant 200 : i32
      %lt3A_160 = arith.cmpi slt, %add3A_158, %lt3A_159 : i32
      %convert_element_type3A_161 = arith.extui %lt3A_160 : i1 to i32
      %cond3A_162 = arith.constant 0 : i32
      %cond3A_163 = arith.cmpi ne, %convert_element_type3A_161, %cond3A_162 : i32
      scf.if %cond3A_163 {
        %dma_wait3A_215 = arith.constant 0 : i32
        %dma_wait3A_216 = tpu.memref_slice %arg2[%dma_wait3A_215] : memref<2457600xi32, #tpu.memory_space<hbm>> -> memref<384xi32, #tpu.memory_space<hbm>>
        %dma_wait3A_217 = arith.constant 0 : i32
        %dma_wait3A_218 = tpu.memref_slice %arg2[%dma_wait3A_217] : memref<2457600xi32, #tpu.memory_space<hbm>> -> memref<384xi32, #tpu.memory_space<hbm>>
        tpu.wait_dma2 semaphore(%arg20 : memref<!tpu.dma_semaphore, #tpu.memory_space<semaphore_mem>>) src(%dma_wait3A_218 : memref<384xi32, #tpu.memory_space<hbm>>) dst(%arg10 : memref<384xi32, #tpu.memory_space<vmem>>)
        %ge3A = arith.constant 2 : i32
        %ge3A_219 = arith.cmpi sge, %add3A_149, %ge3A : i32
        %convert_element_type3A_220 = arith.extui %ge3A_219 : i1 to i32
        %cond3A_221 = arith.constant 0 : i32
        %cond3A_222 = arith.cmpi ne, %convert_element_type3A_220, %cond3A_221 : i32
        scf.if %cond3A_222 {
          %dma_wait3A_228 = arith.constant 0 : i32
          %dma_wait3A_229 = arith.constant 0 : i32
          %dma_wait3A_230 = tpu.memref_slice %arg6[%dma_wait3A_228, %dma_wait3A_229] : memref<819200x128xf32, #tpu.memory_space<hbm>> -> memref<128x128xf32, #tpu.memory_space<hbm>>
          %dma_wait3A_231 = arith.constant 0 : i32
          %dma_wait3A_232 = arith.constant 0 : i32
          %dma_wait3A_233 = tpu.memref_slice %arg6[%dma_wait3A_231, %dma_wait3A_232] : memref<819200x128xf32, #tpu.memory_space<hbm>> -> memref<128x128xf32, #tpu.memory_space<hbm>>
          tpu.wait_dma2 semaphore(%arg28 : memref<!tpu.dma_semaphore, #tpu.memory_space<semaphore_mem>>) src(%arg14 : memref<128x128xf32, #tpu.memory_space<vmem>>) dst(%dma_wait3A_233 : memref<128x128xf32, #tpu.memory_space<hbm>>)
        } else {
        }
        %dma_start3A_223 = arith.constant 0 : i32
        %dma_start3A_224 = tpu.memref_slice %arg10[%dma_start3A_223] : memref<384xi32, #tpu.memory_space<vmem>> -> memref<128xi32, #tpu.memory_space<vmem>>
        %dma_start3A_225 = arith.constant 0 : i32
        %dma_start3A_226 = arith.constant 0 : i32
        %dma_start3A_227 = tpu.memref_slice %arg3[%dma_start3A_225, %dma_start3A_226] : memref<100000x128xf32, #tpu.memory_space<hbm>> -> memref<100000x128xf32, #tpu.memory_space<hbm>>
        tpu.enqueue_indirect_dma source(%dma_start3A_227 : memref<100000x128xf32, #tpu.memory_space<hbm>>) target(%arg14 : memref<128x128xf32, #tpu.memory_space<vmem>>) offsets(%dma_start3A_224 : memref<128xi32, #tpu.memory_space<vmem>>) semaphore(%arg24 : memref<!tpu.dma_semaphore, #tpu.memory_space<semaphore_mem>>)
      } else {
      }
      %lt3A_164 = arith.constant 200 : i32
      %lt3A_165 = arith.cmpi slt, %add3A_149, %lt3A_164 : i32
      %convert_element_type3A_166 = arith.extui %lt3A_165 : i1 to i32
      %cond3A_167 = arith.constant 0 : i32
      %cond3A_168 = arith.cmpi ne, %convert_element_type3A_166, %cond3A_167 : i32
      scf.if %cond3A_168 {
        %dma_wait3A_215 = arith.constant 0 : i32
        %dma_wait3A_216 = tpu.memref_slice %arg8[%dma_wait3A_215] : memref<384xi32, #tpu.memory_space<vmem>> -> memref<128xi32, #tpu.memory_space<vmem>>
        %dma_wait3A_217 = arith.constant 0 : i32
        %dma_wait3A_218 = arith.constant 0 : i32
        %dma_wait3A_219 = tpu.memref_slice %arg3[%dma_wait3A_217, %dma_wait3A_218] : memref<100000x128xf32, #tpu.memory_space<hbm>> -> memref<100000x128xf32, #tpu.memory_space<hbm>>
        tpu.wait_indirect_dma semaphore(%arg22 : memref<!tpu.dma_semaphore, #tpu.memory_space<semaphore_mem>>) src(%dma_wait3A_219 : memref<100000x128xf32, #tpu.memory_space<hbm>>) dst(%arg12 : memref<128x128xf32, #tpu.memory_space<vmem>>)
        %parallel_loop3A = arith.constant 0 : i32
        %parallel_loop3A_220 = arith.constant 128 : i32
        %parallel_loop3A_221 = arith.constant 1 : i32
        scf.for %parallel_loop3A_229 = %parallel_loop3A to %parallel_loop3A_220 step %parallel_loop3A_221  : i32 {
          %parallel_loop3A_230 = arith.constant 128 : i32
          %parallel_loop3A_231 = arith.addi %parallel_loop3A_230, %parallel_loop3A_229 : i32
          %parallel_loop3A_232 = arith.index_cast %parallel_loop3A_231 : i32 to index
          %parallel_loop3A_233 = tpu.vector_load %arg8[%parallel_loop3A_232] {strides = array<i32>} : memref<384xi32, #tpu.memory_space<vmem>>, vector<16xi32>,
          %parallel_loop3A_234 = vector.extract_strided_slice %parallel_loop3A_233 {offsets = [0], sizes = [1], strides = [1]} : vector<16xi32> to vector<1xi32>
          %parallel_loop3A_235 = vector.extract %parallel_loop3A_234[0] : i32 from vector<1xi32>
          %parallel_loop3A_236 = arith.index_cast %parallel_loop3A_229 : i32 to index
          %parallel_loop3A_237 = arith.constant 0 : index
          %parallel_loop3A_238 = tpu.vector_load %arg12[%parallel_loop3A_236, %parallel_loop3A_237] {strides = array<i32>} : memref<128x128xf32, #tpu.memory_space<vmem>>, vector<16xf32>,
          %parallel_loop3A_239 = arith.index_cast %parallel_loop3A_235 : i32 to index
          %parallel_loop3A_240 = arith.constant 0 : index
          %parallel_loop3A_241 = tpu.vector_load %arg15[%parallel_loop3A_239, %parallel_loop3A_240] {strides = array<i32>} : memref<400x128xf32, #tpu.memory_space<vmem>>, vector<16xf32>,
          %parallel_loop3A_242 = arith.addf %parallel_loop3A_238, %parallel_loop3A_241 : vector<16xf32>
          %parallel_loop3A_243 = arith.index_cast %parallel_loop3A_229 : i32 to index
          %parallel_loop3A_244 = arith.constant 16 : index
          %parallel_loop3A_245 = tpu.vector_load %arg12[%parallel_loop3A_243, %parallel_loop3A_244] {strides = array<i32>} : memref<128x128xf32, #tpu.memory_space<vmem>>, vector<16xf32>,
          %parallel_loop3A_246 = arith.index_cast %parallel_loop3A_235 : i32 to index
          %parallel_loop3A_247 = arith.constant 16 : index
          %parallel_loop3A_248 = tpu.vector_load %arg15[%parallel_loop3A_246, %parallel_loop3A_247] {strides = array<i32>} : memref<400x128xf32, #tpu.memory_space<vmem>>, vector<16xf32>,
          %parallel_loop3A_249 = arith.addf %parallel_loop3A_245, %parallel_loop3A_248 : vector<16xf32>
          %parallel_loop3A_250 = arith.index_cast %parallel_loop3A_229 : i32 to index
          %parallel_loop3A_251 = arith.constant 32 : index
          %parallel_loop3A_252 = tpu.vector_load %arg12[%parallel_loop3A_250, %parallel_loop3A_251] {strides = array<i32>} : memref<128x128xf32, #tpu.memory_space<vmem>>, vector<16xf32>,
          %parallel_loop3A_253 = arith.index_cast %parallel_loop3A_235 : i32 to index
          %parallel_loop3A_254 = arith.constant 32 : index
          %parallel_loop3A_255 = tpu.vector_load %arg15[%parallel_loop3A_253, %parallel_loop3A_254] {strides = array<i32>} : memref<400x128xf32, #tpu.memory_space<vmem>>, vector<16xf32>,
          %parallel_loop3A_256 = arith.addf %parallel_loop3A_252, %parallel_loop3A_255 : vector<16xf32>
          %parallel_loop3A_257 = arith.index_cast %parallel_loop3A_229 : i32 to index
          %parallel_loop3A_258 = arith.constant 48 : index
          %parallel_loop3A_259 = tpu.vector_load %arg12[%parallel_loop3A_257, %parallel_loop3A_258] {strides = array<i32>} : memref<128x128xf32, #tpu.memory_space<vmem>>, vector<16xf32>,
          %parallel_loop3A_260 = arith.index_cast %parallel_loop3A_235 : i32 to index
          %parallel_loop3A_261 = arith.constant 48 : index
          %parallel_loop3A_262 = tpu.vector_load %arg15[%parallel_loop3A_260, %parallel_loop3A_261] {strides = array<i32>} : memref<400x128xf32, #tpu.memory_space<vmem>>, vector<16xf32>,
          %parallel_loop3A_263 = arith.addf %parallel_loop3A_259, %parallel_loop3A_262 : vector<16xf32>
          %parallel_loop3A_264 = arith.index_cast %parallel_loop3A_229 : i32 to index
          %parallel_loop3A_265 = arith.constant 64 : index
          %parallel_loop3A_266 = tpu.vector_load %arg12[%parallel_loop3A_264, %parallel_loop3A_265] {strides = array<i32>} : memref<128x128xf32, #tpu.memory_space<vmem>>, vector<16xf32>,
          %parallel_loop3A_267 = arith.index_cast %parallel_loop3A_235 : i32 to index
          %parallel_loop3A_268 = arith.constant 64 : index
          %parallel_loop3A_269 = tpu.vector_load %arg15[%parallel_loop3A_267, %parallel_loop3A_268] {strides = array<i32>} : memref<400x128xf32, #tpu.memory_space<vmem>>, vector<16xf32>,
          %parallel_loop3A_270 = arith.addf %parallel_loop3A_266, %parallel_loop3A_269 : vector<16xf32>
          %parallel_loop3A_271 = arith.index_cast %parallel_loop3A_229 : i32 to index
          %parallel_loop3A_272 = arith.constant 80 : index
          %parallel_loop3A_273 = tpu.vector_load %arg12[%parallel_loop3A_271, %parallel_loop3A_272] {strides = array<i32>} : memref<128x128xf32, #tpu.memory_space<vmem>>, vector<16xf32>,
          %parallel_loop3A_274 = arith.index_cast %parallel_loop3A_235 : i32 to index
          %parallel_loop3A_275 = arith.constant 80 : index
          %parallel_loop3A_276 = tpu.vector_load %arg15[%parallel_loop3A_274, %parallel_loop3A_275] {strides = array<i32>} : memref<400x128xf32, #tpu.memory_space<vmem>>, vector<16xf32>,
          %parallel_loop3A_277 = arith.addf %parallel_loop3A_273, %parallel_loop3A_276 : vector<16xf32>
          %parallel_loop3A_278 = arith.index_cast %parallel_loop3A_229 : i32 to index
          %parallel_loop3A_279 = arith.constant 96 : index
          %parallel_loop3A_280 = tpu.vector_load %arg12[%parallel_loop3A_278, %parallel_loop3A_279] {strides = array<i32>} : memref<128x128xf32, #tpu.memory_space<vmem>>, vector<16xf32>,
          %parallel_loop3A_281 = arith.index_cast %parallel_loop3A_235 : i32 to index
          %parallel_loop3A_282 = arith.constant 96 : index
          %parallel_loop3A_283 = tpu.vector_load %arg15[%parallel_loop3A_281, %parallel_loop3A_282] {strides = array<i32>} : memref<400x128xf32, #tpu.memory_space<vmem>>, vector<16xf32>,
          %parallel_loop3A_284 = arith.addf %parallel_loop3A_280, %parallel_loop3A_283 : vector<16xf32>
          %parallel_loop3A_285 = arith.index_cast %parallel_loop3A_229 : i32 to index
          %parallel_loop3A_286 = arith.constant 112 : index
          %parallel_loop3A_287 = tpu.vector_load %arg12[%parallel_loop3A_285, %parallel_loop3A_286] {strides = array<i32>} : memref<128x128xf32, #tpu.memory_space<vmem>>, vector<16xf32>,
          %parallel_loop3A_288 = arith.index_cast %parallel_loop3A_235 : i32 to index
          %parallel_loop3A_289 = arith.constant 112 : index
          %parallel_loop3A_290 = tpu.vector_load %arg15[%parallel_loop3A_288, %parallel_loop3A_289] {strides = array<i32>} : memref<400x128xf32, #tpu.memory_space<vmem>>, vector<16xf32>,
          %parallel_loop3A_291 = arith.addf %parallel_loop3A_287, %parallel_loop3A_290 : vector<16xf32>
          %parallel_loop3A_292 = arith.addf %parallel_loop3A_242, %parallel_loop3A_249 : vector<16xf32>
          %parallel_loop3A_293 = arith.addf %parallel_loop3A_256, %parallel_loop3A_263 : vector<16xf32>
          %parallel_loop3A_294 = arith.addf %parallel_loop3A_292, %parallel_loop3A_293 : vector<16xf32>
          %parallel_loop3A_295 = arith.addf %parallel_loop3A_270, %parallel_loop3A_277 : vector<16xf32>
          %parallel_loop3A_296 = arith.addf %parallel_loop3A_284, %parallel_loop3A_291 : vector<16xf32>
          %parallel_loop3A_297 = arith.addf %parallel_loop3A_295, %parallel_loop3A_296 : vector<16xf32>
          %parallel_loop3A_298 = arith.addf %parallel_loop3A_294, %parallel_loop3A_297 : vector<16xf32>
          %parallel_loop3A_299 = arith.constant true
          %parallel_loop3A_300 = vector.broadcast %parallel_loop3A_299 : i1 to vector<16xi1>
          %parallel_loop3A_301 = tpu.scan <sum>, %parallel_loop3A_298 masked %parallel_loop3A_300 : vector<16xf32>, vector<16xi1> -> vector<16xf32>
          %parallel_loop3A_302 = vector.extract %parallel_loop3A_301[15] : f32 from vector<16xf32>
          %parallel_loop3A_303 = arith.mulf %parallel_loop3A_242, %parallel_loop3A_242 : vector<16xf32>
          %parallel_loop3A_304 = arith.mulf %parallel_loop3A_249, %parallel_loop3A_249 : vector<16xf32>
          %parallel_loop3A_305 = arith.addf %parallel_loop3A_303, %parallel_loop3A_304 : vector<16xf32>
          %parallel_loop3A_306 = arith.mulf %parallel_loop3A_256, %parallel_loop3A_256 : vector<16xf32>
          %parallel_loop3A_307 = arith.mulf %parallel_loop3A_263, %parallel_loop3A_263 : vector<16xf32>
          %parallel_loop3A_308 = arith.addf %parallel_loop3A_306, %parallel_loop3A_307 : vector<16xf32>
          %parallel_loop3A_309 = arith.addf %parallel_loop3A_305, %parallel_loop3A_308 : vector<16xf32>
          %parallel_loop3A_310 = arith.mulf %parallel_loop3A_270, %parallel_loop3A_270 : vector<16xf32>
          %parallel_loop3A_311 = arith.mulf %parallel_loop3A_277, %parallel_loop3A_277 : vector<16xf32>
          %parallel_loop3A_312 = arith.addf %parallel_loop3A_310, %parallel_loop3A_311 : vector<16xf32>
          %parallel_loop3A_313 = arith.mulf %parallel_loop3A_284, %parallel_loop3A_284 : vector<16xf32>
          %parallel_loop3A_314 = arith.mulf %parallel_loop3A_291, %parallel_loop3A_291 : vector<16xf32>
          %parallel_loop3A_315 = arith.addf %parallel_loop3A_313, %parallel_loop3A_314 : vector<16xf32>
          %parallel_loop3A_316 = arith.addf %parallel_loop3A_312, %parallel_loop3A_315 : vector<16xf32>
          %parallel_loop3A_317 = arith.addf %parallel_loop3A_309, %parallel_loop3A_316 : vector<16xf32>
          %parallel_loop3A_318 = arith.constant true
          %parallel_loop3A_319 = vector.broadcast %parallel_loop3A_318 : i1 to vector<16xi1>
          %parallel_loop3A_320 = tpu.scan <sum>, %parallel_loop3A_317 masked %parallel_loop3A_319 : vector<16xf32>, vector<16xi1> -> vector<16xf32>
          %parallel_loop3A_321 = vector.extract %parallel_loop3A_320[15] : f32 from vector<16xf32>
          %parallel_loop3A_322 = arith.constant 7.812500e-03 : f32
          %parallel_loop3A_323 = arith.mulf %parallel_loop3A_302, %parallel_loop3A_322 : f32
          %parallel_loop3A_324 = arith.constant 7.812500e-03 : f32
          %parallel_loop3A_325 = arith.mulf %parallel_loop3A_321, %parallel_loop3A_324 : f32
          %parallel_loop3A_326 = arith.mulf %parallel_loop3A_323, %parallel_loop3A_323 : f32
          %parallel_loop3A_327 = arith.subf %parallel_loop3A_325, %parallel_loop3A_326 : f32
          %parallel_loop3A_328 = arith.constant 0.000000e+00 : f32
          %parallel_loop3A_329 = arith.maximumf %parallel_loop3A_327, %parallel_loop3A_328 : f32
          %parallel_loop3A_330 = arith.constant 9.99999996E-13 : f32
          %parallel_loop3A_331 = arith.addf %parallel_loop3A_329, %parallel_loop3A_330 : f32
          %parallel_loop3A_332 = vector.broadcast %parallel_loop3A_331 : f32 to vector<16xf32>
          %parallel_loop3A_333 = vector.bitcast %parallel_loop3A_332 : vector<16xf32> to vector<16xi32>
          %parallel_loop3A_334 = arith.constant 1 : i32
          %parallel_loop3A_335 = vector.broadcast %parallel_loop3A_334 : i32 to vector<16xi32>
          %parallel_loop3A_336 = arith.shrsi %parallel_loop3A_333, %parallel_loop3A_335 : vector<16xi32>
          %parallel_loop3A_337 = arith.constant 1597463007 : i32
          %parallel_loop3A_338 = vector.broadcast %parallel_loop3A_337 : i32 to vector<16xi32>
          %parallel_loop3A_339 = arith.subi %parallel_loop3A_338, %parallel_loop3A_336 : vector<16xi32>
          %parallel_loop3A_340 = vector.bitcast %parallel_loop3A_339 : vector<16xi32> to vector<16xf32>
          %parallel_loop3A_341 = arith.constant -5.000000e-01 : f32
          %parallel_loop3A_342 = vector.broadcast %parallel_loop3A_341 : f32 to vector<16xf32>
          %parallel_loop3A_343 = arith.mulf %parallel_loop3A_342, %parallel_loop3A_332 : vector<16xf32>
          %parallel_loop3A_344 = arith.mulf %parallel_loop3A_343, %parallel_loop3A_340 : vector<16xf32>
          %parallel_loop3A_345 = arith.mulf %parallel_loop3A_344, %parallel_loop3A_340 : vector<16xf32>
          %parallel_loop3A_346 = arith.constant 1.500000e+00 : f32
          %parallel_loop3A_347 = vector.broadcast %parallel_loop3A_346 : f32 to vector<16xf32>
          %parallel_loop3A_348 = arith.addf %parallel_loop3A_347, %parallel_loop3A_345 : vector<16xf32>
          %parallel_loop3A_349 = arith.mulf %parallel_loop3A_340, %parallel_loop3A_348 : vector<16xf32>
          %parallel_loop3A_350 = arith.mulf %parallel_loop3A_343, %parallel_loop3A_349 : vector<16xf32>
          %parallel_loop3A_351 = arith.mulf %parallel_loop3A_350, %parallel_loop3A_349 : vector<16xf32>
          %parallel_loop3A_352 = arith.constant 1.500000e+00 : f32
          %parallel_loop3A_353 = vector.broadcast %parallel_loop3A_352 : f32 to vector<16xf32>
          %parallel_loop3A_354 = arith.addf %parallel_loop3A_353, %parallel_loop3A_351 : vector<16xf32>
          %parallel_loop3A_355 = arith.mulf %parallel_loop3A_349, %parallel_loop3A_354 : vector<16xf32>
          %parallel_loop3A_356 = arith.mulf %get3A_5, %parallel_loop3A_355 : vector<16xf32>
          %parallel_loop3A_357 = vector.broadcast %parallel_loop3A_323 : f32 to vector<16xf32>
          %parallel_loop3A_358 = arith.subf %parallel_loop3A_242, %parallel_loop3A_357 : vector<16xf32>
          %parallel_loop3A_359 = arith.mulf %parallel_loop3A_358, %parallel_loop3A_356 : vector<16xf32>
          %parallel_loop3A_360 = arith.addf %parallel_loop3A_359, %get3A_37 : vector<16xf32>
          %parallel_loop3A_361 = arith.index_cast %parallel_loop3A_229 : i32 to index
          %parallel_loop3A_362 = arith.constant 0 : index
          %parallel_loop3A_363 = tpu.vector_load %arg12[%parallel_loop3A_361, %parallel_loop3A_362] {strides = array<i32>} : memref<128x128xf32, #tpu.memory_space<vmem>>, vector<16xf32>,
          tpu.vector_store %arg12[%parallel_loop3A_361, %parallel_loop3A_362], %parallel_loop3A_360 {strides = array<i32>} : memref<128x128xf32, #tpu.memory_space<vmem>>, vector<16xf32>,
          %parallel_loop3A_364 = arith.mulf %get3A_9, %parallel_loop3A_355 : vector<16xf32>
          %parallel_loop3A_365 = vector.broadcast %parallel_loop3A_323 : f32 to vector<16xf32>
          %parallel_loop3A_366 = arith.subf %parallel_loop3A_249, %parallel_loop3A_365 : vector<16xf32>
          %parallel_loop3A_367 = arith.mulf %parallel_loop3A_366, %parallel_loop3A_364 : vector<16xf32>
          %parallel_loop3A_368 = arith.addf %parallel_loop3A_367, %get3A_41 : vector<16xf32>
          %parallel_loop3A_369 = arith.index_cast %parallel_loop3A_229 : i32 to index
          %parallel_loop3A_370 = arith.constant 16 : index
          %parallel_loop3A_371 = tpu.vector_load %arg12[%parallel_loop3A_369, %parallel_loop3A_370] {strides = array<i32>} : memref<128x128xf32, #tpu.memory_space<vmem>>, vector<16xf32>,
          tpu.vector_store %arg12[%parallel_loop3A_369, %parallel_loop3A_370], %parallel_loop3A_368 {strides = array<i32>} : memref<128x128xf32, #tpu.memory_space<vmem>>, vector<16xf32>,
          %parallel_loop3A_372 = arith.mulf %get3A_13, %parallel_loop3A_355 : vector<16xf32>
          %parallel_loop3A_373 = vector.broadcast %parallel_loop3A_323 : f32 to vector<16xf32>
          %parallel_loop3A_374 = arith.subf %parallel_loop3A_256, %parallel_loop3A_373 : vector<16xf32>
          %parallel_loop3A_375 = arith.mulf %parallel_loop3A_374, %parallel_loop3A_372 : vector<16xf32>
          %parallel_loop3A_376 = arith.addf %parallel_loop3A_375, %get3A_45 : vector<16xf32>
          %parallel_loop3A_377 = arith.index_cast %parallel_loop3A_229 : i32 to index
          %parallel_loop3A_378 = arith.constant 32 : index
          %parallel_loop3A_379 = tpu.vector_load %arg12[%parallel_loop3A_377, %parallel_loop3A_378] {strides = array<i32>} : memref<128x128xf32, #tpu.memory_space<vmem>>, vector<16xf32>,
          tpu.vector_store %arg12[%parallel_loop3A_377, %parallel_loop3A_378], %parallel_loop3A_376 {strides = array<i32>} : memref<128x128xf32, #tpu.memory_space<vmem>>, vector<16xf32>,
          %parallel_loop3A_380 = arith.mulf %get3A_17, %parallel_loop3A_355 : vector<16xf32>
          %parallel_loop3A_381 = vector.broadcast %parallel_loop3A_323 : f32 to vector<16xf32>
          %parallel_loop3A_382 = arith.subf %parallel_loop3A_263, %parallel_loop3A_381 : vector<16xf32>
          %parallel_loop3A_383 = arith.mulf %parallel_loop3A_382, %parallel_loop3A_380 : vector<16xf32>
          %parallel_loop3A_384 = arith.addf %parallel_loop3A_383, %get3A_49 : vector<16xf32>
          %parallel_loop3A_385 = arith.index_cast %parallel_loop3A_229 : i32 to index
          %parallel_loop3A_386 = arith.constant 48 : index
          %parallel_loop3A_387 = tpu.vector_load %arg12[%parallel_loop3A_385, %parallel_loop3A_386] {strides = array<i32>} : memref<128x128xf32, #tpu.memory_space<vmem>>, vector<16xf32>,
          tpu.vector_store %arg12[%parallel_loop3A_385, %parallel_loop3A_386], %parallel_loop3A_384 {strides = array<i32>} : memref<128x128xf32, #tpu.memory_space<vmem>>, vector<16xf32>,
          %parallel_loop3A_388 = arith.mulf %get3A_21, %parallel_loop3A_355 : vector<16xf32>
          %parallel_loop3A_389 = vector.broadcast %parallel_loop3A_323 : f32 to vector<16xf32>
          %parallel_loop3A_390 = arith.subf %parallel_loop3A_270, %parallel_loop3A_389 : vector<16xf32>
          %parallel_loop3A_391 = arith.mulf %parallel_loop3A_390, %parallel_loop3A_388 : vector<16xf32>
          %parallel_loop3A_392 = arith.addf %parallel_loop3A_391, %get3A_53 : vector<16xf32>
          %parallel_loop3A_393 = arith.index_cast %parallel_loop3A_229 : i32 to index
          %parallel_loop3A_394 = arith.constant 64 : index
          %parallel_loop3A_395 = tpu.vector_load %arg12[%parallel_loop3A_393, %parallel_loop3A_394] {strides = array<i32>} : memref<128x128xf32, #tpu.memory_space<vmem>>, vector<16xf32>,
          tpu.vector_store %arg12[%parallel_loop3A_393, %parallel_loop3A_394], %parallel_loop3A_392 {strides = array<i32>} : memref<128x128xf32, #tpu.memory_space<vmem>>, vector<16xf32>,
          %parallel_loop3A_396 = arith.mulf %get3A_25, %parallel_loop3A_355 : vector<16xf32>
          %parallel_loop3A_397 = vector.broadcast %parallel_loop3A_323 : f32 to vector<16xf32>
          %parallel_loop3A_398 = arith.subf %parallel_loop3A_277, %parallel_loop3A_397 : vector<16xf32>
          %parallel_loop3A_399 = arith.mulf %parallel_loop3A_398, %parallel_loop3A_396 : vector<16xf32>
          %parallel_loop3A_400 = arith.addf %parallel_loop3A_399, %get3A_57 : vector<16xf32>
          %parallel_loop3A_401 = arith.index_cast %parallel_loop3A_229 : i32 to index
          %parallel_loop3A_402 = arith.constant 80 : index
          %parallel_loop3A_403 = tpu.vector_load %arg12[%parallel_loop3A_401, %parallel_loop3A_402] {strides = array<i32>} : memref<128x128xf32, #tpu.memory_space<vmem>>, vector<16xf32>,
          tpu.vector_store %arg12[%parallel_loop3A_401, %parallel_loop3A_402], %parallel_loop3A_400 {strides = array<i32>} : memref<128x128xf32, #tpu.memory_space<vmem>>, vector<16xf32>,
          %parallel_loop3A_404 = arith.mulf %get3A_29, %parallel_loop3A_355 : vector<16xf32>
          %parallel_loop3A_405 = vector.broadcast %parallel_loop3A_323 : f32 to vector<16xf32>
          %parallel_loop3A_406 = arith.subf %parallel_loop3A_284, %parallel_loop3A_405 : vector<16xf32>
          %parallel_loop3A_407 = arith.mulf %parallel_loop3A_406, %parallel_loop3A_404 : vector<16xf32>
          %parallel_loop3A_408 = arith.addf %parallel_loop3A_407, %get3A_61 : vector<16xf32>
          %parallel_loop3A_409 = arith.index_cast %parallel_loop3A_229 : i32 to index
          %parallel_loop3A_410 = arith.constant 96 : index
          %parallel_loop3A_411 = tpu.vector_load %arg12[%parallel_loop3A_409, %parallel_loop3A_410] {strides = array<i32>} : memref<128x128xf32, #tpu.memory_space<vmem>>, vector<16xf32>,
          tpu.vector_store %arg12[%parallel_loop3A_409, %parallel_loop3A_410], %parallel_loop3A_408 {strides = array<i32>} : memref<128x128xf32, #tpu.memory_space<vmem>>, vector<16xf32>,
          %parallel_loop3A_412 = arith.mulf %get3A_33, %parallel_loop3A_355 : vector<16xf32>
          %parallel_loop3A_413 = vector.broadcast %parallel_loop3A_323 : f32 to vector<16xf32>
          %parallel_loop3A_414 = arith.subf %parallel_loop3A_291, %parallel_loop3A_413 : vector<16xf32>
          %parallel_loop3A_415 = arith.mulf %parallel_loop3A_414, %parallel_loop3A_412 : vector<16xf32>
          %parallel_loop3A_416 = arith.addf %parallel_loop3A_415, %get3A_65 : vector<16xf32>
          %parallel_loop3A_417 = arith.index_cast %parallel_loop3A_229 : i32 to index
          %parallel_loop3A_418 = arith.constant 112 : index
          %parallel_loop3A_419 = tpu.vector_load %arg12[%parallel_loop3A_417, %parallel_loop3A_418] {strides = array<i32>} : memref<128x128xf32, #tpu.memory_space<vmem>>, vector<16xf32>,
          tpu.vector_store %arg12[%parallel_loop3A_417, %parallel_loop3A_418], %parallel_loop3A_416 {strides = array<i32>} : memref<128x128xf32, #tpu.memory_space<vmem>>, vector<16xf32>,
        } {sc.loop_unroll_factor = 4 : i64, sc.parallel_access}
        %add3A_222 = arith.addi %mul3A_2, %add3A_149 : i32
        %mul3A_223 = arith.constant 128 : i32
        %mul3A_224 = arith.muli %add3A_222, %mul3A_223 : i32
        %dma_start3A_225 = arith.constant 0 : i32
        %dma_start3A_226 = tpu.memref_slice %arg6[%mul3A_224, %dma_start3A_225] : memref<819200x128xf32, #tpu.memory_space<hbm>> -> memref<128x128xf32, #tpu.memory_space<hbm>>
        %dma_start3A_227 = arith.constant 0 : i32
        %dma_start3A_228 = tpu.memref_slice %arg6[%mul3A_224, %dma_start3A_227] : memref<819200x128xf32, #tpu.memory_space<hbm>> -> memref<128x128xf32, #tpu.memory_space<hbm>>
        tpu.enqueue_dma source(%arg12 : memref<128x128xf32, #tpu.memory_space<vmem>>) target(%dma_start3A_228 : memref<128x128xf32, #tpu.memory_space<hbm>>) target_semaphore(%arg26 : memref<!tpu.dma_semaphore, #tpu.memory_space<semaphore_mem>>)
      } else {
      }
      %mul3A_169 = arith.constant 4 : i32
      %mul3A_170 = arith.muli %scan3A_125, %mul3A_169 : i32
      %add3A_171 = arith.constant 2 : i32
      %add3A_172 = arith.addi %mul3A_170, %add3A_171 : i32
      %add3A_173 = arith.constant 3 : i32
      %add3A_174 = arith.addi %add3A_172, %add3A_173 : i32
      %lt3A_175 = arith.constant 200 : i32
      %lt3A_176 = arith.cmpi slt, %add3A_174, %lt3A_175 : i32
      %convert_element_type3A_177 = arith.extui %lt3A_176 : i1 to i32
      %cond3A_178 = arith.constant 0 : i32
      %cond3A_179 = arith.cmpi ne, %convert_element_type3A_177, %cond3A_178 : i32
      scf.if %cond3A_179 {
        %add3A_215 = arith.constant 3 : i32
        %add3A_216 = arith.addi %add3A_172, %add3A_215 : i32
        %add3A_217 = arith.addi %mul3A_2, %add3A_216 : i32
        %mul3A_218 = arith.constant 384 : i32
        %mul3A_219 = arith.muli %add3A_217, %mul3A_218 : i32
        %dma_start3A_220 = tpu.memref_slice %arg2[%mul3A_219] : memref<2457600xi32, #tpu.memory_space<hbm>> -> memref<384xi32, #tpu.memory_space<hbm>>
        %dma_start3A_221 = tpu.memref_slice %arg2[%mul3A_219] : memref<2457600xi32, #tpu.memory_space<hbm>> -> memref<384xi32, #tpu.memory_space<hbm>>
        tpu.enqueue_dma source(%dma_start3A_221 : memref<384xi32, #tpu.memory_space<hbm>>) target(%arg8 : memref<384xi32, #tpu.memory_space<vmem>>) target_semaphore(%arg18 : memref<!tpu.dma_semaphore, #tpu.memory_space<semaphore_mem>>)
      } else {
      }
      %add3A_180 = arith.constant 2 : i32
      %add3A_181 = arith.addi %add3A_172, %add3A_180 : i32
      %lt3A_182 = arith.constant 200 : i32
      %lt3A_183 = arith.cmpi slt, %add3A_181, %lt3A_182 : i32
      %convert_element_type3A_184 = arith.extui %lt3A_183 : i1 to i32
      %cond3A_185 = arith.constant 0 : i32
      %cond3A_186 = arith.cmpi ne, %convert_element_type3A_184, %cond3A_185 : i32
      scf.if %cond3A_186 {
        %dma_wait3A_215 = arith.constant 0 : i32
        %dma_wait3A_216 = tpu.memref_slice %arg2[%dma_wait3A_215] : memref<2457600xi32, #tpu.memory_space<hbm>> -> memref<384xi32, #tpu.memory_space<hbm>>
        %dma_wait3A_217 = arith.constant 0 : i32
        %dma_wait3A_218 = tpu.memref_slice %arg2[%dma_wait3A_217] : memref<2457600xi32, #tpu.memory_space<hbm>> -> memref<384xi32, #tpu.memory_space<hbm>>
        tpu.wait_dma2 semaphore(%arg17 : memref<!tpu.dma_semaphore, #tpu.memory_space<semaphore_mem>>) src(%dma_wait3A_218 : memref<384xi32, #tpu.memory_space<hbm>>) dst(%arg7 : memref<384xi32, #tpu.memory_space<vmem>>)
        %ge3A = arith.constant 2 : i32
        %ge3A_219 = arith.cmpi sge, %add3A_172, %ge3A : i32
        %convert_element_type3A_220 = arith.extui %ge3A_219 : i1 to i32
        %cond3A_221 = arith.constant 0 : i32
        %cond3A_222 = arith.cmpi ne, %convert_element_type3A_220, %cond3A_221 : i32
        scf.if %cond3A_222 {
          %dma_wait3A_228 = arith.constant 0 : i32
          %dma_wait3A_229 = arith.constant 0 : i32
          %dma_wait3A_230 = tpu.memref_slice %arg6[%dma_wait3A_228, %dma_wait3A_229] : memref<819200x128xf32, #tpu.memory_space<hbm>> -> memref<128x128xf32, #tpu.memory_space<hbm>>
          %dma_wait3A_231 = arith.constant 0 : i32
          %dma_wait3A_232 = arith.constant 0 : i32
          %dma_wait3A_233 = tpu.memref_slice %arg6[%dma_wait3A_231, %dma_wait3A_232] : memref<819200x128xf32, #tpu.memory_space<hbm>> -> memref<128x128xf32, #tpu.memory_space<hbm>>
          tpu.wait_dma2 semaphore(%arg25 : memref<!tpu.dma_semaphore, #tpu.memory_space<semaphore_mem>>) src(%arg11 : memref<128x128xf32, #tpu.memory_space<vmem>>) dst(%dma_wait3A_233 : memref<128x128xf32, #tpu.memory_space<hbm>>)
        } else {
        }
        %dma_start3A_223 = arith.constant 0 : i32
        %dma_start3A_224 = tpu.memref_slice %arg7[%dma_start3A_223] : memref<384xi32, #tpu.memory_space<vmem>> -> memref<128xi32, #tpu.memory_space<vmem>>
        %dma_start3A_225 = arith.constant 0 : i32
        %dma_start3A_226 = arith.constant 0 : i32
        %dma_start3A_227 = tpu.memref_slice %arg3[%dma_start3A_225, %dma_start3A_226] : memref<100000x128xf32, #tpu.memory_space<hbm>> -> memref<100000x128xf32, #tpu.memory_space<hbm>>
        tpu.enqueue_indirect_dma source(%dma_start3A_227 : memref<100000x128xf32, #tpu.memory_space<hbm>>) target(%arg11 : memref<128x128xf32, #tpu.memory_space<vmem>>) offsets(%dma_start3A_224 : memref<128xi32, #tpu.memory_space<vmem>>) semaphore(%arg21 : memref<!tpu.dma_semaphore, #tpu.memory_space<semaphore_mem>>)
      } else {
      }
      %lt3A_187 = arith.constant 200 : i32
      %lt3A_188 = arith.cmpi slt, %add3A_172, %lt3A_187 : i32
      %convert_element_type3A_189 = arith.extui %lt3A_188 : i1 to i32
      %cond3A_190 = arith.constant 0 : i32
      %cond3A_191 = arith.cmpi ne, %convert_element_type3A_189, %cond3A_190 : i32
      scf.if %cond3A_191 {
        %dma_wait3A_215 = arith.constant 0 : i32
        %dma_wait3A_216 = tpu.memref_slice %arg9[%dma_wait3A_215] : memref<384xi32, #tpu.memory_space<vmem>> -> memref<128xi32, #tpu.memory_space<vmem>>
        %dma_wait3A_217 = arith.constant 0 : i32
        %dma_wait3A_218 = arith.constant 0 : i32
        %dma_wait3A_219 = tpu.memref_slice %arg3[%dma_wait3A_217, %dma_wait3A_218] : memref<100000x128xf32, #tpu.memory_space<hbm>> -> memref<100000x128xf32, #tpu.memory_space<hbm>>
        tpu.wait_indirect_dma semaphore(%arg23 : memref<!tpu.dma_semaphore, #tpu.memory_space<semaphore_mem>>) src(%dma_wait3A_219 : memref<100000x128xf32, #tpu.memory_space<hbm>>) dst(%arg13 : memref<128x128xf32, #tpu.memory_space<vmem>>)
        %parallel_loop3A = arith.constant 0 : i32
        %parallel_loop3A_220 = arith.constant 128 : i32
        %parallel_loop3A_221 = arith.constant 1 : i32
        scf.for %parallel_loop3A_229 = %parallel_loop3A to %parallel_loop3A_220 step %parallel_loop3A_221  : i32 {
          %parallel_loop3A_230 = arith.constant 128 : i32
          %parallel_loop3A_231 = arith.addi %parallel_loop3A_230, %parallel_loop3A_229 : i32
          %parallel_loop3A_232 = arith.index_cast %parallel_loop3A_231 : i32 to index
          %parallel_loop3A_233 = tpu.vector_load %arg9[%parallel_loop3A_232] {strides = array<i32>} : memref<384xi32, #tpu.memory_space<vmem>>, vector<16xi32>,
          %parallel_loop3A_234 = vector.extract_strided_slice %parallel_loop3A_233 {offsets = [0], sizes = [1], strides = [1]} : vector<16xi32> to vector<1xi32>
          %parallel_loop3A_235 = vector.extract %parallel_loop3A_234[0] : i32 from vector<1xi32>
          %parallel_loop3A_236 = arith.index_cast %parallel_loop3A_229 : i32 to index
          %parallel_loop3A_237 = arith.constant 0 : index
          %parallel_loop3A_238 = tpu.vector_load %arg13[%parallel_loop3A_236, %parallel_loop3A_237] {strides = array<i32>} : memref<128x128xf32, #tpu.memory_space<vmem>>, vector<16xf32>,
          %parallel_loop3A_239 = arith.index_cast %parallel_loop3A_235 : i32 to index
          %parallel_loop3A_240 = arith.constant 0 : index
          %parallel_loop3A_241 = tpu.vector_load %arg15[%parallel_loop3A_239, %parallel_loop3A_240] {strides = array<i32>} : memref<400x128xf32, #tpu.memory_space<vmem>>, vector<16xf32>,
          %parallel_loop3A_242 = arith.addf %parallel_loop3A_238, %parallel_loop3A_241 : vector<16xf32>
          %parallel_loop3A_243 = arith.index_cast %parallel_loop3A_229 : i32 to index
          %parallel_loop3A_244 = arith.constant 16 : index
          %parallel_loop3A_245 = tpu.vector_load %arg13[%parallel_loop3A_243, %parallel_loop3A_244] {strides = array<i32>} : memref<128x128xf32, #tpu.memory_space<vmem>>, vector<16xf32>,
          %parallel_loop3A_246 = arith.index_cast %parallel_loop3A_235 : i32 to index
          %parallel_loop3A_247 = arith.constant 16 : index
          %parallel_loop3A_248 = tpu.vector_load %arg15[%parallel_loop3A_246, %parallel_loop3A_247] {strides = array<i32>} : memref<400x128xf32, #tpu.memory_space<vmem>>, vector<16xf32>,
          %parallel_loop3A_249 = arith.addf %parallel_loop3A_245, %parallel_loop3A_248 : vector<16xf32>
          %parallel_loop3A_250 = arith.index_cast %parallel_loop3A_229 : i32 to index
          %parallel_loop3A_251 = arith.constant 32 : index
          %parallel_loop3A_252 = tpu.vector_load %arg13[%parallel_loop3A_250, %parallel_loop3A_251] {strides = array<i32>} : memref<128x128xf32, #tpu.memory_space<vmem>>, vector<16xf32>,
          %parallel_loop3A_253 = arith.index_cast %parallel_loop3A_235 : i32 to index
          %parallel_loop3A_254 = arith.constant 32 : index
          %parallel_loop3A_255 = tpu.vector_load %arg15[%parallel_loop3A_253, %parallel_loop3A_254] {strides = array<i32>} : memref<400x128xf32, #tpu.memory_space<vmem>>, vector<16xf32>,
          %parallel_loop3A_256 = arith.addf %parallel_loop3A_252, %parallel_loop3A_255 : vector<16xf32>
          %parallel_loop3A_257 = arith.index_cast %parallel_loop3A_229 : i32 to index
          %parallel_loop3A_258 = arith.constant 48 : index
          %parallel_loop3A_259 = tpu.vector_load %arg13[%parallel_loop3A_257, %parallel_loop3A_258] {strides = array<i32>} : memref<128x128xf32, #tpu.memory_space<vmem>>, vector<16xf32>,
          %parallel_loop3A_260 = arith.index_cast %parallel_loop3A_235 : i32 to index
          %parallel_loop3A_261 = arith.constant 48 : index
          %parallel_loop3A_262 = tpu.vector_load %arg15[%parallel_loop3A_260, %parallel_loop3A_261] {strides = array<i32>} : memref<400x128xf32, #tpu.memory_space<vmem>>, vector<16xf32>,
          %parallel_loop3A_263 = arith.addf %parallel_loop3A_259, %parallel_loop3A_262 : vector<16xf32>
          %parallel_loop3A_264 = arith.index_cast %parallel_loop3A_229 : i32 to index
          %parallel_loop3A_265 = arith.constant 64 : index
          %parallel_loop3A_266 = tpu.vector_load %arg13[%parallel_loop3A_264, %parallel_loop3A_265] {strides = array<i32>} : memref<128x128xf32, #tpu.memory_space<vmem>>, vector<16xf32>,
          %parallel_loop3A_267 = arith.index_cast %parallel_loop3A_235 : i32 to index
          %parallel_loop3A_268 = arith.constant 64 : index
          %parallel_loop3A_269 = tpu.vector_load %arg15[%parallel_loop3A_267, %parallel_loop3A_268] {strides = array<i32>} : memref<400x128xf32, #tpu.memory_space<vmem>>, vector<16xf32>,
          %parallel_loop3A_270 = arith.addf %parallel_loop3A_266, %parallel_loop3A_269 : vector<16xf32>
          %parallel_loop3A_271 = arith.index_cast %parallel_loop3A_229 : i32 to index
          %parallel_loop3A_272 = arith.constant 80 : index
          %parallel_loop3A_273 = tpu.vector_load %arg13[%parallel_loop3A_271, %parallel_loop3A_272] {strides = array<i32>} : memref<128x128xf32, #tpu.memory_space<vmem>>, vector<16xf32>,
          %parallel_loop3A_274 = arith.index_cast %parallel_loop3A_235 : i32 to index
          %parallel_loop3A_275 = arith.constant 80 : index
          %parallel_loop3A_276 = tpu.vector_load %arg15[%parallel_loop3A_274, %parallel_loop3A_275] {strides = array<i32>} : memref<400x128xf32, #tpu.memory_space<vmem>>, vector<16xf32>,
          %parallel_loop3A_277 = arith.addf %parallel_loop3A_273, %parallel_loop3A_276 : vector<16xf32>
          %parallel_loop3A_278 = arith.index_cast %parallel_loop3A_229 : i32 to index
          %parallel_loop3A_279 = arith.constant 96 : index
          %parallel_loop3A_280 = tpu.vector_load %arg13[%parallel_loop3A_278, %parallel_loop3A_279] {strides = array<i32>} : memref<128x128xf32, #tpu.memory_space<vmem>>, vector<16xf32>,
          %parallel_loop3A_281 = arith.index_cast %parallel_loop3A_235 : i32 to index
          %parallel_loop3A_282 = arith.constant 96 : index
          %parallel_loop3A_283 = tpu.vector_load %arg15[%parallel_loop3A_281, %parallel_loop3A_282] {strides = array<i32>} : memref<400x128xf32, #tpu.memory_space<vmem>>, vector<16xf32>,
          %parallel_loop3A_284 = arith.addf %parallel_loop3A_280, %parallel_loop3A_283 : vector<16xf32>
          %parallel_loop3A_285 = arith.index_cast %parallel_loop3A_229 : i32 to index
          %parallel_loop3A_286 = arith.constant 112 : index
          %parallel_loop3A_287 = tpu.vector_load %arg13[%parallel_loop3A_285, %parallel_loop3A_286] {strides = array<i32>} : memref<128x128xf32, #tpu.memory_space<vmem>>, vector<16xf32>,
          %parallel_loop3A_288 = arith.index_cast %parallel_loop3A_235 : i32 to index
          %parallel_loop3A_289 = arith.constant 112 : index
          %parallel_loop3A_290 = tpu.vector_load %arg15[%parallel_loop3A_288, %parallel_loop3A_289] {strides = array<i32>} : memref<400x128xf32, #tpu.memory_space<vmem>>, vector<16xf32>,
          %parallel_loop3A_291 = arith.addf %parallel_loop3A_287, %parallel_loop3A_290 : vector<16xf32>
          %parallel_loop3A_292 = arith.addf %parallel_loop3A_242, %parallel_loop3A_249 : vector<16xf32>
          %parallel_loop3A_293 = arith.addf %parallel_loop3A_256, %parallel_loop3A_263 : vector<16xf32>
          %parallel_loop3A_294 = arith.addf %parallel_loop3A_292, %parallel_loop3A_293 : vector<16xf32>
          %parallel_loop3A_295 = arith.addf %parallel_loop3A_270, %parallel_loop3A_277 : vector<16xf32>
          %parallel_loop3A_296 = arith.addf %parallel_loop3A_284, %parallel_loop3A_291 : vector<16xf32>
          %parallel_loop3A_297 = arith.addf %parallel_loop3A_295, %parallel_loop3A_296 : vector<16xf32>
          %parallel_loop3A_298 = arith.addf %parallel_loop3A_294, %parallel_loop3A_297 : vector<16xf32>
          %parallel_loop3A_299 = arith.constant true
          %parallel_loop3A_300 = vector.broadcast %parallel_loop3A_299 : i1 to vector<16xi1>
          %parallel_loop3A_301 = tpu.scan <sum>, %parallel_loop3A_298 masked %parallel_loop3A_300 : vector<16xf32>, vector<16xi1> -> vector<16xf32>
          %parallel_loop3A_302 = vector.extract %parallel_loop3A_301[15] : f32 from vector<16xf32>
          %parallel_loop3A_303 = arith.mulf %parallel_loop3A_242, %parallel_loop3A_242 : vector<16xf32>
          %parallel_loop3A_304 = arith.mulf %parallel_loop3A_249, %parallel_loop3A_249 : vector<16xf32>
          %parallel_loop3A_305 = arith.addf %parallel_loop3A_303, %parallel_loop3A_304 : vector<16xf32>
          %parallel_loop3A_306 = arith.mulf %parallel_loop3A_256, %parallel_loop3A_256 : vector<16xf32>
          %parallel_loop3A_307 = arith.mulf %parallel_loop3A_263, %parallel_loop3A_263 : vector<16xf32>
          %parallel_loop3A_308 = arith.addf %parallel_loop3A_306, %parallel_loop3A_307 : vector<16xf32>
          %parallel_loop3A_309 = arith.addf %parallel_loop3A_305, %parallel_loop3A_308 : vector<16xf32>
          %parallel_loop3A_310 = arith.mulf %parallel_loop3A_270, %parallel_loop3A_270 : vector<16xf32>
          %parallel_loop3A_311 = arith.mulf %parallel_loop3A_277, %parallel_loop3A_277 : vector<16xf32>
          %parallel_loop3A_312 = arith.addf %parallel_loop3A_310, %parallel_loop3A_311 : vector<16xf32>
          %parallel_loop3A_313 = arith.mulf %parallel_loop3A_284, %parallel_loop3A_284 : vector<16xf32>
          %parallel_loop3A_314 = arith.mulf %parallel_loop3A_291, %parallel_loop3A_291 : vector<16xf32>
          %parallel_loop3A_315 = arith.addf %parallel_loop3A_313, %parallel_loop3A_314 : vector<16xf32>
          %parallel_loop3A_316 = arith.addf %parallel_loop3A_312, %parallel_loop3A_315 : vector<16xf32>
          %parallel_loop3A_317 = arith.addf %parallel_loop3A_309, %parallel_loop3A_316 : vector<16xf32>
          %parallel_loop3A_318 = arith.constant true
          %parallel_loop3A_319 = vector.broadcast %parallel_loop3A_318 : i1 to vector<16xi1>
          %parallel_loop3A_320 = tpu.scan <sum>, %parallel_loop3A_317 masked %parallel_loop3A_319 : vector<16xf32>, vector<16xi1> -> vector<16xf32>
          %parallel_loop3A_321 = vector.extract %parallel_loop3A_320[15] : f32 from vector<16xf32>
          %parallel_loop3A_322 = arith.constant 7.812500e-03 : f32
          %parallel_loop3A_323 = arith.mulf %parallel_loop3A_302, %parallel_loop3A_322 : f32
          %parallel_loop3A_324 = arith.constant 7.812500e-03 : f32
          %parallel_loop3A_325 = arith.mulf %parallel_loop3A_321, %parallel_loop3A_324 : f32
          %parallel_loop3A_326 = arith.mulf %parallel_loop3A_323, %parallel_loop3A_323 : f32
          %parallel_loop3A_327 = arith.subf %parallel_loop3A_325, %parallel_loop3A_326 : f32
          %parallel_loop3A_328 = arith.constant 0.000000e+00 : f32
          %parallel_loop3A_329 = arith.maximumf %parallel_loop3A_327, %parallel_loop3A_328 : f32
          %parallel_loop3A_330 = arith.constant 9.99999996E-13 : f32
          %parallel_loop3A_331 = arith.addf %parallel_loop3A_329, %parallel_loop3A_330 : f32
          %parallel_loop3A_332 = vector.broadcast %parallel_loop3A_331 : f32 to vector<16xf32>
          %parallel_loop3A_333 = vector.bitcast %parallel_loop3A_332 : vector<16xf32> to vector<16xi32>
          %parallel_loop3A_334 = arith.constant 1 : i32
          %parallel_loop3A_335 = vector.broadcast %parallel_loop3A_334 : i32 to vector<16xi32>
          %parallel_loop3A_336 = arith.shrsi %parallel_loop3A_333, %parallel_loop3A_335 : vector<16xi32>
          %parallel_loop3A_337 = arith.constant 1597463007 : i32
          %parallel_loop3A_338 = vector.broadcast %parallel_loop3A_337 : i32 to vector<16xi32>
          %parallel_loop3A_339 = arith.subi %parallel_loop3A_338, %parallel_loop3A_336 : vector<16xi32>
          %parallel_loop3A_340 = vector.bitcast %parallel_loop3A_339 : vector<16xi32> to vector<16xf32>
          %parallel_loop3A_341 = arith.constant -5.000000e-01 : f32
          %parallel_loop3A_342 = vector.broadcast %parallel_loop3A_341 : f32 to vector<16xf32>
          %parallel_loop3A_343 = arith.mulf %parallel_loop3A_342, %parallel_loop3A_332 : vector<16xf32>
          %parallel_loop3A_344 = arith.mulf %parallel_loop3A_343, %parallel_loop3A_340 : vector<16xf32>
          %parallel_loop3A_345 = arith.mulf %parallel_loop3A_344, %parallel_loop3A_340 : vector<16xf32>
          %parallel_loop3A_346 = arith.constant 1.500000e+00 : f32
          %parallel_loop3A_347 = vector.broadcast %parallel_loop3A_346 : f32 to vector<16xf32>
          %parallel_loop3A_348 = arith.addf %parallel_loop3A_347, %parallel_loop3A_345 : vector<16xf32>
          %parallel_loop3A_349 = arith.mulf %parallel_loop3A_340, %parallel_loop3A_348 : vector<16xf32>
          %parallel_loop3A_350 = arith.mulf %parallel_loop3A_343, %parallel_loop3A_349 : vector<16xf32>
          %parallel_loop3A_351 = arith.mulf %parallel_loop3A_350, %parallel_loop3A_349 : vector<16xf32>
          %parallel_loop3A_352 = arith.constant 1.500000e+00 : f32
          %parallel_loop3A_353 = vector.broadcast %parallel_loop3A_352 : f32 to vector<16xf32>
          %parallel_loop3A_354 = arith.addf %parallel_loop3A_353, %parallel_loop3A_351 : vector<16xf32>
          %parallel_loop3A_355 = arith.mulf %parallel_loop3A_349, %parallel_loop3A_354 : vector<16xf32>
          %parallel_loop3A_356 = arith.mulf %get3A_5, %parallel_loop3A_355 : vector<16xf32>
          %parallel_loop3A_357 = vector.broadcast %parallel_loop3A_323 : f32 to vector<16xf32>
          %parallel_loop3A_358 = arith.subf %parallel_loop3A_242, %parallel_loop3A_357 : vector<16xf32>
          %parallel_loop3A_359 = arith.mulf %parallel_loop3A_358, %parallel_loop3A_356 : vector<16xf32>
          %parallel_loop3A_360 = arith.addf %parallel_loop3A_359, %get3A_37 : vector<16xf32>
          %parallel_loop3A_361 = arith.index_cast %parallel_loop3A_229 : i32 to index
          %parallel_loop3A_362 = arith.constant 0 : index
          %parallel_loop3A_363 = tpu.vector_load %arg13[%parallel_loop3A_361, %parallel_loop3A_362] {strides = array<i32>} : memref<128x128xf32, #tpu.memory_space<vmem>>, vector<16xf32>,
          tpu.vector_store %arg13[%parallel_loop3A_361, %parallel_loop3A_362], %parallel_loop3A_360 {strides = array<i32>} : memref<128x128xf32, #tpu.memory_space<vmem>>, vector<16xf32>,
          %parallel_loop3A_364 = arith.mulf %get3A_9, %parallel_loop3A_355 : vector<16xf32>
          %parallel_loop3A_365 = vector.broadcast %parallel_loop3A_323 : f32 to vector<16xf32>
          %parallel_loop3A_366 = arith.subf %parallel_loop3A_249, %parallel_loop3A_365 : vector<16xf32>
          %parallel_loop3A_367 = arith.mulf %parallel_loop3A_366, %parallel_loop3A_364 : vector<16xf32>
          %parallel_loop3A_368 = arith.addf %parallel_loop3A_367, %get3A_41 : vector<16xf32>
          %parallel_loop3A_369 = arith.index_cast %parallel_loop3A_229 : i32 to index
          %parallel_loop3A_370 = arith.constant 16 : index
          %parallel_loop3A_371 = tpu.vector_load %arg13[%parallel_loop3A_369, %parallel_loop3A_370] {strides = array<i32>} : memref<128x128xf32, #tpu.memory_space<vmem>>, vector<16xf32>,
          tpu.vector_store %arg13[%parallel_loop3A_369, %parallel_loop3A_370], %parallel_loop3A_368 {strides = array<i32>} : memref<128x128xf32, #tpu.memory_space<vmem>>, vector<16xf32>,
          %parallel_loop3A_372 = arith.mulf %get3A_13, %parallel_loop3A_355 : vector<16xf32>
          %parallel_loop3A_373 = vector.broadcast %parallel_loop3A_323 : f32 to vector<16xf32>
          %parallel_loop3A_374 = arith.subf %parallel_loop3A_256, %parallel_loop3A_373 : vector<16xf32>
          %parallel_loop3A_375 = arith.mulf %parallel_loop3A_374, %parallel_loop3A_372 : vector<16xf32>
          %parallel_loop3A_376 = arith.addf %parallel_loop3A_375, %get3A_45 : vector<16xf32>
          %parallel_loop3A_377 = arith.index_cast %parallel_loop3A_229 : i32 to index
          %parallel_loop3A_378 = arith.constant 32 : index
          %parallel_loop3A_379 = tpu.vector_load %arg13[%parallel_loop3A_377, %parallel_loop3A_378] {strides = array<i32>} : memref<128x128xf32, #tpu.memory_space<vmem>>, vector<16xf32>,
          tpu.vector_store %arg13[%parallel_loop3A_377, %parallel_loop3A_378], %parallel_loop3A_376 {strides = array<i32>} : memref<128x128xf32, #tpu.memory_space<vmem>>, vector<16xf32>,
          %parallel_loop3A_380 = arith.mulf %get3A_17, %parallel_loop3A_355 : vector<16xf32>
          %parallel_loop3A_381 = vector.broadcast %parallel_loop3A_323 : f32 to vector<16xf32>
          %parallel_loop3A_382 = arith.subf %parallel_loop3A_263, %parallel_loop3A_381 : vector<16xf32>
          %parallel_loop3A_383 = arith.mulf %parallel_loop3A_382, %parallel_loop3A_380 : vector<16xf32>
          %parallel_loop3A_384 = arith.addf %parallel_loop3A_383, %get3A_49 : vector<16xf32>
          %parallel_loop3A_385 = arith.index_cast %parallel_loop3A_229 : i32 to index
          %parallel_loop3A_386 = arith.constant 48 : index
          %parallel_loop3A_387 = tpu.vector_load %arg13[%parallel_loop3A_385, %parallel_loop3A_386] {strides = array<i32>} : memref<128x128xf32, #tpu.memory_space<vmem>>, vector<16xf32>,
          tpu.vector_store %arg13[%parallel_loop3A_385, %parallel_loop3A_386], %parallel_loop3A_384 {strides = array<i32>} : memref<128x128xf32, #tpu.memory_space<vmem>>, vector<16xf32>,
          %parallel_loop3A_388 = arith.mulf %get3A_21, %parallel_loop3A_355 : vector<16xf32>
          %parallel_loop3A_389 = vector.broadcast %parallel_loop3A_323 : f32 to vector<16xf32>
          %parallel_loop3A_390 = arith.subf %parallel_loop3A_270, %parallel_loop3A_389 : vector<16xf32>
          %parallel_loop3A_391 = arith.mulf %parallel_loop3A_390, %parallel_loop3A_388 : vector<16xf32>
          %parallel_loop3A_392 = arith.addf %parallel_loop3A_391, %get3A_53 : vector<16xf32>
          %parallel_loop3A_393 = arith.index_cast %parallel_loop3A_229 : i32 to index
          %parallel_loop3A_394 = arith.constant 64 : index
          %parallel_loop3A_395 = tpu.vector_load %arg13[%parallel_loop3A_393, %parallel_loop3A_394] {strides = array<i32>} : memref<128x128xf32, #tpu.memory_space<vmem>>, vector<16xf32>,
          tpu.vector_store %arg13[%parallel_loop3A_393, %parallel_loop3A_394], %parallel_loop3A_392 {strides = array<i32>} : memref<128x128xf32, #tpu.memory_space<vmem>>, vector<16xf32>,
          %parallel_loop3A_396 = arith.mulf %get3A_25, %parallel_loop3A_355 : vector<16xf32>
          %parallel_loop3A_397 = vector.broadcast %parallel_loop3A_323 : f32 to vector<16xf32>
          %parallel_loop3A_398 = arith.subf %parallel_loop3A_277, %parallel_loop3A_397 : vector<16xf32>
          %parallel_loop3A_399 = arith.mulf %parallel_loop3A_398, %parallel_loop3A_396 : vector<16xf32>
          %parallel_loop3A_400 = arith.addf %parallel_loop3A_399, %get3A_57 : vector<16xf32>
          %parallel_loop3A_401 = arith.index_cast %parallel_loop3A_229 : i32 to index
          %parallel_loop3A_402 = arith.constant 80 : index
          %parallel_loop3A_403 = tpu.vector_load %arg13[%parallel_loop3A_401, %parallel_loop3A_402] {strides = array<i32>} : memref<128x128xf32, #tpu.memory_space<vmem>>, vector<16xf32>,
          tpu.vector_store %arg13[%parallel_loop3A_401, %parallel_loop3A_402], %parallel_loop3A_400 {strides = array<i32>} : memref<128x128xf32, #tpu.memory_space<vmem>>, vector<16xf32>,
          %parallel_loop3A_404 = arith.mulf %get3A_29, %parallel_loop3A_355 : vector<16xf32>
          %parallel_loop3A_405 = vector.broadcast %parallel_loop3A_323 : f32 to vector<16xf32>
          %parallel_loop3A_406 = arith.subf %parallel_loop3A_284, %parallel_loop3A_405 : vector<16xf32>
          %parallel_loop3A_407 = arith.mulf %parallel_loop3A_406, %parallel_loop3A_404 : vector<16xf32>
          %parallel_loop3A_408 = arith.addf %parallel_loop3A_407, %get3A_61 : vector<16xf32>
          %parallel_loop3A_409 = arith.index_cast %parallel_loop3A_229 : i32 to index
          %parallel_loop3A_410 = arith.constant 96 : index
          %parallel_loop3A_411 = tpu.vector_load %arg13[%parallel_loop3A_409, %parallel_loop3A_410] {strides = array<i32>} : memref<128x128xf32, #tpu.memory_space<vmem>>, vector<16xf32>,
          tpu.vector_store %arg13[%parallel_loop3A_409, %parallel_loop3A_410], %parallel_loop3A_408 {strides = array<i32>} : memref<128x128xf32, #tpu.memory_space<vmem>>, vector<16xf32>,
          %parallel_loop3A_412 = arith.mulf %get3A_33, %parallel_loop3A_355 : vector<16xf32>
          %parallel_loop3A_413 = vector.broadcast %parallel_loop3A_323 : f32 to vector<16xf32>
          %parallel_loop3A_414 = arith.subf %parallel_loop3A_291, %parallel_loop3A_413 : vector<16xf32>
          %parallel_loop3A_415 = arith.mulf %parallel_loop3A_414, %parallel_loop3A_412 : vector<16xf32>
          %parallel_loop3A_416 = arith.addf %parallel_loop3A_415, %get3A_65 : vector<16xf32>
          %parallel_loop3A_417 = arith.index_cast %parallel_loop3A_229 : i32 to index
          %parallel_loop3A_418 = arith.constant 112 : index
          %parallel_loop3A_419 = tpu.vector_load %arg13[%parallel_loop3A_417, %parallel_loop3A_418] {strides = array<i32>} : memref<128x128xf32, #tpu.memory_space<vmem>>, vector<16xf32>,
          tpu.vector_store %arg13[%parallel_loop3A_417, %parallel_loop3A_418], %parallel_loop3A_416 {strides = array<i32>} : memref<128x128xf32, #tpu.memory_space<vmem>>, vector<16xf32>,
        } {sc.loop_unroll_factor = 4 : i64, sc.parallel_access}
        %add3A_222 = arith.addi %mul3A_2, %add3A_172 : i32
        %mul3A_223 = arith.constant 128 : i32
        %mul3A_224 = arith.muli %add3A_222, %mul3A_223 : i32
        %dma_start3A_225 = arith.constant 0 : i32
        %dma_start3A_226 = tpu.memref_slice %arg6[%mul3A_224, %dma_start3A_225] : memref<819200x128xf32, #tpu.memory_space<hbm>> -> memref<128x128xf32, #tpu.memory_space<hbm>>
        %dma_start3A_227 = arith.constant 0 : i32
        %dma_start3A_228 = tpu.memref_slice %arg6[%mul3A_224, %dma_start3A_227] : memref<819200x128xf32, #tpu.memory_space<hbm>> -> memref<128x128xf32, #tpu.memory_space<hbm>>
        tpu.enqueue_dma source(%arg13 : memref<128x128xf32, #tpu.memory_space<vmem>>) target(%dma_start3A_228 : memref<128x128xf32, #tpu.memory_space<hbm>>) target_semaphore(%arg27 : memref<!tpu.dma_semaphore, #tpu.memory_space<semaphore_mem>>)
      } else {
      }
      %mul3A_192 = arith.constant 4 : i32
      %mul3A_193 = arith.muli %scan3A_125, %mul3A_192 : i32
      %add3A_194 = arith.constant 3 : i32
      %add3A_195 = arith.addi %mul3A_193, %add3A_194 : i32
      %add3A_196 = arith.constant 3 : i32
      %add3A_197 = arith.addi %add3A_195, %add3A_196 : i32
      %lt3A_198 = arith.constant 200 : i32
      %lt3A_199 = arith.cmpi slt, %add3A_197, %lt3A_198 : i32
      %convert_element_type3A_200 = arith.extui %lt3A_199 : i1 to i32
      %cond3A_201 = arith.constant 0 : i32
      %cond3A_202 = arith.cmpi ne, %convert_element_type3A_200, %cond3A_201 : i32
      scf.if %cond3A_202 {
        %add3A_215 = arith.constant 3 : i32
        %add3A_216 = arith.addi %add3A_195, %add3A_215 : i32
        %add3A_217 = arith.addi %mul3A_2, %add3A_216 : i32
        %mul3A_218 = arith.constant 384 : i32
        %mul3A_219 = arith.muli %add3A_217, %mul3A_218 : i32
        %dma_start3A_220 = tpu.memref_slice %arg2[%mul3A_219] : memref<2457600xi32, #tpu.memory_space<hbm>> -> memref<384xi32, #tpu.memory_space<hbm>>
        %dma_start3A_221 = tpu.memref_slice %arg2[%mul3A_219] : memref<2457600xi32, #tpu.memory_space<hbm>> -> memref<384xi32, #tpu.memory_space<hbm>>
        tpu.enqueue_dma source(%dma_start3A_221 : memref<384xi32, #tpu.memory_space<hbm>>) target(%arg9 : memref<384xi32, #tpu.memory_space<vmem>>) target_semaphore(%arg19 : memref<!tpu.dma_semaphore, #tpu.memory_space<semaphore_mem>>)
      } else {
      }
      %add3A_203 = arith.constant 2 : i32
      %add3A_204 = arith.addi %add3A_195, %add3A_203 : i32
      %lt3A_205 = arith.constant 200 : i32
      %lt3A_206 = arith.cmpi slt, %add3A_204, %lt3A_205 : i32
      %convert_element_type3A_207 = arith.extui %lt3A_206 : i1 to i32
      %cond3A_208 = arith.constant 0 : i32
      %cond3A_209 = arith.cmpi ne, %convert_element_type3A_207, %cond3A_208 : i32
      scf.if %cond3A_209 {
        %dma_wait3A_215 = arith.constant 0 : i32
        %dma_wait3A_216 = tpu.memref_slice %arg2[%dma_wait3A_215] : memref<2457600xi32, #tpu.memory_space<hbm>> -> memref<384xi32, #tpu.memory_space<hbm>>
        %dma_wait3A_217 = arith.constant 0 : i32
        %dma_wait3A_218 = tpu.memref_slice %arg2[%dma_wait3A_217] : memref<2457600xi32, #tpu.memory_space<hbm>> -> memref<384xi32, #tpu.memory_space<hbm>>
        tpu.wait_dma2 semaphore(%arg18 : memref<!tpu.dma_semaphore, #tpu.memory_space<semaphore_mem>>) src(%dma_wait3A_218 : memref<384xi32, #tpu.memory_space<hbm>>) dst(%arg8 : memref<384xi32, #tpu.memory_space<vmem>>)
        %ge3A = arith.constant 2 : i32
        %ge3A_219 = arith.cmpi sge, %add3A_195, %ge3A : i32
        %convert_element_type3A_220 = arith.extui %ge3A_219 : i1 to i32
        %cond3A_221 = arith.constant 0 : i32
        %cond3A_222 = arith.cmpi ne, %convert_element_type3A_220, %cond3A_221 : i32
        scf.if %cond3A_222 {
          %dma_wait3A_228 = arith.constant 0 : i32
          %dma_wait3A_229 = arith.constant 0 : i32
          %dma_wait3A_230 = tpu.memref_slice %arg6[%dma_wait3A_228, %dma_wait3A_229] : memref<819200x128xf32, #tpu.memory_space<hbm>> -> memref<128x128xf32, #tpu.memory_space<hbm>>
          %dma_wait3A_231 = arith.constant 0 : i32
          %dma_wait3A_232 = arith.constant 0 : i32
          %dma_wait3A_233 = tpu.memref_slice %arg6[%dma_wait3A_231, %dma_wait3A_232] : memref<819200x128xf32, #tpu.memory_space<hbm>> -> memref<128x128xf32, #tpu.memory_space<hbm>>
          tpu.wait_dma2 semaphore(%arg26 : memref<!tpu.dma_semaphore, #tpu.memory_space<semaphore_mem>>) src(%arg12 : memref<128x128xf32, #tpu.memory_space<vmem>>) dst(%dma_wait3A_233 : memref<128x128xf32, #tpu.memory_space<hbm>>)
        } else {
        }
        %dma_start3A_223 = arith.constant 0 : i32
        %dma_start3A_224 = tpu.memref_slice %arg8[%dma_start3A_223] : memref<384xi32, #tpu.memory_space<vmem>> -> memref<128xi32, #tpu.memory_space<vmem>>
        %dma_start3A_225 = arith.constant 0 : i32
        %dma_start3A_226 = arith.constant 0 : i32
        %dma_start3A_227 = tpu.memref_slice %arg3[%dma_start3A_225, %dma_start3A_226] : memref<100000x128xf32, #tpu.memory_space<hbm>> -> memref<100000x128xf32, #tpu.memory_space<hbm>>
        tpu.enqueue_indirect_dma source(%dma_start3A_227 : memref<100000x128xf32, #tpu.memory_space<hbm>>) target(%arg12 : memref<128x128xf32, #tpu.memory_space<vmem>>) offsets(%dma_start3A_224 : memref<128xi32, #tpu.memory_space<vmem>>) semaphore(%arg22 : memref<!tpu.dma_semaphore, #tpu.memory_space<semaphore_mem>>)
      } else {
      }
      %lt3A_210 = arith.constant 200 : i32
      %lt3A_211 = arith.cmpi slt, %add3A_195, %lt3A_210 : i32
      %convert_element_type3A_212 = arith.extui %lt3A_211 : i1 to i32
      %cond3A_213 = arith.constant 0 : i32
      %cond3A_214 = arith.cmpi ne, %convert_element_type3A_212, %cond3A_213 : i32
      scf.if %cond3A_214 {
        %dma_wait3A_215 = arith.constant 0 : i32
        %dma_wait3A_216 = tpu.memref_slice %arg10[%dma_wait3A_215] : memref<384xi32, #tpu.memory_space<vmem>> -> memref<128xi32, #tpu.memory_space<vmem>>
        %dma_wait3A_217 = arith.constant 0 : i32
        %dma_wait3A_218 = arith.constant 0 : i32
        %dma_wait3A_219 = tpu.memref_slice %arg3[%dma_wait3A_217, %dma_wait3A_218] : memref<100000x128xf32, #tpu.memory_space<hbm>> -> memref<100000x128xf32, #tpu.memory_space<hbm>>
        tpu.wait_indirect_dma semaphore(%arg24 : memref<!tpu.dma_semaphore, #tpu.memory_space<semaphore_mem>>) src(%dma_wait3A_219 : memref<100000x128xf32, #tpu.memory_space<hbm>>) dst(%arg14 : memref<128x128xf32, #tpu.memory_space<vmem>>)
        %parallel_loop3A = arith.constant 0 : i32
        %parallel_loop3A_220 = arith.constant 128 : i32
        %parallel_loop3A_221 = arith.constant 1 : i32
        scf.for %parallel_loop3A_229 = %parallel_loop3A to %parallel_loop3A_220 step %parallel_loop3A_221  : i32 {
          %parallel_loop3A_230 = arith.constant 128 : i32
          %parallel_loop3A_231 = arith.addi %parallel_loop3A_230, %parallel_loop3A_229 : i32
          %parallel_loop3A_232 = arith.index_cast %parallel_loop3A_231 : i32 to index
          %parallel_loop3A_233 = tpu.vector_load %arg10[%parallel_loop3A_232] {strides = array<i32>} : memref<384xi32, #tpu.memory_space<vmem>>, vector<16xi32>,
          %parallel_loop3A_234 = vector.extract_strided_slice %parallel_loop3A_233 {offsets = [0], sizes = [1], strides = [1]} : vector<16xi32> to vector<1xi32>
          %parallel_loop3A_235 = vector.extract %parallel_loop3A_234[0] : i32 from vector<1xi32>
          %parallel_loop3A_236 = arith.index_cast %parallel_loop3A_229 : i32 to index
          %parallel_loop3A_237 = arith.constant 0 : index
          %parallel_loop3A_238 = tpu.vector_load %arg14[%parallel_loop3A_236, %parallel_loop3A_237] {strides = array<i32>} : memref<128x128xf32, #tpu.memory_space<vmem>>, vector<16xf32>,
          %parallel_loop3A_239 = arith.index_cast %parallel_loop3A_235 : i32 to index
          %parallel_loop3A_240 = arith.constant 0 : index
          %parallel_loop3A_241 = tpu.vector_load %arg15[%parallel_loop3A_239, %parallel_loop3A_240] {strides = array<i32>} : memref<400x128xf32, #tpu.memory_space<vmem>>, vector<16xf32>,
          %parallel_loop3A_242 = arith.addf %parallel_loop3A_238, %parallel_loop3A_241 : vector<16xf32>
          %parallel_loop3A_243 = arith.index_cast %parallel_loop3A_229 : i32 to index
          %parallel_loop3A_244 = arith.constant 16 : index
          %parallel_loop3A_245 = tpu.vector_load %arg14[%parallel_loop3A_243, %parallel_loop3A_244] {strides = array<i32>} : memref<128x128xf32, #tpu.memory_space<vmem>>, vector<16xf32>,
          %parallel_loop3A_246 = arith.index_cast %parallel_loop3A_235 : i32 to index
          %parallel_loop3A_247 = arith.constant 16 : index
          %parallel_loop3A_248 = tpu.vector_load %arg15[%parallel_loop3A_246, %parallel_loop3A_247] {strides = array<i32>} : memref<400x128xf32, #tpu.memory_space<vmem>>, vector<16xf32>,
          %parallel_loop3A_249 = arith.addf %parallel_loop3A_245, %parallel_loop3A_248 : vector<16xf32>
          %parallel_loop3A_250 = arith.index_cast %parallel_loop3A_229 : i32 to index
          %parallel_loop3A_251 = arith.constant 32 : index
          %parallel_loop3A_252 = tpu.vector_load %arg14[%parallel_loop3A_250, %parallel_loop3A_251] {strides = array<i32>} : memref<128x128xf32, #tpu.memory_space<vmem>>, vector<16xf32>,
          %parallel_loop3A_253 = arith.index_cast %parallel_loop3A_235 : i32 to index
          %parallel_loop3A_254 = arith.constant 32 : index
          %parallel_loop3A_255 = tpu.vector_load %arg15[%parallel_loop3A_253, %parallel_loop3A_254] {strides = array<i32>} : memref<400x128xf32, #tpu.memory_space<vmem>>, vector<16xf32>,
          %parallel_loop3A_256 = arith.addf %parallel_loop3A_252, %parallel_loop3A_255 : vector<16xf32>
          %parallel_loop3A_257 = arith.index_cast %parallel_loop3A_229 : i32 to index
          %parallel_loop3A_258 = arith.constant 48 : index
          %parallel_loop3A_259 = tpu.vector_load %arg14[%parallel_loop3A_257, %parallel_loop3A_258] {strides = array<i32>} : memref<128x128xf32, #tpu.memory_space<vmem>>, vector<16xf32>,
          %parallel_loop3A_260 = arith.index_cast %parallel_loop3A_235 : i32 to index
          %parallel_loop3A_261 = arith.constant 48 : index
          %parallel_loop3A_262 = tpu.vector_load %arg15[%parallel_loop3A_260, %parallel_loop3A_261] {strides = array<i32>} : memref<400x128xf32, #tpu.memory_space<vmem>>, vector<16xf32>,
          %parallel_loop3A_263 = arith.addf %parallel_loop3A_259, %parallel_loop3A_262 : vector<16xf32>
          %parallel_loop3A_264 = arith.index_cast %parallel_loop3A_229 : i32 to index
          %parallel_loop3A_265 = arith.constant 64 : index
          %parallel_loop3A_266 = tpu.vector_load %arg14[%parallel_loop3A_264, %parallel_loop3A_265] {strides = array<i32>} : memref<128x128xf32, #tpu.memory_space<vmem>>, vector<16xf32>,
          %parallel_loop3A_267 = arith.index_cast %parallel_loop3A_235 : i32 to index
          %parallel_loop3A_268 = arith.constant 64 : index
          %parallel_loop3A_269 = tpu.vector_load %arg15[%parallel_loop3A_267, %parallel_loop3A_268] {strides = array<i32>} : memref<400x128xf32, #tpu.memory_space<vmem>>, vector<16xf32>,
          %parallel_loop3A_270 = arith.addf %parallel_loop3A_266, %parallel_loop3A_269 : vector<16xf32>
          %parallel_loop3A_271 = arith.index_cast %parallel_loop3A_229 : i32 to index
          %parallel_loop3A_272 = arith.constant 80 : index
          %parallel_loop3A_273 = tpu.vector_load %arg14[%parallel_loop3A_271, %parallel_loop3A_272] {strides = array<i32>} : memref<128x128xf32, #tpu.memory_space<vmem>>, vector<16xf32>,
          %parallel_loop3A_274 = arith.index_cast %parallel_loop3A_235 : i32 to index
          %parallel_loop3A_275 = arith.constant 80 : index
          %parallel_loop3A_276 = tpu.vector_load %arg15[%parallel_loop3A_274, %parallel_loop3A_275] {strides = array<i32>} : memref<400x128xf32, #tpu.memory_space<vmem>>, vector<16xf32>,
          %parallel_loop3A_277 = arith.addf %parallel_loop3A_273, %parallel_loop3A_276 : vector<16xf32>
          %parallel_loop3A_278 = arith.index_cast %parallel_loop3A_229 : i32 to index
          %parallel_loop3A_279 = arith.constant 96 : index
          %parallel_loop3A_280 = tpu.vector_load %arg14[%parallel_loop3A_278, %parallel_loop3A_279] {strides = array<i32>} : memref<128x128xf32, #tpu.memory_space<vmem>>, vector<16xf32>,
          %parallel_loop3A_281 = arith.index_cast %parallel_loop3A_235 : i32 to index
          %parallel_loop3A_282 = arith.constant 96 : index
          %parallel_loop3A_283 = tpu.vector_load %arg15[%parallel_loop3A_281, %parallel_loop3A_282] {strides = array<i32>} : memref<400x128xf32, #tpu.memory_space<vmem>>, vector<16xf32>,
          %parallel_loop3A_284 = arith.addf %parallel_loop3A_280, %parallel_loop3A_283 : vector<16xf32>
          %parallel_loop3A_285 = arith.index_cast %parallel_loop3A_229 : i32 to index
          %parallel_loop3A_286 = arith.constant 112 : index
          %parallel_loop3A_287 = tpu.vector_load %arg14[%parallel_loop3A_285, %parallel_loop3A_286] {strides = array<i32>} : memref<128x128xf32, #tpu.memory_space<vmem>>, vector<16xf32>,
          %parallel_loop3A_288 = arith.index_cast %parallel_loop3A_235 : i32 to index
          %parallel_loop3A_289 = arith.constant 112 : index
          %parallel_loop3A_290 = tpu.vector_load %arg15[%parallel_loop3A_288, %parallel_loop3A_289] {strides = array<i32>} : memref<400x128xf32, #tpu.memory_space<vmem>>, vector<16xf32>,
          %parallel_loop3A_291 = arith.addf %parallel_loop3A_287, %parallel_loop3A_290 : vector<16xf32>
          %parallel_loop3A_292 = arith.addf %parallel_loop3A_242, %parallel_loop3A_249 : vector<16xf32>
          %parallel_loop3A_293 = arith.addf %parallel_loop3A_256, %parallel_loop3A_263 : vector<16xf32>
          %parallel_loop3A_294 = arith.addf %parallel_loop3A_292, %parallel_loop3A_293 : vector<16xf32>
          %parallel_loop3A_295 = arith.addf %parallel_loop3A_270, %parallel_loop3A_277 : vector<16xf32>
          %parallel_loop3A_296 = arith.addf %parallel_loop3A_284, %parallel_loop3A_291 : vector<16xf32>
          %parallel_loop3A_297 = arith.addf %parallel_loop3A_295, %parallel_loop3A_296 : vector<16xf32>
          %parallel_loop3A_298 = arith.addf %parallel_loop3A_294, %parallel_loop3A_297 : vector<16xf32>
          %parallel_loop3A_299 = arith.constant true
          %parallel_loop3A_300 = vector.broadcast %parallel_loop3A_299 : i1 to vector<16xi1>
          %parallel_loop3A_301 = tpu.scan <sum>, %parallel_loop3A_298 masked %parallel_loop3A_300 : vector<16xf32>, vector<16xi1> -> vector<16xf32>
          %parallel_loop3A_302 = vector.extract %parallel_loop3A_301[15] : f32 from vector<16xf32>
          %parallel_loop3A_303 = arith.mulf %parallel_loop3A_242, %parallel_loop3A_242 : vector<16xf32>
          %parallel_loop3A_304 = arith.mulf %parallel_loop3A_249, %parallel_loop3A_249 : vector<16xf32>
          %parallel_loop3A_305 = arith.addf %parallel_loop3A_303, %parallel_loop3A_304 : vector<16xf32>
          %parallel_loop3A_306 = arith.mulf %parallel_loop3A_256, %parallel_loop3A_256 : vector<16xf32>
          %parallel_loop3A_307 = arith.mulf %parallel_loop3A_263, %parallel_loop3A_263 : vector<16xf32>
          %parallel_loop3A_308 = arith.addf %parallel_loop3A_306, %parallel_loop3A_307 : vector<16xf32>
          %parallel_loop3A_309 = arith.addf %parallel_loop3A_305, %parallel_loop3A_308 : vector<16xf32>
          %parallel_loop3A_310 = arith.mulf %parallel_loop3A_270, %parallel_loop3A_270 : vector<16xf32>
          %parallel_loop3A_311 = arith.mulf %parallel_loop3A_277, %parallel_loop3A_277 : vector<16xf32>
          %parallel_loop3A_312 = arith.addf %parallel_loop3A_310, %parallel_loop3A_311 : vector<16xf32>
          %parallel_loop3A_313 = arith.mulf %parallel_loop3A_284, %parallel_loop3A_284 : vector<16xf32>
          %parallel_loop3A_314 = arith.mulf %parallel_loop3A_291, %parallel_loop3A_291 : vector<16xf32>
          %parallel_loop3A_315 = arith.addf %parallel_loop3A_313, %parallel_loop3A_314 : vector<16xf32>
          %parallel_loop3A_316 = arith.addf %parallel_loop3A_312, %parallel_loop3A_315 : vector<16xf32>
          %parallel_loop3A_317 = arith.addf %parallel_loop3A_309, %parallel_loop3A_316 : vector<16xf32>
          %parallel_loop3A_318 = arith.constant true
          %parallel_loop3A_319 = vector.broadcast %parallel_loop3A_318 : i1 to vector<16xi1>
          %parallel_loop3A_320 = tpu.scan <sum>, %parallel_loop3A_317 masked %parallel_loop3A_319 : vector<16xf32>, vector<16xi1> -> vector<16xf32>
          %parallel_loop3A_321 = vector.extract %parallel_loop3A_320[15] : f32 from vector<16xf32>
          %parallel_loop3A_322 = arith.constant 7.812500e-03 : f32
          %parallel_loop3A_323 = arith.mulf %parallel_loop3A_302, %parallel_loop3A_322 : f32
          %parallel_loop3A_324 = arith.constant 7.812500e-03 : f32
          %parallel_loop3A_325 = arith.mulf %parallel_loop3A_321, %parallel_loop3A_324 : f32
          %parallel_loop3A_326 = arith.mulf %parallel_loop3A_323, %parallel_loop3A_323 : f32
          %parallel_loop3A_327 = arith.subf %parallel_loop3A_325, %parallel_loop3A_326 : f32
          %parallel_loop3A_328 = arith.constant 0.000000e+00 : f32
          %parallel_loop3A_329 = arith.maximumf %parallel_loop3A_327, %parallel_loop3A_328 : f32
          %parallel_loop3A_330 = arith.constant 9.99999996E-13 : f32
          %parallel_loop3A_331 = arith.addf %parallel_loop3A_329, %parallel_loop3A_330 : f32
          %parallel_loop3A_332 = vector.broadcast %parallel_loop3A_331 : f32 to vector<16xf32>
          %parallel_loop3A_333 = vector.bitcast %parallel_loop3A_332 : vector<16xf32> to vector<16xi32>
          %parallel_loop3A_334 = arith.constant 1 : i32
          %parallel_loop3A_335 = vector.broadcast %parallel_loop3A_334 : i32 to vector<16xi32>
          %parallel_loop3A_336 = arith.shrsi %parallel_loop3A_333, %parallel_loop3A_335 : vector<16xi32>
          %parallel_loop3A_337 = arith.constant 1597463007 : i32
          %parallel_loop3A_338 = vector.broadcast %parallel_loop3A_337 : i32 to vector<16xi32>
          %parallel_loop3A_339 = arith.subi %parallel_loop3A_338, %parallel_loop3A_336 : vector<16xi32>
          %parallel_loop3A_340 = vector.bitcast %parallel_loop3A_339 : vector<16xi32> to vector<16xf32>
          %parallel_loop3A_341 = arith.constant -5.000000e-01 : f32
          %parallel_loop3A_342 = vector.broadcast %parallel_loop3A_341 : f32 to vector<16xf32>
          %parallel_loop3A_343 = arith.mulf %parallel_loop3A_342, %parallel_loop3A_332 : vector<16xf32>
          %parallel_loop3A_344 = arith.mulf %parallel_loop3A_343, %parallel_loop3A_340 : vector<16xf32>
          %parallel_loop3A_345 = arith.mulf %parallel_loop3A_344, %parallel_loop3A_340 : vector<16xf32>
          %parallel_loop3A_346 = arith.constant 1.500000e+00 : f32
          %parallel_loop3A_347 = vector.broadcast %parallel_loop3A_346 : f32 to vector<16xf32>
          %parallel_loop3A_348 = arith.addf %parallel_loop3A_347, %parallel_loop3A_345 : vector<16xf32>
          %parallel_loop3A_349 = arith.mulf %parallel_loop3A_340, %parallel_loop3A_348 : vector<16xf32>
          %parallel_loop3A_350 = arith.mulf %parallel_loop3A_343, %parallel_loop3A_349 : vector<16xf32>
          %parallel_loop3A_351 = arith.mulf %parallel_loop3A_350, %parallel_loop3A_349 : vector<16xf32>
          %parallel_loop3A_352 = arith.constant 1.500000e+00 : f32
          %parallel_loop3A_353 = vector.broadcast %parallel_loop3A_352 : f32 to vector<16xf32>
          %parallel_loop3A_354 = arith.addf %parallel_loop3A_353, %parallel_loop3A_351 : vector<16xf32>
          %parallel_loop3A_355 = arith.mulf %parallel_loop3A_349, %parallel_loop3A_354 : vector<16xf32>
          %parallel_loop3A_356 = arith.mulf %get3A_5, %parallel_loop3A_355 : vector<16xf32>
          %parallel_loop3A_357 = vector.broadcast %parallel_loop3A_323 : f32 to vector<16xf32>
          %parallel_loop3A_358 = arith.subf %parallel_loop3A_242, %parallel_loop3A_357 : vector<16xf32>
          %parallel_loop3A_359 = arith.mulf %parallel_loop3A_358, %parallel_loop3A_356 : vector<16xf32>
          %parallel_loop3A_360 = arith.addf %parallel_loop3A_359, %get3A_37 : vector<16xf32>
          %parallel_loop3A_361 = arith.index_cast %parallel_loop3A_229 : i32 to index
          %parallel_loop3A_362 = arith.constant 0 : index
          %parallel_loop3A_363 = tpu.vector_load %arg14[%parallel_loop3A_361, %parallel_loop3A_362] {strides = array<i32>} : memref<128x128xf32, #tpu.memory_space<vmem>>, vector<16xf32>,
          tpu.vector_store %arg14[%parallel_loop3A_361, %parallel_loop3A_362], %parallel_loop3A_360 {strides = array<i32>} : memref<128x128xf32, #tpu.memory_space<vmem>>, vector<16xf32>,
          %parallel_loop3A_364 = arith.mulf %get3A_9, %parallel_loop3A_355 : vector<16xf32>
          %parallel_loop3A_365 = vector.broadcast %parallel_loop3A_323 : f32 to vector<16xf32>
          %parallel_loop3A_366 = arith.subf %parallel_loop3A_249, %parallel_loop3A_365 : vector<16xf32>
          %parallel_loop3A_367 = arith.mulf %parallel_loop3A_366, %parallel_loop3A_364 : vector<16xf32>
          %parallel_loop3A_368 = arith.addf %parallel_loop3A_367, %get3A_41 : vector<16xf32>
          %parallel_loop3A_369 = arith.index_cast %parallel_loop3A_229 : i32 to index
          %parallel_loop3A_370 = arith.constant 16 : index
          %parallel_loop3A_371 = tpu.vector_load %arg14[%parallel_loop3A_369, %parallel_loop3A_370] {strides = array<i32>} : memref<128x128xf32, #tpu.memory_space<vmem>>, vector<16xf32>,
          tpu.vector_store %arg14[%parallel_loop3A_369, %parallel_loop3A_370], %parallel_loop3A_368 {strides = array<i32>} : memref<128x128xf32, #tpu.memory_space<vmem>>, vector<16xf32>,
          %parallel_loop3A_372 = arith.mulf %get3A_13, %parallel_loop3A_355 : vector<16xf32>
          %parallel_loop3A_373 = vector.broadcast %parallel_loop3A_323 : f32 to vector<16xf32>
          %parallel_loop3A_374 = arith.subf %parallel_loop3A_256, %parallel_loop3A_373 : vector<16xf32>
          %parallel_loop3A_375 = arith.mulf %parallel_loop3A_374, %parallel_loop3A_372 : vector<16xf32>
          %parallel_loop3A_376 = arith.addf %parallel_loop3A_375, %get3A_45 : vector<16xf32>
          %parallel_loop3A_377 = arith.index_cast %parallel_loop3A_229 : i32 to index
          %parallel_loop3A_378 = arith.constant 32 : index
          %parallel_loop3A_379 = tpu.vector_load %arg14[%parallel_loop3A_377, %parallel_loop3A_378] {strides = array<i32>} : memref<128x128xf32, #tpu.memory_space<vmem>>, vector<16xf32>,
          tpu.vector_store %arg14[%parallel_loop3A_377, %parallel_loop3A_378], %parallel_loop3A_376 {strides = array<i32>} : memref<128x128xf32, #tpu.memory_space<vmem>>, vector<16xf32>,
          %parallel_loop3A_380 = arith.mulf %get3A_17, %parallel_loop3A_355 : vector<16xf32>
          %parallel_loop3A_381 = vector.broadcast %parallel_loop3A_323 : f32 to vector<16xf32>
          %parallel_loop3A_382 = arith.subf %parallel_loop3A_263, %parallel_loop3A_381 : vector<16xf32>
          %parallel_loop3A_383 = arith.mulf %parallel_loop3A_382, %parallel_loop3A_380 : vector<16xf32>
          %parallel_loop3A_384 = arith.addf %parallel_loop3A_383, %get3A_49 : vector<16xf32>
          %parallel_loop3A_385 = arith.index_cast %parallel_loop3A_229 : i32 to index
          %parallel_loop3A_386 = arith.constant 48 : index
          %parallel_loop3A_387 = tpu.vector_load %arg14[%parallel_loop3A_385, %parallel_loop3A_386] {strides = array<i32>} : memref<128x128xf32, #tpu.memory_space<vmem>>, vector<16xf32>,
          tpu.vector_store %arg14[%parallel_loop3A_385, %parallel_loop3A_386], %parallel_loop3A_384 {strides = array<i32>} : memref<128x128xf32, #tpu.memory_space<vmem>>, vector<16xf32>,
          %parallel_loop3A_388 = arith.mulf %get3A_21, %parallel_loop3A_355 : vector<16xf32>
          %parallel_loop3A_389 = vector.broadcast %parallel_loop3A_323 : f32 to vector<16xf32>
          %parallel_loop3A_390 = arith.subf %parallel_loop3A_270, %parallel_loop3A_389 : vector<16xf32>
          %parallel_loop3A_391 = arith.mulf %parallel_loop3A_390, %parallel_loop3A_388 : vector<16xf32>
          %parallel_loop3A_392 = arith.addf %parallel_loop3A_391, %get3A_53 : vector<16xf32>
          %parallel_loop3A_393 = arith.index_cast %parallel_loop3A_229 : i32 to index
          %parallel_loop3A_394 = arith.constant 64 : index
          %parallel_loop3A_395 = tpu.vector_load %arg14[%parallel_loop3A_393, %parallel_loop3A_394] {strides = array<i32>} : memref<128x128xf32, #tpu.memory_space<vmem>>, vector<16xf32>,
          tpu.vector_store %arg14[%parallel_loop3A_393, %parallel_loop3A_394], %parallel_loop3A_392 {strides = array<i32>} : memref<128x128xf32, #tpu.memory_space<vmem>>, vector<16xf32>,
          %parallel_loop3A_396 = arith.mulf %get3A_25, %parallel_loop3A_355 : vector<16xf32>
          %parallel_loop3A_397 = vector.broadcast %parallel_loop3A_323 : f32 to vector<16xf32>
          %parallel_loop3A_398 = arith.subf %parallel_loop3A_277, %parallel_loop3A_397 : vector<16xf32>
          %parallel_loop3A_399 = arith.mulf %parallel_loop3A_398, %parallel_loop3A_396 : vector<16xf32>
          %parallel_loop3A_400 = arith.addf %parallel_loop3A_399, %get3A_57 : vector<16xf32>
          %parallel_loop3A_401 = arith.index_cast %parallel_loop3A_229 : i32 to index
          %parallel_loop3A_402 = arith.constant 80 : index
          %parallel_loop3A_403 = tpu.vector_load %arg14[%parallel_loop3A_401, %parallel_loop3A_402] {strides = array<i32>} : memref<128x128xf32, #tpu.memory_space<vmem>>, vector<16xf32>,
          tpu.vector_store %arg14[%parallel_loop3A_401, %parallel_loop3A_402], %parallel_loop3A_400 {strides = array<i32>} : memref<128x128xf32, #tpu.memory_space<vmem>>, vector<16xf32>,
          %parallel_loop3A_404 = arith.mulf %get3A_29, %parallel_loop3A_355 : vector<16xf32>
          %parallel_loop3A_405 = vector.broadcast %parallel_loop3A_323 : f32 to vector<16xf32>
          %parallel_loop3A_406 = arith.subf %parallel_loop3A_284, %parallel_loop3A_405 : vector<16xf32>
          %parallel_loop3A_407 = arith.mulf %parallel_loop3A_406, %parallel_loop3A_404 : vector<16xf32>
          %parallel_loop3A_408 = arith.addf %parallel_loop3A_407, %get3A_61 : vector<16xf32>
          %parallel_loop3A_409 = arith.index_cast %parallel_loop3A_229 : i32 to index
          %parallel_loop3A_410 = arith.constant 96 : index
          %parallel_loop3A_411 = tpu.vector_load %arg14[%parallel_loop3A_409, %parallel_loop3A_410] {strides = array<i32>} : memref<128x128xf32, #tpu.memory_space<vmem>>, vector<16xf32>,
          tpu.vector_store %arg14[%parallel_loop3A_409, %parallel_loop3A_410], %parallel_loop3A_408 {strides = array<i32>} : memref<128x128xf32, #tpu.memory_space<vmem>>, vector<16xf32>,
          %parallel_loop3A_412 = arith.mulf %get3A_33, %parallel_loop3A_355 : vector<16xf32>
          %parallel_loop3A_413 = vector.broadcast %parallel_loop3A_323 : f32 to vector<16xf32>
          %parallel_loop3A_414 = arith.subf %parallel_loop3A_291, %parallel_loop3A_413 : vector<16xf32>
          %parallel_loop3A_415 = arith.mulf %parallel_loop3A_414, %parallel_loop3A_412 : vector<16xf32>
          %parallel_loop3A_416 = arith.addf %parallel_loop3A_415, %get3A_65 : vector<16xf32>
          %parallel_loop3A_417 = arith.index_cast %parallel_loop3A_229 : i32 to index
          %parallel_loop3A_418 = arith.constant 112 : index
          %parallel_loop3A_419 = tpu.vector_load %arg14[%parallel_loop3A_417, %parallel_loop3A_418] {strides = array<i32>} : memref<128x128xf32, #tpu.memory_space<vmem>>, vector<16xf32>,
          tpu.vector_store %arg14[%parallel_loop3A_417, %parallel_loop3A_418], %parallel_loop3A_416 {strides = array<i32>} : memref<128x128xf32, #tpu.memory_space<vmem>>, vector<16xf32>,
        } {sc.loop_unroll_factor = 4 : i64, sc.parallel_access}
        %add3A_222 = arith.addi %mul3A_2, %add3A_195 : i32
        %mul3A_223 = arith.constant 128 : i32
        %mul3A_224 = arith.muli %add3A_222, %mul3A_223 : i32
        %dma_start3A_225 = arith.constant 0 : i32
        %dma_start3A_226 = tpu.memref_slice %arg6[%mul3A_224, %dma_start3A_225] : memref<819200x128xf32, #tpu.memory_space<hbm>> -> memref<128x128xf32, #tpu.memory_space<hbm>>
        %dma_start3A_227 = arith.constant 0 : i32
        %dma_start3A_228 = tpu.memref_slice %arg6[%mul3A_224, %dma_start3A_227] : memref<819200x128xf32, #tpu.memory_space<hbm>> -> memref<128x128xf32, #tpu.memory_space<hbm>>
        tpu.enqueue_dma source(%arg14 : memref<128x128xf32, #tpu.memory_space<vmem>>) target(%dma_start3A_228 : memref<128x128xf32, #tpu.memory_space<hbm>>) target_semaphore(%arg28 : memref<!tpu.dma_semaphore, #tpu.memory_space<semaphore_mem>>)
      } else {
      }
    }
    %scan3A_100 = arith.constant 50 : i32
    %dma_wait3A_101 = arith.constant 0 : i32
    %dma_wait3A_102 = arith.constant 0 : i32
    %dma_wait3A_103 = tpu.memref_slice %arg6[%dma_wait3A_101, %dma_wait3A_102] : memref<819200x128xf32, #tpu.memory_space<hbm>> -> memref<128x128xf32, #tpu.memory_space<hbm>>
    %dma_wait3A_104 = arith.constant 0 : i32
    %dma_wait3A_105 = arith.constant 0 : i32
    %dma_wait3A_106 = tpu.memref_slice %arg6[%dma_wait3A_104, %dma_wait3A_105] : memref<819200x128xf32, #tpu.memory_space<hbm>> -> memref<128x128xf32, #tpu.memory_space<hbm>>
    tpu.wait_dma2 semaphore(%arg25 : memref<!tpu.dma_semaphore, #tpu.memory_space<semaphore_mem>>) src(%arg11 : memref<128x128xf32, #tpu.memory_space<vmem>>) dst(%dma_wait3A_106 : memref<128x128xf32, #tpu.memory_space<hbm>>)
    %dma_wait3A_107 = arith.constant 0 : i32
    %dma_wait3A_108 = arith.constant 0 : i32
    %dma_wait3A_109 = tpu.memref_slice %arg6[%dma_wait3A_107, %dma_wait3A_108] : memref<819200x128xf32, #tpu.memory_space<hbm>> -> memref<128x128xf32, #tpu.memory_space<hbm>>
    %dma_wait3A_110 = arith.constant 0 : i32
    %dma_wait3A_111 = arith.constant 0 : i32
    %dma_wait3A_112 = tpu.memref_slice %arg6[%dma_wait3A_110, %dma_wait3A_111] : memref<819200x128xf32, #tpu.memory_space<hbm>> -> memref<128x128xf32, #tpu.memory_space<hbm>>
    tpu.wait_dma2 semaphore(%arg26 : memref<!tpu.dma_semaphore, #tpu.memory_space<semaphore_mem>>) src(%arg12 : memref<128x128xf32, #tpu.memory_space<vmem>>) dst(%dma_wait3A_112 : memref<128x128xf32, #tpu.memory_space<hbm>>)
    %dma_wait3A_113 = arith.constant 0 : i32
    %dma_wait3A_114 = arith.constant 0 : i32
    %dma_wait3A_115 = tpu.memref_slice %arg6[%dma_wait3A_113, %dma_wait3A_114] : memref<819200x128xf32, #tpu.memory_space<hbm>> -> memref<128x128xf32, #tpu.memory_space<hbm>>
    %dma_wait3A_116 = arith.constant 0 : i32
    %dma_wait3A_117 = arith.constant 0 : i32
    %dma_wait3A_118 = tpu.memref_slice %arg6[%dma_wait3A_116, %dma_wait3A_117] : memref<819200x128xf32, #tpu.memory_space<hbm>> -> memref<128x128xf32, #tpu.memory_space<hbm>>
    tpu.wait_dma2 semaphore(%arg27 : memref<!tpu.dma_semaphore, #tpu.memory_space<semaphore_mem>>) src(%arg13 : memref<128x128xf32, #tpu.memory_space<vmem>>) dst(%dma_wait3A_118 : memref<128x128xf32, #tpu.memory_space<hbm>>)
    %dma_wait3A_119 = arith.constant 0 : i32
    %dma_wait3A_120 = arith.constant 0 : i32
    %dma_wait3A_121 = tpu.memref_slice %arg6[%dma_wait3A_119, %dma_wait3A_120] : memref<819200x128xf32, #tpu.memory_space<hbm>> -> memref<128x128xf32, #tpu.memory_space<hbm>>
    %dma_wait3A_122 = arith.constant 0 : i32
    %dma_wait3A_123 = arith.constant 0 : i32
    %dma_wait3A_124 = tpu.memref_slice %arg6[%dma_wait3A_122, %dma_wait3A_123] : memref<819200x128xf32, #tpu.memory_space<hbm>> -> memref<128x128xf32, #tpu.memory_space<hbm>>
    tpu.wait_dma2 semaphore(%arg28 : memref<!tpu.dma_semaphore, #tpu.memory_space<semaphore_mem>>) src(%arg14 : memref<128x128xf32, #tpu.memory_space<vmem>>) dst(%dma_wait3A_124 : memref<128x128xf32, #tpu.memory_space<hbm>>)
    return
  }
}

</mosaic_0001>

<sc_bundles>
// kernel: kernel.3.cloned.1.call-start
scs
__scs_entry_jumppad:
0x0: {  	(pc) =	sbr.rel $0x88, $3  }
0x1: {  	(tag) =	ssettag $0x0;
	lr =	simm.s32 $0x1  }
0x2: {  	[smem:$0x3F9A] =	sst lr;
	_ =	strace $0xD0000000  }
0x3: {  	_ = 	snop  }
0x4: {  	_ = 	snop  }
0x5: {  	_ = 	snop  }
0x6: {  	_ = 	snop  }
0x7: {  	_ = 	snop  }
__scs_overlays_trampoline_lowered:
0x8: {  	[smem:$0x3FA9] =	sst s0  }
0x9: {  	[smem:$0x3FAA] =	sst s1  }
0xa: {  	[smem:$0x3FAB] =	sst s2  }
0xb: {  	[smem:$0x3FAC] =	sst s3  }
0xc: {  	[smem:$0x3FAD] =	sst s4  }
0xd: {  	[smem:$0x3FAE] =	sst s5  }
0xe: {  	[smem:$0x3FAF] =	sst s6  }
0xf: {  	[smem:$0x3FB0] =	sst s7  }
0x10: {  	[smem:$0x3FB1] =	sst s8  }
0x11: {  	[smem:$0x3FB2] =	sst s9;
	s0 =	simm.s32 @!p0 $0x0  }
0x12: {  	s1 =	sld [smem:$0x3F98];
	s0 =	simm.s32 @p0 $0x1  }
0x13: {  	[smem:$0x3FB3] =	sst s0;
	s0 =	simm.s32 @!p1 $0x0  }
0x14: {  	s2 =	sld [smem:$0x3F97];
	s0 =	simm.s32 @p1 $0x1  }
0x15: {  	[smem:$0x3FB4] =	sst s0;
	s0 =	simm.s32 @!p2 $0x0  }
0x16: {  	s3 =	sld [smem:$0x3FDB];
	s0 =	simm.s32 @p2 $0x1  }
0x17: {  	s4 =	simm.s32 $0x1BF5;
	[smem:$0x3FB6] =	sst s0  }
0x18: {  	s0 =	sld [smem:$0x3F99];
	_ =	swait.ge [sflag:s4], $0x0  }
0x19: {  	s7 =	sld [smem:$0x3F9A]  }
0x1a: {  	s8 =	sadd.s32 $0xFFFFE003, lr  }
0x1b: {  	s9 =	sadd.s32 $0xFFFFFEF7, lr;
	s5 =	simm.s32 $0xFFFFFFFF;
	p2 =	slt.u32 s8, $0xFFFFF086  }
0x1c: {  	p1 =	slt.u32 s9, $0xF7A;
	s5 =	simm.s32 @!p2 $0x0  }
0x1d: {  	s5 =	simm.s32 @p1 $0x1;
	p0 =	seq.s32 s7, s2  }
0x1e: {  	s7 =	smul.u32 @!p0 $0xF7A, s2;
	p2 =	seq.s32 @!p0 s5, $0x0  }
0x1f: {  	s9 =	smul.u32 $0xF7A, s1;
	s8 =	simm.s32 @!p0 $0x1BF5;
	p2 =	por !p2, p0  }
0x20: {  	[sflag:s8] =	ssyncset.s32 @!p0 $0xFFFFF086;
	s6 =	sadd.s32 @!p0 s3, s7;
	s7 =	simm.s32 @!p0 $0x108  }
0x21: {  	s3 =	sadd.s32 s3, s9;
	s6 =	sadd.s32 @!p0 $0x88, s6;
	s7 =	simm.s32 @p2 $0x1082  }
0x22: {  	[simem:s7], [sflag:s8] =	dma.local @!p0 [hbm:s6], $0xF7A  }
0x23: {  	s9 =	sor.u32 $0xD0000000, s2;
	s6 =	simm.s32 $0x108;
	_ =	swait.ge @!p0 [sflag:s8], $0x0  }
0x24: {  	s3 =	sadd.s32 $0x88, s3;
	s6 =	simm.s32 @!p1 $0x1082;
	[sflag:s4] =	ssyncset.s32 $0xFFFFF086  }
0x25: {  	[simem:s6], [sflag:s4] =	dma.local [hbm:s3], $0xF7A  }
0x26: {  	[smem:$0x3F9A] =	sst s1;
	(tag) =	ssettag s2;
	_ =	strace s9  }
0x27: {  	s1 =	sld [smem:$0x3FAA]  }
0x28: {  	s2 =	sld [smem:$0x3FAB]  }
0x29: {  	s4 =	sld [smem:$0x3FAD]  }
0x2a: {  	p0 =	seq.s32 s5, $0x0;
	s5 =	sld [smem:$0x3FAE]  }
0x2b: {  	s6 =	sld [smem:$0x3FAF]  }
0x2c: {  	s7 =	sld [smem:$0x3FB0]  }
0x2d: {  	s3 =	simm.s32 $0x108;
	s8 =	sld [smem:$0x3FB1]  }
0x2e: {  	s3 =	simm.s32 @!p0 $0x1082;
	s9 =	sld [smem:$0x3FB2]  }
0x2f: {  	lr =	sadd.s32 s0, s3;
	s0 =	sld [smem:$0x3FA9]  }
0x30: {  	s3 =	sld [smem:$0x3FAC]  }
0x31: {  	[smem:$0x3FB5] =	sst s10  }
0x32: {  	s10 =	sld [smem:$0x3FB3];
	_ =	sdelay $0x3  }
0x33: {  	p0 =	seq.s32 s10, $0x1;
	s10 =	sld [smem:$0x3FB5];
	_ =	sdelay $0x3  }
0x34: {  	[smem:$0x3FB5] =	sst s10  }
0x35: {  	s10 =	sld [smem:$0x3FB4];
	_ =	sdelay $0x3  }
0x36: {  	p1 =	seq.s32 s10, $0x1;
	s10 =	sld [smem:$0x3FB5];
	_ =	sdelay $0x3  }
0x37: {  	[smem:$0x3FB5] =	sst s10  }
0x38: {  	s10 =	sld [smem:$0x3FB6]  }
0x39: {  	_ = 	snop;
	(pc) =	sbr.ind lr, $3  }
0x3a: {  	_ = 	snop  }
0x3b: {  	_ = 	snop  }
0x3c: {  	p2 =	seq.s32 s10, $0x1;
	s10 =	sld [smem:$0x3FB5]  }
0x3d: {  	_ =	shalt  }
0x3e: {  	_ =	shalt  }
0x3f: {  	_ =	shalt  }
0x40: {  	_ =	shalt  }
0x41: {  	_ =	shalt  }
0x42: {  	_ =	shalt  }
0x43: {  	_ =	shalt  }
0x44: {  	_ =	shalt  }
0x45: {  	_ =	shalt  }
0x46: {  	_ =	shalt  }
0x47: {  	_ =	shalt  }
0x48: {  	_ =	shalt  }
0x49: {  	_ =	shalt  }
0x4a: {  	_ =	shalt  }
0x4b: {  	_ =	shalt  }
0x4c: {  	_ =	shalt  }
0x4d: {  	_ =	shalt  }
0x4e: {  	_ =	shalt  }
0x4f: {  	_ =	shalt  }
0x50: {  	_ =	shalt  }
0x51: {  	_ =	shalt  }
0x52: {  	_ =	shalt  }
0x53: {  	_ =	shalt  }
0x54: {  	_ =	shalt  }
0x55: {  	_ =	shalt  }
0x56: {  	_ =	shalt  }
0x57: {  	_ =	shalt  }
0x58: {  	_ =	shalt  }
0x59: {  	_ =	shalt  }
0x5a: {  	_ =	shalt  }
0x5b: {  	_ =	shalt  }
0x5c: {  	_ =	shalt  }
0x5d: {  	_ =	shalt  }
0x5e: {  	_ =	shalt  }
0x5f: {  	_ =	shalt  }
0x60: {  	_ =	shalt  }
0x61: {  	_ =	shalt  }
0x62: {  	_ =	shalt  }
0x63: {  	_ =	shalt  }
0x64: {  	_ =	shalt  }
0x65: {  	_ =	shalt  }
0x66: {  	_ =	shalt  }
0x67: {  	_ =	shalt  }
0x68: {  	_ =	shalt  }
0x69: {  	_ =	shalt  }
0x6a: {  	_ =	shalt  }
0x6b: {  	_ =	shalt  }
0x6c: {  	_ =	shalt  }
0x6d: {  	_ =	shalt  }
0x6e: {  	_ =	shalt  }
0x6f: {  	_ =	shalt  }
0x70: {  	_ =	shalt  }
0x71: {  	_ =	shalt  }
0x72: {  	_ =	shalt  }
0x73: {  	_ =	shalt  }
0x74: {  	_ =	shalt  }
0x75: {  	_ =	shalt  }
0x76: {  	_ =	shalt  }
0x77: {  	_ =	shalt  }
0x78: {  	_ =	shalt  }
0x79: {  	_ =	shalt  }
0x7a: {  	_ =	shalt  }
0x7b: {  	_ =	shalt  }
0x7c: {  	_ =	shalt  }
0x7d: {  	_ =	shalt  }
0x7e: {  	_ =	shalt  }
0x7f: {  	_ =	shalt  }
0x80: {  	_ =	shalt  }
0x81: {  	_ =	shalt  }
0x82: {  	_ =	shalt  }
0x83: {  	_ =	shalt  }
0x84: {  	_ =	shalt  }
0x85: {  	_ =	shalt  }
0x86: {  	_ =	shalt  }
0x87: {  	_ =	shalt  }
.Lfunc_end0:
.L_simem_size_0:
called_computation_lowered:
.L_overlay_start_0:
0x88: {  	s2 =	sld [smem:$0x3FD9]  }
0x89: {  	s3 =	sld [smem:$0x3FFE];
	_ =	sdelay $0x1  }
0x8a: {  	s1 =	srdreg.scid  }
0x8b: {  	s0 =	sand.u32 $0x1, s1  }
0x8c: {  	s17 =	sshll.u32 s0, $0xA;
	s2 =	sadd.s32 s3, s2  }
0x8d: {  	s2 =	sadd.s32 s2, s17  }
0x8e: {  	[smem:$0x3FC1] =	sst s2  }
0x8f: {  	_ = 	snop  }
0x90: {  	s2 =	sld [smem:$0x3FC7]  }
0x91: {  	s18 =	sld [smem:$0x3FD0];
	(tm) =	ssettm $0x1  }
0x92: {  	s4 =	sld [smem:$0x3FFB];
	_ =	sdelay $0x3  }
0x93: {  	_ =	strace s4  }
0x94: {  	s4 =	sld [smem:$0x3FFC];
	_ =	sdelay $0x3  }
0x95: {  	_ =	strace s4  }
0x96: {  	s4 =	sld [smem:$0x3FFD];
	_ =	sdelay $0x3  }
0x97: {  	_ =	strace s4  }
0x98: {  	_ =	strace $0x8FFFFFFF  }
0x99: {  	s19 =	sld [smem:$0x3FDB];
	_ =	sdelay $0x1  }
0x9a: {  	s5 =	simm.s32 $_scs_section_size  }
0x9b: {  	s6 =	simm.s32 $_size__tile_overlayer_lowered;
	s7 =	simm.s32 $_tile_overlayer_lowered  }
0x9c: {  	s22 =	simm.s32 $0x1BFF;
	s21 =	sshll.u32 s7, $0x1;
	s4 =	sadd.s32 s5, s19  }
0x9d: {  	s8 =	simm.s32 $0x0;
	s20 =	sshll.u32 s6, $0x1;
	s6 =	sadd.s32 s21, s4  }
0x9e: {  	[timem:s8], [sflag:s22] =	dma.local [hbm:s6], s20  }
0x9f: {  	_ =	swait.ge [sflag:s22], s20  }
0xa0: {  	s5 =	ssub.s32 $0x0, s20;
	[sflag:s22] =	ssyncset.done $0x0  }
0xa1: {  	[sflag:s22] =	ssyncadd.s32 s5;
	_ =	sdelay $0x1  }
0xa2: {  	s23 =	simm.s32 $0x1B8B  }
0xa3: {  	_ =	swait.ge [sflag:s23], $0x1  }
0xa4: {  	[sflag:s23] =	ssyncset.done $0x0  }
0xa5: {  	s25 =	simm.s32 $0x1B8E;
	s24 =	sld [smem:$0x3FFE];
	[sflag:s23] =	ssyncadd.s32 $0xFFFFFFFF  }
0xa6: {  	s26 =	simm.s32 $execute0_lowered;
	[smem:$0x3FD2] =	sst s25  }
0xa7: {  	s6 =	sshll.u32 s26, $0x1;
	_ =	strace $0x80000046;
	[dreg:$0x1] =	wrdreg $0xFFFFFFFF  }
0xa8: {  	s28 =	simm.s32 $_size_execute0_lowered;
	s4 =	sadd.s32 s4, s6;
	[dreg:$0x0] =	wrdreg $0x0  }
0xa9: {  	s6 =	sshll.u32 s28, $0x1;
	[dreg:$0x2] =	wrdreg s4  }
0xaa: {  	[dreg:$0x3] =	wrdreg s6  }
0xab: {  	[dreg:$0x4] =	wrdreg $0xC0  }
0xac: {  	_ =	task [dreg:s8], $0x5FFFF  }
0xad: {  	[dreg:$0x1] =	wrdreg $0xFFFFFFFF  }
0xae: {  	[dreg:$0x0] =	wrdreg $0x60  }
0xaf: {  	[dreg:$0x2] =	wrdreg s24  }
0xb0: {  	[dreg:$0x3] =	wrdreg s2  }
0xb1: {  	[dreg:$0x4] =	wrdreg s18  }
0xb2: {  	[dreg:$0x5] =	wrdreg $0x9  }
0xb3: {  	_ =	task.clear_ibuf [dreg:s8], $0x6FFFF;
	_ =	strace $0x90000046  }
0xb4: {  	s29 =	simm.s32 $0x9;
	_ =	strace $0x80000048  }
0xb5: {  	_ =	swait.ge [sflag:s29], $0x1  }
0xb6: {  	[sflag:s29] =	ssyncadd.s32 $0xFFFFFFFF  }
0xb7: {  	_ =	strace $0x90000048  }
0xb8: {  	_ =	sfence  }
0xb9: {  	s30 =	sld [smem:$0x0];
	_ =	sdelay $0x2  }
0xba: {  	s31 =	sshll.u32 s1, $0xD;
	s1 =	sshrl.u32 s1, $0x2  }
0xbb: {  	s3 =	sand.u32 $0x4000, s31;
	s1 =	sadd.s32 s1, s30  }
0xbc: {  	s0 =	sor.u32 s3, s0;
	s1 =	sshll.u32 s1, $0x11  }
0xbd: {  	s0 =	sor.u32 s1, s0  }
0xbe: {  	s0 =	sadd.s32 $0x8F2B, s0  }
0xbf: {  	[sflag:s0] =	ssyncadd.remote.s32 $0x1  }
0xc0: {  	_ =	sfence.sel $0xFFFF  }
0xc1: {  	[dreg:$0x0] =	wrdreg $0xFFFFFFFF;
	(pc) =	sbr.abs _section_cstart, $3  }
0xc2: {  	[dreg:$0x1] =	wrdreg $0xFFFFFFFF  }
0xc3: {  	_ =	task.clear_ibuf [dreg:s8], $0x2FFFF;
	_ =	strace $0x9FFFFFFF  }
0xc4: {  	(tm) =	ssettm $0x7FFFFFFF  }
0xc5: {  	_ =	shalt  }
tec
execute0_lowered:
.L_overlay_start_1:
0x0: {  	(tag) =	ssettag $0x1  }
0x1: {  	s0 =	rddreg [dreg:$0x0]  }
0x2: {  	s2 =	rddreg [dreg:$0x1]  }
0x3: {  	s3 =	rddreg [dreg:$0x2];
	s1 =	srdreg.scid  }
0x4: {  	s5 =	stileid.u32;
	s4 =	simm.s32 $0x0;
	s30 =	simm.s32 $0x3  }
0x5: {  	s31 =	simm.s32 $0x8600;
	s1 =	sand.u32 $0x1, s1;
	s5 =	sshll.u32 s5, $0x1  }
0x6: {  	[smem:$0x7FF] =	sst s4;
	s8 =	sadd.s32 $0x4B600, s0;
	s6 =	sor.u32 s1, s5  }
0x7: {  	_ =	strace $0x80000047;
	s5 =	sadd.s32 $0x400, s0;
	s7 =	smul.u32 $0x2580, s6  }
0x8: {  	[dreg:$0x4] =	wrdreg s8;
	s0 =	sadd.s32 $0x4B400, s0;
	s8 =	smul.u32 $0xC8, s6  }
0x9: {  	s18 =	simm.s32 $0xC;
	[dreg:$0x5] =	wrdreg s0;
	s21 =	sadd.s32 s5, s7  }
0xa: {  	s10 =	simm.s32 $0x0;
	s24 =	sor.u32 $0x4, s8;
	[dreg:$0x6] =	wrdreg s21  }
0xb: {  	s20 =	ssub.s32 $0x2, s1;
	s25 =	sor.u32 $0x1, s8;
	[dreg:$0x9] =	wrdreg s24  }
0xc: {  	s1 =	sshrl.u32 s20, $0x1;
	s26 =	sor.u32 $0x5, s8;
	[dreg:$0xa] =	wrdreg s25  }
0xd: {  	s6 =	simm.s32 $0x7;
	s28 =	sor.u32 $0x2, s8;
	[dreg:$0xb] =	wrdreg s26  }
0xe: {  	s0 =	ssub.s32 s20, s1;
	s29 =	sor.u32 $0x6, s8;
	[dreg:$0xc] =	wrdreg s28  }
0xf: {  	s1 =	simm.s32 $0x4;
	s0 =	smax.u32 s0, $0x1;
	[dreg:$0xd] =	wrdreg s29  }
0x10: {  	s7 =	simm.s32 $0x8;
	s22 =	sadd.s32 $0x30, s21;
	[dreg:$0xe] =	wrdreg s0  }
0x11: {  	s23 =	sadd.s32 $0x60, s21;
	s24 =	simm.s32 $0x80;
	[dreg:$0x7] =	wrdreg s22  }
0x12: {  	s0 =	simm.s32 $0x5;
	s21 =	simm.s32 $0x6;
	[dreg:$0x8] =	wrdreg s23  }
.LBB2_1:
0x13: {  	[dreg:$0xf] =	wrdreg s10  }
0x14: {  	s9 =	rddreg [dreg:$0x4];
	s14 =	simm.s32 $0x10600;
	s15 =	simm.s32 $0xD  }
0x15: {  	[tilespmem:s14], [sflag:$0xD] =	stream.linear.gather [hbm4b:s9+s4], $0xC800, $0x38;
	[tilespmem:$0x1CF00] =	vst v63  }
0x16: {  	_ =	swait.ge [sflag:s15], $0xC800  }
0x17: {  	[sflag:s15] =	ssyncset.done $0x0  }
0x18: {  	s11 =	simm.s32 $0x1CE00;
	s16 =	rddreg [dreg:$0x5];
	[sflag:s15] =	ssyncadd.s32 $0xFFFF3800  }
0x19: {  	[tilespmem:s11], [sflag:$0xD] =	stream.linear.gather [hbm4b:s16+s4], $0x100, $0x38;
	[tilespmem:$0x1CF00] =	vst v63  }
0x1a: {  	_ =	swait.ge [sflag:s15], $0x100  }
0x1b: {  	[sflag:s15] =	ssyncset.done $0x0  }
0x1c: {  	[sflag:s15] =	ssyncadd.s32 $0xFFFFFF00  }
0x1d: {  	v59 =	vld [tilespmem:$0x1CE00]  }
0x1e: {  	v61 =	vld [tilespmem:$0x1CE10]  }
0x1f: {  	v63 =	vld [tilespmem:$0x1CE20]  }
0x20: {  	v0 =	vld [tilespmem:$0x1CE30]  }
0x21: {  	v58 =	vld [tilespmem:$0x1CE40]  }
0x22: {  	v19 =	vld [tilespmem:$0x1CE50]  }
0x23: {  	v8 =	vld [tilespmem:$0x1CE60]  }
0x24: {  	v9 =	vld [tilespmem:$0x1CE70]  }
0x25: {  	v60 =	vld [tilespmem:$0x1CE80]  }
0x26: {  	v1 =	vld [tilespmem:$0x1CE90]  }
0x27: {  	v2 =	vld [tilespmem:$0x1CEA0]  }
0x28: {  	v3 =	vld [tilespmem:$0x1CEB0]  }
0x29: {  	v4 =	vld [tilespmem:$0x1CEC0]  }
0x2a: {  	v6 =	vld [tilespmem:$0x1CED0]  }
0x2b: {  	s17 =	rddreg [dreg:$0x6];
	v7 =	vld [tilespmem:$0x1CEE0]  }
0x2c: {  	v62 =	vld [tilespmem:$0x1CEF0];
	[tilespmem:s4], [sflag:$0x1] =	stream.linear.gather [hbm4b:s17+s4], $0x180, $0x38  }
0x2d: {  	s20 =	simm.s32 $0x180;
	s19 =	rddreg [dreg:$0x7]  }
0x2e: {  	[tilespmem:s20], [sflag:$0x2] =	stream.linear.gather [hbm4b:s19+s4], $0x180, $0x38;
	[tilespmem:$0x1CF00] =	vst v63  }
0x2f: {  	s23 =	simm.s32 $0x300;
	s22 =	rddreg [dreg:$0x8]  }
0x30: {  	[tilespmem:s23], [sflag:$0x3] =	stream.linear.gather [hbm4b:s22+s4], $0x180, $0x38;
	[tilespmem:$0x1CF00] =	vst v63  }
0x31: {  	s25 =	simm.s32 $0x1;
	[tilespmem:$0x1FF00] =	vst v0  }
0x32: {  	_ =	swait.ge [sflag:s25], $0x180  }
0x33: {  	[sflag:s25] =	ssyncset.done $0x0  }
0x34: {  	s26 =	simm.s32 $0x600;
	s28 =	simm.s32 $0x2;
	[sflag:s25] =	ssyncadd.s32 $0xFFFFFE80  }
0x35: {  	[tilespmem:s26], [sflag:$0x5] =	stream.indirect.gather [hbm4b:s2+s24], $0x80, s4, s24, $0xb8;
	[tilespmem:$0x1CF00] =	vst v63  }
0x36: {  	_ =	swait.ge [sflag:s28], $0x180  }
0x37: {  	[tilespmem:$0x1FF10] =	vst v58  }
0x38: {  	[tilespmem:$0x1FF20] =	vst v19  }
0x39: {  	[tilespmem:$0x1FF30] =	vst v8  }
0x3a: {  	[tilespmem:$0x1FF40] =	vst v9  }
0x3b: {  	[tilespmem:$0x1FF50] =	vst v1  }
0x3c: {  	[tilespmem:$0x1FF60] =	vst v2  }
0x3d: {  	[tilespmem:$0x1FF70] =	vst v3  }
0x3e: {  	[tilespmem:$0x1FF80] =	vst v4  }
0x3f: {  	[tilespmem:$0x1FF90] =	vst v6  }
0x40: {  	[tilespmem:$0x1FFA0] =	vst v7  }
0x41: {  	[tilespmem:$0x1FFB0] =	vst v62  }
0x42: {  	[tilespmem:$0x1FFC0] =	vst v60  }
0x43: {  	[tilespmem:$0x1FFD0] =	vst v59  }
0x44: {  	[sflag:s28] =	ssyncset.done $0x0;
	[tilespmem:$0x1FFE0] =	vst v63  }
0x45: {  	s29 =	simm.s32 $0x4600;
	s23 =	simm.s32 $0x0;
	[tilespmem:$0x1FFF0] =	vst v61;
	[sflag:s28] =	ssyncadd.s32 $0xFFFFFE80  }
0x46: {  	[tilespmem:s29], [sflag:$0x6] =	stream.indirect.gather [hbm4b:s2+s24], $0x80, s20, s24, $0xb8;
	[tilespmem:$0x1CF00] =	vst v63  }
.LBB2_2:
0x47: {  	s10 =	sshll.u32 s23, $0x2  }
0x48: {  	s9 =	sadd.s32 s10, s8  }
0x49: {  	s26 =	sadd.s32 $0x3, s9  }
0x4a: {  	s9 =	smul.u32 $0x30, s26;
	_ =	sdelay $0x1  }
0x4b: {  	s11 =	simm.s32 $0x480;
	s9 =	sadd.s32 s5, s9  }
0x4c: {  	[tilespmem:s11], [sflag:$0x4] =	stream.linear.gather [hbm4b:s9+s4], $0x180, $0x38;
	[tilespmem:$0x1CF00] =	vst v63  }
0x4d: {  	_ =	swait.ge [sflag:s30], $0x180  }
0x4e: {  	p0 =	seq.s32 s23, $0x0;
	[sflag:s30] =	ssyncset.done $0x0  }
0x4f: {  	s9 =	simm.s32 @!p0 $0xB;
	[sflag:s30] =	ssyncadd.s32 $0xFFFFFE80  }
0x50: {  	_ =	swait.ge @!p0 [sflag:s9], $0x4000  }
0x51: {  	[sflag:s9] =	ssyncset.done @!p0 $0x0  }
0x52: {  	s13 =	simm.s32 $0x300;
	[sflag:s9] =	ssyncadd.s32 @!p0 $0xFFFFC000  }
0x53: {  	[tilespmem:s31], [sflag:$0x7] =	stream.indirect.gather [hbm4b:s2+s24], $0x80, s13, s24, $0xb8;
	[tilespmem:$0x1CF00] =	vst v63  }
0x54: {  	_ =	swait.ge [sflag:s0], $0x4000  }
0x55: {  	[sflag:s0] =	ssyncset.done $0x0  }
0x56: {  	s14 =	simm.s32 $0x83;
	[sflag:s0] =	ssyncadd.s32 $0xFFFFC000  }
0x57: {  	v0 =	vld [tilespmem:s14+$0x0];
	_ =	sdelay $0x3  }
0x58: {  	v1 =	vld [tilespmem:s14+$0xFFFFFFFF]  }
0x59: {  	s11 =	simm.s32 $0x700;
	v2 =	vld [tilespmem:s14+$0xFFFFFFFD];
	(v2sf) =	vpush v0, $0x0  }
0x5a: {  	v3 =	vld [tilespmem:s11+$0xB0]  }
0x5b: {  	v7 =	vld [tilespmem:s11+$0xC0]  }
0x5c: {  	v0 =	vld [tilespmem:s14+$0xFFFFFFFE]  }
0x5d: {  	v8 =	vld [tilespmem:s11+$0xD0]  }
0x5e: {  	v9 =	vld [tilespmem:s11+$0xE0]  }
0x5f: {  	v10 =	vld [tilespmem:s11+$0xF0]  }
0x60: {  	v25 =	vld [tilespmem:s11+$0xFFFFFF20]  }
0x61: {  	v44 =	vld [tilespmem:s11+$0xFFFFFF30];
	(v2sf) =	vpush v0, $0x0  }
0x62: {  	v48 =	vld [tilespmem:s11+$0xFFFFFF40]  }
0x63: {  	v53 =	vld [tilespmem:s11+$0xFFFFFF60]  }
0x64: {  	v54 =	vld [tilespmem:s11+$0xFFFFFF70]  }
0x65: {  	v55 =	vld [tilespmem:s11+$0xFFFFFF80]  }
0x66: {  	v57 =	vld [tilespmem:s11+$0xFFFFFFF0]  }
0x67: {  	v50 =	vld [tilespmem:s11+$0x30]  }
0x68: {  	v0 =	vld [tilespmem:s11+$0x80];
	s15 =	spop (v2sf)  }
0x69: {  	(v2sf) =	vpush v1, $0x0;
	v1 =	vld [tilespmem:s11+$0x90];
	s9 =	sshll.u32 s15, $0x9  }
0x6a: {  	(v2sf) =	vpush v2, $0x0;
	v2 =	vld [tilespmem:s11+$0xA0];
	s9 =	sshra.s32 s9, $0x2  }
0x6b: {  	v4 =	vld [tilespmem:s9+$0x10600]  }
0x6c: {  	v6 =	vld [tilespmem:s9+$0x10610]  }
0x6d: {  	v11 =	vld [tilespmem:s9+$0x10620]  }
0x6e: {  	v12 =	vld [tilespmem:s9+$0x10630]  }
0x6f: {  	v13 =	vld [tilespmem:s9+$0x10640]  }
0x70: {  	v14 =	vld [tilespmem:s9+$0x10650];
	s12 =	spop (v2sf)  }
0x71: {  	v15 =	vld [tilespmem:s9+$0x10660];
	s16 =	sshll.u32 s12, $0x9  }
0x72: {  	v16 =	vld [tilespmem:s9+$0x10670];
	s9 =	sshra.s32 s16, $0x2  }
0x73: {  	v26 =	vld [tilespmem:s9+$0x10600]  }
0x74: {  	v27 =	vld [tilespmem:s9+$0x10610]  }
0x75: {  	v28 =	vld [tilespmem:s9+$0x10620]  }
0x76: {  	v29 =	vld [tilespmem:s9+$0x10630]  }
0x77: {  	v30 =	vld [tilespmem:s9+$0x10640]  }
0x78: {  	v31 =	vld [tilespmem:s9+$0x10650]  }
0x79: {  	v32 =	vld [tilespmem:s9+$0x10660]  }
0x7a: {  	s13 =	spop (v2sf);
	v34 =	vld [tilespmem:s9+$0x10670]  }
0x7b: {  	s17 =	sshll.u32 s13, $0x9;
	v5 =	vadd.f32 v4, v0;
	v0 =	vadd.f32 v15, v9;
	v9 =	vld [tilespmem:s11+$0xFFFFFF00]  }
0x7c: {  	s12 =	sshra.s32 s17, $0x2;
	v6 =	vadd.f32 v6, v1;
	v1 =	vadd.f32 v13, v7;
	v13 =	vld [tilespmem:s11+$0xFFFFFF10]  }
0x7d: {  	v35 =	vld [tilespmem:s12+$0x10600]  }
0x7e: {  	v36 =	vld [tilespmem:s12+$0x10610]  }
0x7f: {  	v37 =	vld [tilespmem:s12+$0x10620]  }
0x80: {  	s14 =	spop (v2sf);
	v4 =	vadd.f32 v11, v2;
	v38 =	vld [tilespmem:s12+$0x10630]  }
0x81: {  	s14 =	sshll.u32 s14, $0x9;
	v3 =	vadd.f32 v12, v3;
	v2 =	vadd.f32 v14, v8;
	v39 =	vld [tilespmem:s12+$0x10640]  }
0x82: {  	v7 =	vadd.f32 v16, v10;
	s14 =	sshra.s32 s14, $0x2;
	v40 =	vld [tilespmem:s12+$0x10650];
	v10 =	vadd.f32 v6, v5  }
0x83: {  	v17 =	vld [tilespmem:s14+$0x10600];
	v11 =	vmul.f32 v5, v5;
	v12 =	vmul.f32 v6, v6;
	v14 =	vadd.f32 v3, v4  }
0x84: {  	v18 =	vld [tilespmem:s14+$0x10610];
	v15 =	vmul.f32 v4, v4;
	v16 =	vmul.f32 v3, v3;
	v33 =	vadd.f32 v2, v1  }
0x85: {  	v62 =	vmovc v19;
	v19 =	vld [tilespmem:s14+$0x10620];
	v42 =	vmul.f32 v1, v1;
	v43 =	vmul.f32 v2, v2;
	v45 =	vadd.f32 v7, v0  }
0x86: {  	v20 =	vld [tilespmem:s14+$0x10630];
	v46 =	vmul.f32 v0, v0;
	v47 =	vmul.f32 v7, v7;
	v11 =	vadd.f32 v12, v11  }
0x87: {  	v21 =	vld [tilespmem:s14+$0x10640];
	v12 =	vadd.f32 v16, v15;
	v16 =	vadd.f32 v43, v42  }
0x88: {  	v22 =	vld [tilespmem:s14+$0x10650];
	v52 =	vadd.f32 v47, v46;
	v10 =	vadd.f32 v14, v10  }
0x89: {  	v23 =	vld [tilespmem:s14+$0x10660];
	v14 =	vadd.f32 v45, v33;
	v26 =	vadd.f32 v26, v55  }
0x8a: {  	v15 =	vld [tilespmem:s11+$0xFFFFFF50];
	v12 =	vadd.f32 v12, v11;
	v16 =	vadd.f32 v52, v16  }
0x8b: {  	v24 =	vld [tilespmem:s14+$0x10670];
	v45 =	vadd.f32 v14, v10;
	v11 =	vadd.f32 v17, v9  }
0x8c: {  	v14 =	vld [tilespmem:s11+$0xFFFFFFA0];
	v17 =	vadd.f32 v19, v25;
	v10 =	vadd.f32 v20, v44  }
0x8d: {  	v9 =	vld [tilespmem:s11+$0xFFFFFF90];
	v46 =	vadd.f32 v16, v12;
	v12 =	vadd.f32 v18, v13  }
0x8e: {  	v23 =	vadd.f32 v23, v53;
	v44 =	vld [tilespmem:s11+$0xFFFFFFE0];
	v18 =	vadd.f32 v21, v48  }
0x8f: {  	v16 =	vld [tilespmem:s11+$0xFFFFFFB0];
	v13 =	vmul.f32 v11, v11;
	v19 =	vadd.f32 v22, v15;
	v25 =	vmul.f32 v12, v12  }
0x90: {  	v21 =	vld [tilespmem:s11+$0xFFFFFFC0];
	v15 =	vadd.f32 v10, v17;
	v20 =	vadd.f32 v12, v11  }
0x91: {  	v41 =	vld [tilespmem:s12+$0x10660];
	v43 =	vadd.f32 v25, v13;
	v25 =	vadd.f32 v24, v54  }
0x92: {  	v22 =	vld [tilespmem:s11+$0xFFFFFFD0];
	v24 =	vadd.f32 v19, v18;
	v20 =	vadd.f32 v15, v20  }
0x93: {  	v8 =	vld [tilespmem:s12+$0x10670];
	v56 =	vmul.f32 v17, v17;
	v13 =	vadd.f32 v27, v9;
	v27 =	vadd.f32 v28, v14  }
0x94: {  	v54 =	vmul.f32 v10, v10;
	v15 =	vld [tilespmem:s11+$0x0];
	v33 =	vadd.f32 v32, v44;
	v29 =	vadd.f32 v29, v16  }
0x95: {  	v42 =	vmul.f32 v23, v23;
	v9 =	vld [tilespmem:s11+$0x10];
	v30 =	vadd.f32 v30, v21;
	v55 =	vadd.f32 v25, v23  }
0x96: {  	v28 =	vld [tilespmem:s11+$0x20];
	v16 =	vmul.f32 v19, v19;
	v47 =	vadd.f32 v54, v56;
	v49 =	vadd.f32 v13, v26  }
0x97: {  	v44 =	vld [tilespmem:s11+$0x60];
	v56 =	vmul.f32 v18, v18;
	v14 =	vadd.f32 v31, v22;
	v31 =	vadd.f32 v34, v57  }
0x98: {  	v21 =	vld [tilespmem:s11+$0x40];
	v52 =	vmul.f32 v25, v25;
	v34 =	vadd.f32 v38, v50;
	v51 =	vadd.f32 v29, v27  }
0x99: {  	v22 =	vld [tilespmem:s11+$0x50];
	v24 =	vadd.f32 v55, v24;
	v53 =	vadd.f32 v16, v56  }
0x9a: {  	(xrf2) =	vadd.scan.msk.f32 $0xffff, v45;
	v54 =	vld [tilespmem:s11+$0x70];
	v57 =	vadd.f32 v14, v30;
	v42 =	vadd.f32 v52, v42  }
0x9b: {  	v52 =	vadd.f32 v31, v33;
	v16 =	vadd.f32 v35, v15  }
0x9c: {  	(xrf2) =	vadd.scan.msk.f32 $0xffff, v46;
	v15 =	vadd.f32 v36, v9;
	v37 =	vadd.f32 v37, v28  }
0x9d: {  	v55 =	vadd.f32 v51, v49;
	v38 =	vadd.f32 v39, v21  }
0x9e: {  	v35 =	vadd.f32 v52, v57;
	v32 =	vadd.f32 v40, v22  }
0x9f: {  	v22 =	vadd.f32 v41, v44;
	v9 =	vadd.f32 v8, v54  }
0xa0: {  	v8 =	vadd.f32 v15, v16;
	v28 =	vadd.f32 v32, v38  }
0xa1: {  	v21 =	vadd.f32 v34, v37;
	v54 =	vadd.f32 v9, v22  }
0xa2: {  	v20 =	vadd.f32 v24, v20;
	v24 =	vadd.f32 v47, v43  }
0xa3: {  	v8 =	vadd.f32 v21, v8;
	v21 =	vadd.f32 v54, v28  }
0xa4: {  	v56 =	vadd.f32 v42, v53;
	v35 =	vadd.f32 v35, v55;
	v28, _, _ =	vpop (xrf2)  }
0xa5: {  	(xrf2) =	vadd.scan.msk.f32 $0xffff, v20;
	v8 =	vadd.f32 v21, v8;
	(v2sf) =	vpush v28, $0xF  }
0xa6: {  	v20 =	vadd.f32 v56, v24;
	v28, _, _ =	vpop (xrf2);
	(xrf2) =	vadd.scan.msk.f32 $0xffff, v35  }
0xa7: {  	(v2sf) =	vpush v28, $0xF;
	(xrf2) =	vadd.scan.msk.f32 $0xffff, v8  }
0xa8: {  	(xrf2) =	vadd.scan.msk.f32 $0xffff, v20;
	_ =	sdelay $0x5  }
0xa9: {  	s19 =	simm.s32 $0x87  }
0xaa: {  	v20 =	vld [tilespmem:s19+$0x0];
	v8, _, _ =	vpop (xrf2)  }
0xab: {  	(v2sf) =	vpush v8, $0xF;
	v8, _, _ =	vpop (xrf2)  }
0xac: {  	(v2sf) =	vpush v8, $0xF;
	v8, _, _ =	vpop (xrf2)  }
0xad: {  	(v2sf) =	vpush v8, $0xF;
	v8, _, _ =	vpop (xrf2)  }
0xae: {  	(v2sf) =	vpush v8, $0xF  }
0xaf: {  	s20 =	spop (v2sf);
	(v2sf) =	vpush v20, $0x0;
	_ =	sdelay $0x1  }
0xb0: {  	s22 =	smul.f32 $7.812500000e-03, s20;
	s25 =	spop (v2sf)  }
0xb1: {  	s12 =	smul.f32 $7.812500000e-03, s25  }
0xb2: {  	s28 =	smul.f32 s22, s22;
	_ =	sdelay $0x1  }
0xb3: {  	s17 =	simm.s32 $0x900;
	s12 =	ssub.f32 s12, s28  }
0xb4: {  	v45 =	vld [tilespmem:s17+$0x90];
	v46 =	vmul.f32 v31, v31;
	v39 =	vmul.f32 v30, v30  }
0xb5: {  	v48 =	vld [tilespmem:s17+$0xA0];
	v43 =	vmul.f32 v33, v33;
	v40 =	vmul.f32 v14, v14;
	s12 =	smax.f32 s12, $0.0e+00  }
0xb6: {  	v51 =	vld [tilespmem:s17+$0xB0];
	v47 =	vmul.f32 v16, v16;
	v49 =	vmul.f32 v15, v15;
	s12 =	sadd.f32 $9.999999960e-13, s12  }
0xb7: {  	v53 =	vmul.f32 v34, v34;
	v52 =	vmul.f32 v37, v37;
	v39 =	vadd.f32 v40, v39;
	v8 =	vld [tilespmem:s19+$0xFFFFFFFE]  }
0xb8: {  	v40 =	vadd.f32 v46, v43;
	v46 =	vadd.f32 v49, v47;
	v24 =	vld [tilespmem:s19+$0xFFFFFFFF];
	v54 =	vmov s12;
	s25 =	spop (v2sf)  }
0xb9: {  	v57 =	vld [tilespmem:s19+$0xFFFFFFFD];
	v21 =	vmul.f32 v13, v13;
	v55 =	vshra.s32 v54, $0x1;
	v41 =	vmul.f32 $-5.000000000e-01, v54;
	s19 =	spop (v2sf)  }
0xba: {  	v36 =	vld [tilespmem:s17+$0xE0];
	v35 =	vmul.f32 v29, v29;
	v28 =	vmul.f32 v27, v27;
	v44 =	vsub.s32 $0x5F3759DF, v55;
	s9 =	spop (v2sf)  }
0xbb: {  	v42 =	vld [tilespmem:s17+$0x80];
	v47 =	vadd.f32 v53, v52;
	v20 =	vmul.f32 v26, v26;
	v56 =	vmul.f32 v44, v41;
	s29 =	spop (v2sf)  }
0xbc: {  	v28 =	vadd.f32 v35, v28;
	v35 =	vld [tilespmem:s17+$0xF0];
	(v2sf) =	vpush v8, $0x0;
	s31 =	spop (v2sf)  }
0xbd: {  	v20 =	vadd.f32 v21, v20;
	v8 =	vld [tilespmem:s17+$0xC0];
	(v2sf) =	vpush v24, $0x0;
	v21 =	vmul.f32 v44, v56;
	s14 =	sshll.u32 s31, $0x9  }
0xbe: {  	v24 =	vld [tilespmem:s17+$0xD0];
	(v2sf) =	vpush v57, $0x0;
	v55 =	vmul.f32 v22, v22;
	v56 =	vmul.f32 v9, v9;
	s14 =	sshra.s32 s14, $0x2  }
0xbf: {  	v50 =	vmul.f32 v38, v38;
	v54 =	vmul.f32 v32, v32;
	v21 =	vadd.f32 $1.500000000e+00, v21;
	v43 =	vld [tilespmem:s14+$0x10600]  }
0xc0: {  	v57 =	vadd.f32 v56, v55;
	v56 =	vadd.f32 v47, v46;
	v47 =	vld [tilespmem:s14+$0x10640]  }
0xc1: {  	v49 =	vadd.f32 v54, v50;
	v46 =	vmov s22;
	v50 =	vld [tilespmem:s14+$0x10660]  }
0xc2: {  	v53 =	vsub.f32 v7, v46;
	v7 =	vld [tilespmem:s14+$0x10670];
	v21 =	vmul.f32 v44, v21  }
0xc3: {  	v20 =	vadd.f32 v28, v20;
	v28 =	vadd.f32 v40, v39;
	v44 =	vld [tilespmem:s14+$0x10610]  }
0xc4: {  	v57 =	vadd.f32 v57, v49;
	v49 =	vld [tilespmem:s14+$0x10650];
	v55 =	vmul.f32 v21, v41  }
0xc5: {  	v20 =	vadd.f32 v28, v20;
	v52 =	vld [tilespmem:s14+$0x10620];
	v54 =	vsub.f32 v5, v46  }
0xc6: {  	v40 =	vld [tilespmem:s14+$0x10630];
	v28 =	vadd.f32 v57, v56;
	v39 =	vmul.f32 v55, v21;
	v55 =	vsub.f32 v6, v46  }
0xc7: {  	v42 =	vadd.f32 v43, v42;
	v7 =	vadd.f32 v7, v35  }
0xc8: {  	v41 =	vadd.f32 v44, v45;
	v44 =	vadd.f32 v50, v36  }
0xc9: {  	(xrf2) =	vadd.scan.msk.f32 $0xffff, v20;
	v56 =	vadd.f32 v47, v8;
	v5 =	vadd.f32 v49, v24;
	v20 =	vmul.f32 v42, v42  }
0xca: {  	[tilespmem:$0x1FEE0] =	vst v42;
	v43 =	vmul.f32 v7, v7;
	v8 =	vadd.f32 v41, v42;
	v42 =	vmul.f32 v44, v44  }
0xcb: {  	s15 =	spop (v2sf);
	v6 =	vadd.f32 v52, v48;
	v52 =	vadd.f32 v40, v51;
	[tilespmem:$0x1FEF0] =	vst v41;
	v24 =	vmul.f32 v41, v41  }
0xcc: {  	s22 =	spop (v2sf);
	v45 =	vadd.f32 v5, v56;
	[tilespmem:$0x1FC90] =	vst v5;
	v41 =	vmul.f32 v5, v5;
	v5 =	vadd.f32 v43, v42;
	v42 =	vld [tilespmem:$0x1FF40]  }
0xcd: {  	v57 =	vadd.f32 $1.500000000e+00, v39;
	[tilespmem:$0x1FC60] =	vst v6;
	v35 =	vmul.f32 v6, v6;
	v36 =	vmul.f32 v52, v52;
	s16 =	spop (v2sf)  }
0xce: {  	[tilespmem:$0x1FC70] =	vst v52;
	v47 =	vmul.f32 v56, v56;
	s14 =	sshll.u32 s16, $0x9  }
0xcf: {  	[tilespmem:$0x1FC80] =	vst v56;
	s14 =	sshra.s32 s14, $0x2;
	v20 =	vadd.f32 v24, v20;
	v24 =	vadd.f32 v36, v35;
	v35 =	vmul.f32 v57, v21  }
0xd0: {  	v49 =	vld [tilespmem:s14+$0x10600];
	[tilespmem:$0x1FEA0] =	vst v7  }
0xd1: {  	(xrf2) =	vadd.scan.msk.f32 $0xffff, v28;
	v28 =	vadd.f32 v52, v6;
	v21 =	vadd.f32 v41, v47;
	v56 =	vld [tilespmem:s14+$0x10610];
	v52 =	vmul.f32 v35, v42  }
0xd2: {  	v50 =	vadd.f32 v7, v44;
	v36 =	vld [tilespmem:s14+$0x10620]  }
0xd3: {  	s25 =	smul.f32 $7.812500000e-03, s25;
	v48 =	vld [tilespmem:s14+$0x10630];
	v21 =	vadd.f32 v5, v21;
	v5 =	vmul.f32 v52, v53  }
0xd4: {  	v8 =	vadd.f32 v28, v8;
	v28 =	vadd.f32 v50, v45;
	v50 =	vld [tilespmem:s14+$0x10640]  }
0xd5: {  	v39 =	vmov s25;
	v20 =	vadd.f32 v24, v20;
	v24 =	vld [tilespmem:s14+$0x10650];
	[tilespmem:$0x1FEB0] =	vst v5  }
0xd6: {  	s13 =	sshll.u32 s15, $0x9;
	v6 =	vsub.f32 v11, v39;
	v5 =	vld [tilespmem:s14+$0x10660]  }
0xd7: {  	s13 =	sshra.s32 s13, $0x2;
	v52 =	vld [tilespmem:s14+$0x10670]  }
0xd8: {  	v40 =	vld [tilespmem:s13+$0x10600];
	[tilespmem:$0x1FCA0] =	vst v6;
	v6 =	vsub.f32 v17, v39;
	_ =	sdelay $0x1  }
0xd9: {  	v11 =	vld [tilespmem:s13+$0x10610];
	[tilespmem:$0x1FCB0] =	vst v6;
	v6 =	vsub.f32 v10, v39;
	_ =	sdelay $0x1  }
0xda: {  	v17 =	vld [tilespmem:s13+$0x10620];
	[tilespmem:$0x1FCC0] =	vst v6;
	v6 =	vsub.f32 v18, v39;
	_ =	sdelay $0x1  }
0xdb: {  	[tilespmem:$0x1FCD0] =	vst v6;
	v6 =	vsub.f32 v19, v39;
	_ =	sdelay $0x1  }
0xdc: {  	v10 =	vld [tilespmem:s13+$0x10630];
	[tilespmem:$0x1FCE0] =	vst v6;
	v6 =	vsub.f32 v23, v39  }
0xdd: {  	s20 =	smul.f32 $7.812500000e-03, s19  }
0xde: {  	[tilespmem:$0x1FCF0] =	vst v6;
	v6 =	vsub.f32 v25, v39  }
0xdf: {  	v18 =	vmov s20  }
0xe0: {  	v28 =	vadd.f32 v28, v8;
	v23 =	vld [tilespmem:s13+$0x10640];
	[tilespmem:$0x1FD00] =	vst v6;
	v6 =	vsub.f32 v26, v18;
	_ =	sdelay $0x1  }
0xe1: {  	v20 =	vadd.f32 v21, v20;
	[tilespmem:$0x1FD10] =	vst v6;
	v6 =	vsub.f32 v13, v18  }
0xe2: {  	v57, _, _ =	vpop (xrf2);
	(xrf2) =	vadd.scan.msk.f32 $0xffff, v28  }
0xe3: {  	v28, _, _ =	vpop (xrf2);
	(xrf2) =	vadd.scan.msk.f32 $0xffff, v20;
	v20 =	vmul.f32 v35, v61;
	v25 =	vld [tilespmem:s13+$0x10650];
	[tilespmem:$0x1FD20] =	vst v6;
	v6 =	vsub.f32 v27, v18;
	_ =	sdelay $0x1  }
0xe4: {  	[tilespmem:$0x1FD30] =	vst v6;
	v6 =	vmul.f32 v20, v55;
	_ =	sdelay $0x1  }
0xe5: {  	v26 =	vld [tilespmem:s13+$0x10660];
	[tilespmem:$0x1FEC0] =	vst v6;
	v6 =	vsub.f32 v29, v18;
	_ =	sdelay $0x1  }
0xe6: {  	[tilespmem:$0x1FD40] =	vst v6;
	v6 =	vsub.f32 v30, v18;
	_ =	sdelay $0x1  }
0xe7: {  	v51 =	vld [tilespmem:$0x1FF00];
	(v2sf) =	vpush v57, $0xF;
	v21 =	vmul.f32 v35, v59;
	[tilespmem:$0x1FD50] =	vst v6;
	v6 =	vsub.f32 v14, v18  }
0xe8: {  	s28 =	smul.f32 $7.812500000e-03, s29;
	v4 =	vsub.f32 v4, v46;
	(v2sf) =	vpush v28, $0xF;
	v28 =	vmul.f32 v35, v63  }
0xe9: {  	s29 =	smul.f32 $7.812500000e-03, s9;
	v53 =	vsub.f32 v12, v39;
	v12 =	vmul.f32 v21, v54;
	v21 =	vld [tilespmem:s17+$0xFFFFFF00];
	[tilespmem:$0x1FD60] =	vst v6;
	v6 =	vsub.f32 v33, v18  }
0xea: {  	v14 =	vmul.f32 v28, v4;
	v4 =	vsub.f32 v31, v18  }
0xeb: {  	v27 =	vmov s29;
	[tilespmem:$0x1FD70] =	vst v6  }
0xec: {  	v3 =	vsub.f32 v3, v46;
	v41 =	vmul.f32 v35, v51;
	v29 =	vld [tilespmem:s17+$0xFFFFFF10];
	[tilespmem:$0x1FD80] =	vst v4;
	v4 =	vsub.f32 v16, v27;
	_ =	sdelay $0x1  }
0xed: {  	v3 =	vmul.f32 v41, v3  }
0xee: {  	v1 =	vsub.f32 v1, v46;
	v43 =	vmul.f32 v35, v58;
	[tilespmem:$0x1FD90] =	vst v4  }
0xef: {  	v16 =	vld [tilespmem:s17+$0xFFFFFF20];
	[tilespmem:$0x1FED0] =	vst v3;
	v3 =	vsub.f32 v15, v27;
	v4, _, _ =	vpop (xrf2)  }
0xf0: {  	s25 =	smul.f32 s25, s25;
	v20 =	vmul.f32 v43, v1;
	v1 =	vsub.f32 v37, v27;
	(v2sf) =	vpush v4, $0xF;
	v4, _, _ =	vpop (xrf2)  }
0xf1: {  	[tilespmem:$0x1FDA0] =	vst v3;
	(v2sf) =	vpush v4, $0xF;
	v4 =	vsub.f32 v34, v27  }
0xf2: {  	s31 =	ssub.f32 s28, s25;
	v3 =	vld [tilespmem:s17+$0xFFFFFF30];
	[tilespmem:$0x1FDB0] =	vst v1  }
0xf3: {  	v1 =	vld [tilespmem:s17+$0xFFFFFF40];
	[tilespmem:$0x1FDC0] =	vst v4;
	v4 =	vsub.f32 v38, v27  }
0xf4: {  	s9 =	smax.f32 s31, $0.0e+00;
	v6 =	vsub.f32 v32, v27  }
0xf5: {  	s9 =	sadd.f32 $9.999999960e-13, s9;
	[tilespmem:$0x1FDD0] =	vst v4  }
0xf6: {  	v15 =	vld [tilespmem:s17+$0xFFFFFF50];
	[tilespmem:$0x1FDE0] =	vst v6;
	v6 =	vsub.f32 v22, v27  }
0xf7: {  	v4 =	vmov s9  }
0xf8: {  	v18 =	vshra.s32 v4, $0x1;
	v28 =	vmul.f32 $-5.000000000e-01, v4;
	v4 =	vld [tilespmem:s17+$0xFFFFFF60];
	[tilespmem:$0x1FDF0] =	vst v6;
	v6 =	vsub.f32 v9, v27  }
0xf9: {  	v2 =	vsub.f32 v2, v46;
	v0 =	vsub.f32 v0, v46;
	v46 =	vld [tilespmem:$0x1FF30];
	s15 =	sshll.u32 s22, $0x9  }
0xfa: {  	s9 =	sshra.s32 s15, $0x2;
	v22 =	vmul.f32 v35, v62;
	v30 =	vld [tilespmem:s13+$0x10670];
	[tilespmem:$0x1FE00] =	vst v6  }
0xfb: {  	v18 =	vsub.s32 $0x5F3759DF, v18;
	v27 =	vld [tilespmem:s9+$0x10600]  }
0xfc: {  	s16 =	smul.f32 s20, s20;
	s19 =	spop (v2sf);
	v9 =	vmul.f32 v18, v28;
	v6 =	vadd.f32 v49, v21;
	v21 =	vmul.f32 v22, v2;
	v2 =	vld [tilespmem:s17+$0xFFFFFF70]  }
0xfd: {  	s14 =	smul.f32 $7.812500000e-03, s19;
	v8 =	vadd.f32 v56, v29;
	v19 =	vadd.f32 v48, v3;
	v3 =	vld [tilespmem:s17+$0xFFFFFF80]  }
0xfe: {  	v49 =	vadd.f32 v50, v1;
	v1 =	vmul.f32 v18, v9;
	v50 =	vadd.f32 v24, v15;
	v15 =	vld [tilespmem:s9+$0x10610]  }
0xff: {  	v7 =	vadd.f32 v36, v16;
	s13 =	ssub.f32 s14, s16;
	v9 =	vmul.f32 v35, v46;
	v5 =	vadd.f32 v5, v4;
	v4 =	vld [tilespmem:s17+$0xFFFFFF90];
	[tilespmem:$0x1FE10] =	vst v6  }
0x100: {  	s12 =	smul.f32 s29, s29;
	s20 =	spop (v2sf);
	v24 =	vmul.f32 v8, v8;
	v1 =	vadd.f32 $1.500000000e+00, v1;
	v16 =	vmul.f32 v6, v6;
	[tilespmem:$0x1FE20] =	vst v8  }
0x101: {  	v29 =	vadd.f32 v19, v7;
	s14 =	smul.f32 $7.812500000e-03, s20;
	s13 =	smax.f32 s13, $0.0e+00;
	v22 =	vmul.f32 v9, v0;
	v0 =	vadd.f32 v8, v6;
	v31 =	vld [tilespmem:s17+$0xFFFFFFA0]  }
0x102: {  	s13 =	sadd.f32 $9.999999960e-13, s13;
	v18 =	vmul.f32 v18, v1;
	v9 =	vadd.f32 v24, v16;
	v1 =	vld [tilespmem:s17+$0xFFFFFFB0];
	[tilespmem:$0x1FE30] =	vst v7  }
0x103: {  	s12 =	ssub.f32 s14, s12;
	v16 =	vadd.f32 v29, v0;
	v0 =	vmul.f32 v7, v7;
	[tilespmem:$0x1FE40] =	vst v19;
	v6 =	vadd.f32 v52, v2  }
0x104: {  	v24 =	vld [tilespmem:s17+$0xFFFFFFC0];
	v2 =	vmul.f32 v19, v19;
	v54 =	vadd.f32 v40, v3;
	v3 =	vmov s13  }
0x105: {  	s12 =	smax.f32 s12, $0.0e+00;
	v47 =	vld [tilespmem:s9+$0x10630];
	v28 =	vmul.f32 v18, v28;
	v58 =	vadd.f32 v11, v4;
	v29 =	vmul.f32 $-5.000000000e-01, v3  }
0x106: {  	s22 =	sadd.f32 $9.999999960e-13, s12;
	s25 =	spop (v2sf);
	v4 =	vld [tilespmem:s17+$0xFFFFFFD0];
	v11 =	vadd.f32 v2, v0;
	v0 =	vshra.s32 v3, $0x1;
	v48 =	vadd.f32 v6, v5  }
0x107: {  	v43 =	vmovc v60;
	s12 =	smul.f32 $7.812500000e-03, s25;
	s28 =	spop (v2sf);
	v2 =	vld [tilespmem:s9+$0x10620];
	v60 =	vadd.f32 v17, v31;
	v31 =	vmul.f32 v50, v50;
	v52 =	vmul.f32 v6, v6  }
0x108: {  	v39 =	vmovc v61;
	s14 =	smul.f32 $7.812500000e-03, s28;
	v3 =	vsub.s32 $0x5F3759DF, v0;
	v0 =	vadd.f32 v50, v49;
	v61 =	vadd.f32 v10, v1;
	v10 =	vld [tilespmem:s17+$0xFFFFFFE0];
	[tilespmem:$0x1FE50] =	vst v49  }
0x109: {  	s29 =	smul.f32 s12, s12;
	v28 =	vmul.f32 v28, v18;
	[tilespmem:$0x1FE60] =	vst v50;
	v50 =	vmul.f32 v5, v5  }
0x10a: {  	v13 =	vmovc v62;
	v62 =	vadd.f32 v23, v24;
	v23 =	vld [tilespmem:s17+$0x0];
	v17 =	vadd.f32 v48, v0;
	v0 =	vmul.f32 v49, v49  }
0x10b: {  	v57 =	vadd.f32 v58, v54;
	v1 =	vmul.f32 v3, v29;
	s31 =	ssub.f32 s14, s29;
	v28 =	vadd.f32 $1.500000000e+00, v28;
	v49 =	vld [tilespmem:s17+$0xFFFFFFF0]  }
0x10c: {  	v41 =	vmovc v63;
	v63 =	vadd.f32 v25, v4;
	v4 =	vmov s22;
	v24 =	vadd.f32 v31, v0;
	v31 =	vld [tilespmem:s17+$0x10];
	[tilespmem:$0x1FE70] =	vst v5  }
0x10d: {  	v1 =	vmul.f32 v3, v1;
	s13 =	smax.f32 s31, $0.0e+00;
	v25 =	vmul.f32 $-5.000000000e-01, v4;
	v4 =	vshra.s32 v4, $0x1;
	[tilespmem:$0x1FE80] =	vst v6  }
0x10e: {  	v18 =	vmul.f32 v28, v18;
	s13 =	sadd.f32 $9.999999960e-13, s13;
	v55 =	vld [tilespmem:s17+$0x20];
	v0 =	vadd.f32 v26, v10;
	v10 =	vsub.s32 $0x5F3759DF, v4  }
0x10f: {  	v5 =	vadd.f32 v61, v60;
	v4 =	vadd.f32 $1.500000000e+00, v1;
	v26 =	vld [tilespmem:s17+$0x30];
	v56 =	vmul.f32 v10, v25  }
0x110: {  	v34 =	vld [tilespmem:s9+$0x10640];
	v40 =	vmov s13;
	v1 =	vadd.f32 v30, v49;
	v30 =	vadd.f32 v52, v50  }
0x111: {  	v37 =	vld [tilespmem:s9+$0x10650];
	v35 =	vmul.f32 v3, v4;
	v3 =	vadd.f32 v27, v23;
	v27 =	vadd.f32 v5, v57  }
0x112: {  	v6 =	vld [tilespmem:s17+$0x60];
	v45 =	vshra.s32 v40, $0x1;
	v33 =	vmul.f32 $-5.000000000e-01, v40;
	v49 =	vmul.f32 v54, v54  }
0x113: {  	v23 =	vld [tilespmem:s17+$0x40];
	v52 =	vmul.f32 v58, v58;
	v40 =	vmul.f32 v62, v62;
	v32 =	vsub.s32 $0x5F3759DF, v45  }
0x114: {  	v4 =	vadd.f32 v15, v31;
	v15 =	vmul.f32 v10, v56;
	v31 =	vld [tilespmem:s17+$0x50];
	v48 =	vadd.f32 v1, v0  }
0x115: {  	v5 =	vmul.f32 v32, v33;
	v28 =	vmul.f32 v35, v29;
	v8 =	vadd.f32 v47, v26;
	v26 =	vld [tilespmem:s9+$0x10660]  }
0x116: {  	v7 =	vmul.f32 v0, v0;
	v47 =	vadd.f32 v63, v62;
	v15 =	vadd.f32 $1.500000000e+00, v15  }
0x117: {  	v50 =	vld [tilespmem:s9+$0x10670];
	v2 =	vadd.f32 v2, v55;
	v5 =	vmul.f32 v32, v5;
	v28 =	vmul.f32 v28, v35  }
0x118: {  	v36 =	vadd.f32 v48, v47;
	v57 =	vadd.f32 v34, v23;
	v10 =	vmul.f32 v10, v15;
	v15 =	vld [tilespmem:s17+$0x70]  }
0x119: {  	v23 =	vadd.f32 v52, v49;
	v47 =	vmul.f32 v63, v63;
	v56 =	vadd.f32 v37, v31  }
0x11a: {  	v52 =	vmul.f32 v2, v2;
	v55 =	vadd.f32 v26, v6;
	v6 =	vadd.f32 $1.500000000e+00, v5  }
0x11b: {  	v16 =	vadd.f32 v17, v16;
	v31 =	vmul.f32 v61, v61;
	v26 =	vmul.f32 v60, v60  }
0x11c: {  	v28 =	vadd.f32 $1.500000000e+00, v28;
	v48 =	vadd.f32 v56, v57;
	v6 =	vmul.f32 v32, v6  }
0x11d: {  	v45 =	vmovc v59;
	v5 =	vmul.f32 v1, v1;
	v59 =	vadd.f32 v50, v15;
	v15 =	vadd.f32 v31, v26  }
0x11e: {  	v26 =	vadd.f32 v47, v40;
	v31 =	vadd.f32 v8, v2;
	v32 =	vmul.f32 v6, v33  }
0x11f: {  	[tilespmem:$0x1FE90] =	vst v8;
	v40 =	vmul.f32 v8, v8;
	v8 =	vmul.f32 v55, v55;
	v49 =	vadd.f32 v59, v55  }
0x120: {  	v7 =	vadd.f32 v5, v7;
	v5 =	vmul.f32 v59, v59;
	v32 =	vmul.f32 v32, v6  }
0x121: {  	v17 =	vmul.f32 v10, v25;
	v25 =	vmul.f32 v28, v35;
	v33 =	vadd.f32 v49, v48  }
0x122: {  	v48 =	vmul.f32 v56, v56;
	v5 =	vadd.f32 v5, v8;
	v8 =	vld [tilespmem:$0x1FEA0];
	v28 =	vadd.f32 $1.500000000e+00, v32  }
0x123: {  	v9 =	vadd.f32 v11, v9;
	v11 =	vadd.f32 v30, v24;
	v47 =	vmul.f32 v57, v57  }
0x124: {  	v17 =	vmul.f32 v17, v10;
	v34 =	vadd.f32 v40, v52;
	v40 =	vmul.f32 v28, v6  }
0x125: {  	v37 =	vmov s12;
	v23 =	vadd.f32 v15, v23;
	v38 =	vadd.f32 v48, v47  }
0x126: {  	v6 =	vadd.f32 v7, v26;
	v7 =	vadd.f32 $1.500000000e+00, v17;
	v48 =	vmovc v42;
	v17 =	vmul.f32 v40, v42;
	v42 =	vld [tilespmem:$0x1FFB0]  }
0x127: {  	v15 =	vsub.f32 v8, v37;
	v8 =	vadd.f32 v11, v9;
	v9 =	vld [tilespmem:$0x1FEB0];
	_ =	sdelay $0x4  }
0x128: {  	v19 =	vmul.f32 v17, v15;
	v15 =	vadd.f32 v9, v42;
	_ =	sdelay $0x1  }
0x129: {  	v47 =	vld [tilespmem:$0x1FF10];
	[tilespmem:s11+$0xF0] =	vst v15  }
0x12a: {  	v15 =	vld [tilespmem:$0x1FF50]  }
0x12b: {  	v17 =	vld [tilespmem:$0x1FEC0];
	_ =	sdelay $0x1  }
0x12c: {  	v24 =	vadd.f32 v36, v27  }
0x12d: {  	(xrf2) =	vadd.scan.msk.f32 $0xffff, v16  }
0x12e: {  	(xrf2) =	vadd.scan.msk.f32 $0xffff, v24;
	v24 =	vadd.f32 v12, v43  }
0x12f: {  	v28 =	vadd.f32 v17, v15  }
0x130: {  	[tilespmem:s11+$0x80] =	vst v24  }
0x131: {  	v24 =	vld [tilespmem:$0x1FF60];
	[tilespmem:s11+$0x90] =	vst v28  }
0x132: {  	v28 =	vld [tilespmem:$0x1FF70]  }
0x133: {  	v49 =	vmov v13;
	v15 =	vmul.f32 v18, v13;
	v13 =	vld [tilespmem:$0x1FED0];
	_ =	sdelay $0x3  }
0x134: {  	v14 =	vadd.f32 v14, v24  }
0x135: {  	v13 =	vadd.f32 v13, v28  }
0x136: {  	[tilespmem:s11+$0xA0] =	vst v14  }
0x137: {  	v14 =	vld [tilespmem:$0x1FF80];
	[tilespmem:s11+$0xB0] =	vst v13  }
0x138: {  	v13 =	vld [tilespmem:$0x1FF90]  }
0x139: {  	v29 =	vadd.f32 v4, v3;
	_ =	sdelay $0x1  }
0x13a: {  	v50 =	vmul.f32 v4, v4;
	v29 =	vadd.f32 v31, v29;
	v31 =	vmul.f32 v3, v3  }
0x13b: {  	v14 =	vadd.f32 v20, v14  }
0x13c: {  	v31 =	vadd.f32 v50, v31;
	v13 =	vadd.f32 v21, v13  }
0x13d: {  	[tilespmem:s11+$0xC0] =	vst v14  }
0x13e: {  	v27 =	vadd.f32 v34, v31;
	v26 =	vadd.f32 v33, v29;
	v33 =	vmul.f32 v25, v51;
	[tilespmem:s11+$0xD0] =	vst v13  }
0x13f: {  	v29 =	vmovc v46;
	v31 =	vmul.f32 v25, v49;
	v5 =	vadd.f32 v5, v38;
	v38 =	vmul.f32 v25, v41;
	v13 =	vld [tilespmem:$0x1FFA0]  }
0x140: {  	v34 =	vmul.f32 v25, v29;
	v7 =	vmul.f32 v7, v10  }
0x141: {  	v32 =	vmul.f32 v25, v48;
	v30 =	vmul.f32 v25, v47  }
0x142: {  	v50 =	vmov v49;
	v36 =	vmul.f32 v7, v45;
	v35 =	vmul.f32 v7, v39  }
0x143: {  	v52 =	vmovc v29;
	v5 =	vadd.f32 v5, v27;
	v29 =	vmul.f32 v7, v51;
	v27 =	vmul.f32 v7, v47  }
0x144: {  	(xrf2) =	vadd.scan.msk.f32 $0xffff, v26;
	v26 =	vmul.f32 v7, v52;
	v24 =	vmul.f32 v25, v45;
	v13 =	vadd.f32 v22, v13  }
0x145: {  	v28 =	vmul.f32 v25, v39;
	v25 =	vmul.f32 v7, v50  }
0x146: {  	v14 =	vmul.f32 v7, v41;
	[tilespmem:s11+$0xE0] =	vst v13;
	v13 =	vmul.f32 v7, v48;
	v7 =	vadd.f32 v19, v42  }
0x147: {  	v6 =	vadd.f32 v6, v23  }
0x148: {  	(xrf2) =	vadd.scan.msk.f32 $0xffff, v8;
	[tilespmem:s17+$0xF0] =	vst v7  }
0x149: {  	v12 =	vmul.f32 v18, v51;
	v11 =	vmul.f32 v18, v45;
	v20, _, _ =	vpop (xrf2);
	(xrf2) =	vadd.scan.msk.f32 $0xffff, v6;
	v6 =	vld [tilespmem:$0x1FEE0]  }
0x14a: {  	v10 =	vmul.f32 v18, v41;
	v23 =	vmul.f32 v40, v45;
	v8, _, _ =	vpop (xrf2);
	(xrf2) =	vadd.scan.msk.f32 $0xffff, v5;
	v5 =	vld [tilespmem:$0x1FEF0]  }
0x14b: {  	v16 =	vmul.f32 v18, v47;
	v9 =	vmul.f32 v18, v39  }
0x14c: {  	v17 =	vmul.f32 v18, v46;
	v18 =	vmul.f32 v18, v48;
	(v2sf) =	vpush v20, $0xF  }
0x14d: {  	v20 =	vmul.f32 v40, v39;
	(v2sf) =	vpush v8, $0xF;
	v8 =	vmul.f32 v40, v51  }
0x14e: {  	v19 =	vmul.f32 v40, v41;
	v7 =	vmul.f32 v40, v47;
	v22 =	vsub.f32 v6, v37  }
0x14f: {  	s19 =	simm.s32 $0x900;
	s9 =	simm.s32 $0x4;
	s12 =	simm.s32 $0x8B;
	v21 =	vsub.f32 v5, v37;
	v6 =	vmul.f32 v40, v50;
	v5 =	vmul.f32 v40, v52  }
.LBB2_3:
0x150: {  	v51 =	vld [tilespmem:$0x1FCA0];
	_ =	sdelay $0x4  }
0x151: {  	v11 =	vmul.f32 v11, v51;
	v51 =	vsub.f32 v44, v37;
	v44 =	vld [tilespmem:$0x1FCC0];
	_ =	sdelay $0x3  }
0x152: {  	v39 =	vld [tilespmem:$0x1FC60]  }
0x153: {  	v44 =	vmul.f32 v12, v44;
	v12 =	vld [tilespmem:$0x1FCD0];
	_ =	sdelay $0x2  }
0x154: {  	v50 =	vld [tilespmem:$0x1FC70]  }
0x155: {  	v42 =	vld [tilespmem:$0x1FC90]  }
0x156: {  	v45 =	vsub.f32 v39, v37;
	v39 =	vmul.f32 v16, v12;
	v12 =	vld [tilespmem:$0x1FCE0];
	_ =	sdelay $0x3  }
0x157: {  	v43 =	vld [tilespmem:$0x1FCB0]  }
0x158: {  	v46 =	vsub.f32 v50, v37;
	v50 =	vsub.f32 v42, v37;
	v42 =	vmul.f32 v15, v12;
	v12 =	vld [tilespmem:$0x1FCF0];
	_ =	sdelay $0x3  }
0x159: {  	v52 =	vld [tilespmem:$0x1FC80]  }
0x15a: {  	v10 =	vmul.f32 v10, v43;
	v43 =	vmul.f32 v17, v12;
	v12 =	vld [tilespmem:$0x1FD20];
	_ =	sdelay $0x2  }
0x15b: {  	v41, _, _ =	vpop (xrf2)  }
0x15c: {  	v9 =	vmul.f32 v9, v53;
	v53 =	vld [tilespmem:$0x1FFC0];
	v48 =	vsub.f32 v52, v37;
	(v2sf) =	vpush v41, $0xF;
	v37, _, _ =	vpop (xrf2)  }
0x15d: {  	(v2sf) =	vpush v37, $0xF;
	v37 =	vmul.f32 v28, v12;
	v12 =	vld [tilespmem:$0x1FD30];
	_ =	sdelay $0x2  }
0x15e: {  	v40 =	vld [tilespmem:s12+$0x0]  }
0x15f: {  	v52 =	vld [tilespmem:s12+$0xFFFFFFFD];
	v11 =	vadd.f32 v11, v53  }
0x160: {  	v38 =	vmul.f32 v38, v12;
	v12 =	vld [tilespmem:$0x1FD40]  }
0x161: {  	[tilespmem:s11+$0xFFFFFF00] =	vst v11;
	v11 =	vld [tilespmem:$0x1FD00];
	_ =	sdelay $0x1  }
0x162: {  	v47 =	vld [tilespmem:s12+$0xFFFFFFFE]  }
0x163: {  	v49 =	vld [tilespmem:s12+$0xFFFFFFFF]  }
0x164: {  	v33 =	vmul.f32 v33, v12;
	v12 =	vld [tilespmem:$0x1FD50]  }
0x165: {  	(v2sf) =	vpush v40, $0x0;
	v40 =	vmul.f32 v18, v11;
	v11 =	vld [tilespmem:$0x1FD10];
	_ =	sdelay $0x2  }
0x166: {  	(v2sf) =	vpush v47, $0x0  }
0x167: {  	(v2sf) =	vpush v49, $0x0;
	v30 =	vmul.f32 v30, v12;
	v12 =	vld [tilespmem:$0x1FD60]  }
0x168: {  	(v2sf) =	vpush v52, $0x0;
	v41 =	vmul.f32 v24, v11;
	v11, _, _ =	vpop (xrf2)  }
0x169: {  	(v2sf) =	vpush v11, $0xF;
	v11, _, _ =	vpop (xrf2)  }
0x16a: {  	s13 =	spop (v2sf);
	(v2sf) =	vpush v11, $0xF;
	v11 =	vld [tilespmem:$0x1FDA0]  }
0x16b: {  	v47 =	vld [tilespmem:$0x1FF50]  }
0x16c: {  	v24 =	vmul.f32 v31, v12;
	v12 =	vld [tilespmem:$0x1FD70];
	_ =	sdelay $0x2  }
0x16d: {  	v15 =	vmul.f32 v35, v11;
	v11 =	vld [tilespmem:$0x1FDB0]  }
0x16e: {  	v31 =	vadd.f32 v9, v47;
	v9 =	vld [tilespmem:$0x1FDC0]  }
0x16f: {  	v28 =	vmul.f32 v34, v12;
	v12 =	vld [tilespmem:$0x1FD80];
	_ =	sdelay $0x3  }
0x170: {  	v16 =	vmul.f32 v14, v11;
	v14 =	vmul.f32 v29, v9;
	v9 =	vld [tilespmem:$0x1FDD0]  }
0x171: {  	v18 =	vmul.f32 v32, v12;
	v12 =	vld [tilespmem:$0x1FD90];
	_ =	sdelay $0x3  }
0x172: {  	v49 =	vld [tilespmem:$0x1FF60]  }
0x173: {  	v17 =	vmul.f32 v36, v12;
	v12 =	vmul.f32 v27, v9;
	v9 =	vld [tilespmem:$0x1FDE0]  }
0x174: {  	v29 =	vmul.f32 v20, v21;
	v21 =	vld [tilespmem:$0x1FE30];
	_ =	sdelay $0x1  }
0x175: {  	s13 =	smul.f32 $7.812500000e-03, s13;
	_ =	sdelay $0x1  }
0x176: {  	v27 =	vadd.f32 v10, v49;
	v10 =	vmul.f32 v25, v9;
	v25 =	vmov s13  }
0x177: {  	v21 =	vsub.f32 v21, v25;
	_ =	sdelay $0x1  }
0x178: {  	[tilespmem:$0x1FCB0] =	vst v21;
	v21 =	vld [tilespmem:$0x1FE40];
	_ =	sdelay $0x3  }
0x179: {  	v9 =	vld [tilespmem:$0x1FDF0]  }
0x17a: {  	v21 =	vsub.f32 v21, v25;
	_ =	sdelay $0x1  }
0x17b: {  	[tilespmem:$0x1FCC0] =	vst v21;
	v21 =	vld [tilespmem:$0x1FE50];
	_ =	sdelay $0x1  }
0x17c: {  	v11 =	vmul.f32 v26, v9;
	v9 =	vmul.f32 v23, v22;
	v23 =	vld [tilespmem:$0x1FE70]  }
0x17d: {  	v22 =	vld [tilespmem:$0x1FE00];
	_ =	sdelay $0x1  }
0x17e: {  	v21 =	vsub.f32 v21, v25;
	_ =	sdelay $0x1  }
0x17f: {  	v23 =	vsub.f32 v23, v25;
	[tilespmem:$0x1FCD0] =	vst v21;
	v21 =	vld [tilespmem:$0x1FE60]  }
0x180: {  	v13 =	vmul.f32 v13, v22;
	v22 =	vld [tilespmem:$0x1FE10]  }
0x181: {  	[tilespmem:$0x1FCF0] =	vst v23;
	v23 =	vld [tilespmem:$0x1FE80]  }
0x182: {  	v37 =	vadd.f32 v37, v47  }
0x183: {  	s15 =	spop (v2sf);
	s28 =	smul.f32 s13, s13  }
0x184: {  	[tilespmem:s11+$0xFFFFFF90] =	vst v37;
	s13 =	smul.f32 $7.812500000e-03, s15;
	v21 =	vsub.f32 v21, v25  }
0x185: {  	[tilespmem:s11+$0xFFFFFF10] =	vst v31;
	v22 =	vsub.f32 v22, v25  }
0x186: {  	v23 =	vsub.f32 v23, v25;
	[tilespmem:$0x1FCE0] =	vst v21;
	v21 =	vmov s13  }
0x187: {  	s16 =	spop (v2sf);
	[tilespmem:$0x1FCA0] =	vst v22;
	v0 =	vsub.f32 v0, v21  }
0x188: {  	s20 =	spop (v2sf);
	[tilespmem:$0x1FD00] =	vst v23;
	v23 =	vsub.f32 v54, v21;
	v54 =	vmul.f32 v7, v48;
	v7 =	vsub.f32 v60, v21  }
0x189: {  	s22 =	spop (v2sf);
	s14 =	smul.f32 s13, s13;
	[tilespmem:$0x1FD70] =	vst v0;
	v0 =	vsub.f32 v1, v21  }
0x18a: {  	s25 =	sshll.u32 s22, $0x9;
	s29 =	spop (v2sf);
	s13 =	smul.f32 $7.812500000e-03, s16;
	[tilespmem:$0x1FD30] =	vst v7;
	v7 =	vsub.f32 v61, v21  }
0x18b: {  	s22 =	sshll.u32 s29, $0x9;
	s29 =	sshra.s32 s25, $0x2;
	v22 =	vld [tilespmem:$0x1FE20];
	[tilespmem:$0x1FD80] =	vst v0;
	v0 =	vmul.f32 v5, v51  }
0x18c: {  	s17 =	sadd.s32 $0x200, s17;
	v52 =	vld [tilespmem:s29+$0x10640];
	v38 =	vadd.f32 v38, v49;
	[tilespmem:$0x1FD40] =	vst v7;
	v7 =	vmov s13  }
0x18d: {  	v31 =	vmul.f32 v19, v45;
	v19 =	vld [tilespmem:s17+$0x90];
	[tilespmem:$0x1FC40] =	vst v0;
	v0 =	vsub.f32 v3, v7  }
0x18e: {  	[tilespmem:s11+$0xFFFFFFA0] =	vst v38;
	v20 =	vld [tilespmem:s17+$0x80]  }
0x18f: {  	v32 =	vmul.f32 v8, v46;
	v8 =	vld [tilespmem:s17+$0xB0];
	[tilespmem:$0x1FD90] =	vst v0;
	v0 =	vsub.f32 v4, v7  }
0x190: {  	[tilespmem:s11+$0xFFFFFF20] =	vst v27;
	v27 =	vld [tilespmem:s29+$0x10630];
	v22 =	vsub.f32 v22, v25  }
0x191: {  	v60 =	vld [tilespmem:$0x1FF90];
	[tilespmem:$0x1FDA0] =	vst v0;
	v0 =	vsub.f32 v2, v7  }
0x192: {  	v25 =	vld [tilespmem:s17+$0xD0];
	[tilespmem:$0x1FC50] =	vst v22  }
0x193: {  	v26 =	vsub.f32 v62, v21;
	[tilespmem:$0x1FDB0] =	vst v0;
	v0 =	vld [tilespmem:$0x1FE90]  }
0x194: {  	[tilespmem:$0x1FD10] =	vst v23;
	v23 =	vsub.f32 v58, v21;
	v58 =	vld [tilespmem:$0x1FF80]  }
0x195: {  	v22 =	vld [tilespmem:s17+$0xA0];
	[tilespmem:$0x1FD50] =	vst v26;
	v26 =	vsub.f32 v63, v21  }
0x196: {  	v61 =	vmul.f32 v6, v50;
	[tilespmem:$0x1FD20] =	vst v23;
	v51 =	vld [tilespmem:$0x1FF70];
	v6 =	vadd.f32 v42, v60  }
0x197: {  	v62 =	vld [tilespmem:s29+$0x10670];
	[tilespmem:$0x1FD60] =	vst v26;
	v24 =	vadd.f32 v24, v60  }
0x198: {  	[tilespmem:s11+$0xFFFFFF50] =	vst v6;
	v4 =	vld [tilespmem:s29+$0x10620];
	v0 =	vsub.f32 v0, v7  }
0x199: {  	v21 =	vld [tilespmem:s17+$0xF0];
	v30 =	vadd.f32 v30, v58;
	[tilespmem:s11+$0xFFFFFFD0] =	vst v24  }
0x19a: {  	v23 =	vld [tilespmem:s17+$0xC0];
	[tilespmem:$0x1FDC0] =	vst v0;
	v0 =	vsub.f32 v57, v7  }
0x19b: {  	s31 =	spop (v2sf);
	s16 =	smul.f32 $7.812500000e-03, s20;
	v26 =	vld [tilespmem:s17+$0xE0];
	v33 =	vadd.f32 v33, v51;
	[tilespmem:s11+$0xFFFFFFC0] =	vst v30  }
0x19c: {  	s20 =	spop (v2sf);
	v5 =	vld [tilespmem:$0x1FFA0];
	[tilespmem:$0x1FDD0] =	vst v0;
	v0 =	vsub.f32 v56, v7  }
0x19d: {  	s25 =	sshra.s32 s22, $0x2;
	s15 =	smul.f32 s13, s13;
	s16 =	ssub.f32 s16, s28;
	v42 =	vld [tilespmem:$0x1FFB0];
	[tilespmem:s11+$0xFFFFFFB0] =	vst v33;
	v22 =	vadd.f32 v4, v22  }
0x19e: {  	s13 =	sshll.u32 s31, $0x9;
	s31 =	sshll.u32 s20, $0x9;
	s20 =	spop (v2sf);
	[tilespmem:$0x1FDE0] =	vst v0;
	v0 =	vsub.f32 v55, v7;
	v55 =	vld [tilespmem:s29+$0x10650]  }
0x19f: {  	v48 =	vadd.f32 v27, v8;
	s22 =	sshra.s32 s13, $0x2;
	s13 =	sshra.s32 s31, $0x2;
	s31 =	spop (v2sf);
	v3 =	vld [tilespmem:s29+$0x10600];
	[tilespmem:$0x1FC60] =	vst v22;
	v57 =	vadd.f32 v41, v53  }
0x1a0: {  	s31 =	smul.f32 $7.812500000e-03, s31;
	v1 =	vadd.f32 v39, v58;
	v2 =	vld [tilespmem:s29+$0x10610];
	[tilespmem:$0x1FDF0] =	vst v0;
	v0 =	vsub.f32 v59, v7  }
0x1a1: {  	s16 =	smax.f32 s16, $0.0e+00;
	v28 =	vadd.f32 v28, v5;
	v41 =	vadd.f32 v15, v47;
	v15 =	vld [tilespmem:s22+$0x10620];
	[tilespmem:s11+$0xFFFFFF80] =	vst v57  }
0x1a2: {  	s20 =	smul.f32 $7.812500000e-03, s20;
	s15 =	ssub.f32 s31, s15;
	v50 =	vadd.f32 v52, v23;
	v59 =	vld [tilespmem:s29+$0x10660];
	[tilespmem:$0x1FE00] =	vst v0;
	v0 =	vadd.f32 v44, v51  }
0x1a3: {  	s16 =	sadd.f32 $9.999999960e-13, s16;
	v38 =	vmul.f32 v22, v22;
	v52 =	vadd.f32 v55, v25;
	v55 =	vadd.f32 v48, v22;
	v22 =	vld [tilespmem:s25+$0x10600];
	[tilespmem:s11+$0xFFFFFFE0] =	vst v28  }
0x1a4: {  	s14 =	ssub.f32 s20, s14;
	[tilespmem:s11+$0xFFFFFF40] =	vst v1;
	s15 =	smax.f32 s15, $0.0e+00;
	v7 =	vadd.f32 v43, v5;
	v24 =	vld [tilespmem:s25+$0x10610]  }
0x1a5: {  	s15 =	sadd.f32 $9.999999960e-13, s15;
	[tilespmem:s11+$0xFFFFFF30] =	vst v0;
	v28 =	vld [tilespmem:s25+$0x10630]  }
0x1a6: {  	v17 =	vadd.f32 v17, v53;
	v63 =	vmov s16;
	s14 =	smax.f32 s14, $0.0e+00;
	v56 =	vadd.f32 v40, v42;
	v0 =	vld [tilespmem:s13+$0x10600];
	[tilespmem:s11+$0xFFFFFF60] =	vst v7  }
0x1a7: {  	v8 =	vadd.f32 v62, v21;
	v34 =	vmul.f32 $-5.000000000e-01, v63;
	s14 =	sadd.f32 $9.999999960e-13, s14;
	v27 =	vmov s15;
	[tilespmem:$0x1FC90] =	vst v52;
	v1 =	vld [tilespmem:s13+$0x10610]  }
0x1a8: {  	v44 =	vadd.f32 v59, v26;
	v59 =	vadd.f32 v52, v50;
	[tilespmem:s11+$0xFFFFFF70] =	vst v56;
	v56 =	vmul.f32 v52, v52;
	v52 =	vld [tilespmem:s25+$0x10620]  }
0x1a9: {  	v6 =	vadd.f32 v2, v19;
	v2 =	vmov s14;
	v7 =	vadd.f32 v3, v20;
	v3 =	vld [tilespmem:s13+$0x10620]  }
0x1aa: {  	v37 =	vmul.f32 $-5.000000000e-01, v2;
	v25 =	vshra.s32 v63, $0x1;
	v63 =	vmul.f32 v48, v48;
	v4 =	vld [tilespmem:s13+$0x10630]  }
0x1ab: {  	v62 =	vmul.f32 v6, v6;
	v43 =	vmul.f32 v50, v50;
	v19 =	vld [tilespmem:s13+$0x10640];
	v30 =	vadd.f32 v8, v44  }
0x1ac: {  	v63 =	vadd.f32 v63, v38;
	v20 =	vld [tilespmem:s13+$0x10650];
	v26 =	vadd.f32 v6, v7;
	v36 =	vmul.f32 v7, v7  }
0x1ad: {  	v21 =	vld [tilespmem:s13+$0x10660];
	v57 =	vmul.f32 v44, v44;
	v30 =	vadd.f32 v30, v59;
	v59 =	vmul.f32 v8, v8  }
0x1ae: {  	[tilespmem:$0x1FC80] =	vst v50;
	v50 =	vshra.s32 v2, $0x1;
	v23 =	vld [tilespmem:s13+$0x10670];
	v2 =	vadd.f32 v56, v43;
	v26 =	vadd.f32 v55, v26  }
0x1af: {  	v40 =	vmul.f32 $-5.000000000e-01, v27;
	v56 =	vld [tilespmem:s25+$0x10640];
	v62 =	vadd.f32 v62, v36;
	v33 =	vadd.f32 v59, v57  }
0x1b0: {  	[tilespmem:$0x1FC70] =	vst v48;
	v48 =	vshra.s32 v27, $0x1;
	v43 =	vadd.f32 v16, v49;
	v16 =	vld [tilespmem:s22+$0x10630];
	v26 =	vadd.f32 v30, v26  }
0x1b1: {  	v38 =	vsub.s32 $0x5F3759DF, v48;
	v57 =	vld [tilespmem:s25+$0x10650];
	v27 =	vadd.f32 v63, v62;
	v2 =	vadd.f32 v33, v2  }
0x1b2: {  	v30 =	vsub.s32 $0x5F3759DF, v25;
	v25 =	vld [tilespmem:s25+$0x10660];
	v62 =	vmul.f32 v38, v40;
	v63 =	vadd.f32 v18, v42  }
0x1b3: {  	v18 =	vld [tilespmem:s22+$0x10600];
	v55 =	vmul.f32 v30, v34;
	v33 =	vsub.s32 $0x5F3759DF, v50;
	v27 =	vadd.f32 v2, v27  }
0x1b4: {  	(xrf2) =	vadd.scan.msk.f32 $0xffff, v26;
	v26 =	vld [tilespmem:s25+$0x10670];
	v59 =	vmul.f32 v33, v37  }
0x1b5: {  	v35 =	vmul.f32 v30, v55;
	v2 =	vld [tilespmem:s22+$0x10610];
	[tilespmem:s11+$0x0] =	vst v17;
	(xrf2) =	vadd.scan.msk.f32 $0xffff, v27;
	v27 =	vmul.f32 v38, v62  }
0x1b6: {  	v14 =	vadd.f32 v14, v51;
	v17 =	vld [tilespmem:s22+$0x10640];
	[tilespmem:s11+$0x10] =	vst v41  }
0x1b7: {  	v36 =	vmul.f32 v33, v59;
	v35 =	vadd.f32 $1.500000000e+00, v35;
	v50 =	vadd.f32 $1.500000000e+00, v27;
	v27 =	vld [tilespmem:s22+$0x10650];
	[tilespmem:s11+$0x20] =	vst v43  }
0x1b8: {  	v12 =	vadd.f32 v12, v58;
	v55 =	vld [tilespmem:s22+$0x10660];
	[tilespmem:s11+$0x30] =	vst v14  }
0x1b9: {  	v10 =	vadd.f32 v10, v60;
	v36 =	vadd.f32 $1.500000000e+00, v36;
	v30 =	vmul.f32 v30, v35;
	v59 =	vld [tilespmem:s22+$0x10670]  }
0x1ba: {  	v31 =	vadd.f32 v31, v49;
	[tilespmem:s11+$0x40] =	vst v12;
	v12 =	vld [tilespmem:s17+$0xFFFFFF00]  }
0x1bb: {  	v9 =	vadd.f32 v9, v53;
	v33 =	vmul.f32 v33, v36;
	v34 =	vmul.f32 v30, v34;
	[tilespmem:s11+$0x50] =	vst v10;
	v10 =	vld [tilespmem:s17+$0xFFFFFF10]  }
0x1bc: {  	v11 =	vadd.f32 v11, v5;
	v35 =	vmul.f32 v38, v50;
	v38 =	vadd.f32 v54, v58;
	v58 =	vld [tilespmem:s17+$0xFFFFFF20]  }
0x1bd: {  	v13 =	vadd.f32 v13, v42;
	[tilespmem:s11+$0xFFFFFFF0] =	vst v63;
	v63 =	vld [tilespmem:s17+$0xFFFFFF30];
	v36 =	vmul.f32 v33, v37;
	v34 =	vmul.f32 v34, v30  }
0x1be: {  	v32 =	vadd.f32 v32, v51;
	v53 =	vadd.f32 v29, v47;
	v49 =	vld [tilespmem:s17+$0xFFFFFF40];
	[tilespmem:s11+$0x60] =	vst v11;
	v14 =	vmul.f32 v35, v40  }
0x1bf: {  	[tilespmem:s11+$0x70] =	vst v13;
	s11 =	smov.u32 s19;
	v29, _, _ =	vpop (xrf2);
	v36 =	vmul.f32 v36, v33;
	v11 =	vadd.f32 $1.500000000e+00, v34;
	v50 =	vadd.f32 v0, v12;
	v0 =	vld [tilespmem:s17+$0xFFFFFF50]  }
0x1c0: {  	[tilespmem:s11+$0xA0] =	vst v31;
	(v2sf) =	vpush v29, $0xF;
	v31 =	vadd.f32 v1, v10;
	v1 =	vld [tilespmem:s17+$0xFFFFFF60]  }
0x1c1: {  	v14 =	vmul.f32 v14, v35;
	v62 =	vadd.f32 $1.500000000e+00, v36;
	v58 =	vadd.f32 v3, v58;
	v3 =	vld [tilespmem:s17+$0xFFFFFF70]  }
0x1c2: {  	v12 =	vadd.f32 v61, v60;
	v60 =	vadd.f32 v4, v63;
	v61 =	vld [tilespmem:s17+$0xFFFFFF80];
	v13, _, _ =	vpop (xrf2)  }
0x1c3: {  	v29 =	vmul.f32 v11, v30;
	v63 =	vld [tilespmem:s17+$0xFFFFFF90];
	v48 =	vadd.f32 $1.500000000e+00, v14;
	(v2sf) =	vpush v13, $0xF  }
0x1c4: {  	v46 =	vld [tilespmem:s17+$0xFFFFFFA0];
	v14 =	vmul.f32 v62, v33;
	v30 =	vmul.f32 v50, v50;
	v4 =	vadd.f32 v31, v50  }
0x1c5: {  	v41 =	vld [tilespmem:$0x1FFF0];
	[tilespmem:$0x1FE20] =	vst v31;
	v31 =	vmul.f32 v31, v31;
	v62 =	vadd.f32 v19, v49;
	v45 =	vadd.f32 v20, v0  }
0x1c6: {  	[tilespmem:s11+$0x90] =	vst v53;
	v53 =	vld [tilespmem:$0x1FFD0];
	v19 =	vmul.f32 v58, v58;
	v0 =	vadd.f32 v60, v58;
	v47 =	vadd.f32 v21, v1  }
0x1c7: {  	[tilespmem:$0x1FE10] =	vst v50;
	v50 =	vld [tilespmem:s17+$0x0];
	v13 =	vmul.f32 v48, v35;
	v21 =	vadd.f32 v31, v30;
	v48 =	vadd.f32 v23, v3  }
0x1c8: {  	[tilespmem:$0x1FE30] =	vst v58;
	v20 =	vmul.f32 v60, v60;
	v30 =	vld [tilespmem:s17+$0xFFFFFFB0];
	v54 =	vadd.f32 v22, v61;
	v58 =	vadd.f32 v24, v63  }
0x1c9: {  	[tilespmem:$0x1FE40] =	vst v60;
	v1 =	vmul.f32 v62, v62;
	v31 =	vld [tilespmem:s17+$0xFFFFFFC0];
	v60 =	vadd.f32 v52, v46;
	v3 =	vadd.f32 v45, v62  }
0x1ca: {  	v24 =	vld [tilespmem:s17+$0xFFFFFFE0];
	v23 =	vmul.f32 v45, v45;
	v35 =	vadd.f32 v0, v4;
	v22 =	vadd.f32 v48, v47  }
0x1cb: {  	v52 =	vld [tilespmem:s17+$0x10];
	v4 =	vmul.f32 v47, v47;
	v49 =	vmul.f32 v48, v48;
	v19 =	vadd.f32 v20, v19  }
0x1cc: {  	v0 =	vld [tilespmem:s17+$0xFFFFFFD0];
	v22 =	vadd.f32 v22, v3;
	v23 =	vadd.f32 v23, v1  }
0x1cd: {  	[tilespmem:s11+$0xB0] =	vst v32;
	v11 =	vmul.f32 v29, v53;
	v20 =	vld [tilespmem:s17+$0xFFFFFFF0];
	v32 =	vadd.f32 v49, v4;
	v3 =	vadd.f32 v18, v50  }
0x1ce: {  	[tilespmem:s11+$0x80] =	vst v9;
	v9 =	vmul.f32 v29, v41;
	v19 =	vadd.f32 v19, v21;
	v61 =	vadd.f32 v28, v30  }
0x1cf: {  	[tilespmem:$0x1FE50] =	vst v62;
	v33 =	vmul.f32 v54, v54;
	v18 =	vld [tilespmem:s17+$0x50];
	v28 =	vadd.f32 v58, v54;
	v62 =	vadd.f32 v56, v31  }
0x1d0: {  	v50 =	vld [tilespmem:s17+$0x60];
	v30 =	vmul.f32 v58, v58;
	v4 =	vadd.f32 v2, v52;
	v22 =	vadd.f32 v22, v35  }
0x1d1: {  	v31 =	vmul.f32 v60, v60;
	v63 =	vadd.f32 v57, v0;
	v56 =	vadd.f32 v61, v60;
	v57 =	vld [tilespmem:s17+$0x20];
	s25 =	spop (v2sf)  }
0x1d2: {  	v51 =	vld [tilespmem:$0x1FF00];
	v37 =	vmul.f32 v3, v3;
	v0 =	vadd.f32 v25, v24;
	v1 =	vadd.f32 v26, v20;
	s28 =	smul.f32 $7.812500000e-03, s25  }
0x1d3: {  	v43 =	vld [tilespmem:$0x1FFE0];
	[tilespmem:s11+$0xC0] =	vst v38;
	v38 =	vmul.f32 v61, v61;
	v24 =	vmul.f32 v62, v62;
	v30 =	vadd.f32 v30, v33  }
0x1d4: {  	v25 =	vld [tilespmem:s17+$0x30];
	v40 =	vmul.f32 v4, v4;
	v20 =	vadd.f32 v63, v62;
	v49 =	vadd.f32 v1, v0;
	s31 =	smul.f32 s28, s28;
	s29 =	spop (v2sf)  }
0x1d5: {  	[tilespmem:$0x1FE80] =	vst v48;
	v48 =	vld [tilespmem:s17+$0x40];
	v26 =	vmul.f32 v63, v63;
	v28 =	vadd.f32 v56, v28;
	v56 =	vadd.f32 v27, v18;
	s13 =	smul.f32 $7.812500000e-03, s29  }
0x1d6: {  	v46 =	vmul.f32 v0, v0;
	v55 =	vadd.f32 v55, v50;
	v2 =	vadd.f32 v15, v57;
	v15 =	vld [tilespmem:s17+$0x70]  }
0x1d7: {  	[tilespmem:$0x1FE70] =	vst v47;
	v47 =	vmul.f32 v1, v1;
	v31 =	vadd.f32 v38, v31;
	v37 =	vadd.f32 v40, v37;
	s13 =	ssub.f32 s13, s31  }
0x1d8: {  	v10 =	vmul.f32 v29, v43;
	v20 =	vadd.f32 v49, v20;
	v26 =	vadd.f32 v26, v24  }
0x1d9: {  	[tilespmem:s11+$0xD0] =	vst v12;
	v12 =	vmul.f32 v29, v51;
	v46 =	vadd.f32 v47, v46;
	v16 =	vadd.f32 v16, v25;
	s13 =	smax.f32 s13, $0.0e+00  }
0x1da: {  	v34 =	vmul.f32 v56, v56;
	v25 =	vadd.f32 v4, v3;
	v57 =	vadd.f32 v17, v48;
	s13 =	sadd.f32 $9.999999960e-13, s13  }
0x1db: {  	v50 =	vld [tilespmem:$0x1FF30];
	v49 =	vmul.f32 v55, v55;
	v18 =	vadd.f32 v16, v2;
	v59 =	vadd.f32 v59, v15  }
0x1dc: {  	[tilespmem:$0x1FE90] =	vst v16;
	v27 =	vmul.f32 v16, v16;
	v15 =	vadd.f32 v56, v57;
	v16 =	vmov s13  }
0x1dd: {  	v39 =	vld [tilespmem:$0x1FF10];
	[tilespmem:$0x1FE60] =	vst v45;
	v48 =	vadd.f32 v59, v55;
	v52 =	vshra.s32 v16, $0x1;
	v45 =	vmul.f32 $-5.000000000e-01, v16  }
0x1de: {  	v20 =	vadd.f32 v20, v28;
	v17 =	vmul.f32 v2, v2;
	v36 =	vsub.s32 $0x5F3759DF, v52  }
0x1df: {  	v28 =	vmul.f32 v14, v41;
	v47 =	vadd.f32 v48, v15;
	v48 =	vld [tilespmem:$0x1FF40];
	v52 =	vmul.f32 v36, v45  }
0x1e0: {  	v33 =	vmul.f32 v57, v57;
	v27 =	vadd.f32 v27, v17;
	v17 =	vmul.f32 v29, v50  }
0x1e1: {  	v25 =	vadd.f32 v18, v25;
	v38 =	vmul.f32 v59, v59;
	v18 =	vmul.f32 v36, v52;
	v52 =	vld [tilespmem:$0x1FF20]  }
0x1e2: {  	v33 =	vadd.f32 v34, v33;
	v34 =	vmul.f32 v14, v50;
	v16 =	vmul.f32 v29, v39  }
0x1e3: {  	v40 =	vadd.f32 v38, v49;
	v38 =	vmul.f32 v14, v43;
	v24 =	vadd.f32 $1.500000000e+00, v18  }
0x1e4: {  	v21 =	vadd.f32 v32, v23;
	v32 =	vmul.f32 v14, v48;
	v18 =	vmul.f32 v29, v48  }
0x1e5: {  	v27 =	vadd.f32 v27, v37;
	v23 =	vmul.f32 v36, v24;
	v24 =	vmul.f32 v14, v53  }
0x1e6: {  	v15 =	vmul.f32 v29, v52;
	v29 =	vadd.f32 v31, v30;
	v30 =	vadd.f32 v40, v33  }
0x1e7: {  	(xrf2) =	vadd.scan.msk.f32 $0xffff, v22;
	v22 =	vadd.f32 v46, v26;
	v33 =	vmul.f32 v14, v51;
	v26 =	vmul.f32 v23, v45  }
0x1e8: {  	v31 =	vmul.f32 v14, v52;
	v45 =	vadd.f32 v30, v27;
	v30 =	vmul.f32 v14, v39;
	v14 =	vld [tilespmem:$0x1FC40]  }
0x1e9: {  	v19 =	vadd.f32 v21, v19;
	v21 =	vmul.f32 v26, v23  }
0x1ea: {  	(xrf2) =	vadd.scan.msk.f32 $0xffff, v20  }
0x1eb: {  	v20 =	vadd.f32 $1.500000000e+00, v21  }
0x1ec: {  	v35 =	vmul.f32 v13, v41;
	v37 =	vmov s28;
	v25 =	vadd.f32 v47, v25  }
0x1ed: {  	v36 =	vmul.f32 v13, v53;
	v5 =	vadd.f32 v14, v5;
	v46 =	vmul.f32 v20, v23  }
0x1ee: {  	(xrf2) =	vadd.scan.msk.f32 $0xffff, v25;
	v25 =	vmul.f32 v13, v52;
	v49 =	vadd.f32 v22, v29;
	v29 =	vmul.f32 v13, v51  }
0x1ef: {  	s9 =	sadd.s32 $0x4, s9;
	v8 =	vsub.f32 v8, v37;
	v27 =	vmul.f32 v13, v39;
	[tilespmem:s11+$0xE0] =	vst v5;
	v5 =	vmul.f32 v46, v48  }
0x1f0: {  	p1 =	slt.u32 s9, $0x7C;
	v26 =	vmul.f32 v13, v50;
	v14 =	vmul.f32 v13, v43  }
.Ltmp0:
0x1f1: {  	v22 =	vsub.f32 v7, v37;
	v7, _, _ =	vpop (xrf2);
	v13 =	vmul.f32 v13, v48;
	v8 =	vmul.f32 v5, v8;
	(pc) =	sbr.rel @p1 .LBB2_3-.Ltmp0, $4  }
0x1f2: {  	(xrf2) =	vadd.scan.msk.f32 $0xffff, v19;
	(v2sf) =	vpush v7, $0xF;
	v23 =	vmul.f32 v46, v53;
	v20 =	vmul.f32 v46, v41  }
0x1f3: {  	(xrf2) =	vadd.scan.msk.f32 $0xffff, v49;
	v19 =	vmul.f32 v46, v43;
	v7 =	vmul.f32 v46, v39;
	v49 =	vadd.f32 v8, v42  }
0x1f4: {  	v21 =	vsub.f32 v6, v37;
	v6 =	vmul.f32 v46, v52;
	v5, _, _ =	vpop (xrf2);
	v8 =	vmul.f32 v46, v51  }
0x1f5: {  	s12 =	sadd.s32 $0x4, s12;
	s19 =	smov.u32 s17;
	v53 =	vld [tilespmem:$0x1FC50];
	(xrf2) =	vadd.scan.msk.f32 $0xffff, v45;
	(v2sf) =	vpush v5, $0xF;
	v5 =	vmul.f32 v46, v50;
	[tilespmem:s17+$0xF0] =	vst v49  }
0x1f6: {  	v39 =	vld [tilespmem:$0x1FCA0]  }
0x1f7: {  	v52 =	vld [tilespmem:$0x1FCC0]  }
0x1f8: {  	v41 =	vld [tilespmem:$0x1FCD0]  }
0x1f9: {  	v48 =	vld [tilespmem:$0x1FCF0]  }
0x1fa: {  	v49 =	vld [tilespmem:$0x1FD00]  }
0x1fb: {  	v42 =	vld [tilespmem:$0x1FCE0]  }
0x1fc: {  	v40, _, _ =	vpop (xrf2);
	v46 =	vmul.f32 v12, v52;
	v12 =	vld [tilespmem:$0x1FC70]  }
0x1fd: {  	(v2sf) =	vpush v40, $0xF;
	v40 =	vmul.f32 v16, v41;
	v16 =	vld [tilespmem:$0x1FC80]  }
0x1fe: {  	v48 =	vmul.f32 v17, v48;
	v17 =	vld [tilespmem:$0x1FC90];
	v50, _, _ =	vpop (xrf2)  }
0x1ff: {  	v9 =	vmul.f32 v9, v53;
	v49 =	vmul.f32 v18, v49;
	v18 =	vld [tilespmem:$0x1FD50];
	(v2sf) =	vpush v50, $0xF;
	v53, _, _ =	vpop (xrf2)  }
0x200: {  	(v2sf) =	vpush v53, $0xF;
	v53 =	vld [tilespmem:$0x1FC60];
	_ =	sdelay $0x1  }
0x201: {  	v43, _, _ =	vpop (xrf2)  }
0x202: {  	v47 =	vmul.f32 v15, v42;
	(v2sf) =	vpush v43, $0xF;
	v42 =	vsub.f32 v12, v37  }
0x203: {  	v51 =	vld [tilespmem:$0x1FCB0];
	v11 =	vmul.f32 v11, v39;
	v43 =	vsub.f32 v16, v37;
	v39 =	vsub.f32 v17, v37  }
0x204: {  	v41 =	vsub.f32 v53, v37;
	v37 =	vsub.f32 v44, v37;
	v44 =	vmul.f32 v30, v18;
	v30 =	vld [tilespmem:$0x1FD80]  }
0x205: {  	v53 =	vld [tilespmem:$0x1FDA0]  }
0x206: {  	v52 =	vld [tilespmem:$0x1FD30]  }
0x207: {  	v15 =	vld [tilespmem:$0x1FD40]  }
0x208: {  	v50 =	vld [tilespmem:$0x1FD10]  }
0x209: {  	v12 =	vmul.f32 v32, v30;
	v30 =	vld [tilespmem:$0x1FDB0]  }
0x20a: {  	v35 =	vmul.f32 v35, v53;
	v53 =	vld [tilespmem:$0x1FE50]  }
0x20b: {  	s9 =	spop (v2sf)  }
0x20c: {  	v45 =	vmul.f32 v10, v51;
	v51 =	vld [tilespmem:$0x1FD20];
	s9 =	smul.f32 $7.812500000e-03, s9  }
0x20d: {  	v50 =	vmul.f32 v24, v50;
	v24 =	vld [tilespmem:$0x1FD60]  }
0x20e: {  	v38 =	vmul.f32 v38, v52;
	v52 =	vmul.f32 v33, v15;
	v15 =	vmov s9  }
0x20f: {  	v14 =	vmul.f32 v14, v30;
	v30 =	vsub.f32 v53, v15;
	v53 =	vld [tilespmem:$0x1FDC0];
	_ =	sdelay $0x1  }
0x210: {  	v51 =	vmul.f32 v28, v51;
	v28 =	vld [tilespmem:$0x1FD70]  }
0x211: {  	v10 =	vmul.f32 v31, v24;
	v31 =	vld [tilespmem:$0x1FD90]  }
0x212: {  	v24 =	vld [tilespmem:$0x1FE30]  }
0x213: {  	v29 =	vmul.f32 v29, v53;
	v53 =	vld [tilespmem:$0x1FE70]  }
0x214: {  	v33 =	vld [tilespmem:$0x1FE20]  }
0x215: {  	v34 =	vmul.f32 v34, v28;
	v28 =	vld [tilespmem:$0x1FE40]  }
0x216: {  	v32 =	vld [tilespmem:$0x1FE10]  }
0x217: {  	v36 =	vmul.f32 v36, v31;
	v31 =	vsub.f32 v24, v15;
	v24 =	vld [tilespmem:$0x1FE60]  }
0x218: {  	v16 =	vsub.f32 v53, v15;
	v53 =	vld [tilespmem:$0x1FE80];
	_ =	sdelay $0x2  }
0x219: {  	v33 =	vsub.f32 v33, v15  }
0x21a: {  	v28 =	vsub.f32 v28, v15;
	v32 =	vsub.f32 v32, v15  }
0x21b: {  	v24 =	vsub.f32 v24, v15;
	v15 =	vsub.f32 v53, v15;
	v53 =	vld [tilespmem:$0x1FDD0]  }
0x21c: {  	s12 =	spop (v2sf)  }
0x21d: {  	s12 =	smul.f32 $7.812500000e-03, s12;
	_ =	sdelay $0x1  }
0x21e: {  	[tilespmem:$0x1FC20] =	vst v15;
	v15 =	vmov s12  }
0x21f: {  	v27 =	vmul.f32 v27, v53;
	v53 =	vsub.f32 v54, v15;
	v54 =	vld [tilespmem:$0x1FDE0];
	_ =	sdelay $0x1  }
0x220: {  	[tilespmem:$0x1FC10] =	vst v16;
	v16 =	vld [tilespmem:$0x1FFC0];
	_ =	sdelay $0x2  }
0x221: {  	v54 =	vmul.f32 v25, v54;
	v25 =	vsub.f32 v60, v15;
	v60 =	vsub.f32 v61, v15;
	v61 =	vld [tilespmem:$0x1FDF0]  }
0x222: {  	v1 =	vsub.f32 v1, v15  }
0x223: {  	v18 =	vld [tilespmem:$0x1FF50];
	v11 =	vadd.f32 v11, v16  }
0x224: {  	[tilespmem:$0x1FC30] =	vst v1  }
0x225: {  	[tilespmem:s11+$0xFFFFFF00] =	vst v11  }
0x226: {  	v61 =	vmul.f32 v26, v61;
	v26 =	vsub.f32 v62, v15;
	v62 =	vsub.f32 v63, v15;
	v63 =	vld [tilespmem:$0x1FF60];
	_ =	sdelay $0x1  }
0x227: {  	v9 =	vadd.f32 v9, v18;
	_ =	sdelay $0x1  }
0x228: {  	[tilespmem:s11+$0xFFFFFF10] =	vst v9  }
0x229: {  	s13 =	spop (v2sf);
	v17 =	vadd.f32 v45, v63;
	v45 =	vld [tilespmem:$0x1FF70]  }
0x22a: {  	s13 =	smul.f32 $7.812500000e-03, s13;
	_ =	sdelay $0x1  }
0x22b: {  	v58 =	vsub.f32 v58, v15;
	v0 =	vsub.f32 v0, v15;
	v15 =	vmov s13  }
0x22c: {  	v1 =	vsub.f32 v3, v15  }
0x22d: {  	v3 =	vsub.f32 v4, v15;
	v4 =	vadd.f32 v46, v45  }
0x22e: {  	v11 =	vmul.f32 v23, v22;
	v23 =	vld [tilespmem:$0x1FE00];
	[tilespmem:s11+$0xFFFFFF20] =	vst v17  }
0x22f: {  	v46 =	vld [tilespmem:$0x1FF80];
	[tilespmem:s11+$0xFFFFFF30] =	vst v4  }
0x230: {  	v17 =	vld [tilespmem:$0x1FF90];
	_ =	sdelay $0x2  }
0x231: {  	s9 =	smul.f32 s9, s9;
	s15 =	spop (v2sf)  }
0x232: {  	s14 =	smul.f32 s13, s13;
	s22 =	spop (v2sf)  }
0x233: {  	v19 =	vmul.f32 v19, v41;
	s20 =	smul.f32 $7.812500000e-03, s15;
	s16 =	spop (v2sf);
	v41 =	vadd.f32 v47, v17;
	v47 =	vld [tilespmem:$0x1FFA0]  }
0x234: {  	s25 =	smul.f32 $7.812500000e-03, s16  }
0x235: {  	s15 =	smul.f32 $7.812500000e-03, s22  }
0x236: {  	s12 =	smul.f32 s12, s12;
	s13 =	ssub.f32 s25, s14  }
0x237: {  	s9 =	ssub.f32 s20, s9;
	v40 =	vadd.f32 v40, v46  }
0x238: {  	s12 =	ssub.f32 s15, s12;
	s13 =	smax.f32 s13, $0.0e+00;
	v9 =	vmul.f32 v13, v23;
	v13 =	vmul.f32 v20, v21;
	v21 =	vadd.f32 v48, v47;
	v48 =	vld [tilespmem:$0x1FFB0]  }
0x239: {  	s28 =	sadd.f32 $9.999999960e-13, s13;
	v23 =	vadd.f32 v50, v16;
	[tilespmem:s11+$0xFFFFFF40] =	vst v40  }
0x23a: {  	s9 =	smax.f32 s9, $0.0e+00;
	v20 =	vadd.f32 v51, v18;
	[tilespmem:s11+$0xFFFFFF50] =	vst v41  }
0x23b: {  	s9 =	sadd.f32 $9.999999960e-13, s9;
	s12 =	smax.f32 s12, $0.0e+00;
	v38 =	vadd.f32 v38, v63;
	v4 =	vadd.f32 v52, v45;
	v52 =	vmov s28;
	[tilespmem:s11+$0xFFFFFF80] =	vst v23  }
0x23c: {  	v8 =	vmul.f32 v8, v42;
	s12 =	sadd.f32 $9.999999960e-13, s12;
	v42 =	vmul.f32 $-5.000000000e-01, v52;
	[tilespmem:s11+$0xFFFFFF90] =	vst v20  }
0x23d: {  	v40 =	vadd.f32 v44, v46;
	v44 =	vmov s9;
	[tilespmem:s11+$0xFFFFFFA0] =	vst v38;
	v22 =	vadd.f32 v49, v48  }
0x23e: {  	v50 =	vshra.s32 v44, $0x1;
	v41 =	vmul.f32 $-5.000000000e-01, v44;
	[tilespmem:s11+$0xFFFFFF60] =	vst v21;
	v49 =	vmov s12  }
0x23f: {  	v51 =	vshra.s32 v49, $0x1;
	v21 =	vmul.f32 $-5.000000000e-01, v49;
	[tilespmem:s11+$0xFFFFFF70] =	vst v22;
	v22 =	vsub.s32 $0x5F3759DF, v50  }
0x240: {  	[tilespmem:s11+$0xFFFFFFB0] =	vst v4;
	v34 =	vadd.f32 v34, v47;
	v20 =	vsub.s32 $0x5F3759DF, v51;
	v49 =	vmul.f32 v22, v41  }
0x241: {  	[tilespmem:s11+$0xFFFFFFC0] =	vst v40;
	v50 =	vshra.s32 v52, $0x1;
	v52 =	vadd.f32 v10, v17;
	v51 =	vmul.f32 v20, v21  }
0x242: {  	[tilespmem:s11+$0xFFFFFFE0] =	vst v34;
	v23 =	vmul.f32 v22, v49;
	v49 =	vadd.f32 v12, v48  }
0x243: {  	[tilespmem:s11+$0xFFFFFFD0] =	vst v52;
	v44 =	vmul.f32 v20, v51;
	v51 =	vadd.f32 v36, v16  }
0x244: {  	v14 =	vadd.f32 v14, v63;
	v10 =	vsub.s32 $0x5F3759DF, v50;
	[tilespmem:s11+$0xFFFFFFF0] =	vst v49  }
0x245: {  	v29 =	vadd.f32 v29, v45;
	v38 =	vmul.f32 v10, v42;
	v40 =	vadd.f32 $1.500000000e+00, v44;
	v44 =	vld [tilespmem:$0x1FE90];
	[tilespmem:s11+$0x0] =	vst v51  }
0x246: {  	v61 =	vadd.f32 v61, v47;
	[tilespmem:s11+$0x20] =	vst v14  }
0x247: {  	v9 =	vadd.f32 v9, v48;
	v52 =	vmul.f32 v10, v38;
	v50 =	vadd.f32 $1.500000000e+00, v23;
	[tilespmem:s11+$0x30] =	vst v29  }
0x248: {  	v7 =	vmul.f32 v7, v43;
	v11 =	vadd.f32 v11, v16;
	[tilespmem:s11+$0x60] =	vst v61  }
0x249: {  	v49 =	vadd.f32 v35, v18;
	[tilespmem:s11+$0x70] =	vst v9;
	v43 =	vmul.f32 v22, v50;
	v50 =	vadd.f32 $1.500000000e+00, v52  }
0x24a: {  	v14 =	vsub.f32 v56, v15;
	v56 =	vadd.f32 v54, v17;
	[tilespmem:s19+$0x80] =	vst v11  }
0x24b: {  	[tilespmem:s11+$0x10] =	vst v49;
	v52 =	vadd.f32 v27, v46;
	v10 =	vmul.f32 v10, v50  }
0x24c: {  	v20 =	vmul.f32 v20, v40;
	v40 =	vadd.f32 v13, v18;
	[tilespmem:s11+$0x50] =	vst v56;
	v51 =	vmul.f32 v43, v41  }
0x24d: {  	[tilespmem:s11+$0x40] =	vst v52;
	v36 =	vmul.f32 v10, v42;
	v42 =	vadd.f32 v19, v63  }
0x24e: {  	v22 =	vsub.f32 v57, v15;
	[tilespmem:s19+$0x90] =	vst v40;
	v57 =	vmul.f32 v51, v43  }
0x24f: {  	v8 =	vadd.f32 v8, v45;
	v34 =	vld [tilespmem:$0x1FFD0];
	[tilespmem:s19+$0xA0] =	vst v42  }
0x250: {  	v7 =	vadd.f32 v7, v46;
	v38 =	vadd.f32 $1.500000000e+00, v57;
	v61 =	vld [tilespmem:$0x1FFF0]  }
0x251: {  	v6 =	vmul.f32 v6, v39;
	[tilespmem:s19+$0xB0] =	vst v8  }
0x252: {  	v2 =	vsub.f32 v2, v15;
	v23 =	vsub.f32 v55, v15;
	v4 =	vmul.f32 v38, v43;
	v29 =	vld [tilespmem:$0x1FFE0];
	[tilespmem:s19+$0xC0] =	vst v7  }
0x253: {  	v21 =	vmul.f32 v20, v21;
	v12 =	vsub.f32 v44, v15;
	v15 =	vsub.f32 v59, v15;
	v59 =	vld [tilespmem:$0x1FF00]  }
0x254: {  	v5 =	vmul.f32 v5, v37;
	v6 =	vadd.f32 v6, v17;
	v44 =	vmul.f32 v4, v34  }
0x255: {  	v21 =	vmul.f32 v21, v20;
	v49 =	vmul.f32 v4, v61  }
0x256: {  	v5 =	vadd.f32 v5, v47;
	[tilespmem:s19+$0xD0] =	vst v6;
	v50 =	vmul.f32 v44, v32  }
0x257: {  	v41 =	vadd.f32 $1.500000000e+00, v21;
	v27 =	vld [tilespmem:$0x1FF10];
	v51 =	vmul.f32 v4, v29;
	v52 =	vmul.f32 v49, v33  }
0x258: {  	v54 =	vmul.f32 v4, v59;
	v8 =	vadd.f32 v50, v16  }
0x259: {  	v13 =	vmul.f32 v41, v20;
	[tilespmem:s19+$0xE0] =	vst v5;
	v55 =	vmul.f32 v51, v31;
	v7 =	vadd.f32 v52, v18  }
0x25a: {  	v57 =	vmul.f32 v54, v28;
	v28 =	vld [tilespmem:$0x1FF20];
	[tilespmem:s19+$0xFFFFFF00] =	vst v8  }
0x25b: {  	v39 =	vmul.f32 v36, v10;
	v41 =	vmul.f32 v13, v29;
	v32 =	vld [tilespmem:$0x1FF30];
	v6 =	vadd.f32 v55, v63;
	[tilespmem:s19+$0xFFFFFF10] =	vst v7  }
0x25c: {  	v56 =	vmul.f32 v4, v27;
	v35 =	vld [tilespmem:$0x1FF40]  }
0x25d: {  	v43 =	vadd.f32 $1.500000000e+00, v39;
	v36 =	vmul.f32 v13, v34;
	v8 =	vmul.f32 v41, v25;
	v7 =	vld [tilespmem:$0x1FC10];
	[tilespmem:s19+$0xFFFFFF20] =	vst v6  }
0x25e: {  	v39 =	vmul.f32 v13, v61;
	v9 =	vmul.f32 v56, v30;
	v5 =	vadd.f32 v57, v45;
	v38 =	vld [tilespmem:$0x1FC20]  }
0x25f: {  	v8 =	vadd.f32 v8, v63;
	v6 =	vmul.f32 v36, v53;
	v31 =	vmul.f32 v4, v28  }
0x260: {  	v37 =	vadd.f32 v9, v46;
	[tilespmem:s19+$0xFFFFFF30] =	vst v5;
	v5 =	vmul.f32 v39, v58;
	v33 =	vmul.f32 v4, v32  }
0x261: {  	[tilespmem:s19+$0xFFFFFFA0] =	vst v8;
	v6 =	vadd.f32 v6, v16;
	v11 =	vmul.f32 v31, v24;
	v4 =	vmul.f32 v4, v35  }
0x262: {  	v10 =	vmul.f32 v43, v10;
	[tilespmem:s19+$0xFFFFFF40] =	vst v37;
	v5 =	vadd.f32 v5, v18;
	v7 =	vmul.f32 v33, v7  }
0x263: {  	v42 =	vmul.f32 v13, v59;
	[tilespmem:s19+$0xFFFFFF80] =	vst v6;
	v40 =	vadd.f32 v11, v17;
	v4 =	vmul.f32 v4, v38  }
0x264: {  	v49 =	vmul.f32 v13, v32;
	[tilespmem:s19+$0xFFFFFF90] =	vst v5;
	v7 =	vadd.f32 v7, v47  }
0x265: {  	v51 =	vmul.f32 v10, v34;
	v9 =	vmul.f32 v42, v60;
	[tilespmem:s19+$0xFFFFFF50] =	vst v40;
	v4 =	vadd.f32 v4, v48  }
0x266: {  	v53 =	vmul.f32 v10, v61;
	v6 =	vmul.f32 v49, v0;
	[tilespmem:s19+$0xFFFFFF60] =	vst v7  }
0x267: {  	v54 =	vmul.f32 v10, v29;
	v1 =	vmul.f32 v51, v1;
	v9 =	vadd.f32 v9, v45;
	[tilespmem:s19+$0xFFFFFF70] =	vst v4  }
0x268: {  	v43 =	vmul.f32 v13, v27;
	v3 =	vmul.f32 v53, v3;
	v6 =	vadd.f32 v6, v47;
	v52 =	vld [tilespmem:$0x1FC30]  }
0x269: {  	v56 =	vmul.f32 v10, v27;
	v2 =	vmul.f32 v54, v2;
	v1 =	vadd.f32 v1, v16;
	[tilespmem:s19+$0xFFFFFFB0] =	vst v9  }
0x26a: {  	v44 =	vmul.f32 v13, v28;
	v3 =	vadd.f32 v3, v18;
	v7 =	vmul.f32 v43, v26;
	[tilespmem:s19+$0xFFFFFFE0] =	vst v6  }
0x26b: {  	v2 =	vadd.f32 v2, v63;
	v50 =	vmul.f32 v13, v35;
	v5 =	vmul.f32 v56, v22;
	[tilespmem:s19+$0x0] =	vst v1  }
0x26c: {  	v58 =	vmul.f32 v10, v32;
	v4 =	vmul.f32 v44, v62;
	v7 =	vadd.f32 v7, v46;
	[tilespmem:s19+$0x10] =	vst v3  }
0x26d: {  	v60 =	vmul.f32 v10, v35;
	v62 =	vadd.f32 v5, v46;
	[tilespmem:s19+$0x20] =	vst v2;
	v0 =	vmul.f32 v50, v52  }
0x26e: {  	v55 =	vmul.f32 v10, v59;
	v1 =	vmul.f32 v58, v23;
	v4 =	vadd.f32 v4, v17;
	[tilespmem:s19+$0xFFFFFFC0] =	vst v7  }
0x26f: {  	v57 =	vmul.f32 v10, v28;
	v3 =	vmul.f32 v60, v15;
	[tilespmem:s19+$0x40] =	vst v62;
	v0 =	vadd.f32 v0, v48  }
0x270: {  	v1 =	vadd.f32 v1, v47;
	[tilespmem:s19+$0xFFFFFFD0] =	vst v4;
	v4 =	vmul.f32 v55, v12  }
0x271: {  	p1 =	sne.s32 s23, $0x31;
	v63 =	vadd.f32 v3, v48;
	[tilespmem:s19+$0xFFFFFFF0] =	vst v0;
	v0 =	vmul.f32 v57, v14  }
.Ltmp1:
0x272: {  	[tilespmem:s19+$0x60] =	vst v1;
	v4 =	vadd.f32 v4, v45;
	(pc) =	sbr.rel @p1 .LBB2_6-.Ltmp1, $4  }
0x273: {  	s29 =	sadd.s32 s8, s10;
	[tilespmem:s19+$0x70] =	vst v63;
	v0 =	vadd.f32 v0, v17  }
0x274: {  	s9 =	sshll.u32 s29, $0xB;
	[tilespmem:s19+$0x30] =	vst v4  }
0x275: {  	s31 =	simm.s32 $0x600;
	s9 =	sadd.s32 s3, s9;
	[tilespmem:s19+$0x50] =	vst v0  }
0x276: {  	v58 =	vmov v34;
	v63 =	vmov v29;
	[hbm4b:s9+s4] =	stream.linear.scatter [tilespmem:s31], [sflag:$0x9], $0x4000, $0x38;
	[tilespmem:$0x1CF00] =	vst v63  }
.Ltmp2:
0x277: {  	(pc) =	sbr.rel .LBB2_7-.Ltmp2, $4  }
0x278: {  	_ = 	snop  }
0x279: {  	_ =	swait.ge [sflag:s1], $0x180  }
0x27a: {  	[sflag:s1] =	ssyncset.done $0x0  }
0x27b: {  	[sflag:s1] =	ssyncadd.s32 $0xFFFFFE80  }
.LBB2_6:
0x27c: {  	s9 =	rddreg [dreg:$0x9]  }
0x27d: {  	s9 =	sadd.s32 s10, s9  }
0x27e: {  	s9 =	smul.u32 $0x30, s9;
	_ =	sdelay $0x1  }
.Ltmp3:
0x27f: {  	s9 =	sadd.s32 s5, s9;
	(pc) =	sbr.rel @p0 .LBB2_8-.Ltmp3, $4  }
0x280: {  	[tilespmem:s4], [sflag:$0x1] =	stream.linear.gather [hbm4b:s9+s4], $0x180, $0x38;
	[tilespmem:$0x1CF00] =	vst v63  }
0x281: {  	_ =	swait.ge [sflag:s1], $0x180  }
0x282: {  	[sflag:s1] =	ssyncset.done $0x0  }
0x283: {  	[sflag:s1] =	ssyncadd.s32 $0xFFFFFE80  }
.LBB2_7:
0x284: {  	_ =	swait.ge [sflag:s18], $0x4000  }
0x285: {  	[sflag:s18] =	ssyncset.done $0x0  }
0x286: {  	[sflag:s18] =	ssyncadd.s32 $0xFFFFC000  }
.LBB2_8:
0x287: {  	s9 =	simm.s32 $0x480;
	s11 =	simm.s32 $0xC600  }
0x288: {  	[tilespmem:s11], [sflag:$0x8] =	stream.indirect.gather [hbm4b:s2+s24], $0x80, s9, s24, $0xb8;
	[tilespmem:$0x1CF00] =	vst v63  }
0x289: {  	_ =	swait.ge [sflag:s21], $0x4000  }
0x28a: {  	[sflag:s21] =	ssyncset.done $0x0  }
0x28b: {  	s14 =	simm.s32 $0x203;
	[sflag:s21] =	ssyncadd.s32 $0xFFFFC000  }
0x28c: {  	v0 =	vld [tilespmem:s14+$0x0];
	_ =	sdelay $0x3  }
0x28d: {  	v1 =	vld [tilespmem:s14+$0xFFFFFFFF]  }
0x28e: {  	s11 =	simm.s32 $0x4700;
	v2 =	vld [tilespmem:s14+$0xFFFFFFFD];
	(v2sf) =	vpush v0, $0x0  }
0x28f: {  	v3 =	vld [tilespmem:s11+$0xB0]  }
0x290: {  	v7 =	vld [tilespmem:s11+$0xC0]  }
0x291: {  	v0 =	vld [tilespmem:s14+$0xFFFFFFFE]  }
0x292: {  	v8 =	vld [tilespmem:s11+$0xD0]  }
0x293: {  	v9 =	vld [tilespmem:s11+$0xE0]  }
0x294: {  	v10 =	vld [tilespmem:s11+$0xF0]  }
0x295: {  	v25 =	vld [tilespmem:s11+$0xFFFFFF20]  }
0x296: {  	v44 =	vld [tilespmem:s11+$0xFFFFFF30];
	(v2sf) =	vpush v0, $0x0  }
0x297: {  	v48 =	vld [tilespmem:s11+$0xFFFFFF40]  }
0x298: {  	v55 =	vld [tilespmem:s11+$0xFFFFFF60]  }
0x299: {  	v56 =	vld [tilespmem:s11+$0xFFFFFF70]  }
0x29a: {  	v57 =	vld [tilespmem:s11+$0xFFFFFF80]  }
0x29b: {  	v62 =	vld [tilespmem:s11+$0xFFFFFFF0]  }
0x29c: {  	v50 =	vld [tilespmem:s11+$0x30]  }
0x29d: {  	v0 =	vld [tilespmem:s11+$0x80];
	s15 =	spop (v2sf)  }
0x29e: {  	(v2sf) =	vpush v1, $0x0;
	v1 =	vld [tilespmem:s11+$0x90];
	s9 =	sshll.u32 s15, $0x9  }
0x29f: {  	(v2sf) =	vpush v2, $0x0;
	v2 =	vld [tilespmem:s11+$0xA0];
	s9 =	sshra.s32 s9, $0x2  }
0x2a0: {  	v4 =	vld [tilespmem:s9+$0x10600]  }
0x2a1: {  	v6 =	vld [tilespmem:s9+$0x10610]  }
0x2a2: {  	v11 =	vld [tilespmem:s9+$0x10620]  }
0x2a3: {  	v12 =	vld [tilespmem:s9+$0x10630]  }
0x2a4: {  	v13 =	vld [tilespmem:s9+$0x10640]  }
0x2a5: {  	v14 =	vld [tilespmem:s9+$0x10650];
	s12 =	spop (v2sf)  }
0x2a6: {  	v15 =	vld [tilespmem:s9+$0x10660];
	s16 =	sshll.u32 s12, $0x9  }
0x2a7: {  	v16 =	vld [tilespmem:s9+$0x10670];
	s9 =	sshra.s32 s16, $0x2  }
0x2a8: {  	v26 =	vld [tilespmem:s9+$0x10600]  }
0x2a9: {  	v27 =	vld [tilespmem:s9+$0x10610]  }
0x2aa: {  	v28 =	vld [tilespmem:s9+$0x10620]  }
0x2ab: {  	v29 =	vld [tilespmem:s9+$0x10630]  }
0x2ac: {  	v30 =	vld [tilespmem:s9+$0x10640]  }
0x2ad: {  	v31 =	vld [tilespmem:s9+$0x10650]  }
0x2ae: {  	v32 =	vld [tilespmem:s9+$0x10660]  }
0x2af: {  	s13 =	spop (v2sf);
	v34 =	vld [tilespmem:s9+$0x10670]  }
0x2b0: {  	s17 =	sshll.u32 s13, $0x9;
	v5 =	vadd.f32 v4, v0;
	v0 =	vadd.f32 v15, v9;
	v9 =	vld [tilespmem:s11+$0xFFFFFF00]  }
0x2b1: {  	s12 =	sshra.s32 s17, $0x2;
	v6 =	vadd.f32 v6, v1;
	v1 =	vadd.f32 v13, v7;
	v13 =	vld [tilespmem:s11+$0xFFFFFF10]  }
0x2b2: {  	v35 =	vld [tilespmem:s12+$0x10600]  }
0x2b3: {  	v36 =	vld [tilespmem:s12+$0x10610]  }
0x2b4: {  	v37 =	vld [tilespmem:s12+$0x10620]  }
0x2b5: {  	s14 =	spop (v2sf);
	v4 =	vadd.f32 v11, v2;
	v3 =	vadd.f32 v12, v3;
	v38 =	vld [tilespmem:s12+$0x10630]  }
0x2b6: {  	s14 =	sshll.u32 s14, $0x9;
	v2 =	vadd.f32 v14, v8;
	v7 =	vadd.f32 v16, v10;
	v39 =	vld [tilespmem:s12+$0x10640]  }
0x2b7: {  	s14 =	sshra.s32 s14, $0x2;
	v40 =	vld [tilespmem:s12+$0x10650];
	v10 =	vadd.f32 v6, v5;
	v11 =	vmul.f32 v5, v5;
	v12 =	vmul.f32 v6, v6  }
0x2b8: {  	v17 =	vld [tilespmem:s14+$0x10600];
	v14 =	vadd.f32 v3, v4;
	v15 =	vmul.f32 v4, v4;
	v16 =	vmul.f32 v3, v3  }
0x2b9: {  	v18 =	vld [tilespmem:s14+$0x10610];
	v33 =	vadd.f32 v2, v1;
	v42 =	vmul.f32 v1, v1;
	v43 =	vmul.f32 v2, v2  }
0x2ba: {  	v19 =	vld [tilespmem:s14+$0x10620];
	v45 =	vadd.f32 v7, v0;
	v46 =	vmul.f32 v0, v0;
	v47 =	vmul.f32 v7, v7  }
0x2bb: {  	v20 =	vld [tilespmem:s14+$0x10630];
	v11 =	vadd.f32 v12, v11;
	v12 =	vadd.f32 v16, v15  }
0x2bc: {  	v23 =	vld [tilespmem:s14+$0x10660];
	v16 =	vadd.f32 v43, v42;
	v54 =	vadd.f32 v47, v46  }
0x2bd: {  	v21 =	vld [tilespmem:s14+$0x10640];
	v10 =	vadd.f32 v14, v10;
	v14 =	vadd.f32 v45, v33  }
0x2be: {  	v22 =	vld [tilespmem:s14+$0x10650];
	v26 =	vadd.f32 v26, v57;
	v12 =	vadd.f32 v12, v11  }
0x2bf: {  	v15 =	vld [tilespmem:s11+$0xFFFFFF50];
	v16 =	vadd.f32 v54, v16;
	v45 =	vadd.f32 v14, v10  }
0x2c0: {  	v24 =	vld [tilespmem:s14+$0x10670];
	v11 =	vadd.f32 v17, v9;
	v17 =	vadd.f32 v19, v25  }
0x2c1: {  	v14 =	vld [tilespmem:s11+$0xFFFFFFA0];
	v10 =	vadd.f32 v20, v44;
	v23 =	vadd.f32 v23, v55  }
0x2c2: {  	v9 =	vld [tilespmem:s11+$0xFFFFFF90];
	v46 =	vadd.f32 v16, v12;
	v12 =	vadd.f32 v18, v13  }
0x2c3: {  	v44 =	vld [tilespmem:s11+$0xFFFFFFE0];
	v18 =	vadd.f32 v21, v48;
	v13 =	vmul.f32 v11, v11;
	v60 =	vmul.f32 v17, v17  }
0x2c4: {  	v16 =	vld [tilespmem:s11+$0xFFFFFFB0];
	v19 =	vadd.f32 v22, v15;
	v54 =	vmul.f32 v10, v10;
	v25 =	vmul.f32 v12, v12  }
0x2c5: {  	v21 =	vld [tilespmem:s11+$0xFFFFFFC0];
	v15 =	vadd.f32 v10, v17;
	v20 =	vadd.f32 v12, v11  }
0x2c6: {  	v41 =	vld [tilespmem:s12+$0x10660];
	v47 =	vadd.f32 v54, v60;
	v43 =	vadd.f32 v25, v13  }
0x2c7: {  	v22 =	vld [tilespmem:s11+$0xFFFFFFD0];
	v25 =	vadd.f32 v24, v56;
	v24 =	vadd.f32 v19, v18  }
0x2c8: {  	v8 =	vld [tilespmem:s12+$0x10670];
	v20 =	vadd.f32 v15, v20;
	v13 =	vadd.f32 v27, v9  }
0x2c9: {  	v54 =	vld [tilespmem:s11+$0x70];
	v27 =	vadd.f32 v28, v14;
	v33 =	vadd.f32 v32, v44  }
0x2ca: {  	v57 =	vmul.f32 v23, v23;
	v15 =	vld [tilespmem:s11+$0x0];
	v29 =	vadd.f32 v29, v16;
	v30 =	vadd.f32 v30, v21  }
0x2cb: {  	v9 =	vld [tilespmem:s11+$0x10];
	v56 =	vmul.f32 v18, v18;
	v55 =	vadd.f32 v25, v23;
	v49 =	vadd.f32 v13, v26  }
0x2cc: {  	v28 =	vld [tilespmem:s11+$0x20];
	v16 =	vmul.f32 v19, v19;
	v14 =	vadd.f32 v31, v22;
	v31 =	vadd.f32 v34, v62  }
0x2cd: {  	v21 =	vld [tilespmem:s11+$0x40];
	v52 =	vmul.f32 v25, v25;
	v34 =	vadd.f32 v38, v50;
	v51 =	vadd.f32 v29, v27  }
0x2ce: {  	v22 =	vld [tilespmem:s11+$0x50];
	v53 =	vadd.f32 v16, v56;
	v24 =	vadd.f32 v55, v24  }
0x2cf: {  	(xrf2) =	vadd.scan.msk.f32 $0xffff, v45;
	v60 =	vld [tilespmem:s11+$0x60];
	v62 =	vadd.f32 v14, v30;
	v42 =	vadd.f32 v52, v57  }
0x2d0: {  	(xrf2) =	vadd.scan.msk.f32 $0xffff, v46;
	v46 =	vadd.f32 v31, v33;
	v16 =	vadd.f32 v35, v15  }
0x2d1: {  	v15 =	vadd.f32 v36, v9;
	v37 =	vadd.f32 v37, v28  }
0x2d2: {  	v9 =	vadd.f32 v8, v54;
	v52 =	vadd.f32 v51, v49  }
0x2d3: {  	v38 =	vadd.f32 v39, v21;
	v32 =	vadd.f32 v40, v22  }
0x2d4: {  	v35 =	vadd.f32 v46, v62;
	v22 =	vadd.f32 v41, v60  }
0x2d5: {  	v8 =	vadd.f32 v15, v16;
	v28 =	vadd.f32 v32, v38  }
0x2d6: {  	v21 =	vadd.f32 v34, v37;
	v50 =	vadd.f32 v9, v22  }
0x2d7: {  	v20 =	vadd.f32 v24, v20;
	v24 =	vadd.f32 v47, v43  }
0x2d8: {  	v8 =	vadd.f32 v21, v8;
	v21 =	vadd.f32 v50, v28  }
0x2d9: {  	v54 =	vadd.f32 v42, v53;
	v35 =	vadd.f32 v35, v52;
	v28, _, _ =	vpop (xrf2)  }
0x2da: {  	(xrf2) =	vadd.scan.msk.f32 $0xffff, v20;
	v8 =	vadd.f32 v21, v8;
	(v2sf) =	vpush v28, $0xF  }
0x2db: {  	v20 =	vadd.f32 v54, v24;
	v28, _, _ =	vpop (xrf2);
	(xrf2) =	vadd.scan.msk.f32 $0xffff, v35  }
0x2dc: {  	(xrf2) =	vadd.scan.msk.f32 $0xffff, v8  }
0x2dd: {  	(xrf2) =	vadd.scan.msk.f32 $0xffff, v20;
	_ =	sdelay $0x1  }
0x2de: {  	(v2sf) =	vpush v28, $0xF;
	_ =	sdelay $0x3  }
0x2df: {  	s19 =	simm.s32 $0x207  }
0x2e0: {  	v20 =	vld [tilespmem:s19+$0x0];
	v8, _, _ =	vpop (xrf2)  }
0x2e1: {  	(v2sf) =	vpush v8, $0xF;
	v8, _, _ =	vpop (xrf2)  }
0x2e2: {  	(v2sf) =	vpush v8, $0xF;
	v8, _, _ =	vpop (xrf2)  }
0x2e3: {  	(v2sf) =	vpush v8, $0xF;
	v8, _, _ =	vpop (xrf2)  }
0x2e4: {  	(v2sf) =	vpush v8, $0xF  }
0x2e5: {  	s20 =	spop (v2sf);
	(v2sf) =	vpush v20, $0x0;
	_ =	sdelay $0x4  }
0x2e6: {  	s22 =	smul.f32 $7.812500000e-03, s20;
	s25 =	spop (v2sf)  }
0x2e7: {  	s12 =	smul.f32 $7.812500000e-03, s25  }
0x2e8: {  	v39 =	vmul.f32 v30, v30;
	v8 =	vld [tilespmem:s19+$0xFFFFFFFE];
	s28 =	smul.f32 s22, s22  }
0x2e9: {  	v43 =	vmul.f32 v33, v33;
	v46 =	vmul.f32 v31, v31;
	v24 =	vld [tilespmem:s19+$0xFFFFFFFF]  }
0x2ea: {  	s17 =	simm.s32 $0x4900;
	v36 =	vld [tilespmem:s19+$0xFFFFFFFD];
	v53 =	vmul.f32 v34, v34;
	v40 =	vmul.f32 v14, v14;
	s12 =	ssub.f32 s12, s28  }
0x2eb: {  	v45 =	vld [tilespmem:s17+$0x90];
	v47 =	vmul.f32 v16, v16;
	v49 =	vmul.f32 v15, v15  }
0x2ec: {  	v48 =	vld [tilespmem:s17+$0xA0];
	v52 =	vmul.f32 v37, v37;
	v60 =	vmul.f32 v38, v38;
	s12 =	smax.f32 s12, $0.0e+00;
	s25 =	spop (v2sf)  }
0x2ed: {  	v51 =	vld [tilespmem:s17+$0xB0];
	v35 =	vmul.f32 v29, v29;
	v28 =	vmul.f32 v27, v27;
	(v2sf) =	vpush v8, $0x0;
	s12 =	sadd.f32 $9.999999960e-13, s12;
	s19 =	spop (v2sf)  }
0x2ee: {  	v42 =	vld [tilespmem:s17+$0x80];
	v62 =	vmul.f32 v32, v32;
	v21 =	vmul.f32 v13, v13;
	(v2sf) =	vpush v24, $0x0;
	s29 =	spop (v2sf)  }
0x2ef: {  	v28 =	vadd.f32 v35, v28;
	v35 =	vld [tilespmem:s17+$0xF0];
	v55 =	vmov s12;
	(v2sf) =	vpush v36, $0x0;
	s31 =	spop (v2sf)  }
0x2f0: {  	v20 =	vmul.f32 v26, v26;
	v8 =	vld [tilespmem:s17+$0xC0];
	v56 =	vshra.s32 v55, $0x1;
	v41 =	vmul.f32 $-5.000000000e-01, v55;
	s15 =	spop (v2sf)  }
0x2f1: {  	v39 =	vadd.f32 v40, v39;
	v40 =	vadd.f32 v46, v43;
	v24 =	vld [tilespmem:s17+$0xD0];
	v44 =	vsub.s32 $0x5F3759DF, v56;
	s14 =	sshll.u32 s15, $0x9  }
0x2f2: {  	v46 =	vadd.f32 v49, v47;
	v20 =	vadd.f32 v21, v20;
	v36 =	vld [tilespmem:s17+$0xE0];
	v57 =	vmul.f32 v44, v41;
	s14 =	sshra.s32 s14, $0x2  }
0x2f3: {  	v60 =	vadd.f32 v62, v60;
	v55 =	vmul.f32 v22, v22;
	v56 =	vmul.f32 v9, v9;
	v43 =	vld [tilespmem:s14+$0x10600]  }
0x2f4: {  	v20 =	vadd.f32 v28, v20;
	v21 =	vmul.f32 v44, v57;
	v57 =	vadd.f32 v53, v52;
	v52 =	vld [tilespmem:s14+$0x10620]  }
0x2f5: {  	v28 =	vadd.f32 v40, v39;
	v62 =	vadd.f32 v56, v55;
	v40 =	vld [tilespmem:s14+$0x10630]  }
0x2f6: {  	v21 =	vadd.f32 $1.500000000e+00, v21;
	v47 =	vld [tilespmem:s14+$0x10640]  }
0x2f7: {  	v56 =	vadd.f32 v57, v46;
	v57 =	vadd.f32 v62, v60;
	v46 =	vmov s22;
	v60 =	vld [tilespmem:s14+$0x10650]  }
0x2f8: {  	v53 =	vsub.f32 v7, v46;
	v7 =	vld [tilespmem:s14+$0x10670];
	v21 =	vmul.f32 v44, v21  }
0x2f9: {  	v20 =	vadd.f32 v28, v20;
	v44 =	vld [tilespmem:s14+$0x10610];
	v43 =	vadd.f32 v43, v42  }
0x2fa: {  	v62 =	vld [tilespmem:s14+$0x10660];
	v28 =	vadd.f32 v57, v56;
	v55 =	vmul.f32 v21, v41;
	v56 =	vadd.f32 v52, v48  }
0x2fb: {  	(xrf2) =	vadd.scan.msk.f32 $0xffff, v20;
	v54 =	vsub.f32 v5, v46;
	v40 =	vadd.f32 v40, v51;
	[tilespmem:$0x1FBF0] =	vst v43  }
0x2fc: {  	s16 =	spop (v2sf);
	v39 =	vmul.f32 v55, v21;
	v55 =	vsub.f32 v6, v46;
	v6 =	vadd.f32 v47, v8;
	[tilespmem:$0x1F970] =	vst v56  }
0x2fd: {  	(xrf2) =	vadd.scan.msk.f32 $0xffff, v28;
	v5 =	vadd.f32 v60, v24;
	v7 =	vadd.f32 v7, v35;
	s22 =	spop (v2sf);
	[tilespmem:$0x1F980] =	vst v40  }
0x2fe: {  	v45 =	vadd.f32 v44, v45;
	v57 =	vadd.f32 $1.500000000e+00, v39;
	v20 =	vmul.f32 v43, v43;
	[tilespmem:$0x1F990] =	vst v6;
	v39 =	vld [tilespmem:$0x1FF40];
	s20 =	spop (v2sf)  }
0x2ff: {  	v60 =	vadd.f32 v62, v36;
	v62 =	vmul.f32 v56, v56;
	v47 =	vmul.f32 v6, v6;
	[tilespmem:$0x1F9A0] =	vst v5;
	s14 =	sshll.u32 s20, $0x9  }
0x300: {  	v28 =	vadd.f32 v40, v56;
	v42 =	vmul.f32 v5, v5;
	v44 =	vmul.f32 v7, v7;
	[tilespmem:$0x1FC00] =	vst v45;
	s14 =	sshra.s32 s14, $0x2  }
0x301: {  	v8 =	vadd.f32 v45, v43;
	v43 =	vmul.f32 v60, v60;
	v35 =	vmul.f32 v57, v21;
	v49 =	vld [tilespmem:s14+$0x10600];
	[tilespmem:$0x1FBC0] =	vst v7  }
0x302: {  	v40 =	vmul.f32 v40, v40;
	v41 =	vadd.f32 v5, v6;
	v24 =	vmul.f32 v45, v45;
	[tilespmem:$0x1F9B0] =	vst v60  }
0x303: {  	v21 =	vadd.f32 v42, v47;
	v5 =	vadd.f32 v44, v43;
	v56 =	vld [tilespmem:s14+$0x10610];
	v52 =	vmul.f32 v35, v39  }
0x304: {  	v20 =	vadd.f32 v24, v20;
	v36 =	vld [tilespmem:s14+$0x10620]  }
0x305: {  	s15 =	smul.f32 $7.812500000e-03, s25;
	v24 =	vadd.f32 v40, v62;
	v48 =	vld [tilespmem:s14+$0x10630];
	v21 =	vadd.f32 v5, v21;
	v5 =	vmul.f32 v52, v53  }
0x306: {  	v57 =	vld [tilespmem:s14+$0x10640]  }
0x307: {  	v40 =	vmov s15;
	v20 =	vadd.f32 v24, v20;
	v24 =	vld [tilespmem:s14+$0x10650];
	[tilespmem:$0x1FBD0] =	vst v5  }
0x308: {  	s13 =	sshll.u32 s16, $0x9;
	v50 =	vadd.f32 v7, v60;
	v6 =	vsub.f32 v11, v40;
	v5 =	vld [tilespmem:s14+$0x10660]  }
0x309: {  	s13 =	sshra.s32 s13, $0x2;
	v8 =	vadd.f32 v28, v8;
	v62 =	vld [tilespmem:s14+$0x10670]  }
0x30a: {  	v28 =	vadd.f32 v50, v41;
	v41 =	vld [tilespmem:s13+$0x10600];
	[tilespmem:$0x1F9C0] =	vst v6;
	v6 =	vsub.f32 v17, v40;
	_ =	sdelay $0x1  }
0x30b: {  	v11 =	vld [tilespmem:s13+$0x10610];
	[tilespmem:$0x1F9D0] =	vst v6;
	v6 =	vsub.f32 v10, v40;
	_ =	sdelay $0x1  }
0x30c: {  	v17 =	vld [tilespmem:s13+$0x10620];
	[tilespmem:$0x1F9E0] =	vst v6;
	v6 =	vsub.f32 v18, v40;
	_ =	sdelay $0x1  }
0x30d: {  	[tilespmem:$0x1F9F0] =	vst v6;
	v6 =	vsub.f32 v19, v40;
	_ =	sdelay $0x1  }
0x30e: {  	v10 =	vld [tilespmem:s13+$0x10630];
	[tilespmem:$0x1FA00] =	vst v6;
	v6 =	vsub.f32 v23, v40  }
0x30f: {  	s28 =	smul.f32 $7.812500000e-03, s19  }
0x310: {  	[tilespmem:$0x1FA10] =	vst v6;
	v6 =	vsub.f32 v25, v40  }
0x311: {  	v18 =	vmov s28  }
0x312: {  	v28 =	vadd.f32 v28, v8;
	v23 =	vld [tilespmem:s13+$0x10640];
	[tilespmem:$0x1FA20] =	vst v6;
	v6 =	vsub.f32 v26, v18;
	_ =	sdelay $0x1  }
0x313: {  	v20 =	vadd.f32 v21, v20;
	[tilespmem:$0x1FA30] =	vst v6;
	v6 =	vsub.f32 v13, v18  }
0x314: {  	v60, _, _ =	vpop (xrf2);
	(xrf2) =	vadd.scan.msk.f32 $0xffff, v28  }
0x315: {  	v28, _, _ =	vpop (xrf2);
	(xrf2) =	vadd.scan.msk.f32 $0xffff, v20;
	v20 =	vmul.f32 v35, v61;
	v25 =	vld [tilespmem:s13+$0x10650];
	[tilespmem:$0x1FA40] =	vst v6;
	v6 =	vsub.f32 v27, v18;
	_ =	sdelay $0x1  }
0x316: {  	[tilespmem:$0x1FA50] =	vst v6;
	v6 =	vmul.f32 v20, v55;
	_ =	sdelay $0x1  }
0x317: {  	v26 =	vld [tilespmem:s13+$0x10660];
	[tilespmem:$0x1FBE0] =	vst v6;
	v6 =	vsub.f32 v29, v18;
	_ =	sdelay $0x1  }
0x318: {  	[tilespmem:$0x1FA60] =	vst v6;
	v6 =	vsub.f32 v30, v18;
	_ =	sdelay $0x1  }
0x319: {  	(v2sf) =	vpush v60, $0xF;
	v21 =	vmul.f32 v35, v58;
	[tilespmem:$0x1FA70] =	vst v6;
	v6 =	vsub.f32 v14, v18  }
0x31a: {  	v4 =	vsub.f32 v4, v46;
	(v2sf) =	vpush v28, $0xF;
	v28 =	vmul.f32 v35, v63  }
0x31b: {  	s29 =	smul.f32 $7.812500000e-03, s29;
	v44 =	vsub.f32 v12, v40;
	v12 =	vmul.f32 v21, v54;
	v21 =	vld [tilespmem:s17+$0xFFFFFF00];
	[tilespmem:$0x1FA80] =	vst v6;
	v6 =	vsub.f32 v33, v18  }
0x31c: {  	v51 =	vld [tilespmem:$0x1FF10];
	v14 =	vmul.f32 v28, v4;
	v4 =	vsub.f32 v31, v18  }
0x31d: {  	v27 =	vmov s29;
	[tilespmem:$0x1FA90] =	vst v6  }
0x31e: {  	v29 =	vld [tilespmem:s17+$0xFFFFFF10];
	[tilespmem:$0x1FAA0] =	vst v4;
	v4 =	vsub.f32 v16, v27;
	_ =	sdelay $0x1  }
0x31f: {  	v3 =	vsub.f32 v3, v46;
	v42 =	vmul.f32 v35, v59  }
0x320: {  	v1 =	vsub.f32 v1, v46;
	v43 =	vmul.f32 v35, v51  }
0x321: {  	s16 =	smul.f32 $7.812500000e-03, s31;
	v13 =	vmul.f32 v42, v3;
	v3 =	vsub.f32 v15, v27;
	[tilespmem:$0x1FAB0] =	vst v4;
	v4, _, _ =	vpop (xrf2)  }
0x322: {  	s15 =	smul.f32 s15, s15;
	v20 =	vmul.f32 v43, v1;
	v1 =	vsub.f32 v37, v27;
	(v2sf) =	vpush v4, $0xF;
	v4, _, _ =	vpop (xrf2)  }
0x323: {  	v16 =	vld [tilespmem:s17+$0xFFFFFF20];
	[tilespmem:$0x1FAC0] =	vst v3;
	(v2sf) =	vpush v4, $0xF;
	v4 =	vsub.f32 v34, v27  }
0x324: {  	s31 =	ssub.f32 s16, s15;
	v3 =	vld [tilespmem:s17+$0xFFFFFF30];
	[tilespmem:$0x1FAD0] =	vst v1  }
0x325: {  	v1 =	vld [tilespmem:s17+$0xFFFFFF40];
	[tilespmem:$0x1FAE0] =	vst v4;
	v4 =	vsub.f32 v38, v27  }
0x326: {  	s9 =	smax.f32 s31, $0.0e+00;
	v6 =	vsub.f32 v32, v27  }
0x327: {  	v47 =	vld [tilespmem:$0x1FF20];
	s9 =	sadd.f32 $9.999999960e-13, s9;
	[tilespmem:$0x1FAF0] =	vst v4  }
0x328: {  	v15 =	vld [tilespmem:s17+$0xFFFFFF50];
	[tilespmem:$0x1FB00] =	vst v6;
	v6 =	vsub.f32 v22, v27  }
0x329: {  	v4 =	vmov s9  }
0x32a: {  	v18 =	vshra.s32 v4, $0x1;
	v28 =	vmul.f32 $-5.000000000e-01, v4;
	v4 =	vld [tilespmem:s17+$0xFFFFFF60];
	[tilespmem:$0x1FB10] =	vst v6;
	v6 =	vsub.f32 v9, v27  }
0x32b: {  	s15 =	sshll.u32 s22, $0x9;
	v19 =	vadd.f32 v48, v3;
	v48 =	vld [tilespmem:$0x1FF30]  }
0x32c: {  	v2 =	vsub.f32 v2, v46;
	s9 =	sshra.s32 s15, $0x2;
	v22 =	vmul.f32 v35, v47;
	v30 =	vld [tilespmem:s13+$0x10670];
	[tilespmem:$0x1FB20] =	vst v6  }
0x32d: {  	v18 =	vsub.s32 $0x5F3759DF, v18;
	v27 =	vld [tilespmem:s9+$0x10600]  }
0x32e: {  	v9 =	vmul.f32 v18, v28;
	v6 =	vadd.f32 v49, v21;
	v21 =	vmul.f32 v22, v2;
	v2 =	vld [tilespmem:s17+$0xFFFFFF70]  }
0x32f: {  	s16 =	smul.f32 s28, s28;
	s19 =	spop (v2sf);
	v8 =	vadd.f32 v56, v29;
	v7 =	vadd.f32 v36, v16;
	v3 =	vld [tilespmem:s17+$0xFFFFFF80]  }
0x330: {  	s14 =	smul.f32 $7.812500000e-03, s19;
	v34 =	vadd.f32 v57, v1;
	v1 =	vmul.f32 v18, v9;
	v36 =	vadd.f32 v24, v15;
	v15 =	vld [tilespmem:s9+$0x10610]  }
0x331: {  	v5 =	vadd.f32 v5, v4;
	v4 =	vld [tilespmem:s17+$0xFFFFFF90];
	[tilespmem:$0x1FB30] =	vst v6  }
0x332: {  	v0 =	vsub.f32 v0, v46;
	s13 =	ssub.f32 s14, s16;
	v9 =	vmul.f32 v35, v48;
	v1 =	vadd.f32 $1.500000000e+00, v1;
	[tilespmem:$0x1FB40] =	vst v8  }
0x333: {  	s12 =	smul.f32 s29, s29;
	v29 =	vadd.f32 v19, v7;
	v24 =	vmul.f32 v8, v8;
	v16 =	vmul.f32 v6, v6;
	v31 =	vld [tilespmem:s17+$0xFFFFFFA0]  }
0x334: {  	s20 =	spop (v2sf);
	s13 =	smax.f32 s13, $0.0e+00;
	v22 =	vmul.f32 v9, v0;
	v0 =	vadd.f32 v8, v6;
	v18 =	vmul.f32 v18, v1;
	v1 =	vld [tilespmem:s17+$0xFFFFFFB0];
	[tilespmem:$0x1FB50] =	vst v7  }
0x335: {  	s14 =	smul.f32 $7.812500000e-03, s20;
	s13 =	sadd.f32 $9.999999960e-13, s13;
	v9 =	vadd.f32 v24, v16;
	[tilespmem:$0x1FB60] =	vst v19  }
0x336: {  	v16 =	vadd.f32 v29, v0;
	v0 =	vmul.f32 v7, v7;
	v24 =	vld [tilespmem:s17+$0xFFFFFFC0];
	v6 =	vadd.f32 v62, v2  }
0x337: {  	s12 =	ssub.f32 s14, s12;
	v49 =	vld [tilespmem:s9+$0x10630];
	v2 =	vmul.f32 v19, v19;
	v7 =	vadd.f32 v41, v3;
	v3 =	vmov s13  }
0x338: {  	v28 =	vmul.f32 v18, v28;
	v54 =	vadd.f32 v11, v4;
	v4 =	vld [tilespmem:s17+$0xFFFFFFD0];
	v29 =	vmul.f32 $-5.000000000e-01, v3  }
0x339: {  	s12 =	smax.f32 s12, $0.0e+00;
	v11 =	vadd.f32 v2, v0;
	v0 =	vshra.s32 v3, $0x1;
	v2 =	vld [tilespmem:s9+$0x10620];
	v50 =	vadd.f32 v6, v5  }
0x33a: {  	v45 =	vmovc v59;
	s22 =	sadd.f32 $9.999999960e-13, s12;
	s25 =	spop (v2sf);
	v3 =	vsub.s32 $0x5F3759DF, v0;
	v0 =	vadd.f32 v36, v34;
	v60 =	vadd.f32 v10, v1;
	v10 =	vld [tilespmem:s17+$0xFFFFFFE0];
	[tilespmem:$0x1FB70] =	vst v34  }
0x33b: {  	v53 =	vmul.f32 v5, v5;
	s12 =	smul.f32 $7.812500000e-03, s25;
	s28 =	spop (v2sf);
	v59 =	vadd.f32 v17, v31;
	v31 =	vmul.f32 v36, v36;
	[tilespmem:$0x1FB80] =	vst v36  }
0x33c: {  	s14 =	smul.f32 $7.812500000e-03, s28;
	v28 =	vmul.f32 v28, v18;
	v52 =	vld [tilespmem:s17+$0xFFFFFFF0];
	v17 =	vadd.f32 v50, v0;
	v0 =	vmul.f32 v34, v34  }
0x33d: {  	v41 =	vmovc v58;
	s29 =	smul.f32 s12, s12;
	v58 =	vadd.f32 v54, v7;
	v1 =	vmul.f32 v3, v29;
	v62 =	vadd.f32 v23, v24;
	v23 =	vld [tilespmem:s17+$0x0]  }
0x33e: {  	v55 =	vmul.f32 v6, v6;
	v28 =	vadd.f32 $1.500000000e+00, v28;
	v24 =	vadd.f32 v31, v0;
	v31 =	vld [tilespmem:s17+$0x10];
	[tilespmem:$0x1FB90] =	vst v5  }
0x33f: {  	v42 =	vmovc v63;
	s31 =	ssub.f32 s14, s29;
	v63 =	vadd.f32 v25, v4;
	v4 =	vmov s22;
	v1 =	vmul.f32 v3, v1;
	[tilespmem:$0x1FBA0] =	vst v6  }
0x340: {  	v9 =	vadd.f32 v11, v9;
	v18 =	vmul.f32 v28, v18;
	v25 =	vmul.f32 $-5.000000000e-01, v4;
	v56 =	vld [tilespmem:s17+$0x20]  }
0x341: {  	s13 =	smax.f32 s31, $0.0e+00;
	v4 =	vshra.s32 v4, $0x1;
	v5 =	vadd.f32 v60, v59;
	v0 =	vadd.f32 v26, v10;
	v26 =	vld [tilespmem:s17+$0x30]  }
0x342: {  	s13 =	sadd.f32 $9.999999960e-13, s13;
	v16 =	vadd.f32 v17, v16;
	v10 =	vsub.s32 $0x5F3759DF, v4;
	v4 =	vadd.f32 $1.500000000e+00, v1;
	v34 =	vld [tilespmem:s9+$0x10640]  }
0x343: {  	v37 =	vld [tilespmem:s9+$0x10650];
	v43 =	vadd.f32 v63, v62;
	v1 =	vadd.f32 v30, v52;
	v57 =	vmul.f32 v10, v25  }
0x344: {  	v6 =	vld [tilespmem:s17+$0x60];
	v30 =	vadd.f32 v55, v53;
	v38 =	vmov s13;
	v35 =	vmul.f32 v3, v4  }
0x345: {  	v3 =	vadd.f32 v27, v23;
	v23 =	vld [tilespmem:s17+$0x40];
	v4 =	vadd.f32 v15, v31;
	v15 =	vmul.f32 v10, v57  }
0x346: {  	v27 =	vadd.f32 v5, v58;
	v40 =	vshra.s32 v38, $0x1;
	v33 =	vmul.f32 $-5.000000000e-01, v38;
	v31 =	vld [tilespmem:s17+$0x50]  }
0x347: {  	v32 =	vsub.s32 $0x5F3759DF, v40;
	v58 =	vadd.f32 v49, v26;
	v26 =	vld [tilespmem:s9+$0x10660];
	[tilespmem:$0x1FBB0] =	vst v7;
	v15 =	vadd.f32 $1.500000000e+00, v15  }
0x348: {  	v53 =	vmul.f32 v54, v54;
	v46 =	vadd.f32 v1, v0;
	v5 =	vmul.f32 v32, v33;
	v50 =	vld [tilespmem:s9+$0x10670]  }
0x349: {  	v11 =	vadd.f32 v30, v24;
	v28 =	vmul.f32 v35, v29;
	v10 =	vmul.f32 v10, v15;
	v15 =	vld [tilespmem:s17+$0x70]  }
0x34a: {  	v2 =	vadd.f32 v2, v56;
	v49 =	vmul.f32 v7, v7;
	v36 =	vadd.f32 v46, v43  }
0x34b: {  	v43 =	vmovc v61;
	v46 =	vmul.f32 v62, v62;
	v5 =	vmul.f32 v32, v5;
	v61 =	vadd.f32 v34, v23  }
0x34c: {  	v7 =	vmul.f32 v0, v0;
	v23 =	vadd.f32 v53, v49;
	v56 =	vadd.f32 v37, v31  }
0x34d: {  	v55 =	vmul.f32 v4, v4;
	v53 =	vadd.f32 v26, v6;
	v6 =	vadd.f32 $1.500000000e+00, v5  }
0x34e: {  	v31 =	vmul.f32 v60, v60;
	v5 =	vmul.f32 v1, v1;
	v57 =	vadd.f32 v50, v15  }
0x34f: {  	v29 =	vadd.f32 v4, v3;
	v26 =	vmul.f32 v59, v59;
	v6 =	vmul.f32 v32, v6  }
0x350: {  	v7 =	vadd.f32 v5, v7;
	v8 =	vmul.f32 v53, v53;
	v5 =	vmul.f32 v57, v57  }
0x351: {  	v28 =	vmul.f32 v28, v35;
	v49 =	vmul.f32 v63, v63;
	v15 =	vadd.f32 v31, v26  }
0x352: {  	v31 =	vadd.f32 v58, v2;
	v32 =	vmul.f32 v6, v33;
	v5 =	vadd.f32 v5, v8;
	v8 =	vld [tilespmem:$0x1FBC0]  }
0x353: {  	v28 =	vadd.f32 $1.500000000e+00, v28;
	v37 =	vmov s12;
	v50 =	vadd.f32 v56, v61  }
0x354: {  	v29 =	vadd.f32 v31, v29;
	v31 =	vmul.f32 v3, v3;
	v32 =	vmul.f32 v32, v6  }
0x355: {  	v17 =	vmul.f32 v10, v25;
	v52 =	vadd.f32 v57, v53;
	v23 =	vadd.f32 v15, v23  }
0x356: {  	v25 =	vmul.f32 v28, v35;
	v31 =	vadd.f32 v55, v31;
	v55 =	vld [tilespmem:$0x1FFB0];
	v28 =	vadd.f32 $1.500000000e+00, v32  }
0x357: {  	v17 =	vmul.f32 v17, v10;
	v15 =	vsub.f32 v8, v37;
	v8 =	vadd.f32 v11, v9;
	v9 =	vld [tilespmem:$0x1FBD0]  }
0x358: {  	v26 =	vadd.f32 v49, v46;
	v33 =	vadd.f32 v52, v50;
	v52 =	vmul.f32 v28, v6;
	_ =	sdelay $0x1  }
0x359: {  	v6 =	vadd.f32 v7, v26;
	v7 =	vadd.f32 $1.500000000e+00, v17;
	v17 =	vmul.f32 v52, v39;
	_ =	sdelay $0x1  }
0x35a: {  	v19 =	vmul.f32 v17, v15;
	v15 =	vadd.f32 v9, v55;
	_ =	sdelay $0x1  }
0x35b: {  	(xrf2) =	vadd.scan.msk.f32 $0xffff, v16;
	v16 =	vld [tilespmem:$0x1FFC0];
	[tilespmem:s11+$0xF0] =	vst v15  }
0x35c: {  	v15 =	vld [tilespmem:$0x1FF50]  }
0x35d: {  	v17 =	vld [tilespmem:$0x1FBE0];
	_ =	sdelay $0x1  }
0x35e: {  	v24 =	vadd.f32 v36, v27;
	_ =	sdelay $0x1  }
0x35f: {  	(xrf2) =	vadd.scan.msk.f32 $0xffff, v24;
	v24 =	vadd.f32 v12, v16  }
0x360: {  	v28 =	vadd.f32 v17, v15  }
0x361: {  	[tilespmem:s11+$0x80] =	vst v24  }
0x362: {  	v24 =	vld [tilespmem:$0x1FF60];
	[tilespmem:s11+$0x90] =	vst v28  }
0x363: {  	v28 =	vld [tilespmem:$0x1FF70];
	_ =	sdelay $0x3  }
0x364: {  	v14 =	vadd.f32 v14, v24  }
0x365: {  	v13 =	vadd.f32 v13, v28  }
0x366: {  	[tilespmem:s11+$0xA0] =	vst v14  }
0x367: {  	v14 =	vld [tilespmem:$0x1FF80];
	[tilespmem:s11+$0xB0] =	vst v13  }
0x368: {  	v13 =	vld [tilespmem:$0x1FF90];
	_ =	sdelay $0x3  }
0x369: {  	v40 =	vmul.f32 v2, v2;
	v46 =	vmul.f32 v58, v58;
	v14 =	vadd.f32 v20, v14  }
0x36a: {  	v13 =	vadd.f32 v21, v13  }
0x36b: {  	v49 =	vmul.f32 v61, v61;
	v34 =	vadd.f32 v46, v40;
	v50 =	vmul.f32 v56, v56;
	[tilespmem:s11+$0xC0] =	vst v14  }
0x36c: {  	v30 =	vmul.f32 v25, v51;
	v32 =	vmul.f32 v25, v39;
	[tilespmem:s11+$0xD0] =	vst v13  }
0x36d: {  	v38 =	vadd.f32 v50, v49;
	v27 =	vadd.f32 v34, v31;
	v31 =	vmul.f32 v25, v47;
	v13 =	vld [tilespmem:$0x1FFA0]  }
0x36e: {  	v34 =	vmul.f32 v25, v48;
	v26 =	vadd.f32 v33, v29;
	v7 =	vmul.f32 v7, v10  }
0x36f: {  	v33 =	vmul.f32 v25, v45;
	v5 =	vadd.f32 v5, v38;
	v38 =	vmul.f32 v25, v42  }
0x370: {  	v36 =	vmul.f32 v7, v41;
	v35 =	vmul.f32 v7, v43  }
0x371: {  	v5 =	vadd.f32 v5, v27;
	v29 =	vmul.f32 v7, v45;
	v27 =	vmul.f32 v7, v51  }
0x372: {  	(xrf2) =	vadd.scan.msk.f32 $0xffff, v26;
	v26 =	vmul.f32 v7, v48;
	v24 =	vmul.f32 v25, v41;
	v13 =	vadd.f32 v22, v13  }
0x373: {  	v28 =	vmul.f32 v25, v43;
	v25 =	vmul.f32 v7, v47  }
0x374: {  	v14 =	vmul.f32 v7, v42;
	[tilespmem:s11+$0xE0] =	vst v13;
	v13 =	vmul.f32 v7, v39;
	v7 =	vadd.f32 v19, v55  }
0x375: {  	v6 =	vadd.f32 v6, v23  }
0x376: {  	v12 =	vmul.f32 v18, v45;
	(xrf2) =	vadd.scan.msk.f32 $0xffff, v8;
	[tilespmem:s17+$0xF0] =	vst v7  }
0x377: {  	v16 =	vmul.f32 v18, v51;
	v11 =	vmul.f32 v18, v41;
	v20, _, _ =	vpop (xrf2);
	(xrf2) =	vadd.scan.msk.f32 $0xffff, v6;
	v6 =	vld [tilespmem:$0x1FBF0]  }
0x378: {  	v10 =	vmul.f32 v18, v42;
	v23 =	vmul.f32 v52, v41;
	v8, _, _ =	vpop (xrf2);
	(xrf2) =	vadd.scan.msk.f32 $0xffff, v5;
	v5 =	vld [tilespmem:$0x1FC00]  }
0x379: {  	v9 =	vmul.f32 v18, v43;
	v15 =	vmul.f32 v18, v47  }
0x37a: {  	v17 =	vmul.f32 v18, v48;
	v18 =	vmul.f32 v18, v39;
	(v2sf) =	vpush v20, $0xF  }
0x37b: {  	v20 =	vmul.f32 v52, v43;
	(v2sf) =	vpush v8, $0xF;
	v8 =	vmul.f32 v52, v45  }
0x37c: {  	v19 =	vmul.f32 v52, v42;
	v7 =	vmul.f32 v52, v51;
	v22 =	vsub.f32 v6, v37  }
0x37d: {  	s19 =	simm.s32 $0x4900;
	s9 =	simm.s32 $0x4;
	s12 =	simm.s32 $0x20B;
	v21 =	vsub.f32 v5, v37;
	v6 =	vmul.f32 v52, v47;
	v5 =	vmul.f32 v52, v48  }
.LBB2_9:
0x37e: {  	_ =	sdelay $0x3  }
0x37f: {  	v9 =	vmul.f32 v9, v44;
	v44 =	vld [tilespmem:$0x1F9E0];
	_ =	sdelay $0x3  }
0x380: {  	v39 =	vld [tilespmem:$0x1F970]  }
0x381: {  	v44 =	vmul.f32 v12, v44;
	v12 =	vld [tilespmem:$0x1F9F0];
	_ =	sdelay $0x2  }
0x382: {  	v51 =	vld [tilespmem:$0x1F9C0]  }
0x383: {  	v42 =	vld [tilespmem:$0x1F9B0]  }
0x384: {  	v45 =	vsub.f32 v39, v37;
	v39 =	vmul.f32 v16, v12;
	v12 =	vld [tilespmem:$0x1FA00];
	_ =	sdelay $0x2  }
0x385: {  	v43, _, _ =	vpop (xrf2)  }
0x386: {  	(v2sf) =	vpush v43, $0xF;
	v43 =	vld [tilespmem:$0x1F9D0]  }
0x387: {  	v11 =	vmul.f32 v11, v51;
	v51 =	vsub.f32 v42, v37;
	v42 =	vmul.f32 v15, v12;
	v12 =	vld [tilespmem:$0x1FA10];
	_ =	sdelay $0x1  }
0x388: {  	v50 =	vld [tilespmem:$0x1F980]  }
0x389: {  	v52 =	vld [tilespmem:$0x1F990]  }
0x38a: {  	v55 =	vld [tilespmem:$0x1F9A0]  }
0x38b: {  	v10 =	vmul.f32 v10, v43;
	v43 =	vmul.f32 v17, v12;
	v12 =	vld [tilespmem:$0x1FA40];
	_ =	sdelay $0x2  }
0x38c: {  	v46 =	vsub.f32 v50, v37  }
0x38d: {  	v48 =	vsub.f32 v52, v37;
	v50 =	vsub.f32 v55, v37;
	v55 =	vld [tilespmem:$0x1FFC0];
	v37, _, _ =	vpop (xrf2)  }
0x38e: {  	(v2sf) =	vpush v37, $0xF;
	v37 =	vmul.f32 v28, v12;
	v12 =	vld [tilespmem:$0x1FA50];
	_ =	sdelay $0x2  }
0x38f: {  	v40 =	vld [tilespmem:s12+$0x0]  }
0x390: {  	v52 =	vld [tilespmem:s12+$0xFFFFFFFD];
	v11 =	vadd.f32 v11, v55  }
0x391: {  	v38 =	vmul.f32 v38, v12;
	v12 =	vld [tilespmem:$0x1FA60]  }
0x392: {  	[tilespmem:s11+$0xFFFFFF00] =	vst v11;
	v11 =	vld [tilespmem:$0x1FA20];
	_ =	sdelay $0x1  }
0x393: {  	v47 =	vld [tilespmem:s12+$0xFFFFFFFE]  }
0x394: {  	v49 =	vld [tilespmem:s12+$0xFFFFFFFF]  }
0x395: {  	v33 =	vmul.f32 v33, v12;
	v12 =	vld [tilespmem:$0x1FA70]  }
0x396: {  	(v2sf) =	vpush v40, $0x0;
	v40 =	vmul.f32 v18, v11;
	v11 =	vld [tilespmem:$0x1FA30];
	_ =	sdelay $0x2  }
0x397: {  	(v2sf) =	vpush v47, $0x0  }
0x398: {  	(v2sf) =	vpush v49, $0x0;
	v30 =	vmul.f32 v30, v12;
	v12 =	vld [tilespmem:$0x1FA80]  }
0x399: {  	(v2sf) =	vpush v52, $0x0;
	v41 =	vmul.f32 v24, v11;
	v11, _, _ =	vpop (xrf2)  }
0x39a: {  	(v2sf) =	vpush v11, $0xF;
	v11, _, _ =	vpop (xrf2)  }
0x39b: {  	s13 =	spop (v2sf);
	(v2sf) =	vpush v11, $0xF;
	v11 =	vld [tilespmem:$0x1FAC0]  }
0x39c: {  	v52 =	vld [tilespmem:$0x1FF50]  }
0x39d: {  	v24 =	vmul.f32 v31, v12;
	v12 =	vld [tilespmem:$0x1FA90];
	_ =	sdelay $0x2  }
0x39e: {  	v15 =	vmul.f32 v35, v11;
	v11 =	vld [tilespmem:$0x1FAD0]  }
0x39f: {  	v31 =	vadd.f32 v9, v52;
	v9 =	vld [tilespmem:$0x1FAE0]  }
0x3a0: {  	v28 =	vmul.f32 v34, v12;
	v12 =	vld [tilespmem:$0x1FAA0];
	_ =	sdelay $0x3  }
0x3a1: {  	v16 =	vmul.f32 v14, v11;
	v14 =	vmul.f32 v29, v9;
	v9 =	vld [tilespmem:$0x1FAF0]  }
0x3a2: {  	v18 =	vmul.f32 v32, v12;
	v12 =	vld [tilespmem:$0x1FAB0];
	_ =	sdelay $0x3  }
0x3a3: {  	v47 =	vld [tilespmem:$0x1FF60]  }
0x3a4: {  	v17 =	vmul.f32 v36, v12;
	v12 =	vmul.f32 v27, v9;
	v9 =	vld [tilespmem:$0x1FB00]  }
0x3a5: {  	v29 =	vmul.f32 v20, v21;
	v21 =	vld [tilespmem:$0x1FB50];
	_ =	sdelay $0x1  }
0x3a6: {  	s13 =	smul.f32 $7.812500000e-03, s13;
	_ =	sdelay $0x1  }
0x3a7: {  	v27 =	vadd.f32 v10, v47;
	v10 =	vmul.f32 v25, v9;
	v25 =	vmov s13  }
0x3a8: {  	v9 =	vld [tilespmem:$0x1FB10];
	v21 =	vsub.f32 v21, v25;
	_ =	sdelay $0x1  }
0x3a9: {  	[tilespmem:$0x1F9D0] =	vst v21;
	v21 =	vld [tilespmem:$0x1FB60];
	_ =	sdelay $0x2  }
0x3aa: {  	v11 =	vmul.f32 v26, v9;
	v9 =	vmul.f32 v23, v22;
	v23 =	vld [tilespmem:$0x1FB90]  }
0x3ab: {  	v22 =	vld [tilespmem:$0x1FB20]  }
0x3ac: {  	v21 =	vsub.f32 v21, v25;
	_ =	sdelay $0x1  }
0x3ad: {  	[tilespmem:$0x1F9E0] =	vst v21;
	v21 =	vld [tilespmem:$0x1FB70]  }
0x3ae: {  	v23 =	vsub.f32 v23, v25  }
0x3af: {  	v13 =	vmul.f32 v13, v22;
	v22 =	vld [tilespmem:$0x1FB30]  }
0x3b0: {  	[tilespmem:$0x1FA10] =	vst v23;
	v23 =	vld [tilespmem:$0x1FBA0];
	_ =	sdelay $0x1  }
0x3b1: {  	v21 =	vsub.f32 v21, v25;
	_ =	sdelay $0x1  }
0x3b2: {  	v22 =	vsub.f32 v22, v25;
	[tilespmem:$0x1F9F0] =	vst v21;
	v21 =	vld [tilespmem:$0x1FB80]  }
0x3b3: {  	v23 =	vsub.f32 v23, v25  }
0x3b4: {  	v37 =	vadd.f32 v37, v52;
	[tilespmem:$0x1F9C0] =	vst v22;
	v22 =	vld [tilespmem:$0x1FB40]  }
0x3b5: {  	v38 =	vadd.f32 v38, v47;
	[tilespmem:$0x1FA20] =	vst v23;
	v23 =	vld [tilespmem:$0x1FBB0]  }
0x3b6: {  	s16 =	spop (v2sf);
	s28 =	smul.f32 s13, s13;
	[tilespmem:s11+$0xFFFFFF90] =	vst v37  }
0x3b7: {  	[tilespmem:s11+$0xFFFFFFA0] =	vst v38;
	s13 =	smul.f32 $7.812500000e-03, s16;
	v21 =	vsub.f32 v21, v25  }
0x3b8: {  	[tilespmem:s11+$0xFFFFFF10] =	vst v31  }
0x3b9: {  	v22 =	vsub.f32 v22, v25;
	[tilespmem:$0x1FA00] =	vst v21;
	v21 =	vmov s13  }
0x3ba: {  	[tilespmem:s11+$0xFFFFFF20] =	vst v27;
	v23 =	vsub.f32 v23, v21  }
0x3bb: {  	[tilespmem:$0x1F960] =	vst v22;
	v0 =	vsub.f32 v0, v21  }
0x3bc: {  	v49 =	vmul.f32 v7, v48;
	v7 =	vsub.f32 v59, v21;
	[tilespmem:$0x1FA30] =	vst v23  }
0x3bd: {  	s20 =	spop (v2sf);
	s14 =	smul.f32 s13, s13;
	[tilespmem:$0x1FA90] =	vst v0;
	v0 =	vsub.f32 v1, v21  }
0x3be: {  	s13 =	smul.f32 $7.812500000e-03, s20;
	[tilespmem:$0x1FA50] =	vst v7;
	v7 =	vsub.f32 v60, v21  }
0x3bf: {  	s17 =	sadd.s32 $0x200, s17;
	[tilespmem:$0x1FAA0] =	vst v0;
	v0 =	vmul.f32 v5, v51  }
0x3c0: {  	s22 =	spop (v2sf);
	v31 =	vmul.f32 v19, v45;
	v19 =	vld [tilespmem:s17+$0x90];
	v26 =	vsub.f32 v62, v21;
	[tilespmem:$0x1FA60] =	vst v7;
	v7 =	vmov s13  }
0x3c1: {  	s16 =	spop (v2sf);
	v59 =	vld [tilespmem:$0x1FF90];
	[tilespmem:$0x1F950] =	vst v0;
	v0 =	vsub.f32 v3, v7  }
0x3c2: {  	v20 =	vld [tilespmem:s17+$0x80];
	s25 =	sshll.u32 s16, $0x9;
	s29 =	spop (v2sf);
	v23 =	vsub.f32 v54, v21;
	[tilespmem:$0x1FA70] =	vst v26  }
0x3c3: {  	v32 =	vmul.f32 v8, v46;
	v8 =	vld [tilespmem:s17+$0xB0];
	s16 =	sshll.u32 s29, $0x9;
	s29 =	sshra.s32 s25, $0x2;
	[tilespmem:$0x1FAB0] =	vst v0;
	v0 =	vsub.f32 v4, v7  }
0x3c4: {  	v27 =	vld [tilespmem:s29+$0x10640];
	v26 =	vsub.f32 v63, v21;
	[tilespmem:$0x1FA40] =	vst v23  }
0x3c5: {  	v54 =	vld [tilespmem:$0x1FF80];
	[tilespmem:$0x1FAC0] =	vst v0;
	v0 =	vsub.f32 v2, v7  }
0x3c6: {  	v50 =	vmul.f32 v6, v50;
	v25 =	vld [tilespmem:s17+$0xD0];
	[tilespmem:$0x1FA80] =	vst v26;
	v6 =	vadd.f32 v42, v59  }
0x3c7: {  	v22 =	vld [tilespmem:s17+$0xA0];
	[tilespmem:$0x1FAD0] =	vst v0;
	v0 =	vsub.f32 v58, v7  }
0x3c8: {  	v21 =	vld [tilespmem:s29+$0x10630];
	v24 =	vadd.f32 v24, v59;
	[tilespmem:s11+$0xFFFFFF50] =	vst v6  }
0x3c9: {  	v60 =	vld [tilespmem:s29+$0x10660];
	[tilespmem:$0x1FAE0] =	vst v0;
	v0 =	vsub.f32 v61, v7  }
0x3ca: {  	v1 =	vadd.f32 v39, v54;
	[tilespmem:s11+$0xFFFFFFD0] =	vst v24;
	v4 =	vld [tilespmem:s29+$0x10620]  }
0x3cb: {  	s31 =	spop (v2sf);
	v23 =	vld [tilespmem:s17+$0xC0];
	[tilespmem:$0x1FAF0] =	vst v0;
	v0 =	vsub.f32 v56, v7  }
0x3cc: {  	s20 =	smul.f32 $7.812500000e-03, s22;
	s22 =	spop (v2sf);
	v5 =	vld [tilespmem:s17+$0xF0];
	v30 =	vadd.f32 v30, v54;
	[tilespmem:s11+$0xFFFFFF40] =	vst v1  }
0x3cd: {  	s25 =	sshra.s32 s16, $0x2;
	s16 =	sshll.u32 s22, $0x9;
	s15 =	smul.f32 s13, s13;
	v58 =	vadd.f32 v41, v55;
	[tilespmem:$0x1FB00] =	vst v0;
	v0 =	vsub.f32 v53, v7;
	v53 =	vld [tilespmem:$0x1FF70]  }
0x3ce: {  	s20 =	ssub.f32 s20, s28;
	s13 =	sshll.u32 s31, $0x9;
	s31 =	spop (v2sf);
	v39 =	vld [tilespmem:$0x1FFA0];
	[tilespmem:s11+$0xFFFFFFC0] =	vst v30  }
0x3cf: {  	s22 =	sshra.s32 s13, $0x2;
	s13 =	sshra.s32 s16, $0x2;
	s16 =	smul.f32 $7.812500000e-03, s31;
	v63 =	vadd.f32 v4, v22;
	[tilespmem:s11+$0xFFFFFF80] =	vst v58;
	v56 =	vld [tilespmem:s29+$0x10650]  }
0x3d0: {  	v61 =	vld [tilespmem:s29+$0x10670];
	[tilespmem:$0x1FB10] =	vst v0;
	v0 =	vsub.f32 v57, v7  }
0x3d1: {  	s20 =	smax.f32 s20, $0.0e+00;
	v26 =	vld [tilespmem:s17+$0xE0];
	s14 =	ssub.f32 s16, s14;
	v22 =	vadd.f32 v27, v23;
	[tilespmem:$0x1F970] =	vst v63  }
0x3d2: {  	v51 =	vld [tilespmem:$0x1FFB0];
	s16 =	sadd.f32 $9.999999960e-13, s20;
	[tilespmem:$0x1FB20] =	vst v0;
	v0 =	vadd.f32 v44, v53  }
0x3d3: {  	v3 =	vld [tilespmem:s29+$0x10600];
	v48 =	vadd.f32 v21, v8;
	[tilespmem:$0x1F990] =	vst v22;
	v33 =	vadd.f32 v33, v53  }
0x3d4: {  	v62 =	vmov s16;
	v2 =	vld [tilespmem:s29+$0x10610];
	v7 =	vadd.f32 v43, v39;
	v56 =	vadd.f32 v56, v25;
	[tilespmem:s11+$0xFFFFFF30] =	vst v0  }
0x3d5: {  	v28 =	vadd.f32 v28, v39;
	v8 =	vadd.f32 v61, v5;
	v5 =	vmul.f32 $-5.000000000e-01, v62;
	[tilespmem:s11+$0xFFFFFFB0] =	vst v33;
	v0 =	vld [tilespmem:s13+$0x10600]  }
0x3d6: {  	v25 =	vshra.s32 v62, $0x1;
	v62 =	vmul.f32 v22, v22;
	v58 =	vadd.f32 v56, v22;
	[tilespmem:s11+$0xFFFFFF60] =	vst v7;
	v22 =	vld [tilespmem:s25+$0x10600]  }
0x3d7: {  	v57 =	vadd.f32 v40, v51;
	[tilespmem:s11+$0xFFFFFFE0] =	vst v28;
	v1 =	vld [tilespmem:s13+$0x10610]  }
0x3d8: {  	v27 =	vadd.f32 v48, v63;
	[tilespmem:$0x1F9A0] =	vst v56;
	v24 =	vld [tilespmem:s25+$0x10610]  }
0x3d9: {  	[tilespmem:s11+$0xFFFFFF70] =	vst v57;
	v57 =	vadd.f32 v60, v26;
	v60 =	vmul.f32 v63, v63;
	v63 =	vmul.f32 v56, v56;
	v56 =	vld [tilespmem:s25+$0x10620]  }
0x3da: {  	s14 =	smax.f32 s14, $0.0e+00;
	v28 =	vld [tilespmem:s25+$0x10630]  }
0x3db: {  	s31 =	spop (v2sf);
	s14 =	sadd.f32 $9.999999960e-13, s14;
	v7 =	vadd.f32 v3, v20;
	v3 =	vld [tilespmem:s13+$0x10620]  }
0x3dc: {  	s31 =	smul.f32 $7.812500000e-03, s31;
	v6 =	vadd.f32 v2, v19;
	v4 =	vld [tilespmem:s13+$0x10630]  }
0x3dd: {  	v2 =	vmov s14;
	v19 =	vld [tilespmem:s13+$0x10640]  }
0x3de: {  	s15 =	ssub.f32 s31, s15;
	v42 =	vshra.s32 v2, $0x1;
	v61 =	vmul.f32 v48, v48;
	v20 =	vld [tilespmem:s13+$0x10650];
	v26 =	vadd.f32 v6, v7  }
0x3df: {  	v36 =	vmul.f32 v6, v6;
	v34 =	vmul.f32 v7, v7;
	v21 =	vld [tilespmem:s13+$0x10660];
	v30 =	vadd.f32 v8, v57  }
0x3e0: {  	s15 =	smax.f32 s15, $0.0e+00;
	v23 =	vld [tilespmem:s13+$0x10670];
	v41 =	vmul.f32 v57, v57;
	v44 =	vadd.f32 v61, v60;
	v26 =	vadd.f32 v27, v26  }
0x3e1: {  	s15 =	sadd.f32 $9.999999960e-13, s15;
	[tilespmem:$0x1F9B0] =	vst v57;
	v57 =	vld [tilespmem:s25+$0x10640];
	v43 =	vadd.f32 v36, v34;
	v36 =	vmul.f32 $-5.000000000e-01, v2;
	v2 =	vadd.f32 v63, v62  }
0x3e2: {  	v63 =	vadd.f32 v18, v51;
	v18 =	vld [tilespmem:s22+$0x10600];
	v27 =	vadd.f32 v30, v58;
	v30 =	vmul.f32 v8, v8  }
0x3e3: {  	v35 =	vmov s15;
	v58 =	vld [tilespmem:s25+$0x10650];
	v33 =	vadd.f32 v44, v43  }
0x3e4: {  	v44 =	vld [tilespmem:$0x1FFF0];
	v30 =	vadd.f32 v30, v41;
	v26 =	vadd.f32 v27, v26;
	v27 =	vsub.s32 $0x5F3759DF, v25  }
0x3e5: {  	v17 =	vadd.f32 v17, v55;
	v46 =	vshra.s32 v35, $0x1;
	v25 =	vld [tilespmem:s25+$0x10660];
	v60 =	vmul.f32 v27, v5  }
0x3e6: {  	v35 =	vmul.f32 $-5.000000000e-01, v35;
	v37 =	vsub.s32 $0x5F3759DF, v46;
	v2 =	vadd.f32 v30, v2;
	(xrf2) =	vadd.scan.msk.f32 $0xffff, v26;
	v26 =	vld [tilespmem:s25+$0x10670]  }
0x3e7: {  	v30 =	vsub.s32 $0x5F3759DF, v42;
	v34 =	vmul.f32 v27, v60;
	v60 =	vadd.f32 v15, v52;
	v15 =	vld [tilespmem:s22+$0x10620]  }
0x3e8: {  	v62 =	vmul.f32 v37, v35;
	[tilespmem:s11+$0xFFFFFFF0] =	vst v63;
	v63 =	vadd.f32 v29, v52;
	v61 =	vmul.f32 v30, v36;
	v52 =	vld [tilespmem:s17+$0xFFFFFF30]  }
0x3e9: {  	v12 =	vadd.f32 v12, v54;
	[tilespmem:$0x1F980] =	vst v48;
	v33 =	vadd.f32 v2, v33;
	v2 =	vld [tilespmem:s22+$0x10610]  }
0x3ea: {  	v48 =	vmul.f32 v37, v62;
	v38 =	vmul.f32 v30, v61;
	v61 =	vadd.f32 v16, v47;
	v16 =	vld [tilespmem:s22+$0x10630];
	[tilespmem:s11+$0x0] =	vst v17  }
0x3eb: {  	v14 =	vadd.f32 v14, v53;
	v34 =	vadd.f32 $1.500000000e+00, v34;
	v17 =	vld [tilespmem:s22+$0x10640]  }
0x3ec: {  	(xrf2) =	vadd.scan.msk.f32 $0xffff, v33;
	v33 =	vadd.f32 $1.500000000e+00, v48;
	[tilespmem:s11+$0x10] =	vst v60;
	v48 =	vadd.f32 v49, v54;
	v54 =	vld [tilespmem:s17+$0xFFFFFF40]  }
0x3ed: {  	v34 =	vmul.f32 v27, v34;
	v27 =	vld [tilespmem:s22+$0x10650];
	[tilespmem:s11+$0x20] =	vst v61  }
0x3ee: {  	v31 =	vadd.f32 v31, v47;
	v41 =	vld [tilespmem:s22+$0x10660];
	[tilespmem:s11+$0x30] =	vst v14  }
0x3ef: {  	v10 =	vadd.f32 v10, v59;
	v33 =	vmul.f32 v37, v33;
	v62 =	vmul.f32 v34, v5;
	v5 =	vld [tilespmem:s22+$0x10670]  }
0x3f0: {  	v9 =	vadd.f32 v9, v55;
	v38 =	vadd.f32 $1.500000000e+00, v38;
	[tilespmem:s11+$0x40] =	vst v12;
	v12 =	vld [tilespmem:s17+$0xFFFFFF00]  }
0x3f1: {  	v13 =	vadd.f32 v13, v51;
	v11 =	vadd.f32 v11, v39;
	[tilespmem:s11+$0x50] =	vst v10;
	v10 =	vld [tilespmem:s17+$0xFFFFFF10];
	v14 =	vmul.f32 v33, v35  }
0x3f2: {  	v32 =	vadd.f32 v32, v53;
	v49 =	vld [tilespmem:s17+$0xFFFFFF20];
	v30 =	vmul.f32 v30, v38;
	v37 =	vmul.f32 v62, v34  }
0x3f3: {  	v61 =	vld [tilespmem:s17+$0xFFFFFF80];
	v60 =	vadd.f32 v4, v52;
	[tilespmem:s11+$0x60] =	vst v11;
	v62 =	vadd.f32 v19, v54;
	v29, _, _ =	vpop (xrf2);
	v14 =	vmul.f32 v14, v33  }
0x3f4: {  	v42 =	vld [tilespmem:$0x1FFD0];
	[tilespmem:s11+$0x70] =	vst v13;
	s11 =	smov.u32 s19;
	v36 =	vmul.f32 v30, v36;
	v11 =	vadd.f32 $1.500000000e+00, v37;
	(v2sf) =	vpush v29, $0xF  }
0x3f5: {  	[tilespmem:s11+$0x90] =	vst v63;
	v63 =	vld [tilespmem:s17+$0xFFFFFF90];
	v53 =	vadd.f32 $1.500000000e+00, v14;
	v55 =	vadd.f32 v0, v12  }
0x3f6: {  	[tilespmem:s11+$0xA0] =	vst v31;
	v36 =	vmul.f32 v36, v30;
	v0 =	vld [tilespmem:s17+$0xFFFFFF50];
	v12 =	vadd.f32 v50, v59;
	v31 =	vadd.f32 v1, v10;
	v13, _, _ =	vpop (xrf2)  }
0x3f7: {  	v1 =	vld [tilespmem:s17+$0xFFFFFF60];
	v59 =	vadd.f32 v3, v49;
	(v2sf) =	vpush v13, $0xF  }
0x3f8: {  	v3 =	vld [tilespmem:s17+$0xFFFFFF70];
	v49 =	vadd.f32 v22, v61;
	v36 =	vadd.f32 $1.500000000e+00, v36;
	v29 =	vmul.f32 v11, v34  }
0x3f9: {  	v46 =	vld [tilespmem:s17+$0xFFFFFFA0];
	v4 =	vadd.f32 v31, v55;
	[tilespmem:$0x1FB40] =	vst v31;
	v31 =	vmul.f32 v31, v31;
	v19 =	vmul.f32 v59, v59  }
0x3fa: {  	v43 =	vld [tilespmem:$0x1FFE0];
	v54 =	vadd.f32 v24, v63;
	v14 =	vmul.f32 v36, v30;
	v13 =	vmul.f32 v53, v33  }
0x3fb: {  	v50 =	vld [tilespmem:$0x1FF00];
	v11 =	vmul.f32 v29, v42;
	v30 =	vmul.f32 v55, v55;
	v45 =	vadd.f32 v20, v0  }
0x3fc: {  	[tilespmem:s11+$0x80] =	vst v9;
	v9 =	vmul.f32 v29, v44;
	v53 =	vld [tilespmem:s17+$0x60];
	v0 =	vadd.f32 v60, v59;
	v47 =	vadd.f32 v21, v1  }
0x3fd: {  	[tilespmem:s11+$0xC0] =	vst v48;
	v24 =	vld [tilespmem:s17+$0xFFFFFFE0];
	v20 =	vmul.f32 v60, v60;
	v21 =	vadd.f32 v31, v30;
	v48 =	vadd.f32 v23, v3  }
0x3fe: {  	[tilespmem:$0x1FB50] =	vst v59;
	v1 =	vmul.f32 v62, v62;
	v30 =	vld [tilespmem:s17+$0xFFFFFFB0];
	v59 =	vadd.f32 v56, v46;
	v3 =	vadd.f32 v45, v62  }
0x3ff: {  	v31 =	vld [tilespmem:s17+$0xFFFFFFC0];
	v23 =	vmul.f32 v45, v45;
	v35 =	vadd.f32 v0, v4;
	v22 =	vadd.f32 v48, v47  }
0x400: {  	[tilespmem:s11+$0xB0] =	vst v32;
	v56 =	vld [tilespmem:s17+$0x0];
	v4 =	vmul.f32 v47, v47;
	v32 =	vmul.f32 v48, v48;
	v19 =	vadd.f32 v20, v19  }
0x401: {  	[tilespmem:$0x1FB60] =	vst v60;
	v10 =	vmul.f32 v29, v43;
	v0 =	vld [tilespmem:s17+$0xFFFFFFD0];
	v53 =	vadd.f32 v41, v53;
	v22 =	vadd.f32 v22, v3  }
0x402: {  	[tilespmem:s11+$0xD0] =	vst v12;
	v33 =	vmul.f32 v49, v49;
	v20 =	vld [tilespmem:s17+$0xFFFFFFF0];
	v23 =	vadd.f32 v23, v1;
	v32 =	vadd.f32 v32, v4  }
0x403: {  	v12 =	vmul.f32 v29, v50;
	[tilespmem:$0x1FBA0] =	vst v48;
	v48 =	vld [tilespmem:s17+$0x20];
	v19 =	vadd.f32 v19, v21;
	v60 =	vadd.f32 v28, v30;
	s25 =	spop (v2sf)  }
0x404: {  	[tilespmem:$0x1FB70] =	vst v62;
	v28 =	vadd.f32 v54, v49;
	v30 =	vmul.f32 v54, v54;
	v62 =	vadd.f32 v57, v31;
	v57 =	vld [tilespmem:s17+$0x10];
	s28 =	smul.f32 $7.812500000e-03, s25  }
0x405: {  	[tilespmem:$0x1FBB0] =	vst v49;
	v31 =	vmul.f32 v59, v59;
	v3 =	vadd.f32 v18, v56;
	v22 =	vadd.f32 v22, v35  }
0x406: {  	[tilespmem:$0x1FB80] =	vst v45;
	v49 =	vld [tilespmem:s17+$0x40];
	v45 =	vmul.f32 v53, v53;
	v21 =	vadd.f32 v32, v23;
	v63 =	vadd.f32 v58, v0;
	s31 =	smul.f32 s28, s28;
	s29 =	spop (v2sf)  }
0x407: {  	v18 =	vld [tilespmem:s17+$0x50];
	v35 =	vmul.f32 v13, v44;
	v61 =	vadd.f32 v60, v59;
	v0 =	vadd.f32 v25, v24;
	s13 =	smul.f32 $7.812500000e-03, s29  }
0x408: {  	v38 =	vmul.f32 v60, v60;
	v1 =	vadd.f32 v26, v20;
	v30 =	vadd.f32 v30, v33  }
0x409: {  	v24 =	vmul.f32 v62, v62;
	v4 =	vadd.f32 v2, v57;
	v2 =	vadd.f32 v15, v48;
	v15 =	vld [tilespmem:s17+$0x70];
	s13 =	ssub.f32 s13, s31  }
0x40a: {  	v25 =	vld [tilespmem:s17+$0x30];
	v20 =	vadd.f32 v63, v62;
	v26 =	vmul.f32 v63, v63;
	v52 =	vadd.f32 v1, v0  }
0x40b: {  	v46 =	vmul.f32 v0, v0;
	v28 =	vadd.f32 v61, v28;
	v31 =	vadd.f32 v38, v31;
	s13 =	smax.f32 s13, $0.0e+00  }
0x40c: {  	[tilespmem:$0x1FB90] =	vst v47;
	v47 =	vmul.f32 v1, v1;
	v61 =	vadd.f32 v17, v49;
	v56 =	vadd.f32 v27, v18;
	s13 =	sadd.f32 $9.999999960e-13, s13  }
0x40d: {  	v37 =	vmul.f32 v3, v3;
	v20 =	vadd.f32 v52, v20;
	v26 =	vadd.f32 v26, v24  }
0x40e: {  	v46 =	vadd.f32 v47, v46;
	v57 =	vadd.f32 v5, v15;
	v15 =	vmov s13  }
0x40f: {  	v58 =	vadd.f32 v16, v25;
	v16 =	vshra.s32 v15, $0x1;
	v36 =	vmul.f32 $-5.000000000e-01, v15  }
0x410: {  	v25 =	vadd.f32 v4, v3;
	v40 =	vmul.f32 v4, v4;
	v48 =	vsub.s32 $0x5F3759DF, v16  }
0x411: {  	v17 =	vmul.f32 v2, v2;
	v18 =	vadd.f32 v58, v2;
	v41 =	vmul.f32 v48, v36  }
0x412: {  	v33 =	vmul.f32 v61, v61;
	v34 =	vmul.f32 v56, v56;
	v20 =	vadd.f32 v20, v28  }
0x413: {  	(xrf2) =	vadd.scan.msk.f32 $0xffff, v22;
	v47 =	vld [tilespmem:$0x1FF40];
	v22 =	vadd.f32 v46, v26;
	v25 =	vadd.f32 v18, v25;
	v18 =	vmul.f32 v48, v41  }
0x414: {  	v27 =	vmul.f32 v58, v58;
	v5 =	vadd.f32 v56, v61;
	v15 =	vadd.f32 v57, v53  }
0x415: {  	v52 =	vld [tilespmem:$0x1FF10];
	v37 =	vadd.f32 v40, v37;
	v38 =	vmul.f32 v57, v57;
	v24 =	vadd.f32 $1.500000000e+00, v18  }
0x416: {  	v28 =	vmul.f32 v14, v44;
	v27 =	vadd.f32 v27, v17;
	v5 =	vadd.f32 v15, v5  }
0x417: {  	v49 =	vld [tilespmem:$0x1FF20];
	v33 =	vadd.f32 v34, v33;
	v40 =	vadd.f32 v38, v45;
	v23 =	vmul.f32 v48, v24  }
0x418: {  	v32 =	vmul.f32 v14, v47;
	v26 =	vadd.f32 v27, v37;
	v41 =	vld [tilespmem:$0x1FF30];
	v5 =	vadd.f32 v5, v25  }
0x419: {  	(xrf2) =	vadd.scan.msk.f32 $0xffff, v20;
	v38 =	vmul.f32 v14, v43;
	v27 =	vadd.f32 v40, v33;
	v25 =	vmul.f32 v23, v36  }
0x41a: {  	v19 =	vadd.f32 v21, v19;
	v33 =	vmul.f32 v14, v50;
	v16 =	vmul.f32 v29, v52;
	(xrf2) =	vadd.scan.msk.f32 $0xffff, v5;
	v5 =	vld [tilespmem:$0x1F950]  }
0x41b: {  	v45 =	vadd.f32 v27, v26;
	v27 =	vmul.f32 v13, v52;
	v21 =	vmul.f32 v25, v23  }
0x41c: {  	v15 =	vmul.f32 v29, v49;
	v18 =	vmul.f32 v29, v47  }
0x41d: {  	v24 =	vmul.f32 v14, v42;
	v17 =	vmul.f32 v29, v41;
	v20 =	vadd.f32 $1.500000000e+00, v21  }
0x41e: {  	v29 =	vadd.f32 v31, v30;
	v30 =	vmul.f32 v14, v52;
	v31 =	vmul.f32 v14, v49  }
0x41f: {  	v34 =	vmul.f32 v14, v41;
	v5 =	vadd.f32 v5, v39;
	v48 =	vmul.f32 v20, v23  }
0x420: {  	v37 =	vmov s28;
	v14 =	vmul.f32 v13, v43;
	v26 =	vmul.f32 v13, v41  }
0x421: {  	s9 =	sadd.s32 $0x4, s9;
	v8 =	vsub.f32 v8, v37;
	v36 =	vmul.f32 v13, v42;
	[tilespmem:s11+$0xE0] =	vst v5;
	v5 =	vmul.f32 v48, v47  }
0x422: {  	p0 =	slt.u32 s9, $0x7C;
	[tilespmem:$0x1FB30] =	vst v55;
	v55 =	vadd.f32 v22, v29;
	v29 =	vmul.f32 v13, v50;
	v25 =	vmul.f32 v13, v49  }
.Ltmp4:
0x423: {  	v22 =	vsub.f32 v7, v37;
	v7, _, _ =	vpop (xrf2);
	v13 =	vmul.f32 v13, v47;
	v8 =	vmul.f32 v5, v8;
	(pc) =	sbr.rel @p0 .LBB2_9-.Ltmp4, $4  }
0x424: {  	(xrf2) =	vadd.scan.msk.f32 $0xffff, v19;
	(v2sf) =	vpush v7, $0xF;
	v23 =	vmul.f32 v48, v42;
	v20 =	vmul.f32 v48, v44  }
0x425: {  	(xrf2) =	vadd.scan.msk.f32 $0xffff, v55;
	v19 =	vmul.f32 v48, v43;
	v7 =	vmul.f32 v48, v52;
	v55 =	vadd.f32 v8, v51  }
0x426: {  	v21 =	vsub.f32 v6, v37;
	v6 =	vmul.f32 v48, v49;
	v5, _, _ =	vpop (xrf2);
	v8 =	vmul.f32 v48, v50  }
0x427: {  	s12 =	sadd.s32 $0x4, s12;
	s19 =	smov.u32 s17;
	v44 =	vld [tilespmem:$0x1F960];
	(xrf2) =	vadd.scan.msk.f32 $0xffff, v45;
	(v2sf) =	vpush v5, $0xF;
	v5 =	vmul.f32 v48, v41;
	[tilespmem:s17+$0xF0] =	vst v55  }
0x428: {  	_ =	sdelay $0x2  }
0x429: {  	v49 =	vld [tilespmem:$0x1F9E0];
	_ =	sdelay $0x2  }
0x42a: {  	v40, _, _ =	vpop (xrf2)  }
0x42b: {  	(v2sf) =	vpush v40, $0xF;
	v55, _, _ =	vpop (xrf2)  }
0x42c: {  	v45 =	vmul.f32 v12, v49;
	(v2sf) =	vpush v55, $0xF;
	v12, _, _ =	vpop (xrf2)  }
0x42d: {  	(v2sf) =	vpush v12, $0xF;
	v12, _, _ =	vpop (xrf2)  }
0x42e: {  	(v2sf) =	vpush v12, $0xF;
	v12 =	vld [tilespmem:$0x1FA30];
	_ =	sdelay $0x3  }
0x42f: {  	v50 =	vld [tilespmem:$0x1F9F0]  }
0x430: {  	v49 =	vmul.f32 v24, v12;
	v12 =	vld [tilespmem:$0x1FA40];
	_ =	sdelay $0x4  }
0x431: {  	v40 =	vmul.f32 v16, v50;
	v50 =	vmul.f32 v28, v12;
	v12 =	vld [tilespmem:$0x1FA50];
	_ =	sdelay $0x4  }
0x432: {  	v38 =	vmul.f32 v38, v12;
	v12 =	vld [tilespmem:$0x1F970];
	_ =	sdelay $0x4  }
0x433: {  	v43 =	vsub.f32 v12, v37;
	v12 =	vld [tilespmem:$0x1F980];
	_ =	sdelay $0x4  }
0x434: {  	v9 =	vmul.f32 v9, v44;
	v44 =	vsub.f32 v12, v37;
	v12 =	vld [tilespmem:$0x1FA60];
	_ =	sdelay $0x4  }
0x435: {  	v51 =	vmul.f32 v33, v12;
	v12 =	vld [tilespmem:$0x1F990];
	_ =	sdelay $0x3  }
0x436: {  	v39 =	vld [tilespmem:$0x1F9C0]  }
0x437: {  	v41 =	vsub.f32 v12, v37;
	v12 =	vld [tilespmem:$0x1F9A0];
	_ =	sdelay $0x4  }
0x438: {  	v11 =	vmul.f32 v11, v39;
	v39 =	vsub.f32 v12, v37;
	v12 =	vld [tilespmem:$0x1F9B0];
	_ =	sdelay $0x4  }
0x439: {  	v37 =	vsub.f32 v12, v37;
	v12 =	vld [tilespmem:$0x1FA70];
	_ =	sdelay $0x4  }
0x43a: {  	v42 =	vmul.f32 v30, v12;
	v12 =	vld [tilespmem:$0x1FA80];
	_ =	sdelay $0x3  }
0x43b: {  	v16 =	vld [tilespmem:$0x1FA00]  }
0x43c: {  	v52 =	vmul.f32 v31, v12;
	v12 =	vld [tilespmem:$0x1FA90];
	_ =	sdelay $0x3  }
0x43d: {  	v46 =	vmul.f32 v15, v16;
	v15 =	vld [tilespmem:$0x1FA10]  }
0x43e: {  	v34 =	vmul.f32 v34, v12;
	v12 =	vld [tilespmem:$0x1FAA0];
	_ =	sdelay $0x4  }
0x43f: {  	v47 =	vmul.f32 v17, v15;
	v17 =	vmul.f32 v32, v12;
	v12 =	vld [tilespmem:$0x1FAB0];
	_ =	sdelay $0x2  }
0x440: {  	v48 =	vld [tilespmem:$0x1F9D0]  }
0x441: {  	v15 =	vld [tilespmem:$0x1FA20]  }
0x442: {  	v36 =	vmul.f32 v36, v12;
	v12 =	vld [tilespmem:$0x1FB30]  }
0x443: {  	s9 =	spop (v2sf)  }
0x444: {  	s9 =	smul.f32 $7.812500000e-03, s9;
	_ =	sdelay $0x1  }
0x445: {  	v10 =	vmul.f32 v10, v48;
	v48 =	vmul.f32 v18, v15;
	v15 =	vmov s9  }
0x446: {  	v32 =	vsub.f32 v12, v15;
	v12 =	vld [tilespmem:$0x1FB40];
	_ =	sdelay $0x4  }
0x447: {  	v30 =	vsub.f32 v12, v15;
	v12 =	vld [tilespmem:$0x1FAC0];
	_ =	sdelay $0x4  }
0x448: {  	v35 =	vmul.f32 v35, v12;
	v12 =	vld [tilespmem:$0x1FB50];
	_ =	sdelay $0x4  }
0x449: {  	v31 =	vsub.f32 v12, v15;
	v12 =	vld [tilespmem:$0x1FB60];
	_ =	sdelay $0x4  }
0x44a: {  	v28 =	vsub.f32 v12, v15;
	v12 =	vld [tilespmem:$0x1FAD0];
	_ =	sdelay $0x4  }
0x44b: {  	v14 =	vmul.f32 v14, v12;
	v12 =	vld [tilespmem:$0x1FB70];
	_ =	sdelay $0x4  }
0x44c: {  	v33 =	vsub.f32 v12, v15;
	v12 =	vld [tilespmem:$0x1FB80];
	_ =	sdelay $0x4  }
0x44d: {  	v12 =	vsub.f32 v12, v15;
	_ =	sdelay $0x1  }
0x44e: {  	[tilespmem:$0x1F690] =	vst v12;
	v12 =	vld [tilespmem:$0x1FAE0];
	_ =	sdelay $0x4  }
0x44f: {  	v29 =	vmul.f32 v29, v12;
	v12 =	vld [tilespmem:$0x1FB90];
	_ =	sdelay $0x4  }
0x450: {  	v12 =	vsub.f32 v12, v15  }
0x451: {  	v55 =	vld [tilespmem:$0x1FB00]  }
0x452: {  	s12 =	spop (v2sf);
	[tilespmem:$0x1F6A0] =	vst v12;
	v12 =	vld [tilespmem:$0x1FBA0]  }
0x453: {  	s12 =	smul.f32 $7.812500000e-03, s12;
	_ =	sdelay $0x1  }
0x454: {  	v16 =	vmov s12  }
0x455: {  	v55 =	vmul.f32 v25, v55;
	v25 =	vsub.f32 v54, v16;
	v54 =	vld [tilespmem:$0x1FB10]  }
0x456: {  	v12 =	vsub.f32 v12, v15;
	v15 =	vld [tilespmem:$0x1FFC0]  }
0x457: {  	v24 =	vld [tilespmem:$0x1FF50]  }
0x458: {  	s13 =	spop (v2sf);
	[tilespmem:$0x1F6B0] =	vst v12;
	v12 =	vld [tilespmem:$0x1FAF0]  }
0x459: {  	s13 =	smul.f32 $7.812500000e-03, s13;
	v0 =	vsub.f32 v0, v16  }
0x45a: {  	v54 =	vmul.f32 v26, v54;
	v26 =	vsub.f32 v60, v16;
	v60 =	vsub.f32 v62, v16  }
0x45b: {  	v62 =	vsub.f32 v63, v16;
	v63 =	vmov s13;
	v11 =	vadd.f32 v11, v15  }
0x45c: {  	v18 =	vld [tilespmem:$0x1FF60];
	[tilespmem:$0x1F6C0] =	vst v0;
	v0 =	vsub.f32 v3, v63  }
0x45d: {  	v9 =	vadd.f32 v9, v24;
	v12 =	vmul.f32 v27, v12;
	v27 =	vld [tilespmem:$0x1FBB0];
	[tilespmem:s11+$0xFFFFFF00] =	vst v11  }
0x45e: {  	[tilespmem:$0x1F6D0] =	vst v0  }
0x45f: {  	[tilespmem:s11+$0xFFFFFF10] =	vst v9  }
0x460: {  	v0 =	vld [tilespmem:$0x1FB20];
	_ =	sdelay $0x4  }
0x461: {  	v9 =	vmul.f32 v13, v0;
	v0 =	vsub.f32 v4, v63;
	_ =	sdelay $0x1  }
0x462: {  	s14 =	smul.f32 s13, s13;
	s15 =	spop (v2sf);
	[tilespmem:$0x1F6E0] =	vst v0;
	v0 =	vld [tilespmem:$0x1FF70]  }
0x463: {  	s9 =	smul.f32 s9, s9;
	s16 =	spop (v2sf)  }
0x464: {  	s15 =	smul.f32 $7.812500000e-03, s15;
	v10 =	vadd.f32 v10, v18;
	s29 =	spop (v2sf)  }
0x465: {  	s31 =	smul.f32 $7.812500000e-03, s29  }
0x466: {  	s9 =	ssub.f32 s15, s9;
	[tilespmem:s11+$0xFFFFFF20] =	vst v10  }
0x467: {  	s15 =	ssub.f32 s31, s14;
	v11 =	vsub.f32 v1, v16;
	v1 =	vld [tilespmem:$0x1FF80];
	v3 =	vadd.f32 v45, v0  }
0x468: {  	v10 =	vmul.f32 v19, v43;
	v19 =	vld [tilespmem:$0x1FF90]  }
0x469: {  	s12 =	smul.f32 s12, s12;
	s13 =	smax.f32 s15, $0.0e+00;
	v13 =	vmul.f32 v20, v21;
	v20 =	vadd.f32 v49, v15;
	v45 =	vld [tilespmem:$0x1FFA0];
	[tilespmem:s11+$0xFFFFFF30] =	vst v3  }
0x46a: {  	s28 =	smul.f32 $7.812500000e-03, s16;
	s16 =	sadd.f32 $9.999999960e-13, s13;
	v21 =	vadd.f32 v38, v18;
	v43 =	vld [tilespmem:$0x1FFB0]  }
0x46b: {  	v22 =	vmul.f32 v23, v22;
	v59 =	vsub.f32 v59, v16;
	v35 =	vadd.f32 v35, v24;
	[tilespmem:s11+$0xFFFFFF80] =	vst v20  }
0x46c: {  	s12 =	ssub.f32 s28, s12;
	s9 =	smax.f32 s9, $0.0e+00;
	v8 =	vmul.f32 v8, v44;
	v44 =	vmov s16;
	v4 =	vadd.f32 v40, v1;
	[tilespmem:s11+$0xFFFFFFA0] =	vst v21  }
0x46d: {  	s9 =	sadd.f32 $9.999999960e-13, s9;
	v7 =	vmul.f32 v7, v41;
	v27 =	vsub.f32 v27, v16;
	v16 =	vadd.f32 v46, v19;
	[tilespmem:s11+$0x10] =	vst v35  }
0x46e: {  	s12 =	smax.f32 s12, $0.0e+00;
	v41 =	vmul.f32 $-5.000000000e-01, v44;
	v14 =	vadd.f32 v14, v18;
	v46 =	vmovc v19;
	[tilespmem:s11+$0xFFFFFF40] =	vst v4;
	v19 =	vadd.f32 v47, v45  }
0x46f: {  	s12 =	sadd.f32 $9.999999960e-13, s12;
	[tilespmem:s11+$0xFFFFFF50] =	vst v16;
	v16 =	vadd.f32 v51, v0;
	v51 =	vmov s9;
	v3 =	vadd.f32 v48, v43  }
0x470: {  	v23 =	vadd.f32 v42, v1;
	v4 =	vadd.f32 v50, v24;
	v38 =	vmul.f32 $-5.000000000e-01, v51;
	[tilespmem:s11+$0xFFFFFF60] =	vst v19  }
0x471: {  	v19 =	vadd.f32 v52, v46;
	v52 =	vmov s12;
	[tilespmem:s11+$0xFFFFFF70] =	vst v3;
	v3 =	vshra.s32 v51, $0x1  }
0x472: {  	[tilespmem:s11+$0x20] =	vst v14;
	v40 =	vmul.f32 $-5.000000000e-01, v52;
	v20 =	vsub.s32 $0x5F3759DF, v3;
	v3 =	vshra.s32 v52, $0x1  }
0x473: {  	v21 =	vshra.s32 v44, $0x1;
	[tilespmem:s11+$0xFFFFFF90] =	vst v4;
	v4 =	vmul.f32 v20, v38;
	v47 =	vsub.s32 $0x5F3759DF, v3  }
0x474: {  	v13 =	vadd.f32 v13, v24;
	v21 =	vsub.s32 $0x5F3759DF, v21;
	[tilespmem:s11+$0xFFFFFFB0] =	vst v16;
	v16 =	vmul.f32 v47, v40  }
0x475: {  	[tilespmem:s11+$0xFFFFFFC0] =	vst v23;
	v23 =	vmul.f32 v21, v41;
	v4 =	vmul.f32 v20, v4  }
0x476: {  	v2 =	vsub.f32 v2, v63;
	v12 =	vadd.f32 v12, v1;
	[tilespmem:s19+$0x90] =	vst v13;
	v16 =	vmul.f32 v47, v16  }
0x477: {  	v23 =	vmul.f32 v21, v23;
	v17 =	vadd.f32 v17, v43;
	[tilespmem:s11+$0xFFFFFFD0] =	vst v19;
	v19 =	vadd.f32 $1.500000000e+00, v4  }
0x478: {  	v14 =	vadd.f32 v55, v46;
	[tilespmem:s11+$0x40] =	vst v12;
	v16 =	vadd.f32 $1.500000000e+00, v16  }
0x479: {  	v34 =	vadd.f32 v34, v45;
	[tilespmem:s11+$0xFFFFFFF0] =	vst v17;
	v17 =	vmul.f32 v20, v19;
	v19 =	vadd.f32 $1.500000000e+00, v23  }
0x47a: {  	v10 =	vadd.f32 v10, v18;
	v49 =	vadd.f32 v54, v45;
	[tilespmem:s11+$0x50] =	vst v14;
	v16 =	vmul.f32 v47, v16  }
0x47b: {  	[tilespmem:s11+$0xFFFFFFE0] =	vst v34;
	v20 =	vadd.f32 v29, v0;
	v23 =	vmul.f32 v17, v38;
	v19 =	vmul.f32 v21, v19  }
0x47c: {  	v8 =	vadd.f32 v8, v0;
	[tilespmem:s11+$0x60] =	vst v49;
	v48 =	vadd.f32 v36, v15;
	v21 =	vmul.f32 v16, v40  }
0x47d: {  	v9 =	vadd.f32 v9, v43;
	[tilespmem:s11+$0x30] =	vst v20;
	v20 =	vmul.f32 v23, v17;
	v50 =	vmul.f32 v19, v41  }
0x47e: {  	[tilespmem:s11+$0x0] =	vst v48;
	v3 =	vsub.f32 v58, v63;
	v12 =	vmul.f32 v21, v16;
	v21 =	vadd.f32 v22, v15  }
0x47f: {  	[tilespmem:s11+$0x70] =	vst v9;
	v4 =	vsub.f32 v61, v63;
	v14 =	vadd.f32 $1.500000000e+00, v20;
	v22 =	vmul.f32 v50, v19  }
0x480: {  	v29 =	vsub.f32 v56, v63;
	v23 =	vsub.f32 v53, v63;
	[tilespmem:s19+$0x80] =	vst v21  }
0x481: {  	v20 =	vsub.f32 v57, v63;
	v9 =	vmul.f32 v14, v17;
	v14 =	vadd.f32 $1.500000000e+00, v22;
	v63 =	vld [tilespmem:$0x1FFD0]  }
0x482: {  	v7 =	vadd.f32 v7, v1;
	[tilespmem:s19+$0xA0] =	vst v10  }
0x483: {  	v14 =	vmul.f32 v14, v19;
	v19 =	vld [tilespmem:$0x1FFF0];
	[tilespmem:s19+$0xB0] =	vst v8  }
0x484: {  	v51 =	vmov v15;
	v15 =	vmov v24;
	v24 =	vld [tilespmem:$0x1FFE0];
	[tilespmem:s19+$0xC0] =	vst v7  }
0x485: {  	v6 =	vmul.f32 v6, v39;
	v61 =	vld [tilespmem:$0x1FF00]  }
0x486: {  	v13 =	vmul.f32 v9, v63  }
0x487: {  	v5 =	vmul.f32 v5, v37;
	v6 =	vadd.f32 v6, v46  }
0x488: {  	v10 =	vmul.f32 v9, v19;
	v13 =	vmul.f32 v13, v32  }
0x489: {  	v5 =	vadd.f32 v5, v45;
	[tilespmem:s19+$0xD0] =	vst v6  }
0x48a: {  	v17 =	vld [tilespmem:$0x1FF20];
	v7 =	vmul.f32 v9, v61;
	v10 =	vmul.f32 v10, v30;
	v13 =	vadd.f32 v13, v51  }
0x48b: {  	v30 =	vld [tilespmem:$0x1FF10];
	[tilespmem:s19+$0xE0] =	vst v5  }
0x48c: {  	v5 =	vmul.f32 v7, v28;
	v7 =	vadd.f32 v10, v15;
	v28 =	vmov v15;
	v15 =	vld [tilespmem:$0x1FF30];
	[tilespmem:s19+$0xFFFFFF00] =	vst v13  }
0x48d: {  	v12 =	vadd.f32 $1.500000000e+00, v12;
	v13 =	vld [tilespmem:$0x1F690];
	_ =	sdelay $0x1  }
0x48e: {  	v12 =	vmul.f32 v12, v16  }
0x48f: {  	v8 =	vmul.f32 v9, v24;
	v16 =	vmul.f32 v9, v17  }
0x490: {  	v58 =	vld [tilespmem:$0x1FF40];
	[tilespmem:s19+$0xFFFFFF10] =	vst v7  }
0x491: {  	v8 =	vmul.f32 v8, v31;
	v13 =	vmul.f32 v16, v13;
	v16 =	vld [tilespmem:$0x1F6A0];
	_ =	sdelay $0x1  }
0x492: {  	v8 =	vadd.f32 v8, v18  }
0x493: {  	v6 =	vmul.f32 v9, v30;
	v10 =	vmul.f32 v9, v15  }
0x494: {  	v7 =	vmul.f32 v12, v63;
	[tilespmem:s19+$0xFFFFFF20] =	vst v8  }
0x495: {  	v6 =	vmul.f32 v6, v33;
	v10 =	vmul.f32 v10, v16;
	v16 =	vld [tilespmem:$0x1F6B0]  }
0x496: {  	v5 =	vadd.f32 v5, v0;
	v8 =	vmul.f32 v12, v19  }
0x497: {  	v7 =	vmul.f32 v7, v27;
	v6 =	vadd.f32 v6, v1  }
0x498: {  	v9 =	vmul.f32 v9, v58;
	v13 =	vadd.f32 v13, v46;
	v8 =	vmul.f32 v8, v25;
	[tilespmem:s19+$0xFFFFFF30] =	vst v5  }
0x499: {  	v7 =	vadd.f32 v7, v51;
	[tilespmem:s19+$0xFFFFFF40] =	vst v6  }
0x49a: {  	v8 =	vadd.f32 v8, v28;
	[tilespmem:s19+$0xFFFFFF50] =	vst v13;
	v9 =	vmul.f32 v9, v16  }
0x49b: {  	v6 =	vmul.f32 v12, v61;
	[tilespmem:s19+$0xFFFFFF80] =	vst v7;
	v10 =	vadd.f32 v10, v45  }
0x49c: {  	v5 =	vmul.f32 v12, v24;
	[tilespmem:s19+$0xFFFFFF90] =	vst v8;
	v9 =	vadd.f32 v9, v43  }
0x49d: {  	v6 =	vmul.f32 v6, v26;
	[tilespmem:s19+$0xFFFFFF60] =	vst v10  }
0x49e: {  	v13 =	vmul.f32 v12, v30;
	v5 =	vmul.f32 v5, v59;
	[tilespmem:s19+$0xFFFFFF70] =	vst v9  }
0x49f: {  	v25 =	vmov v0;
	v6 =	vadd.f32 v6, v0;
	v0 =	vld [tilespmem:$0x1F6C0]  }
0x4a0: {  	v13 =	vmul.f32 v13, v60;
	v5 =	vadd.f32 v5, v18  }
0x4a1: {  	v7 =	vmul.f32 v12, v58  }
0x4a2: {  	v10 =	vmul.f32 v12, v17;
	v9 =	vmul.f32 v12, v15;
	v12 =	vadd.f32 v13, v1;
	[tilespmem:s19+$0xFFFFFFA0] =	vst v5  }
0x4a3: {  	[tilespmem:s19+$0xFFFFFFB0] =	vst v6  }
0x4a4: {  	v6 =	vmul.f32 v14, v24;
	v9 =	vmul.f32 v9, v0;
	v0 =	vld [tilespmem:$0x1F6D0];
	[tilespmem:s19+$0xFFFFFFC0] =	vst v12  }
0x4a5: {  	v16 =	vmov v1;
	v10 =	vmul.f32 v10, v62;
	v1 =	vld [tilespmem:$0x1F6E0]  }
0x4a6: {  	v2 =	vmul.f32 v6, v2  }
0x4a7: {  	v8 =	vmul.f32 v14, v63;
	v10 =	vadd.f32 v10, v46  }
0x4a8: {  	v7 =	vmul.f32 v7, v11;
	v5 =	vmul.f32 v14, v19;
	v2 =	vadd.f32 v2, v18  }
0x4a9: {  	[tilespmem:s19+$0xFFFFFFD0] =	vst v10;
	v0 =	vmul.f32 v8, v0;
	v8 =	vadd.f32 v9, v45;
	v9 =	vmul.f32 v14, v61  }
0x4aa: {  	[tilespmem:s19+$0x20] =	vst v2;
	v1 =	vmul.f32 v5, v1;
	v5 =	vadd.f32 v7, v43;
	v7 =	vmul.f32 v14, v30  }
0x4ab: {  	v6 =	vmul.f32 v14, v17;
	[tilespmem:s19+$0xFFFFFFE0] =	vst v8;
	v0 =	vadd.f32 v0, v51;
	v3 =	vmul.f32 v9, v3  }
0x4ac: {  	v1 =	vadd.f32 v1, v28;
	[tilespmem:s19+$0xFFFFFFF0] =	vst v5;
	v5 =	vmul.f32 v14, v15;
	v4 =	vmul.f32 v7, v4  }
0x4ad: {  	v6 =	vmul.f32 v6, v29;
	[tilespmem:s19+$0x0] =	vst v0;
	v3 =	vadd.f32 v3, v25  }
0x4ae: {  	[tilespmem:s19+$0x10] =	vst v1;
	v1 =	vmul.f32 v5, v23;
	v4 =	vadd.f32 v4, v16  }
0x4af: {  	v2 =	vadd.f32 v6, v46;
	v0 =	vmul.f32 v14, v58;
	[tilespmem:s19+$0x30] =	vst v3  }
0x4b0: {  	v1 =	vadd.f32 v1, v45;
	[tilespmem:s19+$0x40] =	vst v4  }
0x4b1: {  	v0 =	vmul.f32 v0, v20;
	s17 =	rddreg [dreg:$0xa];
	[tilespmem:s19+$0x50] =	vst v2  }
0x4b2: {  	s9 =	sadd.s32 s10, s17;
	[tilespmem:s19+$0x60] =	vst v1  }
0x4b3: {  	p0 =	seq.s32 s23, $0x31;
	v0 =	vadd.f32 v0, v43;
	s9 =	sshll.u32 s9, $0xB;
	s11 =	rddreg [dreg:$0xb]  }
0x4b4: {  	s9 =	sand.u32 $0x1FFFE800, s9;
	s11 =	sadd.s32 @!p0 s10, s11  }
0x4b5: {  	s20 =	simm.s32 $0x4600;
	[tilespmem:s19+$0x70] =	vst v0;
	s9 =	sadd.s32 s3, s9;
	s11 =	smul.u32 @!p0 $0x30, s11  }
0x4b6: {  	[hbm4b:s9+s4] =	stream.linear.scatter [tilespmem:s20], [sflag:$0xA], $0x4000, $0x38;
	[tilespmem:$0x1CF00] =	vst v63  }
0x4b7: {  	s12 =	simm.s32 @!p0 $0x180;
	s9 =	sadd.s32 @!p0 s5, s11;
	s11 =	simm.s32 @!p0 $0x0  }
0x4b8: {  	[tilespmem:s12], [sflag:$0x2] =	stream.linear.gather @!p0 [hbm4b:s9+s11], $0x180, $0x38;
	[tilespmem:$0x1CF00] =	vst v63  }
0x4b9: {  	s9 =	simm.s32 @!p0 $0x1  }
0x4ba: {  	_ =	swait.ge @!p0 [sflag:s9], $0x180  }
0x4bb: {  	[sflag:s9] =	ssyncset.done @!p0 $0x0  }
0x4bc: {  	[sflag:s9] =	ssyncadd.s32 @!p0 $0xFFFFFE80;
	s9 =	simm.s32 @!p0 $0x9  }
0x4bd: {  	_ =	swait.ge @!p0 [sflag:s9], $0x4000  }
0x4be: {  	[sflag:s9] =	ssyncset.done @!p0 $0x0  }
0x4bf: {  	s12 =	simm.s32 @!p0 $0x600;
	[sflag:s9] =	ssyncadd.s32 @!p0 $0xFFFFC000;
	s9 =	simm.s32 @!p0 $0x80  }
0x4c0: {  	[tilespmem:s12], [sflag:$0x5] =	stream.indirect.gather @!p0 [hbm4b:s2+s9], $0x80, s11, s9, $0xb8;
	[tilespmem:$0x1CF00] =	vst v63  }
0x4c1: {  	_ =	swait.ge [sflag:s6], $0x4000  }
0x4c2: {  	[sflag:s6] =	ssyncset.done $0x0  }
0x4c3: {  	s22 =	simm.s32 $0x383;
	[sflag:s6] =	ssyncadd.s32 $0xFFFFC000  }
0x4c4: {  	v0 =	vld [tilespmem:s22+$0x0];
	_ =	sdelay $0x4  }
0x4c5: {  	(v2sf) =	vpush v0, $0x0;
	_ =	sdelay $0x2  }
0x4c6: {  	v0 =	vld [tilespmem:s22+$0xFFFFFFFE]  }
0x4c7: {  	v1 =	vld [tilespmem:s22+$0xFFFFFFFF]  }
0x4c8: {  	s11 =	simm.s32 $0x8700;
	v2 =	vld [tilespmem:s22+$0xFFFFFFFD]  }
0x4c9: {  	v3 =	vld [tilespmem:s11+$0xB0]  }
0x4ca: {  	v7 =	vld [tilespmem:s11+$0xC0]  }
0x4cb: {  	v8 =	vld [tilespmem:s11+$0xD0];
	(v2sf) =	vpush v0, $0x0  }
0x4cc: {  	v9 =	vld [tilespmem:s11+$0xE0]  }
0x4cd: {  	v10 =	vld [tilespmem:s11+$0xF0]  }
0x4ce: {  	v25 =	vld [tilespmem:s11+$0xFFFFFF20]  }
0x4cf: {  	v44 =	vld [tilespmem:s11+$0xFFFFFF30]  }
0x4d0: {  	v57 =	vld [tilespmem:s11+$0xFFFFFF40]  }
0x4d1: {  	v50 =	vld [tilespmem:s11+$0x30]  }
0x4d2: {  	v0 =	vld [tilespmem:s11+$0x80];
	s25 =	spop (v2sf)  }
0x4d3: {  	(v2sf) =	vpush v1, $0x0;
	v1 =	vld [tilespmem:s11+$0x90];
	s9 =	sshll.u32 s25, $0x9  }
0x4d4: {  	(v2sf) =	vpush v2, $0x0;
	v2 =	vld [tilespmem:s11+$0xA0];
	s9 =	sshra.s32 s9, $0x2  }
0x4d5: {  	v4 =	vld [tilespmem:s9+$0x10600]  }
0x4d6: {  	v6 =	vld [tilespmem:s9+$0x10610]  }
0x4d7: {  	v11 =	vld [tilespmem:s9+$0x10620]  }
0x4d8: {  	v12 =	vld [tilespmem:s9+$0x10630]  }
0x4d9: {  	v13 =	vld [tilespmem:s9+$0x10640]  }
0x4da: {  	v14 =	vld [tilespmem:s9+$0x10650];
	s28 =	spop (v2sf)  }
0x4db: {  	v15 =	vld [tilespmem:s9+$0x10660];
	s15 =	sshll.u32 s28, $0x9  }
0x4dc: {  	v16 =	vld [tilespmem:s9+$0x10670];
	s9 =	sshra.s32 s15, $0x2  }
0x4dd: {  	v26 =	vld [tilespmem:s9+$0x10600]  }
0x4de: {  	v27 =	vld [tilespmem:s9+$0x10610]  }
0x4df: {  	v28 =	vld [tilespmem:s9+$0x10620]  }
0x4e0: {  	v29 =	vld [tilespmem:s9+$0x10630]  }
0x4e1: {  	v62 =	vmov v30;
	v30 =	vld [tilespmem:s9+$0x10640]  }
0x4e2: {  	v31 =	vld [tilespmem:s9+$0x10650]  }
0x4e3: {  	v32 =	vld [tilespmem:s9+$0x10660]  }
0x4e4: {  	s29 =	spop (v2sf);
	v34 =	vld [tilespmem:s9+$0x10670]  }
0x4e5: {  	s16 =	sshll.u32 s29, $0x9;
	v5 =	vadd.f32 v4, v0;
	v0 =	vadd.f32 v15, v9;
	v9 =	vld [tilespmem:s11+$0xFFFFFF00]  }
0x4e6: {  	s12 =	sshra.s32 s16, $0x2;
	v6 =	vadd.f32 v6, v1;
	v1 =	vadd.f32 v13, v7;
	v13 =	vld [tilespmem:s11+$0xFFFFFF10]  }
0x4e7: {  	v35 =	vld [tilespmem:s12+$0x10600]  }
0x4e8: {  	v36 =	vld [tilespmem:s12+$0x10610]  }
0x4e9: {  	v37 =	vld [tilespmem:s12+$0x10620]  }
0x4ea: {  	v38 =	vld [tilespmem:s12+$0x10630]  }
0x4eb: {  	s31 =	spop (v2sf);
	v39 =	vld [tilespmem:s12+$0x10640]  }
0x4ec: {  	s14 =	sshll.u32 s31, $0x9;
	v40 =	vld [tilespmem:s12+$0x10650]  }
0x4ed: {  	s14 =	sshra.s32 s14, $0x2;
	v41 =	vld [tilespmem:s12+$0x10660]  }
0x4ee: {  	v17 =	vld [tilespmem:s14+$0x10600]  }
0x4ef: {  	v4 =	vadd.f32 v11, v2;
	v3 =	vadd.f32 v12, v3;
	v18 =	vld [tilespmem:s14+$0x10610]  }
0x4f0: {  	v59 =	vmov v19;
	v2 =	vadd.f32 v14, v8;
	v7 =	vadd.f32 v16, v10;
	v19 =	vld [tilespmem:s14+$0x10620]  }
0x4f1: {  	v20 =	vld [tilespmem:s14+$0x10630];
	v10 =	vadd.f32 v6, v5;
	v11 =	vmul.f32 v5, v5;
	v12 =	vmul.f32 v6, v6  }
0x4f2: {  	v21 =	vld [tilespmem:s14+$0x10640];
	v14 =	vadd.f32 v3, v4;
	v15 =	vmul.f32 v4, v4;
	v16 =	vmul.f32 v3, v3  }
0x4f3: {  	v22 =	vld [tilespmem:s14+$0x10650];
	v33 =	vadd.f32 v2, v1;
	v52 =	vmul.f32 v1, v1;
	v53 =	vmul.f32 v2, v2  }
0x4f4: {  	v23 =	vld [tilespmem:s14+$0x10660];
	v54 =	vadd.f32 v7, v0;
	v55 =	vmul.f32 v0, v0;
	v56 =	vmul.f32 v7, v7  }
0x4f5: {  	v60 =	vmov v24;
	v24 =	vld [tilespmem:s14+$0x10670];
	v11 =	vadd.f32 v12, v11;
	v12 =	vadd.f32 v16, v15  }
0x4f6: {  	v15 =	vld [tilespmem:s11+$0xFFFFFF50];
	v16 =	vadd.f32 v53, v52;
	v52 =	vadd.f32 v56, v55  }
0x4f7: {  	v53 =	vld [tilespmem:s11+$0xFFFFFF60];
	v10 =	vadd.f32 v14, v10;
	v14 =	vadd.f32 v54, v33  }
0x4f8: {  	v54 =	vld [tilespmem:s11+$0xFFFFFF70];
	v12 =	vadd.f32 v12, v11;
	v16 =	vadd.f32 v52, v16  }
0x4f9: {  	v55 =	vld [tilespmem:s11+$0xFFFFFF80];
	v45 =	vadd.f32 v14, v10;
	v11 =	vadd.f32 v17, v9  }
0x4fa: {  	v14 =	vld [tilespmem:s11+$0xFFFFFFA0];
	v17 =	vadd.f32 v19, v25;
	v10 =	vadd.f32 v20, v44  }
0x4fb: {  	v9 =	vld [tilespmem:s11+$0xFFFFFF90];
	v46 =	vadd.f32 v16, v12;
	v12 =	vadd.f32 v18, v13  }
0x4fc: {  	v44 =	vld [tilespmem:s11+$0xFFFFFFE0];
	v18 =	vadd.f32 v21, v57;
	v13 =	vmul.f32 v11, v11;
	v19 =	vadd.f32 v22, v15  }
0x4fd: {  	v16 =	vld [tilespmem:s11+$0xFFFFFFB0];
	v15 =	vadd.f32 v10, v17;
	v23 =	vadd.f32 v23, v53;
	v25 =	vmul.f32 v12, v12  }
0x4fe: {  	v21 =	vld [tilespmem:s11+$0xFFFFFFC0];
	v26 =	vadd.f32 v26, v55;
	v20 =	vadd.f32 v12, v11  }
0x4ff: {  	v57 =	vld [tilespmem:s11+$0xFFFFFFF0];
	v43 =	vadd.f32 v25, v13;
	v25 =	vadd.f32 v24, v54  }
0x500: {  	v22 =	vld [tilespmem:s11+$0xFFFFFFD0];
	v24 =	vadd.f32 v19, v18;
	v20 =	vadd.f32 v15, v20  }
0x501: {  	v8 =	vld [tilespmem:s12+$0x10670];
	v56 =	vmul.f32 v17, v17;
	v13 =	vadd.f32 v27, v9;
	v27 =	vadd.f32 v28, v14  }
0x502: {  	v54 =	vmul.f32 v10, v10;
	v15 =	vld [tilespmem:s11+$0x0];
	v33 =	vadd.f32 v32, v44;
	v29 =	vadd.f32 v29, v16  }
0x503: {  	v42 =	vmul.f32 v23, v23;
	v9 =	vld [tilespmem:s11+$0x10];
	v30 =	vadd.f32 v30, v21;
	v55 =	vadd.f32 v25, v23  }
0x504: {  	v28 =	vld [tilespmem:s11+$0x20];
	v16 =	vmul.f32 v19, v19;
	v47 =	vadd.f32 v54, v56;
	v49 =	vadd.f32 v13, v26  }
0x505: {  	v44 =	vld [tilespmem:s11+$0x60];
	v56 =	vmul.f32 v18, v18;
	v14 =	vadd.f32 v31, v22;
	v31 =	vadd.f32 v34, v57  }
0x506: {  	v21 =	vld [tilespmem:s11+$0x40];
	v52 =	vmul.f32 v25, v25;
	v34 =	vadd.f32 v38, v50;
	v51 =	vadd.f32 v29, v27  }
0x507: {  	v22 =	vld [tilespmem:s11+$0x50];
	v24 =	vadd.f32 v55, v24;
	v53 =	vadd.f32 v16, v56  }
0x508: {  	(xrf2) =	vadd.scan.msk.f32 $0xffff, v45;
	v57 =	vld [tilespmem:s11+$0x70];
	v48 =	vadd.f32 v14, v30;
	v42 =	vadd.f32 v52, v42  }
0x509: {  	v52 =	vadd.f32 v31, v33;
	v16 =	vadd.f32 v35, v15  }
0x50a: {  	v15 =	vadd.f32 v36, v9;
	v37 =	vadd.f32 v37, v28  }
0x50b: {  	v55 =	vadd.f32 v51, v49;
	v38 =	vadd.f32 v39, v21  }
0x50c: {  	(xrf2) =	vadd.scan.msk.f32 $0xffff, v46;
	v35 =	vadd.f32 v52, v48;
	v32 =	vadd.f32 v40, v22  }
0x50d: {  	v22 =	vadd.f32 v41, v44;
	v9 =	vadd.f32 v8, v57  }
0x50e: {  	v8 =	vadd.f32 v15, v16;
	v28 =	vadd.f32 v32, v38  }
0x50f: {  	v21 =	vadd.f32 v34, v37;
	v54 =	vadd.f32 v9, v22  }
0x510: {  	v20 =	vadd.f32 v24, v20;
	v24 =	vadd.f32 v47, v43  }
0x511: {  	v8 =	vadd.f32 v21, v8;
	v21 =	vadd.f32 v54, v28  }
0x512: {  	v56 =	vadd.f32 v42, v53;
	v35 =	vadd.f32 v35, v55;
	v28, _, _ =	vpop (xrf2)  }
0x513: {  	(xrf2) =	vadd.scan.msk.f32 $0xffff, v20;
	v8 =	vadd.f32 v21, v8;
	(v2sf) =	vpush v28, $0xF  }
0x514: {  	v20 =	vadd.f32 v56, v24;
	(xrf2) =	vadd.scan.msk.f32 $0xffff, v35  }
0x515: {  	(xrf2) =	vadd.scan.msk.f32 $0xffff, v8  }
0x516: {  	v28, _, _ =	vpop (xrf2);
	(xrf2) =	vadd.scan.msk.f32 $0xffff, v20  }
0x517: {  	(v2sf) =	vpush v28, $0xF;
	_ =	sdelay $0x4  }
0x518: {  	s17 =	simm.s32 $0x387  }
0x519: {  	v20 =	vld [tilespmem:s17+$0x0];
	v8, _, _ =	vpop (xrf2)  }
0x51a: {  	(v2sf) =	vpush v8, $0xF;
	v8, _, _ =	vpop (xrf2)  }
0x51b: {  	(v2sf) =	vpush v8, $0xF;
	v8, _, _ =	vpop (xrf2)  }
0x51c: {  	(v2sf) =	vpush v8, $0xF;
	v8, _, _ =	vpop (xrf2)  }
0x51d: {  	(v2sf) =	vpush v8, $0xF  }
0x51e: {  	s19 =	spop (v2sf);
	(v2sf) =	vpush v20, $0x0;
	_ =	sdelay $0x3  }
0x51f: {  	s20 =	smul.f32 $7.812500000e-03, s19;
	s22 =	spop (v2sf)  }
0x520: {  	s12 =	smul.f32 $7.812500000e-03, s22  }
0x521: {  	s25 =	smul.f32 s20, s20  }
0x522: {  	v57 =	vld [tilespmem:s17+$0xFFFFFFFD]  }
0x523: {  	v46 =	vmul.f32 v31, v31;
	v39 =	vmul.f32 v30, v30;
	v24 =	vld [tilespmem:s17+$0xFFFFFFFF];
	s12 =	ssub.f32 s12, s25  }
0x524: {  	v43 =	vmul.f32 v33, v33;
	v53 =	vmul.f32 v34, v34;
	v8 =	vld [tilespmem:s17+$0xFFFFFFFE];
	s17 =	simm.s32 $0x8900  }
0x525: {  	v40 =	vmul.f32 v14, v14;
	v47 =	vmul.f32 v16, v16;
	v42 =	vld [tilespmem:s17+$0x80];
	s12 =	smax.f32 s12, $0.0e+00  }
0x526: {  	v49 =	vmul.f32 v15, v15;
	v52 =	vmul.f32 v37, v37;
	v45 =	vld [tilespmem:s17+$0x90];
	s25 =	spop (v2sf);
	s12 =	sadd.f32 $9.999999960e-13, s12  }
0x527: {  	v35 =	vmul.f32 v29, v29;
	v28 =	vmul.f32 v27, v27;
	v48 =	vld [tilespmem:s17+$0xA0];
	s28 =	spop (v2sf)  }
0x528: {  	v39 =	vadd.f32 v40, v39;
	v21 =	vmul.f32 v13, v13;
	v51 =	vld [tilespmem:s17+$0xB0];
	v54 =	vmov s12;
	s9 =	spop (v2sf)  }
0x529: {  	v28 =	vadd.f32 v35, v28;
	v36 =	vld [tilespmem:s17+$0xE0];
	v55 =	vshra.s32 v54, $0x1;
	v41 =	vmul.f32 $-5.000000000e-01, v54;
	s29 =	spop (v2sf)  }
0x52a: {  	v35 =	vld [tilespmem:s17+$0xF0];
	v20 =	vmul.f32 v26, v26;
	(v2sf) =	vpush v8, $0x0;
	v44 =	vsub.s32 $0x5F3759DF, v55;
	s31 =	spop (v2sf)  }
0x52b: {  	v40 =	vadd.f32 v46, v43;
	v8 =	vld [tilespmem:s17+$0xC0];
	(v2sf) =	vpush v24, $0x0;
	v56 =	vmul.f32 v44, v41;
	s14 =	sshll.u32 s31, $0x9  }
0x52c: {  	v50 =	vmul.f32 v38, v38;
	v20 =	vadd.f32 v21, v20;
	v24 =	vld [tilespmem:s17+$0xD0];
	(v2sf) =	vpush v57, $0x0;
	s14 =	sshra.s32 s14, $0x2  }
0x52d: {  	v46 =	vadd.f32 v49, v47;
	v47 =	vadd.f32 v53, v52;
	v21 =	vmul.f32 v44, v56;
	v43 =	vld [tilespmem:s14+$0x10600]  }
0x52e: {  	v20 =	vadd.f32 v28, v20;
	v55 =	vmul.f32 v22, v22;
	v56 =	vmul.f32 v9, v9;
	v52 =	vld [tilespmem:s14+$0x10620]  }
0x52f: {  	v28 =	vadd.f32 v40, v39;
	v54 =	vmul.f32 v32, v32;
	v21 =	vadd.f32 $1.500000000e+00, v21;
	v40 =	vld [tilespmem:s14+$0x10630]  }
0x530: {  	v57 =	vadd.f32 v56, v55;
	v56 =	vadd.f32 v47, v46;
	v47 =	vld [tilespmem:s14+$0x10640]  }
0x531: {  	v49 =	vadd.f32 v54, v50;
	v46 =	vmov s20;
	v50 =	vld [tilespmem:s14+$0x10660];
	v21 =	vmul.f32 v44, v21  }
0x532: {  	v53 =	vsub.f32 v7, v46;
	v7 =	vld [tilespmem:s14+$0x10670]  }
0x533: {  	v44 =	vld [tilespmem:s14+$0x10610];
	v57 =	vadd.f32 v57, v49;
	v55 =	vmul.f32 v21, v41  }
0x534: {  	v20 =	vadd.f32 v28, v20;
	v54 =	vsub.f32 v5, v46;
	v49 =	vld [tilespmem:s14+$0x10650]  }
0x535: {  	v28 =	vadd.f32 v57, v56;
	v39 =	vmul.f32 v55, v21;
	v55 =	vsub.f32 v6, v46  }
0x536: {  	v42 =	vadd.f32 v43, v42;
	v43 =	vadd.f32 v52, v48  }
0x537: {  	(xrf2) =	vadd.scan.msk.f32 $0xffff, v20;
	v40 =	vadd.f32 v40, v51;
	v6 =	vadd.f32 v47, v8  }
0x538: {  	v56 =	vadd.f32 v50, v36;
	v7 =	vadd.f32 v7, v35;
	(xrf2) =	vadd.scan.msk.f32 $0xffff, v28  }
0x539: {  	s15 =	spop (v2sf);
	v45 =	vadd.f32 v44, v45;
	v5 =	vadd.f32 v49, v24;
	[tilespmem:$0x1F930] =	vst v42;
	v20 =	vmul.f32 v42, v42  }
0x53a: {  	s22 =	spop (v2sf);
	v57 =	vadd.f32 $1.500000000e+00, v39;
	v35 =	vmul.f32 v43, v43;
	[tilespmem:$0x1F6F0] =	vst v40;
	v36 =	vmul.f32 v40, v40  }
0x53b: {  	s16 =	spop (v2sf);
	v28 =	vadd.f32 v40, v43;
	[tilespmem:$0x1F700] =	vst v6;
	v47 =	vmul.f32 v6, v6;
	v44 =	vmul.f32 v56, v56  }
0x53c: {  	s14 =	sshll.u32 s16, $0x9;
	v50 =	vadd.f32 v7, v56;
	v40 =	vmul.f32 v7, v7;
	[tilespmem:$0x1F940] =	vst v45;
	v24 =	vmul.f32 v45, v45  }
0x53d: {  	s14 =	sshra.s32 s14, $0x2;
	v8 =	vadd.f32 v45, v42;
	v41 =	vadd.f32 v5, v6;
	[tilespmem:$0x1F710] =	vst v5;
	v42 =	vmul.f32 v5, v5  }
0x53e: {  	v49 =	vld [tilespmem:s14+$0x10600];
	[tilespmem:$0x1F900] =	vst v7;
	v20 =	vadd.f32 v24, v20;
	v24 =	vadd.f32 v36, v35;
	v35 =	vmul.f32 v57, v21  }
0x53f: {  	[tilespmem:$0x1F720] =	vst v56;
	v5 =	vadd.f32 v40, v44;
	v21 =	vadd.f32 v42, v47  }
0x540: {  	v56 =	vld [tilespmem:s14+$0x10610];
	v8 =	vadd.f32 v28, v8;
	v28 =	vadd.f32 v50, v41;
	v41 =	vmul.f32 v35, v58  }
0x541: {  	v36 =	vld [tilespmem:s14+$0x10620]  }
0x542: {  	v48 =	vld [tilespmem:s14+$0x10630];
	v21 =	vadd.f32 v5, v21;
	v5 =	vmul.f32 v41, v53  }
0x543: {  	s20 =	smul.f32 $7.812500000e-03, s25;
	v50 =	vld [tilespmem:s14+$0x10640]  }
0x544: {  	v20 =	vadd.f32 v24, v20;
	v24 =	vld [tilespmem:s14+$0x10650];
	[tilespmem:$0x1F910] =	vst v5  }
0x545: {  	s13 =	sshll.u32 s15, $0x9;
	v57 =	vmov s20;
	v5 =	vld [tilespmem:s14+$0x10660]  }
0x546: {  	s13 =	sshra.s32 s13, $0x2;
	v6 =	vsub.f32 v17, v57;
	v52 =	vld [tilespmem:s14+$0x10670]  }
0x547: {  	v58 =	vld [tilespmem:s13+$0x10600]  }
0x548: {  	v44 =	vsub.f32 v11, v57;
	v11 =	vld [tilespmem:s13+$0x10610];
	[tilespmem:$0x1F730] =	vst v6;
	v6 =	vsub.f32 v19, v57  }
0x549: {  	v17 =	vld [tilespmem:s13+$0x10620]  }
0x54a: {  	v41 =	vsub.f32 v10, v57;
	v10 =	vld [tilespmem:s13+$0x10630];
	[tilespmem:$0x1F740] =	vst v6;
	v6 =	vsub.f32 v23, v57  }
0x54b: {  	s25 =	smul.f32 $7.812500000e-03, s28  }
0x54c: {  	v42, _, _ =	vpop (xrf2);
	[tilespmem:$0x1F750] =	vst v6;
	v6 =	vsub.f32 v25, v57  }
0x54d: {  	(v2sf) =	vpush v42, $0xF;
	v42 =	vsub.f32 v18, v57;
	v18 =	vmov s25  }
0x54e: {  	v28 =	vadd.f32 v28, v8;
	v23 =	vld [tilespmem:s13+$0x10640];
	[tilespmem:$0x1F760] =	vst v6;
	v6 =	vsub.f32 v26, v18;
	_ =	sdelay $0x1  }
0x54f: {  	v20 =	vadd.f32 v21, v20;
	[tilespmem:$0x1F770] =	vst v6;
	v6 =	vsub.f32 v13, v18  }
0x550: {  	(xrf2) =	vadd.scan.msk.f32 $0xffff, v28  }
0x551: {  	v28, _, _ =	vpop (xrf2);
	(xrf2) =	vadd.scan.msk.f32 $0xffff, v20;
	v20 =	vmul.f32 v35, v59;
	v25 =	vld [tilespmem:s13+$0x10650];
	[tilespmem:$0x1F780] =	vst v6;
	v6 =	vsub.f32 v27, v18;
	_ =	sdelay $0x1  }
0x552: {  	[tilespmem:$0x1F790] =	vst v6;
	v6 =	vmul.f32 v20, v55;
	_ =	sdelay $0x1  }
0x553: {  	v26 =	vld [tilespmem:s13+$0x10660];
	[tilespmem:$0x1F920] =	vst v6;
	v6 =	vsub.f32 v29, v18;
	_ =	sdelay $0x1  }
0x554: {  	[tilespmem:$0x1F7A0] =	vst v6;
	v6 =	vsub.f32 v30, v18;
	_ =	sdelay $0x1  }
0x555: {  	v21 =	vmul.f32 v35, v63;
	[tilespmem:$0x1F7B0] =	vst v6;
	v6 =	vsub.f32 v14, v18  }
0x556: {  	s28 =	smul.f32 $7.812500000e-03, s29;
	v4 =	vsub.f32 v4, v46;
	(v2sf) =	vpush v28, $0xF;
	v28 =	vmul.f32 v35, v60  }
0x557: {  	s29 =	smul.f32 $7.812500000e-03, s9;
	v39 =	vsub.f32 v12, v57;
	v12 =	vmul.f32 v21, v54;
	v21 =	vld [tilespmem:s17+$0xFFFFFF00];
	[tilespmem:$0x1F7C0] =	vst v6;
	v6 =	vsub.f32 v33, v18  }
0x558: {  	v14 =	vmul.f32 v28, v4;
	v4 =	vsub.f32 v31, v18  }
0x559: {  	v27 =	vmov s29;
	[tilespmem:$0x1F7D0] =	vst v6  }
0x55a: {  	v29 =	vld [tilespmem:s17+$0xFFFFFF10];
	[tilespmem:$0x1F7E0] =	vst v4;
	v4 =	vsub.f32 v16, v27;
	_ =	sdelay $0x1  }
0x55b: {  	v3 =	vsub.f32 v3, v46;
	v51 =	vmov v63;
	v63 =	vmul.f32 v35, v61  }
0x55c: {  	v1 =	vsub.f32 v1, v46;
	v40 =	vmul.f32 v35, v62  }
0x55d: {  	v13 =	vmul.f32 v63, v3;
	v3 =	vsub.f32 v15, v27;
	[tilespmem:$0x1F7F0] =	vst v4;
	v4, _, _ =	vpop (xrf2)  }
0x55e: {  	s15 =	smul.f32 s20, s20;
	v20 =	vmul.f32 v40, v1;
	v1 =	vsub.f32 v37, v27;
	(v2sf) =	vpush v4, $0xF;
	v4, _, _ =	vpop (xrf2)  }
0x55f: {  	v16 =	vld [tilespmem:s17+$0xFFFFFF20];
	[tilespmem:$0x1F800] =	vst v3;
	(v2sf) =	vpush v4, $0xF;
	v4 =	vsub.f32 v34, v27  }
0x560: {  	s31 =	ssub.f32 s28, s15;
	v3 =	vld [tilespmem:s17+$0xFFFFFF30];
	[tilespmem:$0x1F810] =	vst v1  }
0x561: {  	v1 =	vld [tilespmem:s17+$0xFFFFFF40];
	[tilespmem:$0x1F820] =	vst v4;
	v4 =	vsub.f32 v38, v27  }
0x562: {  	s9 =	smax.f32 s31, $0.0e+00;
	v6 =	vsub.f32 v32, v27  }
0x563: {  	s9 =	sadd.f32 $9.999999960e-13, s9;
	v45 =	vld [tilespmem:$0x1FF20];
	[tilespmem:$0x1F830] =	vst v4  }
0x564: {  	v15 =	vld [tilespmem:s17+$0xFFFFFF50];
	[tilespmem:$0x1F840] =	vst v6;
	v6 =	vsub.f32 v22, v27  }
0x565: {  	v4 =	vmov s9  }
0x566: {  	v18 =	vshra.s32 v4, $0x1;
	v28 =	vmul.f32 $-5.000000000e-01, v4;
	v4 =	vld [tilespmem:s17+$0xFFFFFF60];
	[tilespmem:$0x1F850] =	vst v6;
	v6 =	vsub.f32 v9, v27  }
0x567: {  	v2 =	vsub.f32 v2, v46;
	v0 =	vsub.f32 v0, v46;
	s15 =	sshll.u32 s22, $0x9;
	v46 =	vld [tilespmem:$0x1FF30]  }
0x568: {  	s9 =	sshra.s32 s15, $0x2;
	v22 =	vmul.f32 v35, v45;
	v30 =	vld [tilespmem:s13+$0x10670];
	[tilespmem:$0x1F860] =	vst v6  }
0x569: {  	v8 =	vadd.f32 v56, v29;
	v18 =	vsub.s32 $0x5F3759DF, v18;
	v27 =	vld [tilespmem:s9+$0x10600]  }
0x56a: {  	v9 =	vmul.f32 v18, v28;
	v6 =	vadd.f32 v49, v21;
	v21 =	vmul.f32 v22, v2;
	v2 =	vld [tilespmem:s17+$0xFFFFFF70]  }
0x56b: {  	s16 =	smul.f32 s25, s25;
	s19 =	spop (v2sf);
	v7 =	vadd.f32 v36, v16;
	v19 =	vadd.f32 v48, v3;
	v3 =	vld [tilespmem:s17+$0xFFFFFF80]  }
0x56c: {  	s14 =	smul.f32 $7.812500000e-03, s19;
	v48 =	vadd.f32 v50, v1;
	v1 =	vmul.f32 v18, v9;
	v49 =	vadd.f32 v24, v15;
	v15 =	vld [tilespmem:s9+$0x10610]  }
0x56d: {  	v9 =	vmul.f32 v35, v46;
	v5 =	vadd.f32 v5, v4;
	v4 =	vld [tilespmem:s17+$0xFFFFFF90];
	[tilespmem:$0x1F870] =	vst v6  }
0x56e: {  	v29 =	vadd.f32 v19, v7;
	s13 =	ssub.f32 s14, s16;
	v24 =	vmul.f32 v8, v8;
	v1 =	vadd.f32 $1.500000000e+00, v1;
	[tilespmem:$0x1F880] =	vst v8  }
0x56f: {  	s12 =	smul.f32 s29, s29;
	v16 =	vmul.f32 v6, v6;
	v22 =	vmul.f32 v9, v0;
	v0 =	vadd.f32 v8, v6;
	v31 =	vld [tilespmem:s17+$0xFFFFFFA0]  }
0x570: {  	s20 =	spop (v2sf);
	s13 =	smax.f32 s13, $0.0e+00;
	v18 =	vmul.f32 v18, v1;
	v1 =	vld [tilespmem:s17+$0xFFFFFFB0];
	[tilespmem:$0x1F890] =	vst v7  }
0x571: {  	s14 =	smul.f32 $7.812500000e-03, s20;
	s13 =	sadd.f32 $9.999999960e-13, s13;
	v9 =	vadd.f32 v24, v16;
	v16 =	vadd.f32 v29, v0;
	[tilespmem:$0x1F8A0] =	vst v19  }
0x572: {  	v0 =	vmul.f32 v7, v7;
	v55 =	vmul.f32 v5, v5;
	v24 =	vld [tilespmem:s17+$0xFFFFFFC0];
	v6 =	vadd.f32 v52, v2  }
0x573: {  	s12 =	ssub.f32 s14, s12;
	v50 =	vld [tilespmem:s9+$0x10630];
	v2 =	vmul.f32 v19, v19;
	v7 =	vadd.f32 v58, v3;
	v3 =	vmov s13  }
0x574: {  	v28 =	vmul.f32 v18, v28;
	v54 =	vadd.f32 v11, v4;
	v4 =	vld [tilespmem:s17+$0xFFFFFFD0];
	v29 =	vmul.f32 $-5.000000000e-01, v3  }
0x575: {  	s12 =	smax.f32 s12, $0.0e+00;
	v11 =	vadd.f32 v2, v0;
	v0 =	vshra.s32 v3, $0x1;
	v2 =	vld [tilespmem:s9+$0x10620];
	v52 =	vadd.f32 v6, v5  }
0x576: {  	s22 =	sadd.f32 $9.999999960e-13, s12;
	s25 =	spop (v2sf);
	v3 =	vsub.s32 $0x5F3759DF, v0;
	v0 =	vadd.f32 v49, v48;
	v60 =	vadd.f32 v10, v1;
	v10 =	vld [tilespmem:s17+$0xFFFFFFE0];
	[tilespmem:$0x1F8B0] =	vst v48  }
0x577: {  	s12 =	smul.f32 $7.812500000e-03, s25;
	s28 =	spop (v2sf);
	v59 =	vadd.f32 v17, v31;
	v31 =	vmul.f32 v49, v49;
	v56 =	vmul.f32 v6, v6;
	[tilespmem:$0x1F8C0] =	vst v49  }
0x578: {  	s14 =	smul.f32 $7.812500000e-03, s28;
	v28 =	vmul.f32 v28, v18;
	v53 =	vld [tilespmem:s17+$0xFFFFFFF0];
	v17 =	vadd.f32 v52, v0;
	v0 =	vmul.f32 v48, v48  }
0x579: {  	s29 =	smul.f32 s12, s12;
	v61 =	vadd.f32 v54, v7;
	v1 =	vmul.f32 v3, v29;
	v62 =	vadd.f32 v23, v24;
	v23 =	vld [tilespmem:s17+$0x0]  }
0x57a: {  	v49 =	vmul.f32 v7, v7;
	v28 =	vadd.f32 $1.500000000e+00, v28;
	v24 =	vadd.f32 v31, v0;
	v31 =	vld [tilespmem:s17+$0x10];
	[tilespmem:$0x1F8D0] =	vst v5  }
0x57b: {  	s31 =	ssub.f32 s14, s29;
	v63 =	vadd.f32 v25, v4;
	v4 =	vmov s22;
	v1 =	vmul.f32 v3, v1;
	[tilespmem:$0x1F8E0] =	vst v6  }
0x57c: {  	v9 =	vadd.f32 v11, v9;
	v18 =	vmul.f32 v28, v18;
	v25 =	vmul.f32 $-5.000000000e-01, v4;
	v57 =	vld [tilespmem:s17+$0x20]  }
0x57d: {  	s13 =	smax.f32 s31, $0.0e+00;
	v4 =	vshra.s32 v4, $0x1;
	v5 =	vadd.f32 v60, v59;
	v0 =	vadd.f32 v26, v10;
	v26 =	vld [tilespmem:s17+$0x30]  }
0x57e: {  	s13 =	sadd.f32 $9.999999960e-13, s13;
	v16 =	vadd.f32 v17, v16;
	v10 =	vsub.s32 $0x5F3759DF, v4;
	v4 =	vadd.f32 $1.500000000e+00, v1;
	v34 =	vld [tilespmem:s9+$0x10640]  }
0x57f: {  	v37 =	vld [tilespmem:s9+$0x10650];
	v47 =	vadd.f32 v63, v62;
	v1 =	vadd.f32 v30, v53;
	v58 =	vmul.f32 v10, v25  }
0x580: {  	v6 =	vld [tilespmem:s17+$0x60];
	v30 =	vadd.f32 v56, v55;
	v38 =	vmov s13;
	v35 =	vmul.f32 v3, v4  }
0x581: {  	v3 =	vadd.f32 v27, v23;
	v23 =	vld [tilespmem:s17+$0x40];
	v4 =	vadd.f32 v15, v31;
	v15 =	vmul.f32 v10, v58  }
0x582: {  	v27 =	vadd.f32 v5, v61;
	v40 =	vshra.s32 v38, $0x1;
	v33 =	vmul.f32 $-5.000000000e-01, v38;
	v31 =	vld [tilespmem:s17+$0x50]  }
0x583: {  	v32 =	vsub.s32 $0x5F3759DF, v40;
	v58 =	vadd.f32 v50, v26;
	v26 =	vld [tilespmem:s9+$0x10660];
	[tilespmem:$0x1F8F0] =	vst v7;
	v15 =	vadd.f32 $1.500000000e+00, v15  }
0x584: {  	v48 =	vadd.f32 v1, v0;
	v40 =	vmul.f32 v54, v54;
	v5 =	vmul.f32 v32, v33;
	v50 =	vld [tilespmem:s9+$0x10670]  }
0x585: {  	v11 =	vadd.f32 v30, v24;
	v28 =	vmul.f32 v35, v29;
	v10 =	vmul.f32 v10, v15;
	v15 =	vld [tilespmem:s17+$0x70]  }
0x586: {  	v2 =	vadd.f32 v2, v57;
	v36 =	vadd.f32 v48, v47;
	v47 =	vmul.f32 v62, v62  }
0x587: {  	v48 =	vmul.f32 v63, v63;
	v5 =	vmul.f32 v32, v5;
	v29 =	vadd.f32 v4, v3  }
0x588: {  	v7 =	vmul.f32 v0, v0;
	v61 =	vadd.f32 v34, v23;
	v56 =	vadd.f32 v37, v31  }
0x589: {  	v28 =	vmul.f32 v28, v35;
	v53 =	vadd.f32 v26, v6;
	v6 =	vadd.f32 $1.500000000e+00, v5  }
0x58a: {  	v31 =	vmul.f32 v60, v60;
	v5 =	vmul.f32 v1, v1;
	v57 =	vadd.f32 v50, v15  }
0x58b: {  	v23 =	vadd.f32 v40, v49;
	v26 =	vmul.f32 v59, v59;
	v6 =	vmul.f32 v32, v6  }
0x58c: {  	v7 =	vadd.f32 v5, v7;
	v8 =	vmul.f32 v53, v53;
	v5 =	vmul.f32 v57, v57  }
0x58d: {  	v55 =	vmul.f32 v2, v2;
	v15 =	vadd.f32 v31, v26;
	v31 =	vadd.f32 v58, v2  }
0x58e: {  	v40 =	vmul.f32 v58, v58;
	v32 =	vmul.f32 v6, v33;
	v5 =	vadd.f32 v5, v8;
	v8 =	vld [tilespmem:$0x1F900]  }
0x58f: {  	v52 =	vmul.f32 v4, v4;
	v29 =	vadd.f32 v31, v29;
	v31 =	vmul.f32 v3, v3  }
0x590: {  	v28 =	vadd.f32 $1.500000000e+00, v28;
	v34 =	vadd.f32 v40, v55;
	v32 =	vmul.f32 v32, v6  }
0x591: {  	v37 =	vmov s12;
	v17 =	vmul.f32 v10, v25;
	v31 =	vadd.f32 v52, v31;
	v52 =	vld [tilespmem:$0x1FF40]  }
0x592: {  	v55 =	vld [tilespmem:$0x1FFB0];
	v25 =	vmul.f32 v28, v35;
	v23 =	vadd.f32 v15, v23;
	v28 =	vadd.f32 $1.500000000e+00, v32  }
0x593: {  	v15 =	vsub.f32 v8, v37;
	v8 =	vadd.f32 v11, v9;
	v9 =	vld [tilespmem:$0x1F910]  }
0x594: {  	v17 =	vmul.f32 v17, v10;
	v26 =	vadd.f32 v48, v47;
	v40 =	vmul.f32 v28, v6  }
0x595: {  	v47 =	vmul.f32 v61, v61;
	v48 =	vmul.f32 v56, v56  }
0x596: {  	(xrf2) =	vadd.scan.msk.f32 $0xffff, v16;
	v16 =	vld [tilespmem:$0x1FFC0];
	v6 =	vadd.f32 v7, v26;
	v7 =	vadd.f32 $1.500000000e+00, v17;
	v17 =	vmul.f32 v40, v52  }
0x597: {  	v30 =	vld [tilespmem:$0x1FFF0];
	v49 =	vadd.f32 v56, v61;
	v50 =	vadd.f32 v57, v53  }
0x598: {  	v38 =	vadd.f32 v48, v47;
	v48 =	vld [tilespmem:$0x1FFE0];
	v19 =	vmul.f32 v17, v15;
	v15 =	vadd.f32 v9, v55  }
0x599: {  	v47 =	vld [tilespmem:$0x1FF00]  }
0x59a: {  	v33 =	vadd.f32 v50, v49;
	v50 =	vld [tilespmem:$0x1FF10];
	[tilespmem:s11+$0xF0] =	vst v15  }
0x59b: {  	v15 =	vld [tilespmem:$0x1FF50]  }
0x59c: {  	v17 =	vld [tilespmem:$0x1F920];
	_ =	sdelay $0x1  }
0x59d: {  	v24 =	vadd.f32 v36, v27;
	_ =	sdelay $0x1  }
0x59e: {  	(xrf2) =	vadd.scan.msk.f32 $0xffff, v24;
	v24 =	vadd.f32 v12, v16  }
0x59f: {  	v28 =	vadd.f32 v17, v15  }
0x5a0: {  	[tilespmem:s11+$0x80] =	vst v24  }
0x5a1: {  	v24 =	vld [tilespmem:$0x1FF60];
	[tilespmem:s11+$0x90] =	vst v28  }
0x5a2: {  	v28 =	vld [tilespmem:$0x1FF70];
	_ =	sdelay $0x3  }
0x5a3: {  	v14 =	vadd.f32 v14, v24  }
0x5a4: {  	v13 =	vadd.f32 v13, v28  }
0x5a5: {  	[tilespmem:s11+$0xA0] =	vst v14  }
0x5a6: {  	v14 =	vld [tilespmem:$0x1FF80];
	[tilespmem:s11+$0xB0] =	vst v13  }
0x5a7: {  	v13 =	vld [tilespmem:$0x1FF90];
	_ =	sdelay $0x3  }
0x5a8: {  	v49 =	vmov v45;
	v14 =	vadd.f32 v20, v14  }
0x5a9: {  	v36 =	vmovc v46;
	v27 =	vadd.f32 v34, v31;
	v31 =	vmul.f32 v25, v49;
	v13 =	vadd.f32 v21, v13  }
0x5aa: {  	v5 =	vadd.f32 v5, v38;
	v34 =	vmul.f32 v25, v36;
	v38 =	vmul.f32 v25, v48;
	[tilespmem:s11+$0xC0] =	vst v14  }
0x5ab: {  	v26 =	vadd.f32 v33, v29;
	v33 =	vmul.f32 v25, v47;
	v7 =	vmul.f32 v7, v10;
	[tilespmem:s11+$0xD0] =	vst v13  }
0x5ac: {  	v11 =	vmul.f32 v18, v51;
	v32 =	vmul.f32 v25, v52;
	v13 =	vld [tilespmem:$0x1FFA0]  }
0x5ad: {  	v5 =	vadd.f32 v5, v27;
	v29 =	vmul.f32 v7, v47;
	v27 =	vmul.f32 v7, v50  }
0x5ae: {  	v9 =	vmul.f32 v18, v30;
	v15 =	vmul.f32 v18, v45  }
0x5af: {  	v17 =	vmul.f32 v18, v46;
	v45 =	vmovc v51;
	v46 =	vmov v30;
	v24 =	vmul.f32 v25, v51  }
0x5b0: {  	v49 =	vmovc v49;
	v51 =	vmov v36;
	v36 =	vmul.f32 v7, v45;
	v35 =	vmul.f32 v7, v46  }
0x5b1: {  	(xrf2) =	vadd.scan.msk.f32 $0xffff, v26;
	v26 =	vmul.f32 v7, v51;
	v28 =	vmul.f32 v25, v30;
	v13 =	vadd.f32 v22, v13  }
0x5b2: {  	v30 =	vmul.f32 v25, v50;
	v25 =	vmul.f32 v7, v49  }
0x5b3: {  	v14 =	vmul.f32 v7, v48;
	[tilespmem:s11+$0xE0] =	vst v13;
	v13 =	vmul.f32 v7, v52;
	v7 =	vadd.f32 v19, v55  }
0x5b4: {  	v6 =	vadd.f32 v6, v23  }
0x5b5: {  	(xrf2) =	vadd.scan.msk.f32 $0xffff, v8;
	[tilespmem:s17+$0xF0] =	vst v7  }
0x5b6: {  	v20, _, _ =	vpop (xrf2);
	(xrf2) =	vadd.scan.msk.f32 $0xffff, v6;
	v6 =	vld [tilespmem:$0x1F930]  }
0x5b7: {  	v12 =	vmul.f32 v18, v47;
	v8, _, _ =	vpop (xrf2);
	(xrf2) =	vadd.scan.msk.f32 $0xffff, v5;
	v5 =	vld [tilespmem:$0x1F940]  }
0x5b8: {  	v10 =	vmul.f32 v18, v48;
	v16 =	vmul.f32 v18, v50  }
0x5b9: {  	v18 =	vmul.f32 v18, v52;
	v23 =	vmul.f32 v40, v45;
	(v2sf) =	vpush v20, $0xF  }
0x5ba: {  	v20 =	vmul.f32 v40, v46;
	(v2sf) =	vpush v8, $0xF;
	v8 =	vmul.f32 v40, v47  }
0x5bb: {  	v19 =	vmul.f32 v40, v48;
	v7 =	vmul.f32 v40, v50;
	v22 =	vsub.f32 v6, v37  }
0x5bc: {  	s19 =	simm.s32 $0x8900;
	s9 =	simm.s32 $0x4;
	s12 =	simm.s32 $0x38B;
	v21 =	vsub.f32 v5, v37;
	v6 =	vmul.f32 v40, v49;
	v5 =	vmul.f32 v40, v51  }
.LBB2_11:
0x5bd: {  	_ =	sdelay $0x3  }
0x5be: {  	v11 =	vmul.f32 v11, v44;
	v44 =	vmul.f32 v12, v41;
	v12 =	vld [tilespmem:$0x1F740];
	_ =	sdelay $0x3  }
0x5bf: {  	v52 =	vld [tilespmem:$0x1F6F0];
	v9 =	vmul.f32 v9, v39  }
0x5c0: {  	v39 =	vmul.f32 v16, v42;
	v42 =	vmul.f32 v15, v12;
	v12 =	vld [tilespmem:$0x1F750]  }
0x5c1: {  	v50 =	vld [tilespmem:$0x1F700]  }
0x5c2: {  	v55, _, _ =	vpop (xrf2);
	v51 =	vld [tilespmem:$0x1F710]  }
0x5c3: {  	(v2sf) =	vpush v55, $0xF;
	v55 =	vld [tilespmem:$0x1F730]  }
0x5c4: {  	v46 =	vsub.f32 v52, v37;
	v52 =	vld [tilespmem:$0x1F720]  }
0x5c5: {  	v45 =	vsub.f32 v43, v37;
	v43 =	vmul.f32 v17, v12;
	v12 =	vld [tilespmem:$0x1F780];
	_ =	sdelay $0x2  }
0x5c6: {  	v48 =	vsub.f32 v50, v37  }
0x5c7: {  	v50 =	vsub.f32 v51, v37;
	v10 =	vmul.f32 v10, v55;
	v55 =	vld [tilespmem:$0x1FFC0];
	v51 =	vsub.f32 v52, v37;
	v37, _, _ =	vpop (xrf2)  }
0x5c8: {  	(v2sf) =	vpush v37, $0xF;
	v37 =	vmul.f32 v28, v12;
	v12 =	vld [tilespmem:$0x1F790];
	_ =	sdelay $0x2  }
0x5c9: {  	v40 =	vld [tilespmem:s12+$0x0]  }
0x5ca: {  	v52 =	vld [tilespmem:s12+$0xFFFFFFFD];
	v11 =	vadd.f32 v11, v55  }
0x5cb: {  	v38 =	vmul.f32 v38, v12;
	v12 =	vld [tilespmem:$0x1F7A0]  }
0x5cc: {  	[tilespmem:s11+$0xFFFFFF00] =	vst v11;
	v11 =	vld [tilespmem:$0x1F760];
	_ =	sdelay $0x1  }
0x5cd: {  	v47 =	vld [tilespmem:s12+$0xFFFFFFFE]  }
0x5ce: {  	v49 =	vld [tilespmem:s12+$0xFFFFFFFF]  }
0x5cf: {  	v33 =	vmul.f32 v33, v12;
	v12 =	vld [tilespmem:$0x1F7B0]  }
0x5d0: {  	(v2sf) =	vpush v40, $0x0;
	v40 =	vmul.f32 v18, v11;
	v11 =	vld [tilespmem:$0x1F770];
	_ =	sdelay $0x2  }
0x5d1: {  	(v2sf) =	vpush v47, $0x0  }
0x5d2: {  	(v2sf) =	vpush v49, $0x0;
	v30 =	vmul.f32 v30, v12;
	v12 =	vld [tilespmem:$0x1F7C0]  }
0x5d3: {  	(v2sf) =	vpush v52, $0x0;
	v41 =	vmul.f32 v24, v11;
	v11, _, _ =	vpop (xrf2)  }
0x5d4: {  	(v2sf) =	vpush v11, $0xF;
	v11, _, _ =	vpop (xrf2)  }
0x5d5: {  	s13 =	spop (v2sf);
	(v2sf) =	vpush v11, $0xF;
	v11 =	vld [tilespmem:$0x1F800]  }
0x5d6: {  	v52 =	vld [tilespmem:$0x1FF50]  }
0x5d7: {  	v24 =	vmul.f32 v31, v12;
	v12 =	vld [tilespmem:$0x1F7D0];
	_ =	sdelay $0x2  }
0x5d8: {  	v15 =	vmul.f32 v35, v11;
	v11 =	vld [tilespmem:$0x1F810]  }
0x5d9: {  	v31 =	vadd.f32 v9, v52;
	v9 =	vld [tilespmem:$0x1F820]  }
0x5da: {  	v28 =	vmul.f32 v34, v12;
	v12 =	vld [tilespmem:$0x1F7E0];
	_ =	sdelay $0x3  }
0x5db: {  	v16 =	vmul.f32 v14, v11;
	v14 =	vmul.f32 v29, v9;
	v9 =	vld [tilespmem:$0x1F830]  }
0x5dc: {  	v18 =	vmul.f32 v32, v12;
	v12 =	vld [tilespmem:$0x1F7F0];
	_ =	sdelay $0x3  }
0x5dd: {  	v47 =	vld [tilespmem:$0x1FF60]  }
0x5de: {  	v17 =	vmul.f32 v36, v12;
	v12 =	vmul.f32 v27, v9;
	v9 =	vld [tilespmem:$0x1F840]  }
0x5df: {  	v29 =	vmul.f32 v20, v21;
	v21 =	vld [tilespmem:$0x1F890];
	_ =	sdelay $0x1  }
0x5e0: {  	s13 =	smul.f32 $7.812500000e-03, s13;
	_ =	sdelay $0x1  }
0x5e1: {  	v27 =	vadd.f32 v10, v47;
	v10 =	vmul.f32 v25, v9;
	v25 =	vmov s13  }
0x5e2: {  	v21 =	vsub.f32 v21, v25;
	_ =	sdelay $0x1  }
0x5e3: {  	[tilespmem:$0x1F730] =	vst v21;
	v21 =	vld [tilespmem:$0x1F8A0];
	_ =	sdelay $0x3  }
0x5e4: {  	v9 =	vld [tilespmem:$0x1F850]  }
0x5e5: {  	v21 =	vsub.f32 v21, v25;
	_ =	sdelay $0x1  }
0x5e6: {  	[tilespmem:$0x1F680] =	vst v21;
	v21 =	vld [tilespmem:$0x1F8B0];
	_ =	sdelay $0x1  }
0x5e7: {  	v11 =	vmul.f32 v26, v9;
	v9 =	vmul.f32 v23, v22;
	v23 =	vld [tilespmem:$0x1F8D0]  }
0x5e8: {  	v22 =	vld [tilespmem:$0x1F860];
	_ =	sdelay $0x1  }
0x5e9: {  	v21 =	vsub.f32 v21, v25;
	_ =	sdelay $0x1  }
0x5ea: {  	v23 =	vsub.f32 v23, v25;
	[tilespmem:$0x1F650] =	vst v21;
	v21 =	vld [tilespmem:$0x1F8C0]  }
0x5eb: {  	v37 =	vadd.f32 v37, v52;
	v13 =	vmul.f32 v13, v22;
	v22 =	vld [tilespmem:$0x1F870]  }
0x5ec: {  	v38 =	vadd.f32 v38, v47;
	[tilespmem:$0x1F750] =	vst v23;
	v23 =	vld [tilespmem:$0x1F8E0]  }
0x5ed: {  	[tilespmem:s11+$0xFFFFFF90] =	vst v37  }
0x5ee: {  	s28 =	smul.f32 s13, s13;
	s16 =	spop (v2sf);
	[tilespmem:s11+$0xFFFFFFA0] =	vst v38  }
0x5ef: {  	[tilespmem:s11+$0xFFFFFF10] =	vst v31;
	s13 =	smul.f32 $7.812500000e-03, s16;
	v21 =	vsub.f32 v21, v25  }
0x5f0: {  	[tilespmem:s11+$0xFFFFFF20] =	vst v27;
	v22 =	vsub.f32 v22, v25  }
0x5f1: {  	v23 =	vsub.f32 v23, v25;
	[tilespmem:$0x1F740] =	vst v21;
	v21 =	vmov s13  }
0x5f2: {  	[tilespmem:$0x1F670] =	vst v22;
	v22 =	vld [tilespmem:$0x1F880];
	v0 =	vsub.f32 v0, v21  }
0x5f3: {  	v49 =	vmul.f32 v7, v48;
	[tilespmem:$0x1F760] =	vst v23;
	v7 =	vsub.f32 v59, v21  }
0x5f4: {  	s20 =	spop (v2sf);
	s14 =	smul.f32 s13, s13;
	v23 =	vld [tilespmem:$0x1F8F0];
	[tilespmem:$0x1F7D0] =	vst v0;
	v0 =	vsub.f32 v1, v21  }
0x5f5: {  	s13 =	smul.f32 $7.812500000e-03, s20;
	[tilespmem:$0x1F790] =	vst v7;
	v7 =	vsub.f32 v60, v21  }
0x5f6: {  	s17 =	sadd.s32 $0x200, s17;
	s22 =	spop (v2sf);
	[tilespmem:$0x1F7E0] =	vst v0;
	v0 =	vmul.f32 v5, v51  }
0x5f7: {  	v31 =	vmul.f32 v19, v45;
	v19 =	vld [tilespmem:s17+$0x90];
	s16 =	spop (v2sf);
	v22 =	vsub.f32 v22, v25;
	[tilespmem:$0x1F7A0] =	vst v7;
	v7 =	vmov s13  }
0x5f8: {  	v20 =	vld [tilespmem:s17+$0x80];
	s25 =	sshll.u32 s16, $0x9;
	s29 =	spop (v2sf);
	[tilespmem:$0x1F630] =	vst v0;
	v0 =	vsub.f32 v3, v7  }
0x5f9: {  	v32 =	vmul.f32 v8, v46;
	v8 =	vld [tilespmem:s17+$0xB0];
	s16 =	sshll.u32 s29, $0x9;
	s29 =	sshra.s32 s25, $0x2;
	[tilespmem:$0x1F640] =	vst v22;
	v23 =	vsub.f32 v23, v21  }
0x5fa: {  	v27 =	vld [tilespmem:s29+$0x10640];
	[tilespmem:$0x1F7F0] =	vst v0;
	v0 =	vsub.f32 v4, v7  }
0x5fb: {  	v25 =	vld [tilespmem:s17+$0xD0];
	v26 =	vsub.f32 v62, v21;
	[tilespmem:$0x1F770] =	vst v23  }
0x5fc: {  	v59 =	vld [tilespmem:$0x1FF90];
	[tilespmem:$0x1F800] =	vst v0;
	v0 =	vsub.f32 v2, v7  }
0x5fd: {  	v22 =	vld [tilespmem:s17+$0xA0];
	v23 =	vsub.f32 v54, v21;
	[tilespmem:$0x1F7B0] =	vst v26  }
0x5fe: {  	v54 =	vld [tilespmem:$0x1FF80];
	[tilespmem:$0x1F810] =	vst v0;
	v0 =	vsub.f32 v58, v7  }
0x5ff: {  	s31 =	spop (v2sf);
	s25 =	sshra.s32 s16, $0x2;
	s20 =	smul.f32 $7.812500000e-03, s22;
	v26 =	vsub.f32 v63, v21;
	v21 =	vld [tilespmem:s29+$0x10630];
	[tilespmem:$0x1F780] =	vst v23  }
0x600: {  	s22 =	spop (v2sf);
	s15 =	smul.f32 s13, s13;
	v60 =	vld [tilespmem:s29+$0x10660];
	s13 =	sshll.u32 s31, $0x9;
	[tilespmem:$0x1F820] =	vst v0;
	v0 =	vsub.f32 v61, v7  }
0x601: {  	v50 =	vmul.f32 v6, v50;
	s16 =	sshll.u32 s22, $0x9;
	v23 =	vld [tilespmem:s17+$0xC0];
	[tilespmem:$0x1F7C0] =	vst v26;
	s31 =	spop (v2sf);
	s22 =	sshra.s32 s13, $0x2;
	v6 =	vadd.f32 v42, v59  }
0x602: {  	v5 =	vld [tilespmem:s17+$0xF0];
	s13 =	sshra.s32 s16, $0x2;
	s16 =	smul.f32 $7.812500000e-03, s31;
	s31 =	spop (v2sf);
	[tilespmem:$0x1F830] =	vst v0;
	v0 =	vsub.f32 v56, v7  }
0x603: {  	v24 =	vadd.f32 v24, v59;
	s31 =	smul.f32 $7.812500000e-03, s31;
	v1 =	vadd.f32 v39, v54;
	v39 =	vld [tilespmem:$0x1FFA0];
	[tilespmem:s11+$0xFFFFFF50] =	vst v6  }
0x604: {  	s20 =	ssub.f32 s20, s28;
	[tilespmem:$0x1F840] =	vst v0;
	v0 =	vsub.f32 v53, v7;
	v53 =	vld [tilespmem:$0x1FF70]  }
0x605: {  	[tilespmem:s11+$0xFFFFFFD0] =	vst v24;
	v4 =	vld [tilespmem:s29+$0x10620];
	s15 =	ssub.f32 s31, s15  }
0x606: {  	s20 =	smax.f32 s20, $0.0e+00;
	s14 =	ssub.f32 s16, s14;
	v30 =	vadd.f32 v30, v54;
	[tilespmem:s11+$0xFFFFFF40] =	vst v1;
	v56 =	vld [tilespmem:s29+$0x10650]  }
0x607: {  	s16 =	sadd.f32 $9.999999960e-13, s20;
	s15 =	smax.f32 s15, $0.0e+00;
	v61 =	vld [tilespmem:s29+$0x10670];
	[tilespmem:$0x1F850] =	vst v0;
	v0 =	vsub.f32 v57, v7  }
0x608: {  	v26 =	vld [tilespmem:s17+$0xE0];
	v48 =	vadd.f32 v21, v8;
	[tilespmem:s11+$0xFFFFFFC0] =	vst v30;
	s15 =	sadd.f32 $9.999999960e-13, s15;
	v58 =	vadd.f32 v41, v55  }
0x609: {  	v51 =	vld [tilespmem:$0x1FFB0];
	v62 =	vmov s16;
	v28 =	vadd.f32 v28, v39;
	[tilespmem:$0x1F860] =	vst v0;
	v0 =	vadd.f32 v44, v53  }
0x60a: {  	v3 =	vld [tilespmem:s29+$0x10600];
	v6 =	vadd.f32 v4, v22;
	v35 =	vmov s15;
	[tilespmem:s11+$0xFFFFFF80] =	vst v58;
	v33 =	vadd.f32 v33, v53  }
0x60b: {  	v2 =	vld [tilespmem:s29+$0x10610];
	v22 =	vadd.f32 v27, v23;
	v46 =	vshra.s32 v35, $0x1;
	v56 =	vadd.f32 v56, v25;
	[tilespmem:s11+$0xFFFFFF30] =	vst v0  }
0x60c: {  	v8 =	vadd.f32 v61, v5;
	v5 =	vmul.f32 $-5.000000000e-01, v62;
	v7 =	vadd.f32 v43, v39;
	[tilespmem:s11+$0xFFFFFFB0] =	vst v33;
	v0 =	vld [tilespmem:s13+$0x10600]  }
0x60d: {  	[tilespmem:$0x1F700] =	vst v22;
	v25 =	vshra.s32 v62, $0x1;
	v62 =	vmul.f32 v22, v22;
	v58 =	vadd.f32 v56, v22;
	v22 =	vld [tilespmem:s25+$0x10600]  }
0x60e: {  	v37 =	vsub.s32 $0x5F3759DF, v46;
	[tilespmem:s11+$0xFFFFFF60] =	vst v7;
	v46 =	vld [tilespmem:s17+$0xFFFFFFA0]  }
0x60f: {  	v57 =	vadd.f32 v40, v51;
	[tilespmem:s11+$0xFFFFFFE0] =	vst v28;
	v1 =	vld [tilespmem:s13+$0x10610]  }
0x610: {  	s14 =	smax.f32 s14, $0.0e+00;
	v24 =	vld [tilespmem:s25+$0x10610]  }
0x611: {  	s14 =	sadd.f32 $9.999999960e-13, s14;
	[tilespmem:s11+$0xFFFFFF70] =	vst v57;
	v28 =	vld [tilespmem:s25+$0x10630]  }
0x612: {  	v63 =	vadd.f32 v2, v19;
	v7 =	vadd.f32 v3, v20;
	v3 =	vld [tilespmem:s13+$0x10620]  }
0x613: {  	v2 =	vmov s14;
	v27 =	vadd.f32 v48, v6;
	v4 =	vld [tilespmem:s13+$0x10630]  }
0x614: {  	v42 =	vshra.s32 v2, $0x1;
	v36 =	vmul.f32 v63, v63;
	v57 =	vadd.f32 v60, v26;
	v19 =	vld [tilespmem:s13+$0x10640]  }
0x615: {  	v61 =	vmul.f32 v48, v48;
	v60 =	vmul.f32 v6, v6;
	v20 =	vld [tilespmem:s13+$0x10650];
	v26 =	vadd.f32 v63, v7  }
0x616: {  	[tilespmem:$0x1F660] =	vst v63;
	v34 =	vmul.f32 v7, v7;
	v21 =	vld [tilespmem:s13+$0x10660];
	v63 =	vmul.f32 v56, v56;
	v30 =	vadd.f32 v8, v57  }
0x617: {  	[tilespmem:$0x1F710] =	vst v56;
	v56 =	vld [tilespmem:s25+$0x10620];
	v41 =	vmul.f32 v57, v57;
	v44 =	vadd.f32 v61, v60;
	v26 =	vadd.f32 v27, v26  }
0x618: {  	[tilespmem:$0x1F720] =	vst v57;
	v57 =	vld [tilespmem:s25+$0x10640];
	v43 =	vadd.f32 v36, v34;
	v27 =	vadd.f32 v30, v58;
	v30 =	vmul.f32 v8, v8  }
0x619: {  	v36 =	vmul.f32 $-5.000000000e-01, v2;
	v2 =	vadd.f32 v63, v62;
	v63 =	vadd.f32 v18, v51;
	v18 =	vld [tilespmem:s22+$0x10600]  }
0x61a: {  	v58 =	vld [tilespmem:s25+$0x10650];
	v30 =	vadd.f32 v30, v41;
	v26 =	vadd.f32 v27, v26;
	v27 =	vsub.s32 $0x5F3759DF, v25  }
0x61b: {  	v17 =	vadd.f32 v17, v55;
	v25 =	vld [tilespmem:s25+$0x10660];
	v60 =	vmul.f32 v27, v5  }
0x61c: {  	v35 =	vmul.f32 $-5.000000000e-01, v35;
	v33 =	vadd.f32 v44, v43;
	v2 =	vadd.f32 v30, v2;
	(xrf2) =	vadd.scan.msk.f32 $0xffff, v26;
	v26 =	vld [tilespmem:s25+$0x10670]  }
0x61d: {  	v30 =	vsub.s32 $0x5F3759DF, v42;
	v34 =	vmul.f32 v27, v60;
	v60 =	vadd.f32 v15, v52;
	v15 =	vld [tilespmem:s22+$0x10620]  }
0x61e: {  	v62 =	vmul.f32 v37, v35;
	[tilespmem:s11+$0xFFFFFFF0] =	vst v63;
	v63 =	vadd.f32 v29, v52;
	v61 =	vmul.f32 v30, v36;
	v52 =	vld [tilespmem:s17+$0xFFFFFF30]  }
0x61f: {  	[tilespmem:$0x1F6F0] =	vst v48;
	v33 =	vadd.f32 v2, v33;
	v2 =	vld [tilespmem:s22+$0x10610]  }
0x620: {  	v48 =	vmul.f32 v37, v62;
	v38 =	vmul.f32 v30, v61;
	v61 =	vadd.f32 v16, v47;
	v16 =	vld [tilespmem:s22+$0x10630];
	[tilespmem:s11+$0x0] =	vst v17  }
0x621: {  	v34 =	vadd.f32 $1.500000000e+00, v34;
	v17 =	vld [tilespmem:s22+$0x10640]  }
0x622: {  	(xrf2) =	vadd.scan.msk.f32 $0xffff, v33;
	v33 =	vadd.f32 $1.500000000e+00, v48;
	v48 =	vadd.f32 v49, v54;
	v49 =	vld [tilespmem:s17+$0xFFFFFF20]  }
0x623: {  	v12 =	vadd.f32 v12, v54;
	v14 =	vadd.f32 v14, v53;
	[tilespmem:s11+$0x10] =	vst v60;
	v54 =	vld [tilespmem:s17+$0xFFFFFF40]  }
0x624: {  	v34 =	vmul.f32 v27, v34;
	v27 =	vld [tilespmem:s22+$0x10650];
	[tilespmem:s11+$0x20] =	vst v61  }
0x625: {  	v31 =	vadd.f32 v31, v47;
	v41 =	vld [tilespmem:s22+$0x10660];
	[tilespmem:s11+$0x30] =	vst v14  }
0x626: {  	v10 =	vadd.f32 v10, v59;
	v33 =	vmul.f32 v37, v33;
	v62 =	vmul.f32 v34, v5;
	v5 =	vld [tilespmem:s22+$0x10670]  }
0x627: {  	v9 =	vadd.f32 v9, v55;
	v38 =	vadd.f32 $1.500000000e+00, v38;
	[tilespmem:s11+$0x40] =	vst v12;
	v12 =	vld [tilespmem:s17+$0xFFFFFF00]  }
0x628: {  	v13 =	vadd.f32 v13, v51;
	v11 =	vadd.f32 v11, v39;
	[tilespmem:s11+$0x50] =	vst v10;
	v10 =	vld [tilespmem:s17+$0xFFFFFF10];
	v14 =	vmul.f32 v33, v35  }
0x629: {  	v32 =	vadd.f32 v32, v53;
	v61 =	vld [tilespmem:s17+$0xFFFFFF80];
	v30 =	vmul.f32 v30, v38;
	v37 =	vmul.f32 v62, v34  }
0x62a: {  	v23 =	vld [tilespmem:s13+$0x10670];
	v60 =	vadd.f32 v4, v52;
	[tilespmem:s11+$0x60] =	vst v11;
	v62 =	vadd.f32 v19, v54;
	v29, _, _ =	vpop (xrf2);
	v14 =	vmul.f32 v14, v33  }
0x62b: {  	v42 =	vld [tilespmem:$0x1FFD0];
	[tilespmem:s11+$0x70] =	vst v13;
	s11 =	smov.u32 s19;
	v36 =	vmul.f32 v30, v36;
	v11 =	vadd.f32 $1.500000000e+00, v37;
	(v2sf) =	vpush v29, $0xF  }
0x62c: {  	[tilespmem:s11+$0x90] =	vst v63;
	v63 =	vld [tilespmem:s17+$0xFFFFFF90];
	v53 =	vadd.f32 $1.500000000e+00, v14;
	v55 =	vadd.f32 v0, v12  }
0x62d: {  	[tilespmem:s11+$0xA0] =	vst v31;
	v36 =	vmul.f32 v36, v30;
	v0 =	vld [tilespmem:s17+$0xFFFFFF50];
	v12 =	vadd.f32 v50, v59;
	v31 =	vadd.f32 v1, v10  }
0x62e: {  	v1 =	vld [tilespmem:s17+$0xFFFFFF60];
	v59 =	vadd.f32 v3, v49;
	v49 =	vadd.f32 v22, v61;
	v13, _, _ =	vpop (xrf2)  }
0x62f: {  	v3 =	vld [tilespmem:s17+$0xFFFFFF70];
	v36 =	vadd.f32 $1.500000000e+00, v36;
	v29 =	vmul.f32 v11, v34;
	(v2sf) =	vpush v13, $0xF  }
0x630: {  	v44 =	vld [tilespmem:$0x1FFF0];
	v4 =	vadd.f32 v31, v55;
	[tilespmem:$0x1F880] =	vst v31;
	v31 =	vmul.f32 v31, v31;
	v19 =	vmul.f32 v59, v59  }
0x631: {  	v43 =	vld [tilespmem:$0x1FFE0];
	v54 =	vadd.f32 v24, v63;
	v14 =	vmul.f32 v36, v30;
	v13 =	vmul.f32 v53, v33  }
0x632: {  	v11 =	vmul.f32 v29, v42;
	v30 =	vmul.f32 v55, v55;
	v53 =	vld [tilespmem:s17+$0x60];
	v45 =	vadd.f32 v20, v0  }
0x633: {  	v50 =	vld [tilespmem:$0x1FF00];
	v0 =	vadd.f32 v60, v59;
	v20 =	vmul.f32 v60, v60;
	v47 =	vadd.f32 v21, v1  }
0x634: {  	[tilespmem:s11+$0xC0] =	vst v48;
	v21 =	vadd.f32 v31, v30;
	v1 =	vmul.f32 v62, v62;
	v30 =	vld [tilespmem:s17+$0xFFFFFFB0];
	v48 =	vadd.f32 v23, v3  }
0x635: {  	[tilespmem:$0x1F890] =	vst v59;
	v31 =	vld [tilespmem:s17+$0xFFFFFFC0];
	v59 =	vadd.f32 v56, v46;
	v3 =	vadd.f32 v45, v62;
	v23 =	vmul.f32 v45, v45  }
0x636: {  	[tilespmem:s11+$0x80] =	vst v9;
	v56 =	vld [tilespmem:s17+$0x0];
	v35 =	vadd.f32 v0, v4;
	v4 =	vmul.f32 v47, v47;
	v22 =	vadd.f32 v48, v47  }
0x637: {  	[tilespmem:s11+$0xB0] =	vst v32;
	v24 =	vld [tilespmem:s17+$0xFFFFFFE0];
	v32 =	vmul.f32 v48, v48;
	v19 =	vadd.f32 v20, v19;
	v53 =	vadd.f32 v41, v53  }
0x638: {  	[tilespmem:$0x1F8A0] =	vst v60;
	v9 =	vmul.f32 v29, v44;
	v0 =	vld [tilespmem:s17+$0xFFFFFFD0];
	v22 =	vadd.f32 v22, v3;
	v23 =	vadd.f32 v23, v1  }
0x639: {  	[tilespmem:$0x1F8B0] =	vst v62;
	v10 =	vmul.f32 v29, v43;
	v20 =	vld [tilespmem:s17+$0xFFFFFFF0];
	v32 =	vadd.f32 v32, v4;
	v19 =	vadd.f32 v19, v21  }
0x63a: {  	[tilespmem:s11+$0xD0] =	vst v12;
	v33 =	vmul.f32 v49, v49;
	v60 =	vadd.f32 v28, v30;
	v28 =	vadd.f32 v54, v49  }
0x63b: {  	v12 =	vmul.f32 v29, v50;
	[tilespmem:$0x1F8E0] =	vst v48;
	v48 =	vld [tilespmem:s17+$0x20];
	v62 =	vadd.f32 v57, v31;
	v3 =	vadd.f32 v18, v56;
	s25 =	spop (v2sf)  }
0x63c: {  	v30 =	vmul.f32 v54, v54;
	v57 =	vld [tilespmem:s17+$0x10];
	v22 =	vadd.f32 v22, v35;
	v21 =	vadd.f32 v32, v23;
	s28 =	smul.f32 $7.812500000e-03, s25  }
0x63d: {  	[tilespmem:$0x1F8F0] =	vst v49;
	v31 =	vmul.f32 v59, v59;
	v49 =	vld [tilespmem:s17+$0x40];
	v63 =	vadd.f32 v58, v0;
	v61 =	vadd.f32 v60, v59  }
0x63e: {  	v18 =	vld [tilespmem:s17+$0x50];
	v38 =	vmul.f32 v60, v60;
	v0 =	vadd.f32 v25, v24;
	v1 =	vadd.f32 v26, v20;
	s31 =	smul.f32 s28, s28;
	s29 =	spop (v2sf)  }
0x63f: {  	v24 =	vmul.f32 v62, v62;
	v30 =	vadd.f32 v30, v33;
	v20 =	vadd.f32 v63, v62;
	s13 =	smul.f32 $7.812500000e-03, s29  }
0x640: {  	v25 =	vld [tilespmem:s17+$0x30];
	v26 =	vmul.f32 v63, v63;
	v52 =	vadd.f32 v1, v0;
	v28 =	vadd.f32 v61, v28  }
0x641: {  	v46 =	vmul.f32 v0, v0;
	v4 =	vadd.f32 v2, v57;
	v2 =	vadd.f32 v15, v48;
	v15 =	vld [tilespmem:s17+$0x70];
	s13 =	ssub.f32 s13, s31  }
0x642: {  	[tilespmem:$0x1F8D0] =	vst v47;
	v47 =	vmul.f32 v1, v1;
	v31 =	vadd.f32 v38, v31;
	v61 =	vadd.f32 v17, v49  }
0x643: {  	[tilespmem:$0x1F8C0] =	vst v45;
	v45 =	vmul.f32 v53, v53;
	v56 =	vadd.f32 v27, v18;
	v20 =	vadd.f32 v52, v20;
	s13 =	smax.f32 s13, $0.0e+00  }
0x644: {  	v35 =	vmul.f32 v13, v44;
	v26 =	vadd.f32 v26, v24;
	v46 =	vadd.f32 v47, v46;
	s13 =	sadd.f32 $9.999999960e-13, s13  }
0x645: {  	v37 =	vmul.f32 v3, v3;
	v58 =	vadd.f32 v16, v25;
	v25 =	vadd.f32 v4, v3  }
0x646: {  	v40 =	vmul.f32 v4, v4;
	v57 =	vadd.f32 v5, v15;
	v15 =	vmov s13  }
0x647: {  	v17 =	vmul.f32 v2, v2;
	v16 =	vshra.s32 v15, $0x1;
	v36 =	vmul.f32 $-5.000000000e-01, v15  }
0x648: {  	v33 =	vmul.f32 v61, v61;
	v34 =	vmul.f32 v56, v56;
	v48 =	vsub.s32 $0x5F3759DF, v16  }
0x649: {  	v47 =	vld [tilespmem:$0x1FF40];
	v20 =	vadd.f32 v20, v28;
	v18 =	vadd.f32 v58, v2;
	v41 =	vmul.f32 v48, v36  }
0x64a: {  	(xrf2) =	vadd.scan.msk.f32 $0xffff, v22;
	v22 =	vadd.f32 v46, v26;
	v27 =	vmul.f32 v58, v58;
	v37 =	vadd.f32 v40, v37  }
0x64b: {  	v33 =	vadd.f32 v34, v33;
	v25 =	vadd.f32 v18, v25;
	v18 =	vmul.f32 v48, v41  }
0x64c: {  	v52 =	vld [tilespmem:$0x1FF10];
	v5 =	vadd.f32 v56, v61;
	v38 =	vmul.f32 v57, v57;
	v15 =	vadd.f32 v57, v53  }
0x64d: {  	v49 =	vld [tilespmem:$0x1FF20];
	v28 =	vmul.f32 v14, v44;
	v27 =	vadd.f32 v27, v17;
	v24 =	vadd.f32 $1.500000000e+00, v18  }
0x64e: {  	v32 =	vmul.f32 v14, v47;
	v40 =	vadd.f32 v38, v45;
	v5 =	vadd.f32 v15, v5  }
0x64f: {  	v26 =	vadd.f32 v27, v37;
	v38 =	vmul.f32 v14, v43;
	v41 =	vld [tilespmem:$0x1FF30];
	v23 =	vmul.f32 v48, v24  }
0x650: {  	v27 =	vadd.f32 v40, v33;
	v33 =	vmul.f32 v14, v50;
	v5 =	vadd.f32 v5, v25  }
0x651: {  	v19 =	vadd.f32 v21, v19;
	(xrf2) =	vadd.scan.msk.f32 $0xffff, v20;
	v16 =	vmul.f32 v29, v52;
	v25 =	vmul.f32 v23, v36  }
0x652: {  	v45 =	vadd.f32 v27, v26;
	v27 =	vmul.f32 v13, v52;
	v15 =	vmul.f32 v29, v49;
	(xrf2) =	vadd.scan.msk.f32 $0xffff, v5;
	v5 =	vld [tilespmem:$0x1F630]  }
0x653: {  	v37 =	vmov s28;
	v18 =	vmul.f32 v29, v47;
	v21 =	vmul.f32 v25, v23  }
0x654: {  	v24 =	vmul.f32 v14, v42;
	v17 =	vmul.f32 v29, v41;
	v29 =	vadd.f32 v31, v30  }
0x655: {  	v30 =	vmul.f32 v14, v52;
	v31 =	vmul.f32 v14, v49;
	v20 =	vadd.f32 $1.500000000e+00, v21  }
0x656: {  	[tilespmem:$0x1F870] =	vst v55;
	v34 =	vmul.f32 v14, v41;
	v55 =	vadd.f32 v22, v29;
	v22 =	vsub.f32 v7, v37;
	v7, _, _ =	vpop (xrf2)  }
0x657: {  	v5 =	vadd.f32 v5, v39;
	(v2sf) =	vpush v7, $0xF;
	v7 =	vld [tilespmem:$0x1F660];
	v48 =	vmul.f32 v20, v23  }
0x658: {  	v14 =	vmul.f32 v13, v43;
	v26 =	vmul.f32 v13, v41  }
0x659: {  	s9 =	sadd.s32 $0x4, s9;
	v8 =	vsub.f32 v8, v37;
	v36 =	vmul.f32 v13, v42;
	[tilespmem:s11+$0xE0] =	vst v5;
	v5 =	vmul.f32 v48, v47  }
0x65a: {  	p1 =	slt.u32 s9, $0x7C;
	v29 =	vmul.f32 v13, v50;
	v25 =	vmul.f32 v13, v49  }
.Ltmp5:
0x65b: {  	v13 =	vmul.f32 v13, v47;
	v8 =	vmul.f32 v5, v8;
	(pc) =	sbr.rel @p1 .LBB2_11-.Ltmp5, $4  }
0x65c: {  	(xrf2) =	vadd.scan.msk.f32 $0xffff, v19;
	v39 =	vld [tilespmem:$0x1F640];
	v21 =	vsub.f32 v7, v37;
	v23 =	vmul.f32 v48, v42;
	v20 =	vmul.f32 v48, v44  }
0x65d: {  	(xrf2) =	vadd.scan.msk.f32 $0xffff, v55;
	v42 =	vld [tilespmem:$0x1F650];
	v19 =	vmul.f32 v48, v43;
	v7 =	vmul.f32 v48, v52;
	v55 =	vadd.f32 v8, v51  }
0x65e: {  	v44 =	vld [tilespmem:$0x1F670];
	v43 =	vmov v6;
	v6 =	vmul.f32 v48, v49;
	v5, _, _ =	vpop (xrf2);
	v8 =	vmul.f32 v48, v50  }
0x65f: {  	s12 =	sadd.s32 $0x4, s12;
	s19 =	smov.u32 s17;
	(xrf2) =	vadd.scan.msk.f32 $0xffff, v45;
	(v2sf) =	vpush v5, $0xF;
	v5 =	vmul.f32 v48, v41;
	v41 =	vld [tilespmem:$0x1F680];
	[tilespmem:s17+$0xF0] =	vst v55  }
0x660: {  	_ =	sdelay $0x5  }
0x661: {  	v40, _, _ =	vpop (xrf2)  }
0x662: {  	(v2sf) =	vpush v40, $0xF;
	v49, _, _ =	vpop (xrf2)  }
0x663: {  	v45 =	vmul.f32 v12, v41;
	(v2sf) =	vpush v49, $0xF;
	v12, _, _ =	vpop (xrf2)  }
0x664: {  	(v2sf) =	vpush v12, $0xF;
	v12, _, _ =	vpop (xrf2)  }
0x665: {  	(v2sf) =	vpush v12, $0xF;
	v12 =	vld [tilespmem:$0x1F770];
	_ =	sdelay $0x3  }
0x666: {  	v50 =	vld [tilespmem:$0x1F730]  }
0x667: {  	v49 =	vmul.f32 v24, v12;
	v12 =	vld [tilespmem:$0x1F780];
	_ =	sdelay $0x4  }
0x668: {  	v10 =	vmul.f32 v10, v50;
	v50 =	vmul.f32 v28, v12;
	v12 =	vld [tilespmem:$0x1F790];
	_ =	sdelay $0x4  }
0x669: {  	v38 =	vmul.f32 v38, v12;
	v12 =	vld [tilespmem:$0x1F6F0];
	_ =	sdelay $0x4  }
0x66a: {  	v11 =	vmul.f32 v11, v44;
	v44 =	vsub.f32 v12, v37;
	v12 =	vld [tilespmem:$0x1F7A0];
	_ =	sdelay $0x4  }
0x66b: {  	v51 =	vmul.f32 v33, v12;
	v12 =	vld [tilespmem:$0x1F700];
	_ =	sdelay $0x4  }
0x66c: {  	v41 =	vsub.f32 v12, v37;
	v12 =	vld [tilespmem:$0x1F710];
	_ =	sdelay $0x4  }
0x66d: {  	v9 =	vmul.f32 v9, v39;
	v39 =	vsub.f32 v12, v37;
	v12 =	vld [tilespmem:$0x1F720];
	_ =	sdelay $0x4  }
0x66e: {  	v43 =	vsub.f32 v43, v37;
	v37 =	vsub.f32 v12, v37;
	v12 =	vld [tilespmem:$0x1F7B0];
	_ =	sdelay $0x4  }
0x66f: {  	v40 =	vmul.f32 v16, v42;
	v42 =	vmul.f32 v30, v12;
	v12 =	vld [tilespmem:$0x1F7C0];
	_ =	sdelay $0x3  }
0x670: {  	v16 =	vld [tilespmem:$0x1F740]  }
0x671: {  	v52 =	vmul.f32 v31, v12;
	v12 =	vld [tilespmem:$0x1F7D0];
	_ =	sdelay $0x3  }
0x672: {  	v46 =	vmul.f32 v15, v16;
	v15 =	vld [tilespmem:$0x1F750]  }
0x673: {  	v34 =	vmul.f32 v34, v12;
	v12 =	vld [tilespmem:$0x1F7E0];
	_ =	sdelay $0x4  }
0x674: {  	v47 =	vmul.f32 v17, v15;
	v17 =	vmul.f32 v32, v12;
	v12 =	vld [tilespmem:$0x1F7F0];
	_ =	sdelay $0x3  }
0x675: {  	v15 =	vld [tilespmem:$0x1F760]  }
0x676: {  	v36 =	vmul.f32 v36, v12;
	v12 =	vld [tilespmem:$0x1F870]  }
0x677: {  	s9 =	spop (v2sf)  }
0x678: {  	s9 =	smul.f32 $7.812500000e-03, s9;
	_ =	sdelay $0x1  }
0x679: {  	v48 =	vmul.f32 v18, v15;
	v15 =	vmov s9  }
0x67a: {  	v32 =	vsub.f32 v12, v15;
	v12 =	vld [tilespmem:$0x1F880];
	_ =	sdelay $0x4  }
0x67b: {  	v30 =	vsub.f32 v12, v15;
	v12 =	vld [tilespmem:$0x1F800];
	_ =	sdelay $0x4  }
0x67c: {  	v35 =	vmul.f32 v35, v12;
	v12 =	vld [tilespmem:$0x1F890];
	_ =	sdelay $0x4  }
0x67d: {  	v31 =	vsub.f32 v12, v15;
	v12 =	vld [tilespmem:$0x1F8A0];
	_ =	sdelay $0x4  }
0x67e: {  	v28 =	vsub.f32 v12, v15;
	v12 =	vld [tilespmem:$0x1F810];
	_ =	sdelay $0x4  }
0x67f: {  	v14 =	vmul.f32 v14, v12;
	v12 =	vld [tilespmem:$0x1F8B0];
	_ =	sdelay $0x4  }
0x680: {  	v33 =	vsub.f32 v12, v15;
	v12 =	vld [tilespmem:$0x1F8C0];
	_ =	sdelay $0x4  }
0x681: {  	v12 =	vsub.f32 v12, v15;
	_ =	sdelay $0x1  }
0x682: {  	[tilespmem:$0x1F380] =	vst v12;
	v12 =	vld [tilespmem:$0x1F820];
	_ =	sdelay $0x4  }
0x683: {  	v29 =	vmul.f32 v29, v12;
	v12 =	vld [tilespmem:$0x1F8D0];
	_ =	sdelay $0x4  }
0x684: {  	v12 =	vsub.f32 v12, v15  }
0x685: {  	v55 =	vld [tilespmem:$0x1F840]  }
0x686: {  	s12 =	spop (v2sf);
	[tilespmem:$0x1F390] =	vst v12;
	v12 =	vld [tilespmem:$0x1F8E0]  }
0x687: {  	s12 =	smul.f32 $7.812500000e-03, s12;
	_ =	sdelay $0x1  }
0x688: {  	v16 =	vmov s12  }
0x689: {  	v55 =	vmul.f32 v25, v55;
	v25 =	vsub.f32 v54, v16;
	v54 =	vld [tilespmem:$0x1F850]  }
0x68a: {  	v12 =	vsub.f32 v12, v15;
	v15 =	vld [tilespmem:$0x1FFC0]  }
0x68b: {  	v24 =	vld [tilespmem:$0x1FF50]  }
0x68c: {  	s13 =	spop (v2sf);
	[tilespmem:$0x1F3A0] =	vst v12;
	v12 =	vld [tilespmem:$0x1F830]  }
0x68d: {  	s13 =	smul.f32 $7.812500000e-03, s13;
	v0 =	vsub.f32 v0, v16  }
0x68e: {  	v54 =	vmul.f32 v26, v54;
	v26 =	vsub.f32 v60, v16;
	v60 =	vsub.f32 v62, v16  }
0x68f: {  	v62 =	vsub.f32 v63, v16;
	v63 =	vmov s13;
	v11 =	vadd.f32 v11, v15  }
0x690: {  	v18 =	vld [tilespmem:$0x1FF60];
	[tilespmem:$0x1F3B0] =	vst v0;
	v0 =	vsub.f32 v3, v63  }
0x691: {  	v9 =	vadd.f32 v9, v24;
	v12 =	vmul.f32 v27, v12;
	v27 =	vld [tilespmem:$0x1F8F0];
	[tilespmem:s11+$0xFFFFFF00] =	vst v11  }
0x692: {  	[tilespmem:$0x1F3C0] =	vst v0  }
0x693: {  	[tilespmem:s11+$0xFFFFFF10] =	vst v9  }
0x694: {  	v0 =	vld [tilespmem:$0x1F860];
	_ =	sdelay $0x4  }
0x695: {  	v9 =	vmul.f32 v13, v0;
	v0 =	vsub.f32 v4, v63;
	_ =	sdelay $0x1  }
0x696: {  	s9 =	smul.f32 s9, s9;
	s15 =	spop (v2sf);
	[tilespmem:$0x1F3D0] =	vst v0;
	v0 =	vld [tilespmem:$0x1FF70]  }
0x697: {  	s14 =	smul.f32 s13, s13;
	s16 =	spop (v2sf)  }
0x698: {  	v10 =	vadd.f32 v10, v18;
	s15 =	smul.f32 $7.812500000e-03, s15;
	s28 =	spop (v2sf)  }
0x699: {  	s29 =	smul.f32 $7.812500000e-03, s28  }
0x69a: {  	s9 =	ssub.f32 s15, s9;
	[tilespmem:s11+$0xFFFFFF20] =	vst v10  }
0x69b: {  	s15 =	ssub.f32 s29, s14;
	v11 =	vsub.f32 v1, v16;
	v1 =	vld [tilespmem:$0x1FF80];
	v3 =	vadd.f32 v45, v0  }
0x69c: {  	v10 =	vmul.f32 v19, v43;
	v19 =	vld [tilespmem:$0x1FF90]  }
0x69d: {  	s12 =	smul.f32 s12, s12;
	s13 =	smax.f32 s15, $0.0e+00;
	v13 =	vmul.f32 v20, v21;
	v20 =	vadd.f32 v49, v15;
	v45 =	vld [tilespmem:$0x1FFA0];
	[tilespmem:s11+$0xFFFFFF30] =	vst v3  }
0x69e: {  	s25 =	smul.f32 $7.812500000e-03, s16;
	s16 =	sadd.f32 $9.999999960e-13, s13;
	v21 =	vadd.f32 v38, v18;
	v43 =	vld [tilespmem:$0x1FFB0]  }
0x69f: {  	v22 =	vmul.f32 v23, v22;
	v59 =	vsub.f32 v59, v16;
	v35 =	vadd.f32 v35, v24;
	[tilespmem:s11+$0xFFFFFF80] =	vst v20  }
0x6a0: {  	s12 =	ssub.f32 s25, s12;
	s9 =	smax.f32 s9, $0.0e+00;
	v8 =	vmul.f32 v8, v44;
	v44 =	vmov s16;
	v4 =	vadd.f32 v40, v1;
	[tilespmem:s11+$0xFFFFFFA0] =	vst v21  }
0x6a1: {  	s9 =	sadd.f32 $9.999999960e-13, s9;
	v7 =	vmul.f32 v7, v41;
	v27 =	vsub.f32 v27, v16;
	v16 =	vadd.f32 v46, v19;
	[tilespmem:s11+$0x10] =	vst v35  }
0x6a2: {  	s12 =	smax.f32 s12, $0.0e+00;
	v41 =	vmul.f32 $-5.000000000e-01, v44;
	v14 =	vadd.f32 v14, v18;
	v46 =	vmovc v19;
	[tilespmem:s11+$0xFFFFFF40] =	vst v4;
	v19 =	vadd.f32 v47, v45  }
0x6a3: {  	s12 =	sadd.f32 $9.999999960e-13, s12;
	[tilespmem:s11+$0xFFFFFF50] =	vst v16;
	v16 =	vadd.f32 v51, v0;
	v51 =	vmov s9;
	v3 =	vadd.f32 v48, v43  }
0x6a4: {  	v23 =	vadd.f32 v42, v1;
	v4 =	vadd.f32 v50, v24;
	v38 =	vmul.f32 $-5.000000000e-01, v51;
	[tilespmem:s11+$0xFFFFFF60] =	vst v19  }
0x6a5: {  	v19 =	vadd.f32 v52, v46;
	v52 =	vmov s12;
	[tilespmem:s11+$0xFFFFFF70] =	vst v3;
	v3 =	vshra.s32 v51, $0x1  }
0x6a6: {  	[tilespmem:s11+$0x20] =	vst v14;
	v40 =	vmul.f32 $-5.000000000e-01, v52;
	v20 =	vsub.s32 $0x5F3759DF, v3;
	v3 =	vshra.s32 v52, $0x1  }
0x6a7: {  	v21 =	vshra.s32 v44, $0x1;
	[tilespmem:s11+$0xFFFFFF90] =	vst v4;
	v4 =	vmul.f32 v20, v38;
	v47 =	vsub.s32 $0x5F3759DF, v3  }
0x6a8: {  	v13 =	vadd.f32 v13, v24;
	v21 =	vsub.s32 $0x5F3759DF, v21;
	[tilespmem:s11+$0xFFFFFFB0] =	vst v16;
	v16 =	vmul.f32 v47, v40  }
0x6a9: {  	[tilespmem:s11+$0xFFFFFFC0] =	vst v23;
	v23 =	vmul.f32 v21, v41;
	v4 =	vmul.f32 v20, v4  }
0x6aa: {  	v2 =	vsub.f32 v2, v63;
	v12 =	vadd.f32 v12, v1;
	[tilespmem:s19+$0x90] =	vst v13;
	v16 =	vmul.f32 v47, v16  }
0x6ab: {  	v23 =	vmul.f32 v21, v23;
	v17 =	vadd.f32 v17, v43;
	[tilespmem:s11+$0xFFFFFFD0] =	vst v19;
	v19 =	vadd.f32 $1.500000000e+00, v4  }
0x6ac: {  	v14 =	vadd.f32 v55, v46;
	[tilespmem:s11+$0x40] =	vst v12;
	v16 =	vadd.f32 $1.500000000e+00, v16  }
0x6ad: {  	v34 =	vadd.f32 v34, v45;
	[tilespmem:s11+$0xFFFFFFF0] =	vst v17;
	v17 =	vmul.f32 v20, v19;
	v19 =	vadd.f32 $1.500000000e+00, v23  }
0x6ae: {  	v10 =	vadd.f32 v10, v18;
	v49 =	vadd.f32 v54, v45;
	[tilespmem:s11+$0x50] =	vst v14;
	v16 =	vmul.f32 v47, v16  }
0x6af: {  	[tilespmem:s11+$0xFFFFFFE0] =	vst v34;
	v20 =	vadd.f32 v29, v0;
	v23 =	vmul.f32 v17, v38;
	v19 =	vmul.f32 v21, v19  }
0x6b0: {  	v8 =	vadd.f32 v8, v0;
	[tilespmem:s11+$0x60] =	vst v49;
	v48 =	vadd.f32 v36, v15;
	v21 =	vmul.f32 v16, v40  }
0x6b1: {  	v9 =	vadd.f32 v9, v43;
	[tilespmem:s11+$0x30] =	vst v20;
	v20 =	vmul.f32 v23, v17;
	v50 =	vmul.f32 v19, v41  }
0x6b2: {  	[tilespmem:s11+$0x0] =	vst v48;
	v3 =	vsub.f32 v58, v63;
	v12 =	vmul.f32 v21, v16;
	v21 =	vadd.f32 v22, v15  }
0x6b3: {  	[tilespmem:s11+$0x70] =	vst v9;
	v4 =	vsub.f32 v61, v63;
	v14 =	vadd.f32 $1.500000000e+00, v20;
	v22 =	vmul.f32 v50, v19  }
0x6b4: {  	v29 =	vsub.f32 v56, v63;
	v23 =	vsub.f32 v53, v63;
	[tilespmem:s19+$0x80] =	vst v21  }
0x6b5: {  	v20 =	vsub.f32 v57, v63;
	v9 =	vmul.f32 v14, v17;
	v14 =	vadd.f32 $1.500000000e+00, v22;
	v63 =	vld [tilespmem:$0x1FFD0]  }
0x6b6: {  	v7 =	vadd.f32 v7, v1;
	[tilespmem:s19+$0xA0] =	vst v10  }
0x6b7: {  	v14 =	vmul.f32 v14, v19;
	v19 =	vld [tilespmem:$0x1FFF0];
	[tilespmem:s19+$0xB0] =	vst v8  }
0x6b8: {  	v51 =	vmov v15;
	v15 =	vmov v24;
	v24 =	vld [tilespmem:$0x1FFE0];
	[tilespmem:s19+$0xC0] =	vst v7  }
0x6b9: {  	v6 =	vmul.f32 v6, v39;
	v61 =	vld [tilespmem:$0x1FF00]  }
0x6ba: {  	v13 =	vmul.f32 v9, v63  }
0x6bb: {  	v5 =	vmul.f32 v5, v37;
	v6 =	vadd.f32 v6, v46  }
0x6bc: {  	v10 =	vmul.f32 v9, v19;
	v13 =	vmul.f32 v13, v32  }
0x6bd: {  	v5 =	vadd.f32 v5, v45;
	[tilespmem:s19+$0xD0] =	vst v6  }
0x6be: {  	v17 =	vld [tilespmem:$0x1FF20];
	v7 =	vmul.f32 v9, v61;
	v10 =	vmul.f32 v10, v30;
	v13 =	vadd.f32 v13, v51  }
0x6bf: {  	v30 =	vld [tilespmem:$0x1FF10];
	[tilespmem:s19+$0xE0] =	vst v5  }
0x6c0: {  	v5 =	vmul.f32 v7, v28;
	v7 =	vadd.f32 v10, v15;
	v28 =	vmov v15;
	v15 =	vld [tilespmem:$0x1FF30];
	[tilespmem:s19+$0xFFFFFF00] =	vst v13  }
0x6c1: {  	v12 =	vadd.f32 $1.500000000e+00, v12;
	v13 =	vld [tilespmem:$0x1F380];
	_ =	sdelay $0x1  }
0x6c2: {  	v12 =	vmul.f32 v12, v16  }
0x6c3: {  	v8 =	vmul.f32 v9, v24;
	v16 =	vmul.f32 v9, v17  }
0x6c4: {  	v58 =	vld [tilespmem:$0x1FF40];
	[tilespmem:s19+$0xFFFFFF10] =	vst v7  }
0x6c5: {  	v8 =	vmul.f32 v8, v31;
	v13 =	vmul.f32 v16, v13;
	v16 =	vld [tilespmem:$0x1F390];
	_ =	sdelay $0x1  }
0x6c6: {  	v8 =	vadd.f32 v8, v18  }
0x6c7: {  	v6 =	vmul.f32 v9, v30;
	v10 =	vmul.f32 v9, v15  }
0x6c8: {  	v7 =	vmul.f32 v12, v63;
	[tilespmem:s19+$0xFFFFFF20] =	vst v8  }
0x6c9: {  	v6 =	vmul.f32 v6, v33;
	v10 =	vmul.f32 v10, v16;
	v16 =	vld [tilespmem:$0x1F3A0]  }
0x6ca: {  	v5 =	vadd.f32 v5, v0;
	v8 =	vmul.f32 v12, v19  }
0x6cb: {  	v7 =	vmul.f32 v7, v27;
	v6 =	vadd.f32 v6, v1  }
0x6cc: {  	v9 =	vmul.f32 v9, v58;
	v13 =	vadd.f32 v13, v46;
	v8 =	vmul.f32 v8, v25;
	[tilespmem:s19+$0xFFFFFF30] =	vst v5  }
0x6cd: {  	v7 =	vadd.f32 v7, v51;
	[tilespmem:s19+$0xFFFFFF40] =	vst v6  }
0x6ce: {  	v8 =	vadd.f32 v8, v28;
	[tilespmem:s19+$0xFFFFFF50] =	vst v13;
	v9 =	vmul.f32 v9, v16  }
0x6cf: {  	v6 =	vmul.f32 v12, v61;
	[tilespmem:s19+$0xFFFFFF80] =	vst v7;
	v10 =	vadd.f32 v10, v45  }
0x6d0: {  	v5 =	vmul.f32 v12, v24;
	[tilespmem:s19+$0xFFFFFF90] =	vst v8;
	v9 =	vadd.f32 v9, v43  }
0x6d1: {  	v6 =	vmul.f32 v6, v26;
	[tilespmem:s19+$0xFFFFFF60] =	vst v10  }
0x6d2: {  	v13 =	vmul.f32 v12, v30;
	v5 =	vmul.f32 v5, v59;
	[tilespmem:s19+$0xFFFFFF70] =	vst v9  }
0x6d3: {  	v25 =	vmov v0;
	v6 =	vadd.f32 v6, v0;
	v0 =	vld [tilespmem:$0x1F3B0]  }
0x6d4: {  	v13 =	vmul.f32 v13, v60;
	v5 =	vadd.f32 v5, v18  }
0x6d5: {  	v7 =	vmul.f32 v12, v58  }
0x6d6: {  	v10 =	vmul.f32 v12, v17;
	v9 =	vmul.f32 v12, v15;
	v12 =	vadd.f32 v13, v1;
	[tilespmem:s19+$0xFFFFFFA0] =	vst v5  }
0x6d7: {  	[tilespmem:s19+$0xFFFFFFB0] =	vst v6  }
0x6d8: {  	v6 =	vmul.f32 v14, v24;
	v9 =	vmul.f32 v9, v0;
	v0 =	vld [tilespmem:$0x1F3C0];
	[tilespmem:s19+$0xFFFFFFC0] =	vst v12  }
0x6d9: {  	v16 =	vmov v1;
	v10 =	vmul.f32 v10, v62;
	v1 =	vld [tilespmem:$0x1F3D0]  }
0x6da: {  	v2 =	vmul.f32 v6, v2  }
0x6db: {  	v8 =	vmul.f32 v14, v63;
	v10 =	vadd.f32 v10, v46  }
0x6dc: {  	v7 =	vmul.f32 v7, v11;
	v5 =	vmul.f32 v14, v19;
	v2 =	vadd.f32 v2, v18  }
0x6dd: {  	[tilespmem:s19+$0xFFFFFFD0] =	vst v10;
	v0 =	vmul.f32 v8, v0;
	v8 =	vadd.f32 v9, v45;
	v9 =	vmul.f32 v14, v61  }
0x6de: {  	[tilespmem:s19+$0x20] =	vst v2;
	v1 =	vmul.f32 v5, v1;
	v5 =	vadd.f32 v7, v43;
	v7 =	vmul.f32 v14, v30  }
0x6df: {  	v6 =	vmul.f32 v14, v17;
	[tilespmem:s19+$0xFFFFFFE0] =	vst v8;
	v0 =	vadd.f32 v0, v51;
	v3 =	vmul.f32 v9, v3  }
0x6e0: {  	v1 =	vadd.f32 v1, v28;
	[tilespmem:s19+$0xFFFFFFF0] =	vst v5;
	v5 =	vmul.f32 v14, v15;
	v4 =	vmul.f32 v7, v4  }
0x6e1: {  	v6 =	vmul.f32 v6, v29;
	[tilespmem:s19+$0x0] =	vst v0;
	v3 =	vadd.f32 v3, v25  }
0x6e2: {  	[tilespmem:s19+$0x10] =	vst v1;
	v1 =	vmul.f32 v5, v23;
	v4 =	vadd.f32 v4, v16  }
0x6e3: {  	v2 =	vadd.f32 v6, v46;
	v0 =	vmul.f32 v14, v58;
	[tilespmem:s19+$0x30] =	vst v3  }
0x6e4: {  	v1 =	vadd.f32 v1, v45;
	[tilespmem:s19+$0x40] =	vst v4  }
0x6e5: {  	v0 =	vmul.f32 v0, v20;
	s17 =	rddreg [dreg:$0xc];
	[tilespmem:s19+$0x50] =	vst v2  }
0x6e6: {  	s9 =	sadd.s32 s10, s17;
	[tilespmem:s19+$0x60] =	vst v1  }
0x6e7: {  	v0 =	vadd.f32 v0, v43;
	s9 =	sshll.u32 s9, $0xB;
	s11 =	rddreg [dreg:$0xd]  }
0x6e8: {  	s9 =	sand.u32 $0x1FFFF000, s9;
	s10 =	sadd.s32 @!p0 s10, s11  }
0x6e9: {  	s31 =	simm.s32 $0x8600;
	[tilespmem:s19+$0x70] =	vst v0;
	s9 =	sadd.s32 s3, s9;
	s10 =	smul.u32 @!p0 $0x30, s10  }
0x6ea: {  	[hbm4b:s9+s4] =	stream.linear.scatter [tilespmem:s31], [sflag:$0xB], $0x4000, $0x38;
	[tilespmem:$0x1CF00] =	vst v63  }
0x6eb: {  	s11 =	simm.s32 @!p0 $0x300;
	s9 =	sadd.s32 @!p0 s5, s10;
	s10 =	simm.s32 @!p0 $0x0  }
0x6ec: {  	[tilespmem:s11], [sflag:$0x3] =	stream.linear.gather @!p0 [hbm4b:s9+s10], $0x180, $0x38;
	[tilespmem:$0x1CF00] =	vst v63  }
0x6ed: {  	s9 =	simm.s32 @!p0 $0x2  }
0x6ee: {  	_ =	swait.ge @!p0 [sflag:s9], $0x180  }
0x6ef: {  	[sflag:s9] =	ssyncset.done @!p0 $0x0  }
0x6f0: {  	[sflag:s9] =	ssyncadd.s32 @!p0 $0xFFFFFE80;
	s9 =	simm.s32 @!p0 $0xA  }
0x6f1: {  	_ =	swait.ge @!p0 [sflag:s9], $0x4000  }
0x6f2: {  	s10 =	simm.s32 @!p0 $0x180;
	[sflag:s9] =	ssyncset.done @!p0 $0x0  }
0x6f3: {  	s11 =	simm.s32 @!p0 $0x4600;
	[sflag:s9] =	ssyncadd.s32 @!p0 $0xFFFFC000;
	s9 =	simm.s32 @!p0 $0x80  }
0x6f4: {  	[tilespmem:s11], [sflag:$0x6] =	stream.indirect.gather @!p0 [hbm4b:s2+s9], $0x80, s10, s9, $0xb8;
	[tilespmem:$0x1CF00] =	vst v63  }
0x6f5: {  	_ =	swait.ge [sflag:s7], $0x4000  }
0x6f6: {  	[sflag:s7] =	ssyncset.done $0x0  }
0x6f7: {  	s20 =	simm.s32 $0x503;
	[sflag:s7] =	ssyncadd.s32 $0xFFFFC000  }
0x6f8: {  	v0 =	vld [tilespmem:s20+$0x0];
	_ =	sdelay $0x4  }
0x6f9: {  	(v2sf) =	vpush v0, $0x0;
	_ =	sdelay $0x2  }
0x6fa: {  	v0 =	vld [tilespmem:s20+$0xFFFFFFFE]  }
0x6fb: {  	v1 =	vld [tilespmem:s20+$0xFFFFFFFF]  }
0x6fc: {  	s10 =	simm.s32 $0xC700;
	v2 =	vld [tilespmem:s20+$0xFFFFFFFD]  }
0x6fd: {  	v3 =	vld [tilespmem:s10+$0xB0]  }
0x6fe: {  	v7 =	vld [tilespmem:s10+$0xC0]  }
0x6ff: {  	v8 =	vld [tilespmem:s10+$0xD0];
	(v2sf) =	vpush v0, $0x0  }
0x700: {  	v9 =	vld [tilespmem:s10+$0xE0]  }
0x701: {  	v10 =	vld [tilespmem:s10+$0xF0]  }
0x702: {  	v25 =	vld [tilespmem:s10+$0xFFFFFF20]  }
0x703: {  	v44 =	vld [tilespmem:s10+$0xFFFFFF30]  }
0x704: {  	v57 =	vld [tilespmem:s10+$0xFFFFFF40]  }
0x705: {  	v50 =	vld [tilespmem:s10+$0x30]  }
0x706: {  	v0 =	vld [tilespmem:s10+$0x80];
	s22 =	spop (v2sf)  }
0x707: {  	(v2sf) =	vpush v1, $0x0;
	v1 =	vld [tilespmem:s10+$0x90];
	s9 =	sshll.u32 s22, $0x9  }
0x708: {  	(v2sf) =	vpush v2, $0x0;
	v2 =	vld [tilespmem:s10+$0xA0];
	s9 =	sshra.s32 s9, $0x2  }
0x709: {  	v4 =	vld [tilespmem:s9+$0x10600]  }
0x70a: {  	v6 =	vld [tilespmem:s9+$0x10610]  }
0x70b: {  	v11 =	vld [tilespmem:s9+$0x10620]  }
0x70c: {  	v12 =	vld [tilespmem:s9+$0x10630]  }
0x70d: {  	v13 =	vld [tilespmem:s9+$0x10640]  }
0x70e: {  	v14 =	vld [tilespmem:s9+$0x10650];
	s25 =	spop (v2sf)  }
0x70f: {  	v15 =	vld [tilespmem:s9+$0x10660];
	s14 =	sshll.u32 s25, $0x9  }
0x710: {  	v16 =	vld [tilespmem:s9+$0x10670];
	s9 =	sshra.s32 s14, $0x2  }
0x711: {  	v26 =	vld [tilespmem:s9+$0x10600]  }
0x712: {  	v27 =	vld [tilespmem:s9+$0x10610]  }
0x713: {  	v28 =	vld [tilespmem:s9+$0x10620]  }
0x714: {  	v29 =	vld [tilespmem:s9+$0x10630]  }
0x715: {  	v62 =	vmov v30;
	v30 =	vld [tilespmem:s9+$0x10640]  }
0x716: {  	v31 =	vld [tilespmem:s9+$0x10650]  }
0x717: {  	v32 =	vld [tilespmem:s9+$0x10660]  }
0x718: {  	s28 =	spop (v2sf);
	v34 =	vld [tilespmem:s9+$0x10670]  }
0x719: {  	s15 =	sshll.u32 s28, $0x9;
	v5 =	vadd.f32 v4, v0;
	v0 =	vadd.f32 v15, v9;
	v9 =	vld [tilespmem:s10+$0xFFFFFF00]  }
0x71a: {  	s11 =	sshra.s32 s15, $0x2;
	v6 =	vadd.f32 v6, v1;
	v1 =	vadd.f32 v13, v7;
	v13 =	vld [tilespmem:s10+$0xFFFFFF10]  }
0x71b: {  	v35 =	vld [tilespmem:s11+$0x10600]  }
0x71c: {  	v36 =	vld [tilespmem:s11+$0x10610]  }
0x71d: {  	v37 =	vld [tilespmem:s11+$0x10620]  }
0x71e: {  	v38 =	vld [tilespmem:s11+$0x10630]  }
0x71f: {  	s29 =	spop (v2sf);
	v39 =	vld [tilespmem:s11+$0x10640]  }
0x720: {  	s13 =	sshll.u32 s29, $0x9;
	v40 =	vld [tilespmem:s11+$0x10650]  }
0x721: {  	s13 =	sshra.s32 s13, $0x2;
	v41 =	vld [tilespmem:s11+$0x10660]  }
0x722: {  	v17 =	vld [tilespmem:s13+$0x10600]  }
0x723: {  	v4 =	vadd.f32 v11, v2;
	v3 =	vadd.f32 v12, v3;
	v18 =	vld [tilespmem:s13+$0x10610]  }
0x724: {  	v59 =	vmov v19;
	v2 =	vadd.f32 v14, v8;
	v7 =	vadd.f32 v16, v10;
	v19 =	vld [tilespmem:s13+$0x10620]  }
0x725: {  	v20 =	vld [tilespmem:s13+$0x10630];
	v10 =	vadd.f32 v6, v5;
	v11 =	vmul.f32 v5, v5;
	v12 =	vmul.f32 v6, v6  }
0x726: {  	v21 =	vld [tilespmem:s13+$0x10640];
	v14 =	vadd.f32 v3, v4;
	v15 =	vmul.f32 v4, v4;
	v16 =	vmul.f32 v3, v3  }
0x727: {  	v22 =	vld [tilespmem:s13+$0x10650];
	v33 =	vadd.f32 v2, v1;
	v52 =	vmul.f32 v1, v1;
	v53 =	vmul.f32 v2, v2  }
0x728: {  	v23 =	vld [tilespmem:s13+$0x10660];
	v54 =	vadd.f32 v7, v0;
	v55 =	vmul.f32 v0, v0;
	v56 =	vmul.f32 v7, v7  }
0x729: {  	v60 =	vmov v24;
	v24 =	vld [tilespmem:s13+$0x10670];
	v11 =	vadd.f32 v12, v11;
	v12 =	vadd.f32 v16, v15  }
0x72a: {  	v15 =	vld [tilespmem:s10+$0xFFFFFF50];
	v16 =	vadd.f32 v53, v52;
	v52 =	vadd.f32 v56, v55  }
0x72b: {  	v53 =	vld [tilespmem:s10+$0xFFFFFF60];
	v10 =	vadd.f32 v14, v10;
	v14 =	vadd.f32 v54, v33  }
0x72c: {  	v54 =	vld [tilespmem:s10+$0xFFFFFF70];
	v12 =	vadd.f32 v12, v11;
	v16 =	vadd.f32 v52, v16  }
0x72d: {  	v55 =	vld [tilespmem:s10+$0xFFFFFF80];
	v45 =	vadd.f32 v14, v10;
	v11 =	vadd.f32 v17, v9  }
0x72e: {  	v14 =	vld [tilespmem:s10+$0xFFFFFFA0];
	v17 =	vadd.f32 v19, v25;
	v10 =	vadd.f32 v20, v44  }
0x72f: {  	v9 =	vld [tilespmem:s10+$0xFFFFFF90];
	v46 =	vadd.f32 v16, v12;
	v12 =	vadd.f32 v18, v13  }
0x730: {  	v44 =	vld [tilespmem:s10+$0xFFFFFFE0];
	v18 =	vadd.f32 v21, v57;
	v13 =	vmul.f32 v11, v11;
	v19 =	vadd.f32 v22, v15  }
0x731: {  	v16 =	vld [tilespmem:s10+$0xFFFFFFB0];
	v15 =	vadd.f32 v10, v17;
	v23 =	vadd.f32 v23, v53;
	v25 =	vmul.f32 v12, v12  }
0x732: {  	v21 =	vld [tilespmem:s10+$0xFFFFFFC0];
	v26 =	vadd.f32 v26, v55;
	v20 =	vadd.f32 v12, v11  }
0x733: {  	v57 =	vld [tilespmem:s10+$0xFFFFFFF0];
	v43 =	vadd.f32 v25, v13;
	v25 =	vadd.f32 v24, v54  }
0x734: {  	v22 =	vld [tilespmem:s10+$0xFFFFFFD0];
	v24 =	vadd.f32 v19, v18;
	v20 =	vadd.f32 v15, v20  }
0x735: {  	v8 =	vld [tilespmem:s11+$0x10670];
	v56 =	vmul.f32 v17, v17;
	v13 =	vadd.f32 v27, v9;
	v27 =	vadd.f32 v28, v14  }
0x736: {  	v54 =	vmul.f32 v10, v10;
	v15 =	vld [tilespmem:s10+$0x0];
	v33 =	vadd.f32 v32, v44;
	v29 =	vadd.f32 v29, v16  }
0x737: {  	v42 =	vmul.f32 v23, v23;
	v9 =	vld [tilespmem:s10+$0x10];
	v30 =	vadd.f32 v30, v21;
	v55 =	vadd.f32 v25, v23  }
0x738: {  	v28 =	vld [tilespmem:s10+$0x20];
	v16 =	vmul.f32 v19, v19;
	v47 =	vadd.f32 v54, v56;
	v49 =	vadd.f32 v13, v26  }
0x739: {  	v44 =	vld [tilespmem:s10+$0x60];
	v56 =	vmul.f32 v18, v18;
	v14 =	vadd.f32 v31, v22;
	v31 =	vadd.f32 v34, v57  }
0x73a: {  	v21 =	vld [tilespmem:s10+$0x40];
	v52 =	vmul.f32 v25, v25;
	v34 =	vadd.f32 v38, v50;
	v51 =	vadd.f32 v29, v27  }
0x73b: {  	v22 =	vld [tilespmem:s10+$0x50];
	v24 =	vadd.f32 v55, v24;
	v53 =	vadd.f32 v16, v56  }
0x73c: {  	(xrf2) =	vadd.scan.msk.f32 $0xffff, v45;
	v57 =	vld [tilespmem:s10+$0x70];
	v48 =	vadd.f32 v14, v30;
	v42 =	vadd.f32 v52, v42  }
0x73d: {  	v52 =	vadd.f32 v31, v33;
	v16 =	vadd.f32 v35, v15  }
0x73e: {  	(xrf2) =	vadd.scan.msk.f32 $0xffff, v46;
	v15 =	vadd.f32 v36, v9;
	v37 =	vadd.f32 v37, v28  }
0x73f: {  	v55 =	vadd.f32 v51, v49;
	v38 =	vadd.f32 v39, v21  }
0x740: {  	v35 =	vadd.f32 v52, v48;
	v32 =	vadd.f32 v40, v22  }
0x741: {  	v22 =	vadd.f32 v41, v44;
	v9 =	vadd.f32 v8, v57  }
0x742: {  	v8 =	vadd.f32 v15, v16;
	v28 =	vadd.f32 v32, v38  }
0x743: {  	v21 =	vadd.f32 v34, v37;
	v54 =	vadd.f32 v9, v22  }
0x744: {  	v20 =	vadd.f32 v24, v20;
	v24 =	vadd.f32 v47, v43  }
0x745: {  	v8 =	vadd.f32 v21, v8;
	v21 =	vadd.f32 v54, v28  }
0x746: {  	v56 =	vadd.f32 v42, v53;
	v35 =	vadd.f32 v35, v55;
	v28, _, _ =	vpop (xrf2)  }
0x747: {  	(xrf2) =	vadd.scan.msk.f32 $0xffff, v20;
	v8 =	vadd.f32 v21, v8;
	(v2sf) =	vpush v28, $0xF  }
0x748: {  	v20 =	vadd.f32 v56, v24;
	(xrf2) =	vadd.scan.msk.f32 $0xffff, v35;
	v28, _, _ =	vpop (xrf2)  }
0x749: {  	(v2sf) =	vpush v28, $0xF;
	(xrf2) =	vadd.scan.msk.f32 $0xffff, v8  }
0x74a: {  	(xrf2) =	vadd.scan.msk.f32 $0xffff, v20;
	_ =	sdelay $0x5  }
0x74b: {  	s16 =	simm.s32 $0x507  }
0x74c: {  	v20 =	vld [tilespmem:s16+$0x0];
	v8, _, _ =	vpop (xrf2)  }
0x74d: {  	(v2sf) =	vpush v8, $0xF;
	v8, _, _ =	vpop (xrf2)  }
0x74e: {  	(v2sf) =	vpush v8, $0xF;
	v8, _, _ =	vpop (xrf2)  }
0x74f: {  	(v2sf) =	vpush v8, $0xF;
	v8, _, _ =	vpop (xrf2)  }
0x750: {  	(v2sf) =	vpush v8, $0xF  }
0x751: {  	s17 =	spop (v2sf);
	(v2sf) =	vpush v20, $0x0;
	_ =	sdelay $0x1  }
0x752: {  	s19 =	smul.f32 $7.812500000e-03, s17;
	s20 =	spop (v2sf)  }
0x753: {  	s11 =	smul.f32 $7.812500000e-03, s20  }
0x754: {  	s22 =	smul.f32 s19, s19;
	_ =	sdelay $0x1  }
0x755: {  	s11 =	ssub.f32 s11, s22  }
0x756: {  	v46 =	vmul.f32 v31, v31;
	v57 =	vld [tilespmem:s16+$0xFFFFFFFD]  }
0x757: {  	v39 =	vmul.f32 v30, v30;
	v43 =	vmul.f32 v33, v33;
	v8 =	vld [tilespmem:s16+$0xFFFFFFFE];
	s11 =	smax.f32 s11, $0.0e+00  }
0x758: {  	v53 =	vmul.f32 v34, v34;
	v40 =	vmul.f32 v14, v14;
	v24 =	vld [tilespmem:s16+$0xFFFFFFFF];
	s25 =	sadd.f32 $9.999999960e-13, s11;
	s11 =	simm.s32 $0xC900  }
0x759: {  	v47 =	vmul.f32 v16, v16;
	v49 =	vmul.f32 v15, v15;
	v42 =	vld [tilespmem:s11+$0x80]  }
0x75a: {  	v52 =	vmul.f32 v37, v37;
	v35 =	vmul.f32 v29, v29;
	s22 =	spop (v2sf);
	v45 =	vld [tilespmem:s11+$0x90]  }
0x75b: {  	v21 =	vmul.f32 v13, v13;
	v28 =	vmul.f32 v27, v27;
	s17 =	spop (v2sf);
	v48 =	vld [tilespmem:s11+$0xA0];
	v54 =	vmov s25  }
0x75c: {  	(v2sf) =	vpush v8, $0x0;
	v51 =	vld [tilespmem:s11+$0xB0];
	v55 =	vshra.s32 v54, $0x1;
	v41 =	vmul.f32 $-5.000000000e-01, v54;
	s9 =	spop (v2sf)  }
0x75d: {  	v20 =	vmul.f32 v26, v26;
	(v2sf) =	vpush v24, $0x0;
	v8 =	vld [tilespmem:s11+$0xC0];
	v44 =	vsub.s32 $0x5F3759DF, v55;
	s28 =	spop (v2sf)  }
0x75e: {  	v39 =	vadd.f32 v40, v39;
	(v2sf) =	vpush v57, $0x0;
	v24 =	vld [tilespmem:s11+$0xD0];
	v56 =	vmul.f32 v44, v41;
	s29 =	spop (v2sf)  }
0x75f: {  	v50 =	vmul.f32 v38, v38;
	v28 =	vadd.f32 v35, v28;
	v20 =	vadd.f32 v21, v20;
	v36 =	vld [tilespmem:s11+$0xE0];
	s14 =	sshll.u32 s29, $0x9  }
0x760: {  	v40 =	vadd.f32 v46, v43;
	v46 =	vadd.f32 v49, v47;
	v35 =	vld [tilespmem:s11+$0xF0];
	v21 =	vmul.f32 v44, v56;
	s14 =	sshra.s32 s14, $0x2  }
0x761: {  	v47 =	vadd.f32 v53, v52;
	v20 =	vadd.f32 v28, v20;
	v54 =	vmul.f32 v32, v32;
	v43 =	vld [tilespmem:s14+$0x10600]  }
0x762: {  	v55 =	vmul.f32 v22, v22;
	v56 =	vmul.f32 v9, v9;
	v21 =	vadd.f32 $1.500000000e+00, v21;
	v52 =	vld [tilespmem:s14+$0x10620]  }
0x763: {  	v28 =	vadd.f32 v40, v39;
	v49 =	vadd.f32 v54, v50;
	v40 =	vld [tilespmem:s14+$0x10630]  }
0x764: {  	v57 =	vadd.f32 v56, v55;
	v56 =	vadd.f32 v47, v46;
	v47 =	vld [tilespmem:s14+$0x10640];
	v21 =	vmul.f32 v44, v21  }
0x765: {  	v46 =	vmov s19;
	v50 =	vld [tilespmem:s14+$0x10660]  }
0x766: {  	v53 =	vsub.f32 v7, v46;
	v7 =	vld [tilespmem:s14+$0x10670];
	v57 =	vadd.f32 v57, v49;
	v55 =	vmul.f32 v21, v41  }
0x767: {  	v20 =	vadd.f32 v28, v20;
	v54 =	vsub.f32 v5, v46;
	v44 =	vld [tilespmem:s14+$0x10610]  }
0x768: {  	v49 =	vld [tilespmem:s14+$0x10650];
	v28 =	vadd.f32 v57, v56;
	v39 =	vmul.f32 v55, v21;
	v55 =	vsub.f32 v6, v46  }
0x769: {  	v43 =	vadd.f32 v43, v42;
	v41 =	vadd.f32 v52, v48  }
0x76a: {  	v6 =	vadd.f32 v40, v51;
	v52 =	vadd.f32 v47, v8  }
0x76b: {  	(xrf2) =	vadd.scan.msk.f32 $0xffff, v20;
	s15 =	spop (v2sf);
	v56 =	vadd.f32 v50, v36;
	v7 =	vadd.f32 v7, v35;
	[tilespmem:$0x1F610] =	vst v43  }
0x76c: {  	s19 =	spop (v2sf);
	v45 =	vadd.f32 v44, v45;
	v20 =	vmul.f32 v43, v43;
	v35 =	vmul.f32 v41, v41;
	[tilespmem:$0x1F3E0] =	vst v6  }
0x76d: {  	s16 =	spop (v2sf);
	v5 =	vadd.f32 v49, v24;
	v36 =	vmul.f32 v6, v6;
	[tilespmem:$0x1F3F0] =	vst v52;
	v47 =	vmul.f32 v52, v52  }
0x76e: {  	s14 =	sshll.u32 s16, $0x9;
	v57 =	vadd.f32 $1.500000000e+00, v39;
	v44 =	vmul.f32 v7, v7;
	[tilespmem:$0x1F620] =	vst v45;
	v24 =	vmul.f32 v45, v45  }
0x76f: {  	s14 =	sshra.s32 s14, $0x2;
	v8 =	vadd.f32 v45, v43;
	[tilespmem:$0x1F400] =	vst v5;
	v42 =	vmul.f32 v5, v5;
	v43 =	vmul.f32 v56, v56  }
0x770: {  	v49 =	vld [tilespmem:s14+$0x10600];
	[tilespmem:$0x1F5E0] =	vst v7;
	v20 =	vadd.f32 v24, v20;
	v24 =	vadd.f32 v36, v35;
	v35 =	vmul.f32 v57, v21  }
0x771: {  	v50 =	vadd.f32 v7, v56;
	v45 =	vadd.f32 v5, v52;
	[tilespmem:$0x1F410] =	vst v56  }
0x772: {  	v56 =	vld [tilespmem:s14+$0x10610];
	v21 =	vadd.f32 v42, v47;
	v5 =	vadd.f32 v44, v43;
	v57 =	vmul.f32 v35, v58  }
0x773: {  	(xrf2) =	vadd.scan.msk.f32 $0xffff, v28;
	v28 =	vadd.f32 v6, v41;
	v36 =	vld [tilespmem:s14+$0x10620]  }
0x774: {  	v48 =	vld [tilespmem:s14+$0x10630];
	v21 =	vadd.f32 v5, v21;
	v5 =	vmul.f32 v57, v53  }
0x775: {  	v8 =	vadd.f32 v28, v8;
	v28 =	vadd.f32 v50, v45;
	v50 =	vld [tilespmem:s14+$0x10640]  }
0x776: {  	v20 =	vadd.f32 v24, v20;
	v24 =	vld [tilespmem:s14+$0x10650];
	[tilespmem:$0x1F5F0] =	vst v5  }
0x777: {  	s20 =	smul.f32 $7.812500000e-03, s22;
	s13 =	sshll.u32 s15, $0x9;
	v5 =	vld [tilespmem:s14+$0x10660]  }
0x778: {  	s13 =	sshra.s32 s13, $0x2;
	v52 =	vld [tilespmem:s14+$0x10670]  }
0x779: {  	v45 =	vmov s20;
	v57 =	vld [tilespmem:s13+$0x10600]  }
0x77a: {  	v44 =	vsub.f32 v11, v45;
	v6 =	vsub.f32 v19, v45;
	v11 =	vld [tilespmem:s13+$0x10610]  }
0x77b: {  	v53 =	vsub.f32 v17, v45;
	v17 =	vld [tilespmem:s13+$0x10620]  }
0x77c: {  	v42 =	vsub.f32 v10, v45;
	v10 =	vld [tilespmem:s13+$0x10630];
	[tilespmem:$0x1F420] =	vst v6;
	v6 =	vsub.f32 v23, v45  }
0x77d: {  	s22 =	smul.f32 $7.812500000e-03, s17  }
0x77e: {  	[tilespmem:$0x1F430] =	vst v6;
	v6 =	vsub.f32 v25, v45  }
0x77f: {  	v43 =	vsub.f32 v18, v45;
	v18 =	vmov s22  }
0x780: {  	v28 =	vadd.f32 v28, v8;
	v23 =	vld [tilespmem:s13+$0x10640];
	[tilespmem:$0x1F440] =	vst v6;
	v6 =	vsub.f32 v26, v18;
	_ =	sdelay $0x1  }
0x781: {  	v20 =	vadd.f32 v21, v20;
	[tilespmem:$0x1F450] =	vst v6;
	v6 =	vsub.f32 v13, v18  }
0x782: {  	v58, _, _ =	vpop (xrf2);
	(xrf2) =	vadd.scan.msk.f32 $0xffff, v28  }
0x783: {  	v28, _, _ =	vpop (xrf2);
	(xrf2) =	vadd.scan.msk.f32 $0xffff, v20;
	v20 =	vmul.f32 v35, v59;
	v25 =	vld [tilespmem:s13+$0x10650];
	[tilespmem:$0x1F460] =	vst v6;
	v6 =	vsub.f32 v27, v18;
	_ =	sdelay $0x1  }
0x784: {  	[tilespmem:$0x1F470] =	vst v6;
	v6 =	vmul.f32 v20, v55;
	_ =	sdelay $0x1  }
0x785: {  	v26 =	vld [tilespmem:s13+$0x10660];
	[tilespmem:$0x1F600] =	vst v6;
	v6 =	vsub.f32 v29, v18;
	_ =	sdelay $0x1  }
0x786: {  	[tilespmem:$0x1F480] =	vst v6;
	v6 =	vsub.f32 v30, v18;
	_ =	sdelay $0x1  }
0x787: {  	(v2sf) =	vpush v58, $0xF;
	v21 =	vmul.f32 v35, v63;
	[tilespmem:$0x1F490] =	vst v6;
	v6 =	vsub.f32 v14, v18  }
0x788: {  	s25 =	smul.f32 $7.812500000e-03, s28;
	v4 =	vsub.f32 v4, v46;
	(v2sf) =	vpush v28, $0xF;
	v28 =	vmul.f32 v35, v60  }
0x789: {  	s28 =	smul.f32 $7.812500000e-03, s9;
	v39 =	vsub.f32 v12, v45;
	v12 =	vmul.f32 v21, v54;
	v21 =	vld [tilespmem:s11+$0xFFFFFF00];
	[tilespmem:$0x1F4A0] =	vst v6;
	v6 =	vsub.f32 v33, v18  }
0x78a: {  	v14 =	vmul.f32 v28, v4;
	v4 =	vsub.f32 v31, v18  }
0x78b: {  	v27 =	vmov s28;
	[tilespmem:$0x1F4B0] =	vst v6  }
0x78c: {  	v29 =	vld [tilespmem:s11+$0xFFFFFF10];
	[tilespmem:$0x1F4C0] =	vst v4;
	v4 =	vsub.f32 v16, v27;
	_ =	sdelay $0x1  }
0x78d: {  	v3 =	vsub.f32 v3, v46;
	v51 =	vmov v63;
	v63 =	vmul.f32 v35, v61  }
0x78e: {  	v1 =	vsub.f32 v1, v46;
	v40 =	vmul.f32 v35, v62  }
0x78f: {  	v13 =	vmul.f32 v63, v3;
	v3 =	vsub.f32 v15, v27;
	[tilespmem:$0x1F4D0] =	vst v4;
	v4, _, _ =	vpop (xrf2)  }
0x790: {  	s15 =	smul.f32 s20, s20;
	v20 =	vmul.f32 v40, v1;
	v1 =	vsub.f32 v37, v27;
	(v2sf) =	vpush v4, $0xF;
	v4, _, _ =	vpop (xrf2)  }
0x791: {  	v16 =	vld [tilespmem:s11+$0xFFFFFF20];
	[tilespmem:$0x1F4E0] =	vst v3;
	(v2sf) =	vpush v4, $0xF;
	v4 =	vsub.f32 v34, v27  }
0x792: {  	s29 =	ssub.f32 s25, s15;
	v3 =	vld [tilespmem:s11+$0xFFFFFF30];
	[tilespmem:$0x1F4F0] =	vst v1  }
0x793: {  	v1 =	vld [tilespmem:s11+$0xFFFFFF40];
	[tilespmem:$0x1F500] =	vst v4;
	v4 =	vsub.f32 v38, v27  }
0x794: {  	s9 =	smax.f32 s29, $0.0e+00;
	v6 =	vsub.f32 v32, v27  }
0x795: {  	s9 =	sadd.f32 $9.999999960e-13, s9;
	v45 =	vld [tilespmem:$0x1FF20];
	[tilespmem:$0x1F510] =	vst v4  }
0x796: {  	v15 =	vld [tilespmem:s11+$0xFFFFFF50];
	[tilespmem:$0x1F520] =	vst v6;
	v6 =	vsub.f32 v22, v27  }
0x797: {  	v4 =	vmov s9  }
0x798: {  	v18 =	vshra.s32 v4, $0x1;
	v28 =	vmul.f32 $-5.000000000e-01, v4;
	v4 =	vld [tilespmem:s11+$0xFFFFFF60];
	[tilespmem:$0x1F530] =	vst v6;
	v6 =	vsub.f32 v9, v27  }
0x799: {  	v2 =	vsub.f32 v2, v46;
	v0 =	vsub.f32 v0, v46;
	s15 =	sshll.u32 s19, $0x9;
	v46 =	vld [tilespmem:$0x1FF30]  }
0x79a: {  	s9 =	sshra.s32 s15, $0x2;
	v22 =	vmul.f32 v35, v45;
	v30 =	vld [tilespmem:s13+$0x10670];
	[tilespmem:$0x1F540] =	vst v6  }
0x79b: {  	v18 =	vsub.s32 $0x5F3759DF, v18;
	v27 =	vld [tilespmem:s9+$0x10600]  }
0x79c: {  	v9 =	vmul.f32 v18, v28;
	v6 =	vadd.f32 v49, v21;
	v49 =	vmul.f32 v22, v2;
	v2 =	vld [tilespmem:s11+$0xFFFFFF70]  }
0x79d: {  	s16 =	smul.f32 s22, s22;
	s17 =	spop (v2sf);
	v8 =	vadd.f32 v56, v29;
	v19 =	vadd.f32 v48, v3;
	v3 =	vld [tilespmem:s11+$0xFFFFFF80]  }
0x79e: {  	s14 =	smul.f32 $7.812500000e-03, s17;
	v21 =	vadd.f32 v50, v1;
	v1 =	vmul.f32 v18, v9;
	v50 =	vadd.f32 v24, v15;
	v15 =	vld [tilespmem:s9+$0x10610]  }
0x79f: {  	v7 =	vadd.f32 v36, v16;
	v9 =	vmul.f32 v35, v46;
	v5 =	vadd.f32 v5, v4;
	v4 =	vld [tilespmem:s11+$0xFFFFFF90];
	[tilespmem:$0x1F550] =	vst v6  }
0x7a0: {  	s13 =	ssub.f32 s14, s16;
	v24 =	vmul.f32 v8, v8;
	v1 =	vadd.f32 $1.500000000e+00, v1;
	v16 =	vmul.f32 v6, v6;
	[tilespmem:$0x1F560] =	vst v8  }
0x7a1: {  	s12 =	smul.f32 s28, s28;
	s19 =	spop (v2sf);
	v29 =	vadd.f32 v19, v7;
	v22 =	vmul.f32 v9, v0;
	v0 =	vadd.f32 v8, v6;
	v31 =	vld [tilespmem:s11+$0xFFFFFFA0]  }
0x7a2: {  	s14 =	smul.f32 $7.812500000e-03, s19;
	s13 =	smax.f32 s13, $0.0e+00;
	v18 =	vmul.f32 v18, v1;
	v9 =	vadd.f32 v24, v16;
	v1 =	vld [tilespmem:s11+$0xFFFFFFB0];
	[tilespmem:$0x1F570] =	vst v7  }
0x7a3: {  	s13 =	sadd.f32 $9.999999960e-13, s13;
	v16 =	vadd.f32 v29, v0;
	v0 =	vmul.f32 v7, v7;
	[tilespmem:$0x1F580] =	vst v19;
	v48 =	vmul.f32 v5, v5  }
0x7a4: {  	s12 =	ssub.f32 s14, s12;
	v24 =	vld [tilespmem:s11+$0xFFFFFFC0];
	v6 =	vadd.f32 v52, v2;
	v2 =	vmul.f32 v19, v19;
	v54 =	vadd.f32 v57, v3  }
0x7a5: {  	v59 =	vld [tilespmem:s9+$0x10630];
	v3 =	vmov s13;
	v28 =	vmul.f32 v18, v28;
	v58 =	vadd.f32 v11, v4  }
0x7a6: {  	s12 =	smax.f32 s12, $0.0e+00;
	v4 =	vld [tilespmem:s11+$0xFFFFFFD0];
	v29 =	vmul.f32 $-5.000000000e-01, v3;
	v11 =	vadd.f32 v2, v0;
	v0 =	vshra.s32 v3, $0x1  }
0x7a7: {  	s20 =	sadd.f32 $9.999999960e-13, s12;
	s22 =	spop (v2sf);
	v2 =	vld [tilespmem:s9+$0x10620];
	v40 =	vadd.f32 v6, v5;
	v60 =	vadd.f32 v17, v31;
	v31 =	vmul.f32 v50, v50  }
0x7a8: {  	s12 =	smul.f32 $7.812500000e-03, s22;
	s25 =	spop (v2sf);
	v3 =	vsub.s32 $0x5F3759DF, v0;
	v0 =	vadd.f32 v50, v21;
	v61 =	vadd.f32 v10, v1;
	v10 =	vld [tilespmem:s11+$0xFFFFFFE0];
	[tilespmem:$0x1F590] =	vst v21  }
0x7a9: {  	s14 =	smul.f32 $7.812500000e-03, s25;
	v28 =	vmul.f32 v28, v18;
	[tilespmem:$0x1F5A0] =	vst v50;
	v50 =	vmul.f32 v6, v6  }
0x7aa: {  	s28 =	smul.f32 s12, s12;
	v56 =	vadd.f32 v58, v54;
	v47 =	vld [tilespmem:s11+$0xFFFFFFF0];
	v17 =	vadd.f32 v40, v0;
	v0 =	vmul.f32 v21, v21  }
0x7ab: {  	v1 =	vmul.f32 v3, v29;
	v62 =	vadd.f32 v23, v24;
	v23 =	vld [tilespmem:s11+$0x0];
	v28 =	vadd.f32 $1.500000000e+00, v28  }
0x7ac: {  	s29 =	ssub.f32 s14, s28;
	v63 =	vadd.f32 v25, v4;
	v4 =	vmov s20;
	v24 =	vadd.f32 v31, v0;
	v31 =	vld [tilespmem:s11+$0x10];
	[tilespmem:$0x1F5B0] =	vst v5  }
0x7ad: {  	v9 =	vadd.f32 v11, v9;
	v1 =	vmul.f32 v3, v1;
	v25 =	vmul.f32 $-5.000000000e-01, v4;
	[tilespmem:$0x1F5C0] =	vst v6  }
0x7ae: {  	s13 =	smax.f32 s29, $0.0e+00;
	v4 =	vshra.s32 v4, $0x1;
	v5 =	vadd.f32 v61, v60;
	v16 =	vadd.f32 v17, v16;
	v52 =	vld [tilespmem:s11+$0x20]  }
0x7af: {  	s13 =	sadd.f32 $9.999999960e-13, s13;
	v0 =	vadd.f32 v26, v10;
	v10 =	vsub.s32 $0x5F3759DF, v4;
	v4 =	vadd.f32 $1.500000000e+00, v1;
	v26 =	vld [tilespmem:s11+$0x30]  }
0x7b0: {  	v18 =	vmul.f32 v28, v18;
	v34 =	vld [tilespmem:s9+$0x10640];
	v40 =	vadd.f32 v63, v62;
	v1 =	vadd.f32 v30, v47  }
0x7b1: {  	v37 =	vld [tilespmem:s9+$0x10650];
	v30 =	vadd.f32 v50, v48;
	v55 =	vmul.f32 v10, v25;
	v57 =	vmov s13  }
0x7b2: {  	v6 =	vld [tilespmem:s11+$0x60];
	v48 =	vmul.f32 v54, v54;
	v35 =	vmul.f32 v3, v4;
	v3 =	vadd.f32 v27, v23  }
0x7b3: {  	v50 =	vld [tilespmem:s9+$0x10670];
	v27 =	vadd.f32 v5, v56;
	v4 =	vadd.f32 v15, v31;
	v15 =	vmul.f32 v10, v55  }
0x7b4: {  	v23 =	vld [tilespmem:s11+$0x40];
	v33 =	vmul.f32 $-5.000000000e-01, v57;
	v7 =	vmul.f32 v0, v0;
	v47 =	vadd.f32 v1, v0  }
0x7b5: {  	v11 =	vadd.f32 v30, v24;
	v31 =	vld [tilespmem:s11+$0x50];
	v28 =	vmul.f32 v35, v29;
	v15 =	vadd.f32 $1.500000000e+00, v15  }
0x7b6: {  	v8 =	vadd.f32 v59, v26;
	v26 =	vld [tilespmem:s9+$0x10660];
	v59 =	vshra.s32 v57, $0x1;
	v36 =	vadd.f32 v47, v40  }
0x7b7: {  	v40 =	vmul.f32 v58, v58;
	v32 =	vsub.s32 $0x5F3759DF, v59;
	v10 =	vmul.f32 v10, v15;
	v15 =	vld [tilespmem:s11+$0x70]  }
0x7b8: {  	v2 =	vadd.f32 v2, v52;
	v29 =	vadd.f32 v4, v3;
	v5 =	vmul.f32 v32, v33  }
0x7b9: {  	v47 =	vmul.f32 v62, v62;
	v57 =	vadd.f32 v34, v23;
	v23 =	vadd.f32 v40, v48  }
0x7ba: {  	v48 =	vmul.f32 v63, v63;
	v56 =	vadd.f32 v37, v31;
	v5 =	vmul.f32 v32, v5  }
0x7bb: {  	v31 =	vmul.f32 v61, v61;
	v55 =	vadd.f32 v26, v6;
	v26 =	vmul.f32 v60, v60  }
0x7bc: {  	v6 =	vadd.f32 $1.500000000e+00, v5;
	v5 =	vmul.f32 v1, v1;
	v59 =	vadd.f32 v50, v15  }
0x7bd: {  	v28 =	vmul.f32 v28, v35;
	v15 =	vadd.f32 v31, v26;
	v26 =	vadd.f32 v48, v47  }
0x7be: {  	v7 =	vadd.f32 v5, v7;
	v6 =	vmul.f32 v32, v6;
	v48 =	vmul.f32 v8, v8  }
0x7bf: {  	[tilespmem:$0x1F5D0] =	vst v8;
	v31 =	vadd.f32 v8, v2;
	v8 =	vmul.f32 v55, v55;
	v5 =	vmul.f32 v59, v59  }
0x7c0: {  	v40 =	vmul.f32 v4, v4;
	v50 =	vadd.f32 v56, v57;
	v52 =	vadd.f32 v59, v55  }
0x7c1: {  	v28 =	vadd.f32 $1.500000000e+00, v28;
	v32 =	vmul.f32 v6, v33;
	v5 =	vadd.f32 v5, v8;
	v8 =	vld [tilespmem:$0x1F5E0]  }
0x7c2: {  	v33 =	vadd.f32 v52, v50;
	v50 =	vmul.f32 v57, v57;
	v52 =	vmul.f32 v56, v56  }
0x7c3: {  	v37 =	vmov s12;
	v17 =	vmul.f32 v10, v25;
	v32 =	vmul.f32 v32, v6  }
0x7c4: {  	v25 =	vmul.f32 v28, v35;
	v29 =	vadd.f32 v31, v29;
	v38 =	vadd.f32 v52, v50;
	v52 =	vld [tilespmem:$0x1FF40]  }
0x7c5: {  	v21 =	vld [tilespmem:$0x1FFB0];
	v31 =	vmul.f32 v3, v3;
	v23 =	vadd.f32 v15, v23;
	v28 =	vadd.f32 $1.500000000e+00, v32  }
0x7c6: {  	v15 =	vsub.f32 v8, v37;
	v8 =	vadd.f32 v11, v9;
	v9 =	vld [tilespmem:$0x1F5F0]  }
0x7c7: {  	v17 =	vmul.f32 v17, v10;
	v31 =	vadd.f32 v40, v31;
	v40 =	vmul.f32 v28, v6  }
0x7c8: {  	v47 =	vmul.f32 v2, v2  }
0x7c9: {  	(xrf2) =	vadd.scan.msk.f32 $0xffff, v16;
	v16 =	vld [tilespmem:$0x1FFC0];
	v6 =	vadd.f32 v7, v26;
	v7 =	vadd.f32 $1.500000000e+00, v17;
	v17 =	vmul.f32 v40, v52  }
0x7ca: {  	v30 =	vld [tilespmem:$0x1FFF0]  }
0x7cb: {  	v34 =	vadd.f32 v48, v47;
	v48 =	vld [tilespmem:$0x1FFE0];
	v19 =	vmul.f32 v17, v15;
	v15 =	vadd.f32 v9, v21  }
0x7cc: {  	v47 =	vld [tilespmem:$0x1FF00]  }
0x7cd: {  	v50 =	vld [tilespmem:$0x1FF10];
	[tilespmem:s10+$0xF0] =	vst v15  }
0x7ce: {  	v15 =	vld [tilespmem:$0x1FF50]  }
0x7cf: {  	v17 =	vld [tilespmem:$0x1F600];
	_ =	sdelay $0x1  }
0x7d0: {  	v24 =	vadd.f32 v36, v27;
	_ =	sdelay $0x1  }
0x7d1: {  	(xrf2) =	vadd.scan.msk.f32 $0xffff, v24;
	v24 =	vadd.f32 v12, v16  }
0x7d2: {  	v28 =	vadd.f32 v17, v15  }
0x7d3: {  	[tilespmem:s10+$0x80] =	vst v24  }
0x7d4: {  	v24 =	vld [tilespmem:$0x1FF60];
	[tilespmem:s10+$0x90] =	vst v28  }
0x7d5: {  	v28 =	vld [tilespmem:$0x1FF70];
	_ =	sdelay $0x3  }
0x7d6: {  	v14 =	vadd.f32 v14, v24  }
0x7d7: {  	v13 =	vadd.f32 v13, v28  }
0x7d8: {  	[tilespmem:s10+$0xA0] =	vst v14  }
0x7d9: {  	v14 =	vld [tilespmem:$0x1FF80];
	[tilespmem:s10+$0xB0] =	vst v13  }
0x7da: {  	v13 =	vld [tilespmem:$0x1FF90];
	_ =	sdelay $0x3  }
0x7db: {  	v27 =	vadd.f32 v34, v31;
	v34 =	vmov v45;
	v14 =	vadd.f32 v20, v14  }
0x7dc: {  	v31 =	vmul.f32 v25, v34;
	v13 =	vadd.f32 v49, v13  }
0x7dd: {  	v5 =	vadd.f32 v5, v38;
	v38 =	vmul.f32 v25, v48;
	v7 =	vmul.f32 v7, v10;
	[tilespmem:s10+$0xC0] =	vst v14  }
0x7de: {  	v26 =	vadd.f32 v33, v29;
	v33 =	vmul.f32 v25, v47;
	v11 =	vmul.f32 v18, v51;
	[tilespmem:s10+$0xD0] =	vst v13  }
0x7df: {  	v32 =	vmul.f32 v25, v52;
	v29 =	vmul.f32 v7, v47;
	v13 =	vld [tilespmem:$0x1FFA0]  }
0x7e0: {  	v5 =	vadd.f32 v5, v27;
	v27 =	vmul.f32 v7, v50;
	v9 =	vmul.f32 v18, v30  }
0x7e1: {  	v36 =	vmovc v46;
	v15 =	vmul.f32 v18, v45;
	v17 =	vmul.f32 v18, v46;
	v46 =	vmov v30  }
0x7e2: {  	v45 =	vmovc v51;
	v24 =	vmul.f32 v25, v51;
	v51 =	vmov v36;
	v35 =	vmul.f32 v7, v46  }
0x7e3: {  	(xrf2) =	vadd.scan.msk.f32 $0xffff, v26;
	v26 =	vmul.f32 v7, v51;
	v28 =	vmul.f32 v25, v30  }
0x7e4: {  	v30 =	vmul.f32 v25, v50;
	v14 =	vmul.f32 v7, v48;
	v13 =	vadd.f32 v22, v13  }
0x7e5: {  	v49 =	vmov v34;
	v34 =	vmul.f32 v25, v36;
	v36 =	vmul.f32 v7, v45  }
0x7e6: {  	v25 =	vmul.f32 v7, v49;
	[tilespmem:s10+$0xE0] =	vst v13;
	v13 =	vmul.f32 v7, v52;
	v7 =	vadd.f32 v19, v21  }
0x7e7: {  	v6 =	vadd.f32 v6, v23  }
0x7e8: {  	(xrf2) =	vadd.scan.msk.f32 $0xffff, v8;
	[tilespmem:s11+$0xF0] =	vst v7  }
0x7e9: {  	v20, _, _ =	vpop (xrf2);
	(xrf2) =	vadd.scan.msk.f32 $0xffff, v6;
	v6 =	vld [tilespmem:$0x1F610]  }
0x7ea: {  	v12 =	vmul.f32 v18, v47;
	v8, _, _ =	vpop (xrf2);
	(xrf2) =	vadd.scan.msk.f32 $0xffff, v5;
	v5 =	vld [tilespmem:$0x1F620]  }
0x7eb: {  	v10 =	vmul.f32 v18, v48;
	v16 =	vmul.f32 v18, v50  }
0x7ec: {  	v18 =	vmul.f32 v18, v52;
	v23 =	vmul.f32 v40, v45;
	(v2sf) =	vpush v20, $0xF  }
0x7ed: {  	v20 =	vmul.f32 v40, v46;
	(v2sf) =	vpush v8, $0xF;
	v8 =	vmul.f32 v40, v47  }
0x7ee: {  	v19 =	vmul.f32 v40, v48;
	v7 =	vmul.f32 v40, v50;
	v22 =	vsub.f32 v6, v37  }
0x7ef: {  	s17 =	simm.s32 $0xC900;
	s9 =	simm.s32 $0x4;
	s12 =	simm.s32 $0x50B;
	v21 =	vsub.f32 v5, v37;
	v6 =	vmul.f32 v40, v49;
	v5 =	vmul.f32 v40, v51  }
.LBB2_13:
0x7f0: {  	v51 =	vld [tilespmem:$0x1F3E0];
	_ =	sdelay $0x3  }
0x7f1: {  	v11 =	vmul.f32 v11, v44;
	v44 =	vld [tilespmem:$0x1F410]  }
0x7f2: {  	v46 =	vsub.f32 v51, v37;
	v51 =	vld [tilespmem:$0x1F3F0];
	_ =	sdelay $0x4  }
0x7f3: {  	v48 =	vsub.f32 v51, v37;
	v51 =	vsub.f32 v44, v37;
	v44 =	vmul.f32 v12, v42;
	v12 =	vld [tilespmem:$0x1F420];
	_ =	sdelay $0x4  }
0x7f4: {  	v42 =	vmul.f32 v15, v12;
	v12 =	vld [tilespmem:$0x1F430];
	_ =	sdelay $0x2  }
0x7f5: {  	v52, _, _ =	vpop (xrf2)  }
0x7f6: {  	v9 =	vmul.f32 v9, v39;
	(v2sf) =	vpush v52, $0xF;
	v52 =	vld [tilespmem:$0x1F400]  }
0x7f7: {  	v39 =	vmul.f32 v16, v43;
	v43 =	vmul.f32 v17, v12;
	v12 =	vld [tilespmem:$0x1F460];
	_ =	sdelay $0x3  }
0x7f8: {  	v45 =	vsub.f32 v41, v37;
	v10 =	vmul.f32 v10, v53;
	v53 =	vld [tilespmem:$0x1FFC0];
	v50 =	vsub.f32 v52, v37;
	v37, _, _ =	vpop (xrf2)  }
0x7f9: {  	(v2sf) =	vpush v37, $0xF;
	v37 =	vmul.f32 v28, v12;
	v12 =	vld [tilespmem:$0x1F470];
	_ =	sdelay $0x2  }
0x7fa: {  	v40 =	vld [tilespmem:s12+$0x0]  }
0x7fb: {  	v11 =	vadd.f32 v11, v53;
	v52 =	vld [tilespmem:s12+$0xFFFFFFFD]  }
0x7fc: {  	v38 =	vmul.f32 v38, v12;
	v12 =	vld [tilespmem:$0x1F480]  }
0x7fd: {  	[tilespmem:s10+$0xFFFFFF00] =	vst v11;
	v11 =	vld [tilespmem:$0x1F440];
	_ =	sdelay $0x1  }
0x7fe: {  	v47 =	vld [tilespmem:s12+$0xFFFFFFFE]  }
0x7ff: {  	v49 =	vld [tilespmem:s12+$0xFFFFFFFF]  }
0x800: {  	v33 =	vmul.f32 v33, v12;
	v12 =	vld [tilespmem:$0x1F490]  }
0x801: {  	(v2sf) =	vpush v40, $0x0;
	v40 =	vmul.f32 v18, v11;
	v11 =	vld [tilespmem:$0x1F450];
	_ =	sdelay $0x2  }
0x802: {  	(v2sf) =	vpush v47, $0x0  }
0x803: {  	(v2sf) =	vpush v49, $0x0;
	v30 =	vmul.f32 v30, v12;
	v12 =	vld [tilespmem:$0x1F4A0]  }
0x804: {  	(v2sf) =	vpush v52, $0x0;
	v41 =	vmul.f32 v24, v11;
	v11, _, _ =	vpop (xrf2)  }
0x805: {  	(v2sf) =	vpush v11, $0xF;
	v11, _, _ =	vpop (xrf2)  }
0x806: {  	s13 =	spop (v2sf);
	(v2sf) =	vpush v11, $0xF;
	v11 =	vld [tilespmem:$0x1F4E0]  }
0x807: {  	v47 =	vld [tilespmem:$0x1FF50]  }
0x808: {  	v24 =	vmul.f32 v31, v12;
	v12 =	vld [tilespmem:$0x1F4B0];
	_ =	sdelay $0x2  }
0x809: {  	v15 =	vmul.f32 v35, v11;
	v11 =	vld [tilespmem:$0x1F4F0]  }
0x80a: {  	v31 =	vadd.f32 v9, v47;
	v9 =	vld [tilespmem:$0x1F500]  }
0x80b: {  	v28 =	vmul.f32 v34, v12;
	v12 =	vld [tilespmem:$0x1F4C0];
	_ =	sdelay $0x3  }
0x80c: {  	v16 =	vmul.f32 v14, v11;
	v14 =	vmul.f32 v29, v9;
	v9 =	vld [tilespmem:$0x1F510]  }
0x80d: {  	v18 =	vmul.f32 v32, v12;
	v12 =	vld [tilespmem:$0x1F4D0];
	_ =	sdelay $0x3  }
0x80e: {  	v49 =	vld [tilespmem:$0x1FF60]  }
0x80f: {  	v17 =	vmul.f32 v36, v12;
	v12 =	vmul.f32 v27, v9;
	v9 =	vld [tilespmem:$0x1F520]  }
0x810: {  	v20 =	vmul.f32 v20, v21;
	v21 =	vld [tilespmem:$0x1F570];
	_ =	sdelay $0x1  }
0x811: {  	s13 =	smul.f32 $7.812500000e-03, s13;
	_ =	sdelay $0x1  }
0x812: {  	v27 =	vadd.f32 v10, v49;
	v10 =	vmul.f32 v25, v9;
	v25 =	vmov s13  }
0x813: {  	v29 =	vsub.f32 v21, v25;
	v21 =	vld [tilespmem:$0x1F580];
	_ =	sdelay $0x3  }
0x814: {  	v9 =	vld [tilespmem:$0x1F530]  }
0x815: {  	v21 =	vsub.f32 v21, v25;
	_ =	sdelay $0x1  }
0x816: {  	[tilespmem:$0x1F360] =	vst v21;
	v21 =	vld [tilespmem:$0x1F590];
	_ =	sdelay $0x1  }
0x817: {  	v11 =	vmul.f32 v26, v9;
	v9 =	vmul.f32 v23, v22;
	v23 =	vld [tilespmem:$0x1F5B0]  }
0x818: {  	v22 =	vld [tilespmem:$0x1F540];
	_ =	sdelay $0x1  }
0x819: {  	v21 =	vsub.f32 v21, v25;
	_ =	sdelay $0x1  }
0x81a: {  	v23 =	vsub.f32 v23, v25;
	[tilespmem:$0x1F350] =	vst v21;
	v21 =	vld [tilespmem:$0x1F5A0]  }
0x81b: {  	v13 =	vmul.f32 v13, v22;
	v22 =	vld [tilespmem:$0x1F550]  }
0x81c: {  	[tilespmem:$0x1F430] =	vst v23;
	v23 =	vld [tilespmem:$0x1F5C0];
	_ =	sdelay $0x1  }
0x81d: {  	s16 =	spop (v2sf);
	s25 =	smul.f32 s13, s13  }
0x81e: {  	[tilespmem:$0x1F310] =	vst v20;
	s13 =	smul.f32 $7.812500000e-03, s16;
	v21 =	vsub.f32 v21, v25  }
0x81f: {  	[tilespmem:s10+$0xFFFFFF10] =	vst v31;
	v22 =	vsub.f32 v22, v25  }
0x820: {  	v23 =	vsub.f32 v23, v25;
	[tilespmem:$0x1F420] =	vst v21;
	v21 =	vmov s13  }
0x821: {  	[tilespmem:$0x1F340] =	vst v22;
	v0 =	vsub.f32 v0, v21  }
0x822: {  	[tilespmem:$0x1F440] =	vst v23;
	v23 =	vsub.f32 v54, v21;
	v54 =	vmul.f32 v7, v48;
	v7 =	vsub.f32 v60, v21  }
0x823: {  	s19 =	spop (v2sf);
	s14 =	smul.f32 s13, s13;
	v22 =	vld [tilespmem:$0x1F560];
	[tilespmem:$0x1F4B0] =	vst v0;
	v0 =	vsub.f32 v1, v21  }
0x824: {  	s11 =	sadd.s32 $0x200, s11;
	s20 =	spop (v2sf);
	s13 =	smul.f32 $7.812500000e-03, s19;
	[tilespmem:$0x1F470] =	vst v7;
	v7 =	vsub.f32 v61, v21  }
0x825: {  	v20 =	vld [tilespmem:s11+$0x80];
	s16 =	spop (v2sf);
	[tilespmem:$0x1F4C0] =	vst v0;
	v0 =	vmul.f32 v5, v51  }
0x826: {  	v31 =	vmul.f32 v19, v45;
	v19 =	vld [tilespmem:s11+$0x90];
	s22 =	sshll.u32 s16, $0x9;
	s28 =	spop (v2sf);
	[tilespmem:$0x1F480] =	vst v7;
	v7 =	vmov s13  }
0x827: {  	v32 =	vmul.f32 v8, v46;
	v8 =	vld [tilespmem:s11+$0xB0];
	s16 =	sshll.u32 s28, $0x9;
	s28 =	sshra.s32 s22, $0x2;
	[tilespmem:$0x1F320] =	vst v0;
	v0 =	vsub.f32 v3, v7  }
0x828: {  	[tilespmem:s10+$0xFFFFFF20] =	vst v27;
	v27 =	vld [tilespmem:s28+$0x10630];
	v22 =	vsub.f32 v22, v25  }
0x829: {  	v52 =	vld [tilespmem:s28+$0x10650];
	[tilespmem:$0x1F4D0] =	vst v0;
	v0 =	vsub.f32 v4, v7  }
0x82a: {  	v25 =	vld [tilespmem:s11+$0xD0];
	[tilespmem:$0x1F370] =	vst v22  }
0x82b: {  	v60 =	vld [tilespmem:$0x1FF90];
	[tilespmem:$0x1F4E0] =	vst v0;
	v0 =	vsub.f32 v2, v7  }
0x82c: {  	v26 =	vsub.f32 v62, v21;
	v22 =	vld [tilespmem:s11+$0xA0];
	[tilespmem:$0x1F450] =	vst v23  }
0x82d: {  	v37 =	vadd.f32 v37, v47;
	v38 =	vadd.f32 v38, v49;
	[tilespmem:$0x1F4F0] =	vst v0;
	v0 =	vld [tilespmem:$0x1F5D0]  }
0x82e: {  	v23 =	vsub.f32 v58, v21;
	[tilespmem:$0x1F490] =	vst v26;
	v26 =	vsub.f32 v63, v21;
	v21 =	vld [tilespmem:s11+$0xF0]  }
0x82f: {  	[tilespmem:s10+$0xFFFFFF90] =	vst v37;
	v58 =	vld [tilespmem:$0x1FF80]  }
0x830: {  	[tilespmem:s10+$0xFFFFFFA0] =	vst v38;
	v61 =	vmul.f32 v6, v50;
	v50 =	vld [tilespmem:s28+$0x10640]  }
0x831: {  	[tilespmem:$0x1F460] =	vst v23;
	v23 =	vld [tilespmem:s11+$0xC0];
	v6 =	vadd.f32 v42, v60  }
0x832: {  	[tilespmem:$0x1F4A0] =	vst v26;
	v51 =	vld [tilespmem:$0x1FF70];
	v0 =	vsub.f32 v0, v7  }
0x833: {  	v26 =	vld [tilespmem:s11+$0xE0];
	v24 =	vadd.f32 v24, v60;
	[tilespmem:s10+$0xFFFFFF50] =	vst v6  }
0x834: {  	v5 =	vld [tilespmem:$0x1FFA0];
	[tilespmem:$0x1F500] =	vst v0;
	v0 =	vsub.f32 v57, v7  }
0x835: {  	v42 =	vld [tilespmem:$0x1FFB0];
	v30 =	vadd.f32 v30, v58;
	[tilespmem:s10+$0xFFFFFFD0] =	vst v24  }
0x836: {  	v3 =	vld [tilespmem:s28+$0x10600];
	[tilespmem:$0x1F510] =	vst v0;
	v0 =	vsub.f32 v56, v7  }
0x837: {  	s29 =	spop (v2sf);
	v4 =	vld [tilespmem:s28+$0x10620];
	v33 =	vadd.f32 v33, v51;
	[tilespmem:s10+$0xFFFFFFC0] =	vst v30  }
0x838: {  	s19 =	spop (v2sf);
	s15 =	smul.f32 s13, s13;
	s13 =	sshll.u32 s29, $0x9;
	v2 =	vld [tilespmem:s28+$0x10610];
	[tilespmem:$0x1F520] =	vst v0;
	v0 =	vsub.f32 v55, v7  }
0x839: {  	v17 =	vadd.f32 v17, v53;
	s22 =	sshra.s32 s16, $0x2;
	s16 =	sshll.u32 s19, $0x9;
	s19 =	sshra.s32 s13, $0x2;
	[tilespmem:s10+$0xFFFFFFB0] =	vst v33;
	v57 =	vld [tilespmem:s28+$0x10660];
	v56 =	vadd.f32 v41, v53  }
0x83a: {  	v41 =	vadd.f32 v18, v42;
	v18 =	vld [tilespmem:s19+$0x10600];
	[tilespmem:$0x1F530] =	vst v0;
	v0 =	vsub.f32 v59, v7  }
0x83b: {  	v9 =	vadd.f32 v9, v53;
	v1 =	vadd.f32 v39, v58;
	v53 =	vmov v29;
	v29 =	vld [tilespmem:$0x1F310];
	[tilespmem:s10+$0xFFFFFF80] =	vst v56  }
0x83c: {  	s20 =	smul.f32 $7.812500000e-03, s20;
	v46 =	vld [tilespmem:s11+$0xFFFFFFA0];
	[tilespmem:$0x1F540] =	vst v0;
	v0 =	vadd.f32 v44, v51  }
0x83d: {  	s29 =	spop (v2sf);
	[tilespmem:s10+$0xFFFFFF40] =	vst v1;
	v6 =	vadd.f32 v4, v22;
	v7 =	vadd.f32 v43, v5;
	v59 =	vld [tilespmem:s28+$0x10670]  }
0x83e: {  	s20 =	ssub.f32 s20, s25;
	s13 =	sshra.s32 s16, $0x2;
	s16 =	smul.f32 $7.812500000e-03, s29;
	v22 =	vadd.f32 v27, v8;
	v43 =	vadd.f32 v15, v47;
	v15 =	vld [tilespmem:s19+$0x10620];
	[tilespmem:s10+$0xFFFFFF30] =	vst v0  }
0x83f: {  	v55 =	vadd.f32 v40, v42;
	v0 =	vld [tilespmem:s13+$0x10600];
	[tilespmem:s10+$0xFFFFFF60] =	vst v7  }
0x840: {  	s20 =	smax.f32 s20, $0.0e+00;
	s14 =	ssub.f32 s16, s14;
	[tilespmem:$0x1F3E0] =	vst v22;
	v1 =	vld [tilespmem:s13+$0x10610]  }
0x841: {  	s16 =	sadd.f32 $9.999999960e-13, s20;
	v28 =	vadd.f32 v28, v5;
	v40 =	vmul.f32 v22, v22;
	[tilespmem:s10+$0xFFFFFF70] =	vst v55;
	v55 =	vadd.f32 v22, v6;
	v22 =	vld [tilespmem:s22+$0x10600]  }
0x842: {  	s14 =	smax.f32 s14, $0.0e+00;
	v48 =	vadd.f32 v50, v23;
	v7 =	vadd.f32 v3, v20;
	v3 =	vld [tilespmem:s13+$0x10620]  }
0x843: {  	s29 =	spop (v2sf);
	v62 =	vmov s16;
	v50 =	vadd.f32 v52, v25;
	v14 =	vadd.f32 v14, v51;
	s14 =	sadd.f32 $9.999999960e-13, s14;
	v4 =	vld [tilespmem:s13+$0x10630]  }
0x844: {  	s29 =	smul.f32 $7.812500000e-03, s29;
	v32 =	vadd.f32 v32, v51;
	v25 =	vshra.s32 v62, $0x1;
	v63 =	vadd.f32 v2, v19;
	v19 =	vld [tilespmem:s13+$0x10640]  }
0x845: {  	v34 =	vmul.f32 $-5.000000000e-01, v62;
	v2 =	vmov s14;
	v56 =	vmul.f32 v48, v48;
	v20 =	vld [tilespmem:s13+$0x10650]  }
0x846: {  	s15 =	ssub.f32 s29, s15;
	v52 =	vadd.f32 v57, v26;
	v57 =	vmul.f32 v50, v50;
	v8 =	vadd.f32 v59, v21;
	v21 =	vld [tilespmem:s13+$0x10660]  }
0x847: {  	v62 =	vadd.f32 v50, v48;
	v38 =	vmul.f32 v6, v6;
	v37 =	vmul.f32 $-5.000000000e-01, v2;
	[tilespmem:s10+$0xFFFFFFE0] =	vst v28;
	v23 =	vld [tilespmem:s13+$0x10670]  }
0x848: {  	s15 =	smax.f32 s15, $0.0e+00;
	[tilespmem:$0x1F400] =	vst v50;
	v50 =	vshra.s32 v2, $0x1;
	v2 =	vadd.f32 v57, v56;
	v30 =	vadd.f32 v8, v52;
	v24 =	vld [tilespmem:s22+$0x10610]  }
0x849: {  	s15 =	sadd.f32 $9.999999960e-13, s15;
	[tilespmem:$0x1F410] =	vst v52;
	v59 =	vmul.f32 v52, v52;
	v26 =	vadd.f32 v63, v7;
	v36 =	vmul.f32 v7, v7;
	v52 =	vld [tilespmem:s22+$0x10620]  }
0x84a: {  	[tilespmem:$0x1F330] =	vst v63;
	v63 =	vmul.f32 v63, v63;
	v28 =	vld [tilespmem:s22+$0x10630];
	v30 =	vadd.f32 v30, v62;
	v62 =	vmul.f32 v8, v8  }
0x84b: {  	v27 =	vmov s15;
	v44 =	vadd.f32 v40, v38;
	v56 =	vld [tilespmem:s22+$0x10640];
	v26 =	vadd.f32 v55, v26  }
0x84c: {  	[tilespmem:$0x1F3F0] =	vst v48;
	v48 =	vshra.s32 v27, $0x1;
	v57 =	vld [tilespmem:s22+$0x10650];
	v63 =	vadd.f32 v63, v36;
	v33 =	vadd.f32 v62, v59  }
0x84d: {  	v40 =	vmul.f32 $-5.000000000e-01, v27;
	v51 =	vld [tilespmem:s11+$0xFFFFFF40];
	v55 =	vadd.f32 v16, v49;
	v26 =	vadd.f32 v30, v26  }
0x84e: {  	v16 =	vld [tilespmem:s19+$0x10630];
	v30 =	vsub.s32 $0x5F3759DF, v25;
	v27 =	vadd.f32 v44, v63;
	v2 =	vadd.f32 v33, v2  }
0x84f: {  	v38 =	vsub.s32 $0x5F3759DF, v48;
	v25 =	vld [tilespmem:s22+$0x10660];
	v59 =	vmul.f32 v30, v34  }
0x850: {  	v63 =	vmul.f32 v38, v40;
	v33 =	vsub.s32 $0x5F3759DF, v50;
	(xrf2) =	vadd.scan.msk.f32 $0xffff, v26;
	v26 =	vld [tilespmem:s22+$0x10670];
	v27 =	vadd.f32 v2, v27  }
0x851: {  	v62 =	vmul.f32 v33, v37;
	v35 =	vmul.f32 v30, v59;
	v2 =	vld [tilespmem:s19+$0x10610];
	[tilespmem:s10+$0x0] =	vst v17  }
0x852: {  	[tilespmem:s10+$0xFFFFFFF0] =	vst v41;
	v17 =	vld [tilespmem:s19+$0x10640];
	(xrf2) =	vadd.scan.msk.f32 $0xffff, v27;
	v27 =	vmul.f32 v38, v63  }
0x853: {  	v36 =	vmul.f32 v33, v62;
	v35 =	vadd.f32 $1.500000000e+00, v35;
	[tilespmem:s10+$0x10] =	vst v43;
	v63 =	vld [tilespmem:s11+$0xFFFFFF20]  }
0x854: {  	v12 =	vadd.f32 v12, v58;
	v59 =	vadd.f32 $1.500000000e+00, v27;
	v27 =	vld [tilespmem:s19+$0x10650];
	[tilespmem:s10+$0x20] =	vst v55  }
0x855: {  	v10 =	vadd.f32 v10, v60;
	v36 =	vadd.f32 $1.500000000e+00, v36;
	v30 =	vmul.f32 v30, v35;
	v55 =	vld [tilespmem:s19+$0x10660];
	[tilespmem:s10+$0x30] =	vst v14  }
0x856: {  	v11 =	vadd.f32 v11, v5;
	v35 =	vmul.f32 v38, v59;
	v59 =	vld [tilespmem:s19+$0x10670];
	[tilespmem:s10+$0x40] =	vst v12  }
0x857: {  	v13 =	vadd.f32 v13, v42;
	v33 =	vmul.f32 v33, v36;
	v34 =	vmul.f32 v30, v34;
	v12 =	vld [tilespmem:s11+$0xFFFFFF00];
	[tilespmem:s10+$0x50] =	vst v10  }
0x858: {  	v31 =	vadd.f32 v31, v49;
	v62 =	vadd.f32 v54, v58;
	v10 =	vld [tilespmem:s11+$0xFFFFFF10];
	[tilespmem:s10+$0x60] =	vst v11  }
0x859: {  	v49 =	vld [tilespmem:s11+$0xFFFFFF30];
	[tilespmem:s10+$0x70] =	vst v13;
	s10 =	smov.u32 s17;
	v36 =	vmul.f32 v33, v37;
	v37 =	vadd.f32 v29, v47;
	v34 =	vmul.f32 v34, v30  }
0x85a: {  	v44 =	vld [tilespmem:$0x1FFF0];
	v58 =	vadd.f32 v3, v63;
	[tilespmem:s10+$0xC0] =	vst v62;
	v62 =	vadd.f32 v19, v51  }
0x85b: {  	v3 =	vld [tilespmem:s11+$0xFFFFFF70];
	v14 =	vmul.f32 v35, v40;
	v29, _, _ =	vpop (xrf2);
	v36 =	vmul.f32 v36, v33;
	v11 =	vadd.f32 $1.500000000e+00, v34  }
0x85c: {  	(v2sf) =	vpush v29, $0xF;
	v54 =	vadd.f32 v0, v12;
	v0 =	vld [tilespmem:s11+$0xFFFFFF50]  }
0x85d: {  	[tilespmem:s10+$0xA0] =	vst v31;
	v14 =	vmul.f32 v14, v35;
	v48 =	vadd.f32 $1.500000000e+00, v36;
	v31 =	vadd.f32 v1, v10;
	v1 =	vld [tilespmem:s11+$0xFFFFFF60]  }
0x85e: {  	v19 =	vmul.f32 v58, v58;
	v12 =	vadd.f32 v61, v60;
	v60 =	vadd.f32 v4, v49;
	v61 =	vld [tilespmem:s11+$0xFFFFFF80];
	v13, _, _ =	vpop (xrf2)  }
0x85f: {  	v63 =	vld [tilespmem:s11+$0xFFFFFF90];
	v29 =	vmul.f32 v11, v30;
	v50 =	vadd.f32 $1.500000000e+00, v14;
	(v2sf) =	vpush v13, $0xF  }
0x860: {  	v41 =	vld [tilespmem:$0x1FFD0];
	v14 =	vmul.f32 v48, v33;
	v30 =	vmul.f32 v54, v54;
	v4 =	vadd.f32 v31, v54  }
0x861: {  	v43 =	vld [tilespmem:$0x1FFE0];
	[tilespmem:$0x1F560] =	vst v31;
	v31 =	vmul.f32 v31, v31;
	v48 =	vadd.f32 v23, v3;
	v45 =	vadd.f32 v20, v0  }
0x862: {  	v51 =	vld [tilespmem:$0x1FF00];
	v13 =	vmul.f32 v50, v35;
	v0 =	vadd.f32 v60, v58;
	v47 =	vadd.f32 v21, v1  }
0x863: {  	[tilespmem:$0x1F550] =	vst v54;
	v50 =	vld [tilespmem:s11+$0x0];
	v49 =	vmul.f32 v48, v48;
	v21 =	vadd.f32 v31, v30;
	v54 =	vadd.f32 v22, v61  }
0x864: {  	[tilespmem:$0x1F570] =	vst v58;
	v20 =	vmul.f32 v60, v60;
	v30 =	vld [tilespmem:s11+$0xFFFFFFB0];
	v58 =	vadd.f32 v24, v63;
	v3 =	vadd.f32 v45, v62  }
0x865: {  	v1 =	vmul.f32 v62, v62;
	v35 =	vadd.f32 v0, v4;
	v0 =	vld [tilespmem:s11+$0xFFFFFFD0];
	v22 =	vadd.f32 v48, v47  }
0x866: {  	[tilespmem:$0x1F580] =	vst v60;
	v31 =	vld [tilespmem:s11+$0xFFFFFFC0];
	v60 =	vadd.f32 v52, v46;
	v23 =	vmul.f32 v45, v45;
	v4 =	vmul.f32 v47, v47  }
0x867: {  	[tilespmem:s10+$0x80] =	vst v9;
	v11 =	vmul.f32 v29, v41;
	v52 =	vld [tilespmem:s11+$0x10];
	v19 =	vadd.f32 v20, v19;
	v22 =	vadd.f32 v22, v3  }
0x868: {  	[tilespmem:s10+$0xB0] =	vst v32;
	v9 =	vmul.f32 v29, v44;
	v24 =	vld [tilespmem:s11+$0xFFFFFFE0];
	v23 =	vadd.f32 v23, v1;
	v32 =	vadd.f32 v49, v4  }
0x869: {  	[tilespmem:$0x1F590] =	vst v62;
	v10 =	vmul.f32 v29, v43;
	v20 =	vld [tilespmem:s11+$0xFFFFFFF0];
	v3 =	vadd.f32 v18, v50;
	v19 =	vadd.f32 v19, v21  }
0x86a: {  	[tilespmem:s10+$0xD0] =	vst v12;
	v12 =	vmul.f32 v29, v51;
	v61 =	vadd.f32 v28, v30;
	v63 =	vadd.f32 v57, v0;
	v57 =	vld [tilespmem:s11+$0x20]  }
0x86b: {  	[tilespmem:$0x1F5C0] =	vst v48;
	v33 =	vmul.f32 v54, v54;
	v48 =	vld [tilespmem:s11+$0x40];
	v28 =	vadd.f32 v58, v54;
	v62 =	vadd.f32 v56, v31;
	s22 =	spop (v2sf)  }
0x86c: {  	v18 =	vld [tilespmem:s11+$0x50];
	v30 =	vmul.f32 v58, v58;
	v4 =	vadd.f32 v2, v52;
	v22 =	vadd.f32 v22, v35;
	s25 =	smul.f32 $7.812500000e-03, s22  }
0x86d: {  	v50 =	vld [tilespmem:s11+$0x60];
	v31 =	vmul.f32 v60, v60;
	v21 =	vadd.f32 v32, v23;
	v56 =	vadd.f32 v61, v60  }
0x86e: {  	[tilespmem:s10+$0x90] =	vst v37;
	v37 =	vmul.f32 v3, v3;
	v0 =	vadd.f32 v25, v24;
	v25 =	vld [tilespmem:s11+$0x30];
	v1 =	vadd.f32 v26, v20;
	s29 =	smul.f32 s25, s25;
	s28 =	spop (v2sf)  }
0x86f: {  	v38 =	vmul.f32 v61, v61;
	v30 =	vadd.f32 v30, v33;
	v2 =	vadd.f32 v15, v57;
	v15 =	vld [tilespmem:s11+$0x70];
	s13 =	smul.f32 $7.812500000e-03, s28  }
0x870: {  	v24 =	vmul.f32 v62, v62;
	v20 =	vadd.f32 v63, v62;
	v49 =	vadd.f32 v1, v0  }
0x871: {  	v40 =	vmul.f32 v4, v4;
	v28 =	vadd.f32 v56, v28;
	v56 =	vadd.f32 v27, v18;
	s13 =	ssub.f32 s13, s29  }
0x872: {  	v26 =	vmul.f32 v63, v63;
	v55 =	vadd.f32 v55, v50;
	v31 =	vadd.f32 v38, v31  }
0x873: {  	v46 =	vmul.f32 v0, v0;
	v37 =	vadd.f32 v40, v37;
	v16 =	vadd.f32 v16, v25;
	s13 =	smax.f32 s13, $0.0e+00  }
0x874: {  	[tilespmem:$0x1F5B0] =	vst v47;
	v47 =	vmul.f32 v1, v1;
	v57 =	vadd.f32 v17, v48;
	v59 =	vadd.f32 v59, v15;
	s13 =	sadd.f32 $9.999999960e-13, s13  }
0x875: {  	v20 =	vadd.f32 v49, v20;
	v18 =	vadd.f32 v16, v2;
	v27 =	vmul.f32 v16, v16  }
0x876: {  	[tilespmem:$0x1F5D0] =	vst v16;
	v15 =	vadd.f32 v56, v57;
	v48 =	vadd.f32 v59, v55;
	v16 =	vmov s13  }
0x877: {  	[tilespmem:$0x1F5A0] =	vst v45;
	v50 =	vld [tilespmem:$0x1FF20];
	v34 =	vmul.f32 v56, v56;
	v52 =	vshra.s32 v16, $0x1;
	v45 =	vmul.f32 $-5.000000000e-01, v16  }
0x878: {  	v46 =	vadd.f32 v47, v46;
	v47 =	vadd.f32 v48, v15;
	v48 =	vld [tilespmem:$0x1FF40];
	v36 =	vsub.s32 $0x5F3759DF, v52  }
0x879: {  	v49 =	vmul.f32 v55, v55;
	v25 =	vadd.f32 v4, v3;
	v52 =	vld [tilespmem:$0x1FF10];
	v39 =	vmul.f32 v36, v45  }
0x87a: {  	v20 =	vadd.f32 v20, v28;
	v28 =	vmul.f32 v14, v44;
	v17 =	vmul.f32 v2, v2  }
0x87b: {  	v25 =	vadd.f32 v18, v25;
	v38 =	vmul.f32 v59, v59;
	v18 =	vmul.f32 v36, v39;
	v39 =	vld [tilespmem:$0x1FF30]  }
0x87c: {  	v26 =	vadd.f32 v26, v24;
	v33 =	vmul.f32 v57, v57;
	v15 =	vmul.f32 v29, v50  }
0x87d: {  	v40 =	vadd.f32 v38, v49;
	v38 =	vmul.f32 v14, v43;
	v24 =	vadd.f32 $1.500000000e+00, v18  }
0x87e: {  	v27 =	vadd.f32 v27, v17;
	v32 =	vmul.f32 v14, v48;
	v16 =	vmul.f32 v29, v52  }
0x87f: {  	v33 =	vadd.f32 v34, v33;
	v18 =	vmul.f32 v29, v48;
	v23 =	vmul.f32 v36, v24  }
0x880: {  	v27 =	vadd.f32 v27, v37;
	v24 =	vmul.f32 v14, v41;
	v17 =	vmul.f32 v29, v39  }
0x881: {  	v29 =	vadd.f32 v31, v30;
	v30 =	vadd.f32 v40, v33;
	v33 =	vmul.f32 v14, v51  }
0x882: {  	(xrf2) =	vadd.scan.msk.f32 $0xffff, v22;
	v22 =	vadd.f32 v46, v26;
	v31 =	vmul.f32 v14, v50;
	v26 =	vmul.f32 v23, v45  }
0x883: {  	v34 =	vmul.f32 v14, v39;
	v45 =	vadd.f32 v30, v27;
	v30 =	vmul.f32 v14, v52;
	v14 =	vld [tilespmem:$0x1F320]  }
0x884: {  	v19 =	vadd.f32 v21, v19;
	v21 =	vmul.f32 v26, v23  }
0x885: {  	(xrf2) =	vadd.scan.msk.f32 $0xffff, v20  }
0x886: {  	v20 =	vadd.f32 $1.500000000e+00, v21  }
0x887: {  	v35 =	vmul.f32 v13, v44;
	v25 =	vadd.f32 v47, v25  }
0x888: {  	v37 =	vmov s25;
	v5 =	vadd.f32 v14, v5;
	v46 =	vmul.f32 v20, v23  }
0x889: {  	v8 =	vsub.f32 v8, v37;
	(xrf2) =	vadd.scan.msk.f32 $0xffff, v25;
	v25 =	vmul.f32 v13, v50;
	v36 =	vmul.f32 v13, v41  }
0x88a: {  	s9 =	sadd.s32 $0x4, s9;
	[tilespmem:s10+$0xE0] =	vst v5;
	v5 =	vmul.f32 v46, v48;
	v23 =	vmul.f32 v46, v41;
	v41 =	vmov v6;
	v6 =	vld [tilespmem:$0x1F330]  }
0x88b: {  	p0 =	slt.u32 s9, $0x7C;
	v49 =	vadd.f32 v22, v29;
	v29 =	vmul.f32 v13, v51;
	v27 =	vmul.f32 v13, v52  }
.Ltmp6:
0x88c: {  	v22 =	vsub.f32 v7, v37;
	v7, _, _ =	vpop (xrf2);
	v26 =	vmul.f32 v13, v39;
	v8 =	vmul.f32 v5, v8;
	(pc) =	sbr.rel @p0 .LBB2_13-.Ltmp6, $4  }
0x88d: {  	(xrf2) =	vadd.scan.msk.f32 $0xffff, v19;
	(v2sf) =	vpush v7, $0xF;
	v14 =	vmul.f32 v13, v43;
	v20 =	vmul.f32 v46, v44;
	v44 =	vld [tilespmem:$0x1F340]  }
0x88e: {  	(xrf2) =	vadd.scan.msk.f32 $0xffff, v49;
	v13 =	vmul.f32 v13, v48;
	v19 =	vmul.f32 v46, v43;
	v43 =	vld [tilespmem:$0x1F350];
	v49 =	vadd.f32 v8, v42  }
0x88f: {  	v7 =	vmul.f32 v46, v52;
	v42 =	vld [tilespmem:$0x1F360];
	v5, _, _ =	vpop (xrf2);
	v8 =	vmul.f32 v46, v51;
	(xrf2) =	vadd.scan.msk.f32 $0xffff, v45;
	v21 =	vsub.f32 v6, v37  }
0x890: {  	s12 =	sadd.s32 $0x4, s12;
	s17 =	smov.u32 s11;
	(v2sf) =	vpush v5, $0xF;
	v6 =	vmul.f32 v46, v50;
	v5 =	vmul.f32 v46, v39;
	v39 =	vld [tilespmem:$0x1F370];
	[tilespmem:s11+$0xF0] =	vst v49  }
0x891: {  	_ =	sdelay $0x2  }
0x892: {  	v45 =	vmul.f32 v10, v53;
	v53 =	vld [tilespmem:$0x1F430];
	_ =	sdelay $0x1  }
0x893: {  	v40, _, _ =	vpop (xrf2)  }
0x894: {  	(v2sf) =	vpush v40, $0xF;
	v46 =	vmul.f32 v12, v42;
	v42 =	vld [tilespmem:$0x1F450];
	v49, _, _ =	vpop (xrf2)  }
0x895: {  	v40 =	vmul.f32 v16, v43;
	v16 =	vld [tilespmem:$0x1F4D0];
	(v2sf) =	vpush v49, $0xF;
	v50, _, _ =	vpop (xrf2)  }
0x896: {  	v48 =	vmul.f32 v17, v53;
	v53 =	vld [tilespmem:$0x1F480];
	(v2sf) =	vpush v50, $0xF;
	v52, _, _ =	vpop (xrf2)  }
0x897: {  	(v2sf) =	vpush v52, $0xF;
	v52 =	vld [tilespmem:$0x1F3E0]  }
0x898: {  	v51 =	vld [tilespmem:$0x1F420]  }
0x899: {  	v43 =	vld [tilespmem:$0x1F460]  }
0x89a: {  	v12 =	vld [tilespmem:$0x1F3F0]  }
0x89b: {  	v36 =	vmul.f32 v36, v16;
	v16 =	vld [tilespmem:$0x1F550]  }
0x89c: {  	v50 =	vmul.f32 v24, v42;
	v42 =	vsub.f32 v52, v37;
	v52 =	vmul.f32 v33, v53;
	v33 =	vld [tilespmem:$0x1F4C0]  }
0x89d: {  	s9 =	spop (v2sf)  }
0x89e: {  	s9 =	smul.f32 $7.812500000e-03, s9  }
0x89f: {  	v11 =	vmul.f32 v11, v44;
	v44 =	vld [tilespmem:$0x1F470]  }
0x8a0: {  	v47 =	vmul.f32 v15, v51;
	v51 =	vmul.f32 v28, v43;
	v28 =	vld [tilespmem:$0x1F490];
	v53 =	vmov s9  }
0x8a1: {  	v43 =	vsub.f32 v12, v37;
	v12 =	vmul.f32 v32, v33;
	v32 =	vsub.f32 v16, v53;
	v16 =	vld [tilespmem:$0x1F560];
	_ =	sdelay $0x3  }
0x8a2: {  	v38 =	vmul.f32 v38, v44;
	v44 =	vmul.f32 v30, v28;
	v30 =	vld [tilespmem:$0x1F4A0]  }
0x8a3: {  	v33 =	vsub.f32 v16, v53;
	v16 =	vld [tilespmem:$0x1F4E0];
	_ =	sdelay $0x3  }
0x8a4: {  	v10 =	vmul.f32 v31, v30;
	v31 =	vld [tilespmem:$0x1F4B0]  }
0x8a5: {  	v35 =	vmul.f32 v35, v16;
	v16 =	vld [tilespmem:$0x1F570];
	_ =	sdelay $0x4  }
0x8a6: {  	v34 =	vmul.f32 v34, v31;
	v31 =	vsub.f32 v16, v53;
	v16 =	vld [tilespmem:$0x1F580];
	_ =	sdelay $0x4  }
0x8a7: {  	v28 =	vsub.f32 v16, v53;
	v16 =	vld [tilespmem:$0x1F4F0];
	_ =	sdelay $0x4  }
0x8a8: {  	v14 =	vmul.f32 v14, v16;
	v16 =	vld [tilespmem:$0x1F590];
	_ =	sdelay $0x1  }
0x8a9: {  	v9 =	vmul.f32 v9, v39;
	v39 =	vld [tilespmem:$0x1F440]  }
0x8aa: {  	v15 =	vld [tilespmem:$0x1F400]  }
0x8ab: {  	v24 =	vld [tilespmem:$0x1F410]  }
0x8ac: {  	v30 =	vsub.f32 v16, v53;
	v16 =	vld [tilespmem:$0x1F5A0];
	_ =	sdelay $0x3  }
0x8ad: {  	v41 =	vsub.f32 v41, v37;
	v49 =	vmul.f32 v18, v39;
	v39 =	vsub.f32 v15, v37  }
0x8ae: {  	v37 =	vsub.f32 v24, v37;
	v24 =	vsub.f32 v16, v53;
	v16 =	vld [tilespmem:$0x1F500];
	_ =	sdelay $0x4  }
0x8af: {  	v29 =	vmul.f32 v29, v16;
	v16 =	vld [tilespmem:$0x1F5B0];
	_ =	sdelay $0x4  }
0x8b0: {  	v16 =	vsub.f32 v16, v53;
	_ =	sdelay $0x1  }
0x8b1: {  	[tilespmem:$0x1F2E0] =	vst v16;
	v16 =	vld [tilespmem:$0x1F5C0];
	_ =	sdelay $0x4  }
0x8b2: {  	v15 =	vsub.f32 v16, v53;
	v16 =	vld [tilespmem:$0x1F510];
	_ =	sdelay $0x4  }
0x8b3: {  	v27 =	vmul.f32 v27, v16;
	v16 =	vld [tilespmem:$0x1F520]  }
0x8b4: {  	s11 =	spop (v2sf)  }
0x8b5: {  	v17 =	vld [tilespmem:$0x1FFC0];
	s11 =	smul.f32 $7.812500000e-03, s11;
	_ =	sdelay $0x1  }
0x8b6: {  	[tilespmem:$0x1F2F0] =	vst v15;
	v15 =	vmov s11  }
0x8b7: {  	v53 =	vsub.f32 v54, v15;
	v54 =	vmul.f32 v25, v16;
	v16 =	vld [tilespmem:$0x1F530]  }
0x8b8: {  	v1 =	vsub.f32 v1, v15  }
0x8b9: {  	v18 =	vld [tilespmem:$0x1FF50];
	v11 =	vadd.f32 v11, v17  }
0x8ba: {  	[tilespmem:$0x1F300] =	vst v1  }
0x8bb: {  	v25 =	vsub.f32 v60, v15;
	v60 =	vsub.f32 v61, v15;
	[tilespmem:s10+$0xFFFFFF00] =	vst v11  }
0x8bc: {  	v61 =	vmul.f32 v26, v16;
	v26 =	vsub.f32 v62, v15;
	v62 =	vsub.f32 v63, v15;
	v63 =	vld [tilespmem:$0x1FF60];
	_ =	sdelay $0x1  }
0x8bd: {  	v9 =	vadd.f32 v9, v18;
	_ =	sdelay $0x1  }
0x8be: {  	[tilespmem:s10+$0xFFFFFF10] =	vst v9  }
0x8bf: {  	s12 =	spop (v2sf);
	v11 =	vmul.f32 v23, v22;
	v22 =	vadd.f32 v45, v63;
	v45 =	vld [tilespmem:$0x1FF70]  }
0x8c0: {  	s12 =	smul.f32 $7.812500000e-03, s12;
	_ =	sdelay $0x1  }
0x8c1: {  	v58 =	vsub.f32 v58, v15;
	v0 =	vsub.f32 v0, v15;
	v15 =	vmov s12  }
0x8c2: {  	v1 =	vsub.f32 v3, v15  }
0x8c3: {  	v3 =	vsub.f32 v4, v15;
	v4 =	vadd.f32 v46, v45  }
0x8c4: {  	v23 =	vld [tilespmem:$0x1F540];
	[tilespmem:s10+$0xFFFFFF20] =	vst v22  }
0x8c5: {  	v46 =	vld [tilespmem:$0x1FF80];
	[tilespmem:s10+$0xFFFFFF30] =	vst v4  }
0x8c6: {  	v16 =	vld [tilespmem:$0x1FF90];
	_ =	sdelay $0x3  }
0x8c7: {  	s9 =	smul.f32 s9, s9;
	s14 =	spop (v2sf)  }
0x8c8: {  	v19 =	vmul.f32 v19, v41;
	s13 =	smul.f32 s12, s12;
	s20 =	spop (v2sf);
	v41 =	vadd.f32 v47, v16;
	v47 =	vld [tilespmem:$0x1FFA0]  }
0x8c9: {  	s19 =	smul.f32 $7.812500000e-03, s14;
	s15 =	spop (v2sf)  }
0x8ca: {  	s22 =	smul.f32 $7.812500000e-03, s15  }
0x8cb: {  	s14 =	smul.f32 $7.812500000e-03, s20  }
0x8cc: {  	s11 =	smul.f32 s11, s11;
	s12 =	ssub.f32 s22, s13;
	v9 =	vmul.f32 v13, v23  }
0x8cd: {  	s9 =	ssub.f32 s19, s9;
	v13 =	vmul.f32 v20, v21;
	v20 =	vadd.f32 v40, v46;
	v21 =	vadd.f32 v48, v47;
	v48 =	vld [tilespmem:$0x1FFB0]  }
0x8ce: {  	s11 =	ssub.f32 s14, s11;
	s12 =	smax.f32 s12, $0.0e+00  }
0x8cf: {  	s9 =	smax.f32 s9, $0.0e+00;
	s25 =	sadd.f32 $9.999999960e-13, s12;
	v23 =	vadd.f32 v50, v17;
	[tilespmem:s10+$0xFFFFFF40] =	vst v20  }
0x8d0: {  	s9 =	sadd.f32 $9.999999960e-13, s9;
	v38 =	vadd.f32 v38, v63;
	[tilespmem:s10+$0xFFFFFF50] =	vst v41  }
0x8d1: {  	v8 =	vmul.f32 v8, v42;
	s11 =	smax.f32 s11, $0.0e+00;
	v4 =	vadd.f32 v52, v45;
	v52 =	vmov s25;
	[tilespmem:s10+$0xFFFFFF80] =	vst v23  }
0x8d2: {  	s11 =	sadd.f32 $9.999999960e-13, s11;
	v40 =	vadd.f32 v44, v46;
	v44 =	vmov s9;
	[tilespmem:s10+$0xFFFFFFA0] =	vst v38;
	v22 =	vadd.f32 v49, v48  }
0x8d3: {  	v42 =	vmul.f32 $-5.000000000e-01, v52;
	v50 =	vshra.s32 v44, $0x1;
	v41 =	vmul.f32 $-5.000000000e-01, v44;
	[tilespmem:s10+$0xFFFFFFB0] =	vst v4  }
0x8d4: {  	v20 =	vadd.f32 v51, v18;
	v49 =	vmov s11;
	[tilespmem:s10+$0xFFFFFF70] =	vst v22;
	v22 =	vsub.s32 $0x5F3759DF, v50  }
0x8d5: {  	[tilespmem:s10+$0xFFFFFF60] =	vst v21;
	v51 =	vshra.s32 v49, $0x1;
	v21 =	vmul.f32 $-5.000000000e-01, v49;
	v49 =	vmul.f32 v22, v41  }
0x8d6: {  	v34 =	vadd.f32 v34, v47;
	[tilespmem:s10+$0xFFFFFF90] =	vst v20;
	v20 =	vsub.s32 $0x5F3759DF, v51;
	v50 =	vshra.s32 v52, $0x1  }
0x8d7: {  	[tilespmem:s10+$0xFFFFFFC0] =	vst v40;
	v52 =	vadd.f32 v10, v16;
	v51 =	vmul.f32 v20, v21;
	v23 =	vmul.f32 v22, v49  }
0x8d8: {  	[tilespmem:s10+$0xFFFFFFE0] =	vst v34;
	v10 =	vsub.s32 $0x5F3759DF, v50;
	v49 =	vadd.f32 v12, v48  }
0x8d9: {  	[tilespmem:s10+$0xFFFFFFD0] =	vst v52;
	v44 =	vmul.f32 v20, v51;
	v51 =	vadd.f32 v36, v17;
	v50 =	vadd.f32 $1.500000000e+00, v23  }
0x8da: {  	v7 =	vmul.f32 v7, v43;
	v14 =	vadd.f32 v14, v63;
	[tilespmem:s10+$0xFFFFFFF0] =	vst v49  }
0x8db: {  	v29 =	vadd.f32 v29, v45;
	v40 =	vadd.f32 $1.500000000e+00, v44;
	v44 =	vld [tilespmem:$0x1F5D0];
	[tilespmem:s10+$0x0] =	vst v51;
	v43 =	vmul.f32 v22, v50  }
0x8dc: {  	v38 =	vmul.f32 v10, v42;
	v36 =	vadd.f32 v61, v47;
	[tilespmem:s10+$0x20] =	vst v14  }
0x8dd: {  	v9 =	vadd.f32 v9, v48;
	[tilespmem:s10+$0x30] =	vst v29;
	v51 =	vmul.f32 v43, v41  }
0x8de: {  	v11 =	vadd.f32 v11, v17;
	v52 =	vmul.f32 v10, v38;
	v49 =	vadd.f32 v35, v18;
	[tilespmem:s10+$0x60] =	vst v36  }
0x8df: {  	v14 =	vsub.f32 v56, v15;
	[tilespmem:s10+$0x70] =	vst v9;
	v22 =	vsub.f32 v57, v15;
	v57 =	vmul.f32 v51, v43  }
0x8e0: {  	v56 =	vadd.f32 v54, v16;
	[tilespmem:s17+$0x80] =	vst v11;
	v50 =	vadd.f32 $1.500000000e+00, v52  }
0x8e1: {  	v6 =	vmul.f32 v6, v39;
	[tilespmem:s10+$0x10] =	vst v49;
	v52 =	vadd.f32 v27, v46;
	v39 =	vadd.f32 $1.500000000e+00, v57  }
0x8e2: {  	v2 =	vsub.f32 v2, v15;
	[tilespmem:s10+$0x50] =	vst v56;
	v41 =	vadd.f32 v13, v18  }
0x8e3: {  	v10 =	vmul.f32 v10, v50;
	[tilespmem:s10+$0x40] =	vst v52;
	v4 =	vmul.f32 v39, v43;
	v43 =	vadd.f32 v19, v63  }
0x8e4: {  	v8 =	vadd.f32 v8, v45;
	v23 =	vsub.f32 v55, v15;
	v20 =	vmul.f32 v20, v40;
	[tilespmem:s17+$0x90] =	vst v41  }
0x8e5: {  	v12 =	vsub.f32 v44, v15;
	v38 =	vmul.f32 v10, v42;
	v15 =	vsub.f32 v59, v15;
	v59 =	vld [tilespmem:$0x1FFD0];
	[tilespmem:s17+$0xA0] =	vst v43  }
0x8e6: {  	v21 =	vmul.f32 v20, v21;
	v61 =	vld [tilespmem:$0x1FFF0]  }
0x8e7: {  	v40 =	vmul.f32 v38, v10;
	[tilespmem:s17+$0xB0] =	vst v8  }
0x8e8: {  	v7 =	vadd.f32 v7, v46;
	v21 =	vmul.f32 v21, v20;
	v29 =	vld [tilespmem:$0x1FFE0]  }
0x8e9: {  	v5 =	vmul.f32 v5, v37;
	v19 =	vadd.f32 $1.500000000e+00, v40  }
0x8ea: {  	v6 =	vadd.f32 v6, v16;
	v42 =	vadd.f32 $1.500000000e+00, v21;
	v44 =	vmul.f32 v4, v59;
	[tilespmem:s17+$0xC0] =	vst v7  }
0x8eb: {  	v5 =	vadd.f32 v5, v47;
	v10 =	vmul.f32 v19, v10;
	v19 =	vld [tilespmem:$0x1FF00];
	v49 =	vmul.f32 v4, v61  }
0x8ec: {  	v13 =	vmul.f32 v42, v20;
	v50 =	vmul.f32 v44, v32;
	[tilespmem:s17+$0xD0] =	vst v6  }
0x8ed: {  	v20 =	vld [tilespmem:$0x1FF10];
	[tilespmem:s17+$0xE0] =	vst v5;
	v51 =	vmul.f32 v4, v29;
	v52 =	vmul.f32 v49, v33  }
0x8ee: {  	v8 =	vadd.f32 v50, v17;
	v27 =	vld [tilespmem:$0x1FF20]  }
0x8ef: {  	v55 =	vmul.f32 v51, v31;
	v7 =	vadd.f32 v52, v18  }
0x8f0: {  	[tilespmem:s17+$0xFFFFFF00] =	vst v8;
	v54 =	vmul.f32 v4, v19  }
0x8f1: {  	v41 =	vmul.f32 v13, v29;
	v33 =	vld [tilespmem:$0x1FF30];
	v6 =	vadd.f32 v55, v63;
	[tilespmem:s17+$0xFFFFFF10] =	vst v7  }
0x8f2: {  	v56 =	vmul.f32 v4, v20;
	v57 =	vmul.f32 v54, v28;
	v35 =	vld [tilespmem:$0x1FF40]  }
0x8f3: {  	v8 =	vmul.f32 v41, v25;
	v32 =	vmul.f32 v4, v27;
	v7 =	vld [tilespmem:$0x1F2E0];
	[tilespmem:s17+$0xFFFFFF20] =	vst v6  }
0x8f4: {  	v36 =	vmul.f32 v13, v59;
	v9 =	vmul.f32 v56, v30;
	v5 =	vadd.f32 v57, v45;
	v38 =	vld [tilespmem:$0x1F2F0]  }
0x8f5: {  	v39 =	vmul.f32 v13, v61;
	v8 =	vadd.f32 v8, v63;
	v11 =	vmul.f32 v32, v24  }
0x8f6: {  	v34 =	vmul.f32 v4, v33;
	v37 =	vadd.f32 v9, v46;
	v6 =	vmul.f32 v36, v53;
	[tilespmem:s17+$0xFFFFFF30] =	vst v5  }
0x8f7: {  	v40 =	vadd.f32 v11, v16;
	v5 =	vmul.f32 v39, v58;
	[tilespmem:s17+$0xFFFFFFA0] =	vst v8;
	v4 =	vmul.f32 v4, v35  }
0x8f8: {  	[tilespmem:s17+$0xFFFFFF40] =	vst v37;
	v6 =	vadd.f32 v6, v17;
	v7 =	vmul.f32 v34, v7  }
0x8f9: {  	v42 =	vmul.f32 v13, v19;
	[tilespmem:s17+$0xFFFFFF50] =	vst v40;
	v5 =	vadd.f32 v5, v18;
	v4 =	vmul.f32 v4, v38  }
0x8fa: {  	v49 =	vmul.f32 v13, v33;
	[tilespmem:s17+$0xFFFFFF80] =	vst v6;
	v7 =	vadd.f32 v7, v47  }
0x8fb: {  	v51 =	vmul.f32 v10, v59;
	v9 =	vmul.f32 v42, v60;
	[tilespmem:s17+$0xFFFFFF90] =	vst v5;
	v4 =	vadd.f32 v4, v48  }
0x8fc: {  	v53 =	vmul.f32 v10, v61;
	v6 =	vmul.f32 v49, v0;
	[tilespmem:s17+$0xFFFFFF60] =	vst v7  }
0x8fd: {  	v54 =	vmul.f32 v10, v29;
	v1 =	vmul.f32 v51, v1;
	v9 =	vadd.f32 v9, v45;
	[tilespmem:s17+$0xFFFFFF70] =	vst v4  }
0x8fe: {  	v43 =	vmul.f32 v13, v20;
	v3 =	vmul.f32 v53, v3;
	v6 =	vadd.f32 v6, v47;
	v52 =	vld [tilespmem:$0x1F300]  }
0x8ff: {  	v56 =	vmul.f32 v10, v20;
	v2 =	vmul.f32 v54, v2;
	v1 =	vadd.f32 v1, v17;
	[tilespmem:s17+$0xFFFFFFB0] =	vst v9  }
0x900: {  	v44 =	vmul.f32 v13, v27;
	v3 =	vadd.f32 v3, v18;
	v7 =	vmul.f32 v43, v26;
	[tilespmem:s17+$0xFFFFFFE0] =	vst v6  }
0x901: {  	v2 =	vadd.f32 v2, v63;
	v50 =	vmul.f32 v13, v35;
	v5 =	vmul.f32 v56, v22;
	[tilespmem:s17+$0x0] =	vst v1  }
0x902: {  	v58 =	vmul.f32 v10, v33;
	v4 =	vmul.f32 v44, v62;
	v7 =	vadd.f32 v7, v46;
	[tilespmem:s17+$0x10] =	vst v3  }
0x903: {  	v60 =	vmul.f32 v10, v35;
	v62 =	vadd.f32 v5, v46;
	[tilespmem:s17+$0x20] =	vst v2;
	v0 =	vmul.f32 v50, v52  }
0x904: {  	v55 =	vmul.f32 v10, v19;
	v1 =	vmul.f32 v58, v23;
	v4 =	vadd.f32 v4, v16;
	[tilespmem:s17+$0xFFFFFFC0] =	vst v7  }
0x905: {  	v57 =	vmul.f32 v10, v27;
	v3 =	vmul.f32 v60, v15;
	[tilespmem:s17+$0x40] =	vst v62;
	v0 =	vadd.f32 v0, v48  }
0x906: {  	s23 =	sadd.s32 $0x1, s23;
	v1 =	vadd.f32 v1, v47;
	[tilespmem:s17+$0xFFFFFFD0] =	vst v4;
	v4 =	vmul.f32 v55, v12  }
0x907: {  	p0 =	sne.s32 s23, $0x32;
	v63 =	vadd.f32 v3, v48;
	[tilespmem:s17+$0xFFFFFFF0] =	vst v0;
	v0 =	vmul.f32 v57, v14  }
.Ltmp7:
0x908: {  	[tilespmem:s17+$0x60] =	vst v1;
	v4 =	vadd.f32 v4, v45;
	(pc) =	sbr.rel @p0 .LBB2_2-.Ltmp7, $4  }
0x909: {  	s28 =	sshll.u32 s26, $0xB;
	[tilespmem:s17+$0x70] =	vst v63;
	v0 =	vadd.f32 v0, v16  }
0x90a: {  	s9 =	sand.u32 $0x1FFFF800, s28;
	[tilespmem:s17+$0x30] =	vst v4  }
0x90b: {  	s29 =	simm.s32 $0xC600;
	s9 =	sadd.s32 s3, s9;
	[tilespmem:s17+$0x50] =	vst v0  }
0x90c: {  	v19 =	vmovc v27;
	v58 =	vmov v20;
	v60 =	vmov v17;
	v63 =	vmov v29;
	[hbm4b:s9+s4] =	stream.linear.scatter [tilespmem:s29], [sflag:$0xC], $0x4000, $0x38;
	[tilespmem:$0x1CF00] =	vst v63  }
0x90d: {  	s9 =	simm.s32 $0x9  }
0x90e: {  	_ =	swait.ge [sflag:s9], $0x4000  }
0x90f: {  	[sflag:s9] =	ssyncset.done $0x0  }
0x910: {  	s26 =	simm.s32 $0xA;
	[sflag:s9] =	ssyncadd.s32 $0xFFFFC000  }
0x911: {  	_ =	swait.ge [sflag:s26], $0x4000  }
0x912: {  	[sflag:s26] =	ssyncset.done $0x0  }
0x913: {  	s28 =	simm.s32 $0xB;
	[sflag:s26] =	ssyncadd.s32 $0xFFFFC000  }
0x914: {  	_ =	swait.ge [sflag:s28], $0x4000  }
0x915: {  	[sflag:s28] =	ssyncset.done $0x0  }
0x916: {  	[sflag:s28] =	ssyncadd.s32 $0xFFFFC000  }
0x917: {  	_ =	swait.ge [sflag:s18], $0x4000  }
0x918: {  	s10 =	rddreg [dreg:$0xf]  }
0x919: {  	s29 =	rddreg [dreg:$0xe];
	s10 =	sadd.s32 $0x1, s10  }
0x91a: {  	p0 =	sne.s32 s10, s29  }
.Ltmp8:
0x91b: {  	_ = 	snop;
	(pc) =	sbr.rel @p0 .LBB2_1-.Ltmp8, $3  }
0x91c: {  	_ =	sdelay $0x1  }
0x91d: {  	[sflag:s18] =	ssyncset.done $0x0  }
0x91e: {  	[sflag:s18] =	ssyncadd.s32 $0xFFFFC000  }
0x91f: {  	_ =	sfence.sel $0x180000  }
0x920: {  	[bflag:$0x0] =	sbarrier.arrive $0xFFFF  }
0x921: {  	_ =	strace $0x90000047  }
0x922: {  	s0 =	stileid.u32;
	[bflag:$0x2] =	sbarrier.arrive $0xFFFF  }
0x923: {  	p0 =	sne.s32 s0, $0x0;
	s0 =	rddreg [dreg:$0x3]  }
0x924: {  	s0 =	sadd.s32 @!p0 $0x100000, s0  }
0x925: {  	[sflag:s0] =	ssyncadd.tile.s32 @!p0 $0x1;
	_ =	shalt  }
.Lfunc_end2:
_tile_overlayer_lowered:
.L_overlay_start_2:
0x926: {  	(tag) =	ssettag $0x2  }
0x927: {  	s0 =	rddreg [dreg:$0x0];
	s2 =	stileid.u32  }
0x928: {  	s1 =	rddreg [dreg:$0x1];
	p0 =	sne.s32 s2, $0x0  }
0x929: {  	s3 =	rddreg [dreg:$0x2];
	[bflag:$0x3] =	sbarrier.arrive $0xFFFF;
	s2 =	simm.s32 @!p0 $0x1C0D  }
0x92a: {  	[timem:s3], [sflag:s2] =	dma.local @!p0 [hbm:s0], s1  }
0x92b: {  	s0 =	simm.s32 @!p0 $0xD  }
0x92c: {  	_ =	swait.ge @!p0 [sflag:s0], s1  }
0x92d: {  	s1 =	ssub.s32 @!p0 $0x0, s1;
	[sflag:s0] =	ssyncset.done @!p0 $0x0  }
0x92e: {  	[sflag:s0] =	ssyncadd.s32 @!p0 s1  }
0x92f: {  	[bflag:$0x3] =	sbarrier.arrive $0xFFFF  }
0x930: {  	_ =	shalt  }

</sc_bundles>
